<compile_context>
chip_gen: v7x
topology: tpu7x:2x2x1
jax: 0.10.2.dev20260603
libtpu: 0.0.44.dev20260713+nightly
codegen_flags: <defaults>
</compile_context>

<pallas_src>
import functools

import jax
import jax.numpy as jnp
from jax import lax
from jax.experimental import pallas as pl
from jax.experimental.pallas import tpu as pltpu
from jax.experimental.pallas import tpu_sc as plsc

N = 10000
E = 320000
D = 128
G = 64
NC = 2
NS = 16
NW = NC * NS
CHUNK = 128
GRP = 8
RPS = 624
REM = N - NS * RPS
NDUMP = 64
NP = N + NDUMP
BLK = 1000
GRID = N // BLK

_sc_mesh2 = plsc.VectorSubcoreMesh(core_axis_name="c", subcore_axis_name="s")

DEG_EPW = E // NW
AGG_NCH = 80
AGG_NGRP = AGG_NCH // GRP
EPAD = NW * AGG_NCH * CHUNK - E


@functools.partial(
    pl.kernel,
    mesh=_sc_mesh2,
    out_type=jax.ShapeDtypeStruct((NW, N), jnp.float32),
    scratch_types=[
        pltpu.VMEM((N,), jnp.float32),
        pltpu.VMEM((DEG_EPW,), jnp.int32),
    ],
    compiler_params=pltpu.CompilerParams(needs_layout_passes=False),
)
def _deg_kernel(dst_hbm, out_hbm, hist, dst_v):
    c = lax.axis_index("c")
    s = lax.axis_index("s")
    wid = s * NC + c

    zero16 = jnp.zeros((16,), jnp.float32)

    def zbody(i, carry):
        hist[pl.ds(i * 16, 16)] = zero16
        return carry

    lax.fori_loop(0, N // 16, zbody, 0)

    pltpu.sync_copy(dst_hbm.at[pl.ds(wid * DEG_EPW, DEG_EPW)], dst_v)

    ones16 = jnp.ones((16,), jnp.float32)

    def body(i, carry):
        idx = dst_v[pl.ds(i * 16, 16)]
        plsc.addupdate_scatter(hist, [idx], ones16)
        return carry

    lax.fori_loop(0, DEG_EPW // 16, body, 0)

    pltpu.sync_copy(hist, out_hbm.at[wid])


@functools.partial(
    pl.kernel,
    mesh=_sc_mesh2,
    out_type=jax.ShapeDtypeStruct((NC, NP, D), jnp.float32),
    scratch_types=[
        pltpu.VMEM((2, GRP, CHUNK), jnp.int32),
        pltpu.VMEM((2, GRP, CHUNK), jnp.int32),
        pltpu.VMEM((2, CHUNK, D), jnp.float32),
        pltpu.VMEM_SHARED((NP, D), jnp.float32),
        pltpu.SemaphoreType.DMA,
        pltpu.SemaphoreType.DMA,
        pltpu.SemaphoreType.DMA,
        pltpu.SemaphoreType.DMA,
    ],
    compiler_params=pltpu.CompilerParams(needs_layout_passes=False),
)
def _agg_kernel(y_hbm, src_hbm, dst_hbm, out_hbm,
                src_v, dst_v, rows, acc, gsem, ssem0, ssem1, isem):
    c = lax.axis_index("c")
    s = lax.axis_index("s")
    wid = s * NC + c
    row0 = s * RPS
    base0 = wid * AGG_NCH

    pltpu.async_copy(src_hbm.at[pl.ds(base0, GRP)], src_v.at[0], isem)
    pltpu.async_copy(dst_hbm.at[pl.ds(base0, GRP)], dst_v.at[0], isem)
    pltpu.async_copy(src_hbm.at[pl.ds(base0 + GRP, GRP)], src_v.at[1], isem)
    pltpu.async_copy(dst_hbm.at[pl.ds(base0 + GRP, GRP)], dst_v.at[1], isem)

    @pl.when(c == 0)
    def _():
        pltpu.sync_copy(y_hbm.at[pl.ds(row0, RPS)], acc.at[pl.ds(row0, RPS)])

        @pl.when(s == NS - 1)
        def _():
            pltpu.sync_copy(y_hbm.at[pl.ds(NS * RPS, REM)],
                            acc.at[pl.ds(NS * RPS, REM)])

    @pl.when(c != 0)
    def _():
        zero16 = jnp.zeros((16,), jnp.float32)

        def zrow(r, carry):
            for k in range(D // 16):
                rows[0, r, pl.ds(k * 16, 16)] = zero16
            return carry

        lax.fori_loop(0, CHUNK, zrow, 0)
        for t in range(RPS // CHUNK):
            pltpu.sync_copy(rows.at[0],
                            acc.at[pl.ds(row0 + t * CHUNK, CHUNK)])
        tail = RPS - (RPS // CHUNK) * CHUNK
        pltpu.sync_copy(rows.at[0, pl.ds(0, tail)],
                        acc.at[pl.ds(row0 + RPS - tail, tail)])

        @pl.when(s == NS - 1)
        def _():
            pltpu.sync_copy(rows.at[0, pl.ds(0, REM)],
                            acc.at[pl.ds(NS * RPS, REM)])

    plsc.subcore_barrier()

    pltpu.make_async_copy(src_hbm.at[pl.ds(base0, GRP)],
                          src_v.at[0], isem).wait()
    pltpu.make_async_copy(dst_hbm.at[pl.ds(base0, GRP)],
                          dst_v.at[0], isem).wait()
    pltpu.async_copy(y_hbm.at[src_v.at[0, 0]], rows.at[0], gsem)

    ssems = (ssem0, ssem1)

    def group(g, carry):
        gpar = g % 2
        for cc in range(GRP):
            par = cc % 2
            pltpu.make_async_copy(y_hbm.at[src_v.at[0, 0]],
                                  rows.at[par], gsem).wait()
            pltpu.async_copy(rows.at[par], acc.at[dst_v.at[gpar, cc]],
                             ssems[par], add=True)
            if cc == 0:
                @pl.when(g >= 1)
                def _():
                    pltpu.make_async_copy(rows.at[1 - par],
                                          acc.at[dst_v.at[0, 0]],
                                          ssems[1 - par]).wait()
            else:
                pltpu.make_async_copy(rows.at[1 - par],
                                      acc.at[dst_v.at[0, 0]],
                                      ssems[1 - par]).wait()
            if cc + 1 < GRP:
                pltpu.async_copy(y_hbm.at[src_v.at[gpar, cc + 1]],
                                 rows.at[1 - par], gsem)
            else:
                @pl.when(g + 1 < AGG_NGRP)
                def _():
                    ngpar = 1 - gpar
                    nbase = base0 + (g + 1) * GRP
                    pltpu.make_async_copy(src_hbm.at[pl.ds(nbase, GRP)],
                                          src_v.at[ngpar], isem).wait()
                    pltpu.make_async_copy(dst_hbm.at[pl.ds(nbase, GRP)],
                                          dst_v.at[ngpar], isem).wait()

                    @pl.when(g + 2 < AGG_NGRP)
                    def _():
                        fbase = base0 + (g + 2) * GRP
                        pltpu.async_copy(src_hbm.at[pl.ds(fbase, GRP)],
                                         src_v.at[1 - ngpar], isem)
                        pltpu.async_copy(dst_hbm.at[pl.ds(fbase, GRP)],
                                         dst_v.at[1 - ngpar], isem)

                    pltpu.async_copy(y_hbm.at[src_v.at[ngpar, 0]],
                                     rows.at[1 - par], gsem)
        return carry

    lax.fori_loop(0, AGG_NGRP, group, 0)

    pltpu.make_async_copy(rows.at[(GRP - 1) % 2],
                          acc.at[dst_v.at[0, 0]],
                          ssems[(GRP - 1) % 2]).wait()

    plsc.subcore_barrier()

    pltpu.sync_copy(acc.at[pl.ds(row0, RPS)],
                    out_hbm.at[c, pl.ds(row0, RPS)])

    @pl.when(s == NS - 1)
    def _():
        pltpu.sync_copy(acc.at[pl.ds(NS * RPS, REM)],
                        out_hbm.at[c, pl.ds(NS * RPS, REM)])


def _tc_h1_body(x_ref, w_ref, h_ref):
    h_ref[...] = jnp.dot(x_ref[...], w_ref[...],
                         preferred_element_type=jnp.float32)


def _tc_first_body(deg_ref, h_ref, y_ref, d_ref):
    deg = jnp.sum(deg_ref[...], axis=1) + 1.0
    dis = lax.rsqrt(deg)[:, None]
    d_ref[...] = dis
    y_ref[...] = h_ref[...] * dis


def _tc_mid_body(agg_ref, d_ref, b_ref, w_ref, y_ref):
    dis = d_ref[...]
    x = jax.nn.gelu((agg_ref[0] + agg_ref[1]) * dis + b_ref[...])
    y_ref[...] = jnp.dot(x, w_ref[...],
                         preferred_element_type=jnp.float32) * dis


def _tc_pool_body(agg_ref, d_ref, b_ref, batch_ref, out_ref, sums, counts):
    i = pl.program_id(0)

    @pl.when(i == 0)
    def _():
        sums[...] = jnp.zeros_like(sums)
        counts[...] = jnp.zeros_like(counts)

    x = jax.nn.gelu((agg_ref[0] + agg_ref[1]) * d_ref[...] + b_ref[...])
    onehot = (batch_ref[...] ==
              lax.broadcasted_iota(jnp.int32, (BLK, G), 1)
              ).astype(jnp.float32)
    sums[...] += lax.dot_general(onehot, x, (((0,), (0,)), ((), ())),
                                 preferred_element_type=jnp.float32)
    counts[...] += jnp.sum(onehot, axis=0)[:, None]

    @pl.when(i == pl.num_programs(0) - 1)
    def _():
        out_ref[...] = sums[...] / jnp.maximum(counts[...], 1.0)


_tc_h1 = pl.pallas_call(
    _tc_h1_body,
    grid=(GRID,),
    in_specs=[
        pl.BlockSpec((BLK, D), lambda i: (i, 0)),
        pl.BlockSpec((D, D), lambda i: (0, 0)),
    ],
    out_specs=pl.BlockSpec((BLK, D), lambda i: (i, 0)),
    out_shape=jax.ShapeDtypeStruct((N, D), jnp.float32),
)

_tc_first = pl.pallas_call(
    _tc_first_body,
    grid=(GRID,),
    in_specs=[
        pl.BlockSpec((BLK, NW), lambda i: (i, 0)),
        pl.BlockSpec((BLK, D), lambda i: (i, 0)),
    ],
    out_specs=[
        pl.BlockSpec((BLK, D), lambda i: (i, 0)),
        pl.BlockSpec((BLK, 1), lambda i: (i, 0)),
    ],
    out_shape=[
        jax.ShapeDtypeStruct((N, D), jnp.float32),
        jax.ShapeDtypeStruct((N, 1), jnp.float32),
    ],
)

_tc_mid = pl.pallas_call(
    _tc_mid_body,
    grid=(GRID,),
    in_specs=[
        pl.BlockSpec((NC, BLK, D), lambda i: (0, i, 0)),
        pl.BlockSpec((BLK, 1), lambda i: (i, 0)),
        pl.BlockSpec((1, D), lambda i: (0, 0)),
        pl.BlockSpec((D, D), lambda i: (0, 0)),
    ],
    out_specs=pl.BlockSpec((BLK, D), lambda i: (i, 0)),
    out_shape=jax.ShapeDtypeStruct((N, D), jnp.float32),
)

_tc_pool = pl.pallas_call(
    _tc_pool_body,
    grid=(GRID,),
    in_specs=[
        pl.BlockSpec((NC, BLK, D), lambda i: (0, i, 0)),
        pl.BlockSpec((BLK, 1), lambda i: (i, 0)),
        pl.BlockSpec((1, D), lambda i: (0, 0)),
        pl.BlockSpec((BLK, 1), lambda i: (i, 0)),
    ],
    out_specs=pl.BlockSpec((G, D), lambda i: (0, 0)),
    out_shape=jax.ShapeDtypeStruct((G, D), jnp.float32),
    scratch_shapes=[
        pltpu.VMEM((G, D), jnp.float32),
        pltpu.VMEM((G, 1), jnp.float32),
    ],
)


def kernel(region_features, region_edges, region_features_batch,
           W1, b1, W2, b2, W3, b3):
    pad_src = (jnp.arange(EPAD, dtype=jnp.int32) * 13) % N
    pad_dst = N + (jnp.arange(EPAD, dtype=jnp.int32) % NDUMP)
    src = jnp.concatenate([region_edges[0], pad_src]).reshape(
        NW * AGG_NCH, CHUNK)
    dst_flat = region_edges[1]
    dst = jnp.concatenate([dst_flat, pad_dst]).reshape(NW * AGG_NCH, CHUNK)
    batch = region_features_batch.reshape(N, 1)

    deg_part = _deg_kernel(dst_flat)
    h1 = _tc_h1(region_features, W1)
    y1, d = _tc_first(deg_part.T, h1)
    agg1 = _agg_kernel(y1, src, dst)
    y2 = _tc_mid(agg1, d, b1.reshape(1, D), W2)
    agg2 = _agg_kernel(y2, src, dst)
    y3 = _tc_mid(agg2, d, b2.reshape(1, D), W3)
    agg3 = _agg_kernel(y3, src, dst)
    return _tc_pool(agg3, d, b3.reshape(1, D), batch)

# --- scband reference (transcript-rebuilt; emitter-appended) ---
"""Pipeline reference for scband-local-graph-encoder-42417097015613 (READ-ONLY COPY).

The authoritative reference and input builder live on the scoring server;
editing this copy changes nothing except your own understanding.
"""

import jax, jax.numpy as jnp
import numpy as np

N_NODES = 10000
N_EDGES = 320000
D = 128
NUM_GRAPHS = 64


def _gcn_conv(x, src, dst, W, b, num_nodes):
    # PyG GCNConv with default add_self_loops=True, symmetric normalization.
    loop = jnp.arange(num_nodes, dtype=src.dtype)
    src_f = jnp.concatenate([src, loop])
    dst_f = jnp.concatenate([dst, loop])
    deg = jnp.zeros((num_nodes,), dtype=x.dtype).at[dst_f].add(1.0)
    deg_inv_sqrt = jnp.where(deg > 0, 1.0 / jnp.sqrt(deg), 0.0)
    norm = deg_inv_sqrt[src_f] * deg_inv_sqrt[dst_f]
    h = x @ W
    msg = h[src_f] * norm[:, None]
    out = jnp.zeros_like(h).at[dst_f].add(msg)
    return out + b


def _global_mean_pool(x, batch, num_graphs):
    sums = jax.ops.segment_sum(x, batch, num_segments=num_graphs)
    counts = jax.ops.segment_sum(jnp.ones((x.shape[0],), dtype=x.dtype), batch, num_segments=num_graphs)
    return sums / jnp.maximum(counts, 1.0)[:, None]


def setup_inputs(seed: int = 0) -> dict:
    key = jax.random.key(seed)
    ks = jax.random.split(key, 10)
    region_features = jax.random.normal(ks[0], (N_NODES, D), dtype=jnp.float32)
    region_edges = jax.random.randint(ks[1], (2, N_EDGES), 0, N_NODES, dtype=jnp.int64 if jax.config.jax_enable_x64 else jnp.int32).astype(jnp.int32)
    region_features_batch = jnp.sort(jax.random.randint(ks[2], (N_NODES,), 0, NUM_GRAPHS).astype(jnp.int32))
    s = 1.0 / np.sqrt(D)
    W1 = jax.random.uniform(ks[3], (D, D), jnp.float32, -s, s)
    b1 = jnp.zeros((D,), jnp.float32)
    W2 = jax.random.uniform(ks[4], (D, D), jnp.float32, -s, s)
    b2 = jnp.zeros((D,), jnp.float32)
    W3 = jax.random.uniform(ks[5], (D, D), jnp.float32, -s, s)
    b3 = jnp.zeros((D,), jnp.float32)
    return {"region_features": region_features, "region_edges": region_edges,
            "region_features_batch": region_features_batch,
            "W1": W1, "b1": b1, "W2": W2, "b2": b2, "W3": W3, "b3": b3}


def reference(region_features, region_edges, region_features_batch, W1, b1, W2, b2, W3, b3):
    src = region_edges[0]
    dst = region_edges[1]
    x = _gcn_conv(region_features, src, dst, W1, b1, N_NODES)
    x = jax.nn.gelu(x)
    x = _gcn_conv(x, src, dst, W2, b2, N_NODES)
    x = jax.nn.gelu(x)
    x = _gcn_conv(x, src, dst, W3, b3, N_NODES)
    x = jax.nn.gelu(x)
    return _global_mean_pool(x, region_features_batch, NUM_GRAPHS)

if __name__ == "__main__":
    import jax
    _d = setup_inputs()
    print(jax.jit(kernel)(*tuple(_d.values())))

</pallas_src>

<mosaic_0001>
#map = affine_map<(d0, d1) -> (0, 0)>
#map1 = affine_map<(d0, d1) -> (0, 0, 0)>
module attributes {stable_mosaic.version = 14 : i64} {
  func.func @_agg_kernel(%arg0: i32, %arg1: i32, %arg2: memref<10000x128xf32, #tpu.memory_space<hbm>>, %arg3: memref<2560x128xi32, #tpu.memory_space<hbm>>, %arg4: memref<2560x128xi32, #tpu.memory_space<hbm>>, %arg5: memref<2x10064x128xf32, #tpu.memory_space<hbm>>, %arg6: memref<2x8x128xi32, #tpu.memory_space<vmem>>, %arg7: memref<2x8x128xi32, #tpu.memory_space<vmem>>, %arg8: memref<2x128x128xf32, #tpu.memory_space<vmem>>, %arg9: memref<10064x128xf32, #tpu.memory_space<vmem_shared>>, %arg10: memref<!tpu.dma_semaphore, #tpu.memory_space<semaphore_mem>>, %arg11: memref<!tpu.dma_semaphore, #tpu.memory_space<semaphore_mem>>, %arg12: memref<!tpu.dma_semaphore, #tpu.memory_space<semaphore_mem>>, %arg13: memref<!tpu.dma_semaphore, #tpu.memory_space<semaphore_mem>>) attributes {dimension_semantics = [#tpu.dimension_semantics<core_parallel>, #tpu.dimension_semantics<subcore_parallel>], iteration_bounds = array<i64: 2, 16>, scalar_prefetch = 0 : i64, scratch_operands = 8 : i64, tpu.core_type = #tpu.core_type<sc_vector_subcore>, window_params = [{transform_indices = #map}, {transform_indices = #map}, {transform_indices = #map}, {transform_indices = #map1}]} {
    %mul3A = arith.constant 2 : i32
    %mul3A_0 = arith.muli %arg1, %mul3A : i32
    %add3A = arith.addi %mul3A_0, %arg0 : i32
    %mul3A_1 = arith.constant 624 : i32
    %mul3A_2 = arith.muli %arg1, %mul3A_1 : i32
    %mul3A_3 = arith.constant 80 : i32
    %mul3A_4 = arith.muli %add3A, %mul3A_3 : i32
    %dma_start3A = arith.constant 0 : i32
    %dma_start3A_5 = arith.constant 0 : i32
    %dma_start3A_6 = arith.constant 0 : i32
    %dma_start3A_7 = tpu.memref_slice %arg6[%dma_start3A, %dma_start3A_5, %dma_start3A_6] : memref<2x8x128xi32, #tpu.memory_space<vmem>> -> memref<1x8x128xi32, #tpu.memory_space<vmem>>
    %dma_start3A_8 = tpu.memref_squeeze %dma_start3A_7 : memref<1x8x128xi32, #tpu.memory_space<vmem>> -> memref<8x128xi32, #tpu.memory_space<vmem>>
    %dma_start3A_9 = arith.constant 0 : i32
    %dma_start3A_10 = tpu.memref_slice %arg3[%mul3A_4, %dma_start3A_9] : memref<2560x128xi32, #tpu.memory_space<hbm>> -> memref<8x128xi32, #tpu.memory_space<hbm>>
    %dma_start3A_11 = arith.constant 0 : i32
    %dma_start3A_12 = arith.constant 0 : i32
    %dma_start3A_13 = tpu.memref_slice %arg6[%dma_start3A, %dma_start3A_11, %dma_start3A_12] : memref<2x8x128xi32, #tpu.memory_space<vmem>> -> memref<1x8x128xi32, #tpu.memory_space<vmem>>
    %dma_start3A_14 = tpu.memref_squeeze %dma_start3A_13 : memref<1x8x128xi32, #tpu.memory_space<vmem>> -> memref<8x128xi32, #tpu.memory_space<vmem>>
    %dma_start3A_15 = arith.constant 0 : i32
    %dma_start3A_16 = tpu.memref_slice %arg3[%mul3A_4, %dma_start3A_15] : memref<2560x128xi32, #tpu.memory_space<hbm>> -> memref<8x128xi32, #tpu.memory_space<hbm>>
    tpu.enqueue_dma source(%dma_start3A_16 : memref<8x128xi32, #tpu.memory_space<hbm>>) target(%dma_start3A_14 : memref<8x128xi32, #tpu.memory_space<vmem>>) target_semaphore(%arg13 : memref<!tpu.dma_semaphore, #tpu.memory_space<semaphore_mem>>)
    %dma_start3A_17 = arith.constant 0 : i32
    %dma_start3A_18 = arith.constant 0 : i32
    %dma_start3A_19 = arith.constant 0 : i32
    %dma_start3A_20 = tpu.memref_slice %arg7[%dma_start3A_17, %dma_start3A_18, %dma_start3A_19] : memref<2x8x128xi32, #tpu.memory_space<vmem>> -> memref<1x8x128xi32, #tpu.memory_space<vmem>>
    %dma_start3A_21 = tpu.memref_squeeze %dma_start3A_20 : memref<1x8x128xi32, #tpu.memory_space<vmem>> -> memref<8x128xi32, #tpu.memory_space<vmem>>
    %dma_start3A_22 = arith.constant 0 : i32
    %dma_start3A_23 = tpu.memref_slice %arg4[%mul3A_4, %dma_start3A_22] : memref<2560x128xi32, #tpu.memory_space<hbm>> -> memref<8x128xi32, #tpu.memory_space<hbm>>
    %dma_start3A_24 = arith.constant 0 : i32
    %dma_start3A_25 = arith.constant 0 : i32
    %dma_start3A_26 = tpu.memref_slice %arg7[%dma_start3A_17, %dma_start3A_24, %dma_start3A_25] : memref<2x8x128xi32, #tpu.memory_space<vmem>> -> memref<1x8x128xi32, #tpu.memory_space<vmem>>
    %dma_start3A_27 = tpu.memref_squeeze %dma_start3A_26 : memref<1x8x128xi32, #tpu.memory_space<vmem>> -> memref<8x128xi32, #tpu.memory_space<vmem>>
    %dma_start3A_28 = arith.constant 0 : i32
    %dma_start3A_29 = tpu.memref_slice %arg4[%mul3A_4, %dma_start3A_28] : memref<2560x128xi32, #tpu.memory_space<hbm>> -> memref<8x128xi32, #tpu.memory_space<hbm>>
    tpu.enqueue_dma source(%dma_start3A_29 : memref<8x128xi32, #tpu.memory_space<hbm>>) target(%dma_start3A_27 : memref<8x128xi32, #tpu.memory_space<vmem>>) target_semaphore(%arg13 : memref<!tpu.dma_semaphore, #tpu.memory_space<semaphore_mem>>)
    %add3A_30 = arith.constant 8 : i32
    %add3A_31 = arith.addi %mul3A_4, %add3A_30 : i32
    %dma_start3A_32 = arith.constant 1 : i32
    %dma_start3A_33 = arith.constant 0 : i32
    %dma_start3A_34 = arith.constant 0 : i32
    %dma_start3A_35 = tpu.memref_slice %arg6[%dma_start3A_32, %dma_start3A_33, %dma_start3A_34] : memref<2x8x128xi32, #tpu.memory_space<vmem>> -> memref<1x8x128xi32, #tpu.memory_space<vmem>>
    %dma_start3A_36 = tpu.memref_squeeze %dma_start3A_35 : memref<1x8x128xi32, #tpu.memory_space<vmem>> -> memref<8x128xi32, #tpu.memory_space<vmem>>
    %dma_start3A_37 = arith.constant 0 : i32
    %dma_start3A_38 = tpu.memref_slice %arg3[%add3A_31, %dma_start3A_37] : memref<2560x128xi32, #tpu.memory_space<hbm>> -> memref<8x128xi32, #tpu.memory_space<hbm>>
    %dma_start3A_39 = arith.constant 0 : i32
    %dma_start3A_40 = arith.constant 0 : i32
    %dma_start3A_41 = tpu.memref_slice %arg6[%dma_start3A_32, %dma_start3A_39, %dma_start3A_40] : memref<2x8x128xi32, #tpu.memory_space<vmem>> -> memref<1x8x128xi32, #tpu.memory_space<vmem>>
    %dma_start3A_42 = tpu.memref_squeeze %dma_start3A_41 : memref<1x8x128xi32, #tpu.memory_space<vmem>> -> memref<8x128xi32, #tpu.memory_space<vmem>>
    %dma_start3A_43 = arith.constant 0 : i32
    %dma_start3A_44 = tpu.memref_slice %arg3[%add3A_31, %dma_start3A_43] : memref<2560x128xi32, #tpu.memory_space<hbm>> -> memref<8x128xi32, #tpu.memory_space<hbm>>
    tpu.enqueue_dma source(%dma_start3A_44 : memref<8x128xi32, #tpu.memory_space<hbm>>) target(%dma_start3A_42 : memref<8x128xi32, #tpu.memory_space<vmem>>) target_semaphore(%arg13 : memref<!tpu.dma_semaphore, #tpu.memory_space<semaphore_mem>>)
    %add3A_45 = arith.constant 8 : i32
    %add3A_46 = arith.addi %mul3A_4, %add3A_45 : i32
    %dma_start3A_47 = arith.constant 1 : i32
    %dma_start3A_48 = arith.constant 0 : i32
    %dma_start3A_49 = arith.constant 0 : i32
    %dma_start3A_50 = tpu.memref_slice %arg7[%dma_start3A_47, %dma_start3A_48, %dma_start3A_49] : memref<2x8x128xi32, #tpu.memory_space<vmem>> -> memref<1x8x128xi32, #tpu.memory_space<vmem>>
    %dma_start3A_51 = tpu.memref_squeeze %dma_start3A_50 : memref<1x8x128xi32, #tpu.memory_space<vmem>> -> memref<8x128xi32, #tpu.memory_space<vmem>>
    %dma_start3A_52 = arith.constant 0 : i32
    %dma_start3A_53 = tpu.memref_slice %arg4[%add3A_46, %dma_start3A_52] : memref<2560x128xi32, #tpu.memory_space<hbm>> -> memref<8x128xi32, #tpu.memory_space<hbm>>
    %dma_start3A_54 = arith.constant 0 : i32
    %dma_start3A_55 = arith.constant 0 : i32
    %dma_start3A_56 = tpu.memref_slice %arg7[%dma_start3A_47, %dma_start3A_54, %dma_start3A_55] : memref<2x8x128xi32, #tpu.memory_space<vmem>> -> memref<1x8x128xi32, #tpu.memory_space<vmem>>
    %dma_start3A_57 = tpu.memref_squeeze %dma_start3A_56 : memref<1x8x128xi32, #tpu.memory_space<vmem>> -> memref<8x128xi32, #tpu.memory_space<vmem>>
    %dma_start3A_58 = arith.constant 0 : i32
    %dma_start3A_59 = tpu.memref_slice %arg4[%add3A_46, %dma_start3A_58] : memref<2560x128xi32, #tpu.memory_space<hbm>> -> memref<8x128xi32, #tpu.memory_space<hbm>>
    tpu.enqueue_dma source(%dma_start3A_59 : memref<8x128xi32, #tpu.memory_space<hbm>>) target(%dma_start3A_57 : memref<8x128xi32, #tpu.memory_space<vmem>>) target_semaphore(%arg13 : memref<!tpu.dma_semaphore, #tpu.memory_space<semaphore_mem>>)
    %eq3A = arith.constant 0 : i32
    %eq3A_60 = arith.cmpi eq, %arg0, %eq3A : i32
    %convert_element_type3A = arith.extui %eq3A_60 : i1 to i32
    %cond3A = arith.constant 0 : i32
    %cond3A_61 = arith.cmpi ne, %convert_element_type3A, %cond3A : i32
    scf.if %cond3A_61 {
      "tpu.region"() ({
        %run_scoped3A = tpu.sem_alloc : memref<!tpu.dma_semaphore, #tpu.memory_space<semaphore_mem>>
        %dma_start3A_133 = arith.constant 0 : i32
        %dma_start3A_134 = tpu.memref_slice %arg9[%mul3A_2, %dma_start3A_133] : memref<10064x128xf32, #tpu.memory_space<vmem_shared>> -> memref<624x128xf32, #tpu.memory_space<vmem_shared>>
        %dma_start3A_135 = arith.constant 0 : i32
        %dma_start3A_136 = tpu.memref_slice %arg2[%mul3A_2, %dma_start3A_135] : memref<10000x128xf32, #tpu.memory_space<hbm>> -> memref<624x128xf32, #tpu.memory_space<hbm>>
        tpu.enqueue_dma source(%dma_start3A_136 : memref<624x128xf32, #tpu.memory_space<hbm>>) target(%dma_start3A_134 : memref<624x128xf32, #tpu.memory_space<vmem_shared>>) target_semaphore(%run_scoped3A : memref<!tpu.dma_semaphore, #tpu.memory_space<semaphore_mem>>)
        %dma_wait3A_137 = arith.constant 0 : i32
        %dma_wait3A_138 = tpu.memref_slice %arg9[%mul3A_2, %dma_wait3A_137] : memref<10064x128xf32, #tpu.memory_space<vmem_shared>> -> memref<624x128xf32, #tpu.memory_space<vmem_shared>>
        %dma_wait3A_139 = arith.constant 0 : i32
        %dma_wait3A_140 = tpu.memref_slice %arg2[%mul3A_2, %dma_wait3A_139] : memref<10000x128xf32, #tpu.memory_space<hbm>> -> memref<624x128xf32, #tpu.memory_space<hbm>>
        tpu.wait_dma2 semaphore(%run_scoped3A : memref<!tpu.dma_semaphore, #tpu.memory_space<semaphore_mem>>) src(%dma_wait3A_140 : memref<624x128xf32, #tpu.memory_space<hbm>>) dst(%dma_wait3A_138 : memref<624x128xf32, #tpu.memory_space<vmem_shared>>)
        tpu.yield
      }) : () -> ()
      %eq3A_128 = arith.constant 15 : i32
      %eq3A_129 = arith.cmpi eq, %arg1, %eq3A_128 : i32
      %convert_element_type3A_130 = arith.extui %eq3A_129 : i1 to i32
      %cond3A_131 = arith.constant 0 : i32
      %cond3A_132 = arith.cmpi ne, %convert_element_type3A_130, %cond3A_131 : i32
      scf.if %cond3A_132 {
        "tpu.region"() ({
          %run_scoped3A = tpu.sem_alloc : memref<!tpu.dma_semaphore, #tpu.memory_space<semaphore_mem>>
          %dma_start3A_133 = arith.constant 9984 : i32
          %dma_start3A_134 = arith.constant 0 : i32
          %dma_start3A_135 = tpu.memref_slice %arg9[%dma_start3A_133, %dma_start3A_134] : memref<10064x128xf32, #tpu.memory_space<vmem_shared>> -> memref<16x128xf32, #tpu.memory_space<vmem_shared>>
          %dma_start3A_136 = arith.constant 9984 : i32
          %dma_start3A_137 = arith.constant 0 : i32
          %dma_start3A_138 = tpu.memref_slice %arg2[%dma_start3A_136, %dma_start3A_137] : memref<10000x128xf32, #tpu.memory_space<hbm>> -> memref<16x128xf32, #tpu.memory_space<hbm>>
          tpu.enqueue_dma source(%dma_start3A_138 : memref<16x128xf32, #tpu.memory_space<hbm>>) target(%dma_start3A_135 : memref<16x128xf32, #tpu.memory_space<vmem_shared>>) target_semaphore(%run_scoped3A : memref<!tpu.dma_semaphore, #tpu.memory_space<semaphore_mem>>)
          %dma_wait3A_139 = arith.constant 9984 : i32
          %dma_wait3A_140 = arith.constant 0 : i32
          %dma_wait3A_141 = tpu.memref_slice %arg9[%dma_wait3A_139, %dma_wait3A_140] : memref<10064x128xf32, #tpu.memory_space<vmem_shared>> -> memref<16x128xf32, #tpu.memory_space<vmem_shared>>
          %dma_wait3A_142 = arith.constant 9984 : i32
          %dma_wait3A_143 = arith.constant 0 : i32
          %dma_wait3A_144 = tpu.memref_slice %arg2[%dma_wait3A_142, %dma_wait3A_143] : memref<10000x128xf32, #tpu.memory_space<hbm>> -> memref<16x128xf32, #tpu.memory_space<hbm>>
          tpu.wait_dma2 semaphore(%run_scoped3A : memref<!tpu.dma_semaphore, #tpu.memory_space<semaphore_mem>>) src(%dma_wait3A_144 : memref<16x128xf32, #tpu.memory_space<hbm>>) dst(%dma_wait3A_141 : memref<16x128xf32, #tpu.memory_space<vmem_shared>>)
          tpu.yield
        }) : () -> ()
      } else {
      }
    } else {
    }
    %ne3A = arith.constant 0 : i32
    %ne3A_62 = arith.cmpi ne, %arg0, %ne3A : i32
    %convert_element_type3A_63 = arith.extui %ne3A_62 : i1 to i32
    %cond3A_64 = arith.constant 0 : i32
    %cond3A_65 = arith.cmpi ne, %convert_element_type3A_63, %cond3A_64 : i32
    scf.if %cond3A_65 {
      %broadcast_in_dim3A = arith.constant 0.000000e+00 : f32
      %broadcast_in_dim3A_128 = vector.broadcast %broadcast_in_dim3A : f32 to vector<16xf32>
      %scan3A_129 = arith.constant 0 : i32
      %scan3A_130 = arith.constant 0 : i32
      %scan3A_131 = arith.constant 128 : i32
      %scan3A_132 = arith.addi %scan3A_130, %scan3A_131 : i32
      %scan3A_133 = arith.constant 1 : i32
      scf.for %scan3A_155 = %scan3A_130 to %scan3A_132 step %scan3A_133  : i32 {
        %swap3A = arith.constant 0 : i32
        %swap3A_156 = arith.index_cast %swap3A : i32 to index
        %swap3A_157 = arith.index_cast %scan3A_155 : i32 to index
        %swap3A_158 = arith.constant 0 : index
        %swap3A_159 = tpu.vector_load %arg8[%swap3A_156, %swap3A_157, %swap3A_158] {strides = array<i32>} : memref<2x128x128xf32, #tpu.memory_space<vmem>>, vector<16xf32>,
        tpu.vector_store %arg8[%swap3A_156, %swap3A_157, %swap3A_158], %broadcast_in_dim3A_128 {strides = array<i32>} : memref<2x128x128xf32, #tpu.memory_space<vmem>>, vector<16xf32>,
        %swap3A_160 = arith.constant 0 : i32
        %swap3A_161 = arith.index_cast %swap3A_160 : i32 to index
        %swap3A_162 = arith.index_cast %scan3A_155 : i32 to index
        %swap3A_163 = arith.constant 16 : index
        %swap3A_164 = tpu.vector_load %arg8[%swap3A_161, %swap3A_162, %swap3A_163] {strides = array<i32>} : memref<2x128x128xf32, #tpu.memory_space<vmem>>, vector<16xf32>,
        tpu.vector_store %arg8[%swap3A_161, %swap3A_162, %swap3A_163], %broadcast_in_dim3A_128 {strides = array<i32>} : memref<2x128x128xf32, #tpu.memory_space<vmem>>, vector<16xf32>,
        %swap3A_165 = arith.constant 0 : i32
        %swap3A_166 = arith.index_cast %swap3A_165 : i32 to index
        %swap3A_167 = arith.index_cast %scan3A_155 : i32 to index
        %swap3A_168 = arith.constant 32 : index
        %swap3A_169 = tpu.vector_load %arg8[%swap3A_166, %swap3A_167, %swap3A_168] {strides = array<i32>} : memref<2x128x128xf32, #tpu.memory_space<vmem>>, vector<16xf32>,
        tpu.vector_store %arg8[%swap3A_166, %swap3A_167, %swap3A_168], %broadcast_in_dim3A_128 {strides = array<i32>} : memref<2x128x128xf32, #tpu.memory_space<vmem>>, vector<16xf32>,
        %swap3A_170 = arith.constant 0 : i32
        %swap3A_171 = arith.index_cast %swap3A_170 : i32 to index
        %swap3A_172 = arith.index_cast %scan3A_155 : i32 to index
        %swap3A_173 = arith.constant 48 : index
        %swap3A_174 = tpu.vector_load %arg8[%swap3A_171, %swap3A_172, %swap3A_173] {strides = array<i32>} : memref<2x128x128xf32, #tpu.memory_space<vmem>>, vector<16xf32>,
        tpu.vector_store %arg8[%swap3A_171, %swap3A_172, %swap3A_173], %broadcast_in_dim3A_128 {strides = array<i32>} : memref<2x128x128xf32, #tpu.memory_space<vmem>>, vector<16xf32>,
        %swap3A_175 = arith.constant 0 : i32
        %swap3A_176 = arith.index_cast %swap3A_175 : i32 to index
        %swap3A_177 = arith.index_cast %scan3A_155 : i32 to index
        %swap3A_178 = arith.constant 64 : index
        %swap3A_179 = tpu.vector_load %arg8[%swap3A_176, %swap3A_177, %swap3A_178] {strides = array<i32>} : memref<2x128x128xf32, #tpu.memory_space<vmem>>, vector<16xf32>,
        tpu.vector_store %arg8[%swap3A_176, %swap3A_177, %swap3A_178], %broadcast_in_dim3A_128 {strides = array<i32>} : memref<2x128x128xf32, #tpu.memory_space<vmem>>, vector<16xf32>,
        %swap3A_180 = arith.constant 0 : i32
        %swap3A_181 = arith.index_cast %swap3A_180 : i32 to index
        %swap3A_182 = arith.index_cast %scan3A_155 : i32 to index
        %swap3A_183 = arith.constant 80 : index
        %swap3A_184 = tpu.vector_load %arg8[%swap3A_181, %swap3A_182, %swap3A_183] {strides = array<i32>} : memref<2x128x128xf32, #tpu.memory_space<vmem>>, vector<16xf32>,
        tpu.vector_store %arg8[%swap3A_181, %swap3A_182, %swap3A_183], %broadcast_in_dim3A_128 {strides = array<i32>} : memref<2x128x128xf32, #tpu.memory_space<vmem>>, vector<16xf32>,
        %swap3A_185 = arith.constant 0 : i32
        %swap3A_186 = arith.index_cast %swap3A_185 : i32 to index
        %swap3A_187 = arith.index_cast %scan3A_155 : i32 to index
        %swap3A_188 = arith.constant 96 : index
        %swap3A_189 = tpu.vector_load %arg8[%swap3A_186, %swap3A_187, %swap3A_188] {strides = array<i32>} : memref<2x128x128xf32, #tpu.memory_space<vmem>>, vector<16xf32>,
        tpu.vector_store %arg8[%swap3A_186, %swap3A_187, %swap3A_188], %broadcast_in_dim3A_128 {strides = array<i32>} : memref<2x128x128xf32, #tpu.memory_space<vmem>>, vector<16xf32>,
        %swap3A_190 = arith.constant 0 : i32
        %swap3A_191 = arith.index_cast %swap3A_190 : i32 to index
        %swap3A_192 = arith.index_cast %scan3A_155 : i32 to index
        %swap3A_193 = arith.constant 112 : index
        %swap3A_194 = tpu.vector_load %arg8[%swap3A_191, %swap3A_192, %swap3A_193] {strides = array<i32>} : memref<2x128x128xf32, #tpu.memory_space<vmem>>, vector<16xf32>,
        tpu.vector_store %arg8[%swap3A_191, %swap3A_192, %swap3A_193], %broadcast_in_dim3A_128 {strides = array<i32>} : memref<2x128x128xf32, #tpu.memory_space<vmem>>, vector<16xf32>,
      }
      %scan3A_134 = arith.constant 128 : i32
      %add3A_135 = arith.constant 0 : i32
      %add3A_136 = arith.addi %mul3A_2, %add3A_135 : i32
      %run_scoped3A = arith.constant 0 : i32
      "tpu.region"() ({
        %run_scoped3A_155 = tpu.sem_alloc : memref<!tpu.dma_semaphore, #tpu.memory_space<semaphore_mem>>
        %dma_start3A_156 = arith.constant 0 : i32
        %dma_start3A_157 = arith.constant 0 : i32
        %dma_start3A_158 = tpu.memref_slice %arg8[%run_scoped3A, %dma_start3A_156, %dma_start3A_157] : memref<2x128x128xf32, #tpu.memory_space<vmem>> -> memref<1x128x128xf32, #tpu.memory_space<vmem>>
        %dma_start3A_159 = tpu.memref_squeeze %dma_start3A_158 : memref<1x128x128xf32, #tpu.memory_space<vmem>> -> memref<128x128xf32, #tpu.memory_space<vmem>>
        %dma_start3A_160 = arith.constant 0 : i32
        %dma_start3A_161 = tpu.memref_slice %arg9[%add3A_136, %dma_start3A_160] : memref<10064x128xf32, #tpu.memory_space<vmem_shared>> -> memref<128x128xf32, #tpu.memory_space<vmem_shared>>
        %dma_start3A_162 = arith.constant 0 : i32
        %dma_start3A_163 = tpu.memref_slice %arg9[%add3A_136, %dma_start3A_162] : memref<10064x128xf32, #tpu.memory_space<vmem_shared>> -> memref<128x128xf32, #tpu.memory_space<vmem_shared>>
        %dma_start3A_164 = arith.constant 0 : i32
        %dma_start3A_165 = arith.constant 0 : i32
        %dma_start3A_166 = tpu.memref_slice %arg8[%run_scoped3A, %dma_start3A_164, %dma_start3A_165] : memref<2x128x128xf32, #tpu.memory_space<vmem>> -> memref<1x128x128xf32, #tpu.memory_space<vmem>>
        %dma_start3A_167 = tpu.memref_squeeze %dma_start3A_166 : memref<1x128x128xf32, #tpu.memory_space<vmem>> -> memref<128x128xf32, #tpu.memory_space<vmem>>
        tpu.enqueue_dma source(%dma_start3A_167 : memref<128x128xf32, #tpu.memory_space<vmem>>) target(%dma_start3A_163 : memref<128x128xf32, #tpu.memory_space<vmem_shared>>) target_semaphore(%run_scoped3A_155 : memref<!tpu.dma_semaphore, #tpu.memory_space<semaphore_mem>>)
        %dma_wait3A_168 = arith.constant 0 : i32
        %dma_wait3A_169 = arith.constant 0 : i32
        %dma_wait3A_170 = tpu.memref_slice %arg8[%run_scoped3A, %dma_wait3A_168, %dma_wait3A_169] : memref<2x128x128xf32, #tpu.memory_space<vmem>> -> memref<1x128x128xf32, #tpu.memory_space<vmem>>
        %dma_wait3A_171 = tpu.memref_squeeze %dma_wait3A_170 : memref<1x128x128xf32, #tpu.memory_space<vmem>> -> memref<128x128xf32, #tpu.memory_space<vmem>>
        %dma_wait3A_172 = arith.constant 0 : i32
        %dma_wait3A_173 = tpu.memref_slice %arg9[%add3A_136, %dma_wait3A_172] : memref<10064x128xf32, #tpu.memory_space<vmem_shared>> -> memref<128x128xf32, #tpu.memory_space<vmem_shared>>
        %dma_wait3A_174 = arith.constant 0 : i32
        %dma_wait3A_175 = tpu.memref_slice %arg9[%add3A_136, %dma_wait3A_174] : memref<10064x128xf32, #tpu.memory_space<vmem_shared>> -> memref<128x128xf32, #tpu.memory_space<vmem_shared>>
        %dma_wait3A_176 = arith.constant 0 : i32
        %dma_wait3A_177 = arith.constant 0 : i32
        %dma_wait3A_178 = tpu.memref_slice %arg8[%run_scoped3A, %dma_wait3A_176, %dma_wait3A_177] : memref<2x128x128xf32, #tpu.memory_space<vmem>> -> memref<1x128x128xf32, #tpu.memory_space<vmem>>
        %dma_wait3A_179 = tpu.memref_squeeze %dma_wait3A_178 : memref<1x128x128xf32, #tpu.memory_space<vmem>> -> memref<128x128xf32, #tpu.memory_space<vmem>>
        tpu.wait_dma2 semaphore(%run_scoped3A_155 : memref<!tpu.dma_semaphore, #tpu.memory_space<semaphore_mem>>) src(%dma_wait3A_179 : memref<128x128xf32, #tpu.memory_space<vmem>>) dst(%dma_wait3A_175 : memref<128x128xf32, #tpu.memory_space<vmem_shared>>)
        tpu.yield
      }) : () -> ()
      %add3A_137 = arith.constant 128 : i32
      %add3A_138 = arith.addi %mul3A_2, %add3A_137 : i32
      %run_scoped3A_139 = arith.constant 0 : i32
      "tpu.region"() ({
        %run_scoped3A_155 = tpu.sem_alloc : memref<!tpu.dma_semaphore, #tpu.memory_space<semaphore_mem>>
        %dma_start3A_156 = arith.constant 0 : i32
        %dma_start3A_157 = arith.constant 0 : i32
        %dma_start3A_158 = tpu.memref_slice %arg8[%run_scoped3A_139, %dma_start3A_156, %dma_start3A_157] : memref<2x128x128xf32, #tpu.memory_space<vmem>> -> memref<1x128x128xf32, #tpu.memory_space<vmem>>
        %dma_start3A_159 = tpu.memref_squeeze %dma_start3A_158 : memref<1x128x128xf32, #tpu.memory_space<vmem>> -> memref<128x128xf32, #tpu.memory_space<vmem>>
        %dma_start3A_160 = arith.constant 0 : i32
        %dma_start3A_161 = tpu.memref_slice %arg9[%add3A_138, %dma_start3A_160] : memref<10064x128xf32, #tpu.memory_space<vmem_shared>> -> memref<128x128xf32, #tpu.memory_space<vmem_shared>>
        %dma_start3A_162 = arith.constant 0 : i32
        %dma_start3A_163 = tpu.memref_slice %arg9[%add3A_138, %dma_start3A_162] : memref<10064x128xf32, #tpu.memory_space<vmem_shared>> -> memref<128x128xf32, #tpu.memory_space<vmem_shared>>
        %dma_start3A_164 = arith.constant 0 : i32
        %dma_start3A_165 = arith.constant 0 : i32
        %dma_start3A_166 = tpu.memref_slice %arg8[%run_scoped3A_139, %dma_start3A_164, %dma_start3A_165] : memref<2x128x128xf32, #tpu.memory_space<vmem>> -> memref<1x128x128xf32, #tpu.memory_space<vmem>>
        %dma_start3A_167 = tpu.memref_squeeze %dma_start3A_166 : memref<1x128x128xf32, #tpu.memory_space<vmem>> -> memref<128x128xf32, #tpu.memory_space<vmem>>
        tpu.enqueue_dma source(%dma_start3A_167 : memref<128x128xf32, #tpu.memory_space<vmem>>) target(%dma_start3A_163 : memref<128x128xf32, #tpu.memory_space<vmem_shared>>) target_semaphore(%run_scoped3A_155 : memref<!tpu.dma_semaphore, #tpu.memory_space<semaphore_mem>>)
        %dma_wait3A_168 = arith.constant 0 : i32
        %dma_wait3A_169 = arith.constant 0 : i32
        %dma_wait3A_170 = tpu.memref_slice %arg8[%run_scoped3A_139, %dma_wait3A_168, %dma_wait3A_169] : memref<2x128x128xf32, #tpu.memory_space<vmem>> -> memref<1x128x128xf32, #tpu.memory_space<vmem>>
        %dma_wait3A_171 = tpu.memref_squeeze %dma_wait3A_170 : memref<1x128x128xf32, #tpu.memory_space<vmem>> -> memref<128x128xf32, #tpu.memory_space<vmem>>
        %dma_wait3A_172 = arith.constant 0 : i32
        %dma_wait3A_173 = tpu.memref_slice %arg9[%add3A_138, %dma_wait3A_172] : memref<10064x128xf32, #tpu.memory_space<vmem_shared>> -> memref<128x128xf32, #tpu.memory_space<vmem_shared>>
        %dma_wait3A_174 = arith.constant 0 : i32
        %dma_wait3A_175 = tpu.memref_slice %arg9[%add3A_138, %dma_wait3A_174] : memref<10064x128xf32, #tpu.memory_space<vmem_shared>> -> memref<128x128xf32, #tpu.memory_space<vmem_shared>>
        %dma_wait3A_176 = arith.constant 0 : i32
        %dma_wait3A_177 = arith.constant 0 : i32
        %dma_wait3A_178 = tpu.memref_slice %arg8[%run_scoped3A_139, %dma_wait3A_176, %dma_wait3A_177] : memref<2x128x128xf32, #tpu.memory_space<vmem>> -> memref<1x128x128xf32, #tpu.memory_space<vmem>>
        %dma_wait3A_179 = tpu.memref_squeeze %dma_wait3A_178 : memref<1x128x128xf32, #tpu.memory_space<vmem>> -> memref<128x128xf32, #tpu.memory_space<vmem>>
        tpu.wait_dma2 semaphore(%run_scoped3A_155 : memref<!tpu.dma_semaphore, #tpu.memory_space<semaphore_mem>>) src(%dma_wait3A_179 : memref<128x128xf32, #tpu.memory_space<vmem>>) dst(%dma_wait3A_175 : memref<128x128xf32, #tpu.memory_space<vmem_shared>>)
        tpu.yield
      }) : () -> ()
      %add3A_140 = arith.constant 256 : i32
      %add3A_141 = arith.addi %mul3A_2, %add3A_140 : i32
      %run_scoped3A_142 = arith.constant 0 : i32
      "tpu.region"() ({
        %run_scoped3A_155 = tpu.sem_alloc : memref<!tpu.dma_semaphore, #tpu.memory_space<semaphore_mem>>
        %dma_start3A_156 = arith.constant 0 : i32
        %dma_start3A_157 = arith.constant 0 : i32
        %dma_start3A_158 = tpu.memref_slice %arg8[%run_scoped3A_142, %dma_start3A_156, %dma_start3A_157] : memref<2x128x128xf32, #tpu.memory_space<vmem>> -> memref<1x128x128xf32, #tpu.memory_space<vmem>>
        %dma_start3A_159 = tpu.memref_squeeze %dma_start3A_158 : memref<1x128x128xf32, #tpu.memory_space<vmem>> -> memref<128x128xf32, #tpu.memory_space<vmem>>
        %dma_start3A_160 = arith.constant 0 : i32
        %dma_start3A_161 = tpu.memref_slice %arg9[%add3A_141, %dma_start3A_160] : memref<10064x128xf32, #tpu.memory_space<vmem_shared>> -> memref<128x128xf32, #tpu.memory_space<vmem_shared>>
        %dma_start3A_162 = arith.constant 0 : i32
        %dma_start3A_163 = tpu.memref_slice %arg9[%add3A_141, %dma_start3A_162] : memref<10064x128xf32, #tpu.memory_space<vmem_shared>> -> memref<128x128xf32, #tpu.memory_space<vmem_shared>>
        %dma_start3A_164 = arith.constant 0 : i32
        %dma_start3A_165 = arith.constant 0 : i32
        %dma_start3A_166 = tpu.memref_slice %arg8[%run_scoped3A_142, %dma_start3A_164, %dma_start3A_165] : memref<2x128x128xf32, #tpu.memory_space<vmem>> -> memref<1x128x128xf32, #tpu.memory_space<vmem>>
        %dma_start3A_167 = tpu.memref_squeeze %dma_start3A_166 : memref<1x128x128xf32, #tpu.memory_space<vmem>> -> memref<128x128xf32, #tpu.memory_space<vmem>>
        tpu.enqueue_dma source(%dma_start3A_167 : memref<128x128xf32, #tpu.memory_space<vmem>>) target(%dma_start3A_163 : memref<128x128xf32, #tpu.memory_space<vmem_shared>>) target_semaphore(%run_scoped3A_155 : memref<!tpu.dma_semaphore, #tpu.memory_space<semaphore_mem>>)
        %dma_wait3A_168 = arith.constant 0 : i32
        %dma_wait3A_169 = arith.constant 0 : i32
        %dma_wait3A_170 = tpu.memref_slice %arg8[%run_scoped3A_142, %dma_wait3A_168, %dma_wait3A_169] : memref<2x128x128xf32, #tpu.memory_space<vmem>> -> memref<1x128x128xf32, #tpu.memory_space<vmem>>
        %dma_wait3A_171 = tpu.memref_squeeze %dma_wait3A_170 : memref<1x128x128xf32, #tpu.memory_space<vmem>> -> memref<128x128xf32, #tpu.memory_space<vmem>>
        %dma_wait3A_172 = arith.constant 0 : i32
        %dma_wait3A_173 = tpu.memref_slice %arg9[%add3A_141, %dma_wait3A_172] : memref<10064x128xf32, #tpu.memory_space<vmem_shared>> -> memref<128x128xf32, #tpu.memory_space<vmem_shared>>
        %dma_wait3A_174 = arith.constant 0 : i32
        %dma_wait3A_175 = tpu.memref_slice %arg9[%add3A_141, %dma_wait3A_174] : memref<10064x128xf32, #tpu.memory_space<vmem_shared>> -> memref<128x128xf32, #tpu.memory_space<vmem_shared>>
        %dma_wait3A_176 = arith.constant 0 : i32
        %dma_wait3A_177 = arith.constant 0 : i32
        %dma_wait3A_178 = tpu.memref_slice %arg8[%run_scoped3A_142, %dma_wait3A_176, %dma_wait3A_177] : memref<2x128x128xf32, #tpu.memory_space<vmem>> -> memref<1x128x128xf32, #tpu.memory_space<vmem>>
        %dma_wait3A_179 = tpu.memref_squeeze %dma_wait3A_178 : memref<1x128x128xf32, #tpu.memory_space<vmem>> -> memref<128x128xf32, #tpu.memory_space<vmem>>
        tpu.wait_dma2 semaphore(%run_scoped3A_155 : memref<!tpu.dma_semaphore, #tpu.memory_space<semaphore_mem>>) src(%dma_wait3A_179 : memref<128x128xf32, #tpu.memory_space<vmem>>) dst(%dma_wait3A_175 : memref<128x128xf32, #tpu.memory_space<vmem_shared>>)
        tpu.yield
      }) : () -> ()
      %add3A_143 = arith.constant 384 : i32
      %add3A_144 = arith.addi %mul3A_2, %add3A_143 : i32
      %run_scoped3A_145 = arith.constant 0 : i32
      "tpu.region"() ({
        %run_scoped3A_155 = tpu.sem_alloc : memref<!tpu.dma_semaphore, #tpu.memory_space<semaphore_mem>>
        %dma_start3A_156 = arith.constant 0 : i32
        %dma_start3A_157 = arith.constant 0 : i32
        %dma_start3A_158 = tpu.memref_slice %arg8[%run_scoped3A_145, %dma_start3A_156, %dma_start3A_157] : memref<2x128x128xf32, #tpu.memory_space<vmem>> -> memref<1x128x128xf32, #tpu.memory_space<vmem>>
        %dma_start3A_159 = tpu.memref_squeeze %dma_start3A_158 : memref<1x128x128xf32, #tpu.memory_space<vmem>> -> memref<128x128xf32, #tpu.memory_space<vmem>>
        %dma_start3A_160 = arith.constant 0 : i32
        %dma_start3A_161 = tpu.memref_slice %arg9[%add3A_144, %dma_start3A_160] : memref<10064x128xf32, #tpu.memory_space<vmem_shared>> -> memref<128x128xf32, #tpu.memory_space<vmem_shared>>
        %dma_start3A_162 = arith.constant 0 : i32
        %dma_start3A_163 = tpu.memref_slice %arg9[%add3A_144, %dma_start3A_162] : memref<10064x128xf32, #tpu.memory_space<vmem_shared>> -> memref<128x128xf32, #tpu.memory_space<vmem_shared>>
        %dma_start3A_164 = arith.constant 0 : i32
        %dma_start3A_165 = arith.constant 0 : i32
        %dma_start3A_166 = tpu.memref_slice %arg8[%run_scoped3A_145, %dma_start3A_164, %dma_start3A_165] : memref<2x128x128xf32, #tpu.memory_space<vmem>> -> memref<1x128x128xf32, #tpu.memory_space<vmem>>
        %dma_start3A_167 = tpu.memref_squeeze %dma_start3A_166 : memref<1x128x128xf32, #tpu.memory_space<vmem>> -> memref<128x128xf32, #tpu.memory_space<vmem>>
        tpu.enqueue_dma source(%dma_start3A_167 : memref<128x128xf32, #tpu.memory_space<vmem>>) target(%dma_start3A_163 : memref<128x128xf32, #tpu.memory_space<vmem_shared>>) target_semaphore(%run_scoped3A_155 : memref<!tpu.dma_semaphore, #tpu.memory_space<semaphore_mem>>)
        %dma_wait3A_168 = arith.constant 0 : i32
        %dma_wait3A_169 = arith.constant 0 : i32
        %dma_wait3A_170 = tpu.memref_slice %arg8[%run_scoped3A_145, %dma_wait3A_168, %dma_wait3A_169] : memref<2x128x128xf32, #tpu.memory_space<vmem>> -> memref<1x128x128xf32, #tpu.memory_space<vmem>>
        %dma_wait3A_171 = tpu.memref_squeeze %dma_wait3A_170 : memref<1x128x128xf32, #tpu.memory_space<vmem>> -> memref<128x128xf32, #tpu.memory_space<vmem>>
        %dma_wait3A_172 = arith.constant 0 : i32
        %dma_wait3A_173 = tpu.memref_slice %arg9[%add3A_144, %dma_wait3A_172] : memref<10064x128xf32, #tpu.memory_space<vmem_shared>> -> memref<128x128xf32, #tpu.memory_space<vmem_shared>>
        %dma_wait3A_174 = arith.constant 0 : i32
        %dma_wait3A_175 = tpu.memref_slice %arg9[%add3A_144, %dma_wait3A_174] : memref<10064x128xf32, #tpu.memory_space<vmem_shared>> -> memref<128x128xf32, #tpu.memory_space<vmem_shared>>
        %dma_wait3A_176 = arith.constant 0 : i32
        %dma_wait3A_177 = arith.constant 0 : i32
        %dma_wait3A_178 = tpu.memref_slice %arg8[%run_scoped3A_145, %dma_wait3A_176, %dma_wait3A_177] : memref<2x128x128xf32, #tpu.memory_space<vmem>> -> memref<1x128x128xf32, #tpu.memory_space<vmem>>
        %dma_wait3A_179 = tpu.memref_squeeze %dma_wait3A_178 : memref<1x128x128xf32, #tpu.memory_space<vmem>> -> memref<128x128xf32, #tpu.memory_space<vmem>>
        tpu.wait_dma2 semaphore(%run_scoped3A_155 : memref<!tpu.dma_semaphore, #tpu.memory_space<semaphore_mem>>) src(%dma_wait3A_179 : memref<128x128xf32, #tpu.memory_space<vmem>>) dst(%dma_wait3A_175 : memref<128x128xf32, #tpu.memory_space<vmem_shared>>)
        tpu.yield
      }) : () -> ()
      %add3A_146 = arith.constant 624 : i32
      %add3A_147 = arith.addi %mul3A_2, %add3A_146 : i32
      %sub3A = arith.constant 112 : i32
      %sub3A_148 = arith.subi %add3A_147, %sub3A : i32
      %run_scoped3A_149 = arith.constant 0 : i32
      "tpu.region"() ({
        %run_scoped3A_155 = tpu.sem_alloc : memref<!tpu.dma_semaphore, #tpu.memory_space<semaphore_mem>>
        %dma_start3A_156 = arith.constant 0 : i32
        %dma_start3A_157 = arith.constant 0 : i32
        %dma_start3A_158 = tpu.memref_slice %arg8[%run_scoped3A_149, %dma_start3A_156, %dma_start3A_157] : memref<2x128x128xf32, #tpu.memory_space<vmem>> -> memref<1x112x128xf32, #tpu.memory_space<vmem>>
        %dma_start3A_159 = tpu.memref_squeeze %dma_start3A_158 : memref<1x112x128xf32, #tpu.memory_space<vmem>> -> memref<112x128xf32, #tpu.memory_space<vmem>>
        %dma_start3A_160 = arith.constant 0 : i32
        %dma_start3A_161 = tpu.memref_slice %arg9[%sub3A_148, %dma_start3A_160] : memref<10064x128xf32, #tpu.memory_space<vmem_shared>> -> memref<112x128xf32, #tpu.memory_space<vmem_shared>>
        %dma_start3A_162 = arith.constant 0 : i32
        %dma_start3A_163 = tpu.memref_slice %arg9[%sub3A_148, %dma_start3A_162] : memref<10064x128xf32, #tpu.memory_space<vmem_shared>> -> memref<112x128xf32, #tpu.memory_space<vmem_shared>>
        %dma_start3A_164 = arith.constant 0 : i32
        %dma_start3A_165 = arith.constant 0 : i32
        %dma_start3A_166 = tpu.memref_slice %arg8[%run_scoped3A_149, %dma_start3A_164, %dma_start3A_165] : memref<2x128x128xf32, #tpu.memory_space<vmem>> -> memref<1x112x128xf32, #tpu.memory_space<vmem>>
        %dma_start3A_167 = tpu.memref_squeeze %dma_start3A_166 : memref<1x112x128xf32, #tpu.memory_space<vmem>> -> memref<112x128xf32, #tpu.memory_space<vmem>>
        tpu.enqueue_dma source(%dma_start3A_167 : memref<112x128xf32, #tpu.memory_space<vmem>>) target(%dma_start3A_163 : memref<112x128xf32, #tpu.memory_space<vmem_shared>>) target_semaphore(%run_scoped3A_155 : memref<!tpu.dma_semaphore, #tpu.memory_space<semaphore_mem>>)
        %dma_wait3A_168 = arith.constant 0 : i32
        %dma_wait3A_169 = arith.constant 0 : i32
        %dma_wait3A_170 = tpu.memref_slice %arg8[%run_scoped3A_149, %dma_wait3A_168, %dma_wait3A_169] : memref<2x128x128xf32, #tpu.memory_space<vmem>> -> memref<1x112x128xf32, #tpu.memory_space<vmem>>
        %dma_wait3A_171 = tpu.memref_squeeze %dma_wait3A_170 : memref<1x112x128xf32, #tpu.memory_space<vmem>> -> memref<112x128xf32, #tpu.memory_space<vmem>>
        %dma_wait3A_172 = arith.constant 0 : i32
        %dma_wait3A_173 = tpu.memref_slice %arg9[%sub3A_148, %dma_wait3A_172] : memref<10064x128xf32, #tpu.memory_space<vmem_shared>> -> memref<112x128xf32, #tpu.memory_space<vmem_shared>>
        %dma_wait3A_174 = arith.constant 0 : i32
        %dma_wait3A_175 = tpu.memref_slice %arg9[%sub3A_148, %dma_wait3A_174] : memref<10064x128xf32, #tpu.memory_space<vmem_shared>> -> memref<112x128xf32, #tpu.memory_space<vmem_shared>>
        %dma_wait3A_176 = arith.constant 0 : i32
        %dma_wait3A_177 = arith.constant 0 : i32
        %dma_wait3A_178 = tpu.memref_slice %arg8[%run_scoped3A_149, %dma_wait3A_176, %dma_wait3A_177] : memref<2x128x128xf32, #tpu.memory_space<vmem>> -> memref<1x112x128xf32, #tpu.memory_space<vmem>>
        %dma_wait3A_179 = tpu.memref_squeeze %dma_wait3A_178 : memref<1x112x128xf32, #tpu.memory_space<vmem>> -> memref<112x128xf32, #tpu.memory_space<vmem>>
        tpu.wait_dma2 semaphore(%run_scoped3A_155 : memref<!tpu.dma_semaphore, #tpu.memory_space<semaphore_mem>>) src(%dma_wait3A_179 : memref<112x128xf32, #tpu.memory_space<vmem>>) dst(%dma_wait3A_175 : memref<112x128xf32, #tpu.memory_space<vmem_shared>>)
        tpu.yield
      }) : () -> ()
      %eq3A_150 = arith.constant 15 : i32
      %eq3A_151 = arith.cmpi eq, %arg1, %eq3A_150 : i32
      %convert_element_type3A_152 = arith.extui %eq3A_151 : i1 to i32
      %cond3A_153 = arith.constant 0 : i32
      %cond3A_154 = arith.cmpi ne, %convert_element_type3A_152, %cond3A_153 : i32
      scf.if %cond3A_154 {
        %run_scoped3A_155 = arith.constant 0 : i32
        "tpu.region"() ({
          %run_scoped3A_156 = tpu.sem_alloc : memref<!tpu.dma_semaphore, #tpu.memory_space<semaphore_mem>>
          %dma_start3A_157 = arith.constant 0 : i32
          %dma_start3A_158 = arith.constant 0 : i32
          %dma_start3A_159 = tpu.memref_slice %arg8[%run_scoped3A_155, %dma_start3A_157, %dma_start3A_158] : memref<2x128x128xf32, #tpu.memory_space<vmem>> -> memref<1x16x128xf32, #tpu.memory_space<vmem>>
          %dma_start3A_160 = tpu.memref_squeeze %dma_start3A_159 : memref<1x16x128xf32, #tpu.memory_space<vmem>> -> memref<16x128xf32, #tpu.memory_space<vmem>>
          %dma_start3A_161 = arith.constant 9984 : i32
          %dma_start3A_162 = arith.constant 0 : i32
          %dma_start3A_163 = tpu.memref_slice %arg9[%dma_start3A_161, %dma_start3A_162] : memref<10064x128xf32, #tpu.memory_space<vmem_shared>> -> memref<16x128xf32, #tpu.memory_space<vmem_shared>>
          %dma_start3A_164 = arith.constant 9984 : i32
          %dma_start3A_165 = arith.constant 0 : i32
          %dma_start3A_166 = tpu.memref_slice %arg9[%dma_start3A_164, %dma_start3A_165] : memref<10064x128xf32, #tpu.memory_space<vmem_shared>> -> memref<16x128xf32, #tpu.memory_space<vmem_shared>>
          %dma_start3A_167 = arith.constant 0 : i32
          %dma_start3A_168 = arith.constant 0 : i32
          %dma_start3A_169 = tpu.memref_slice %arg8[%run_scoped3A_155, %dma_start3A_167, %dma_start3A_168] : memref<2x128x128xf32, #tpu.memory_space<vmem>> -> memref<1x16x128xf32, #tpu.memory_space<vmem>>
          %dma_start3A_170 = tpu.memref_squeeze %dma_start3A_169 : memref<1x16x128xf32, #tpu.memory_space<vmem>> -> memref<16x128xf32, #tpu.memory_space<vmem>>
          tpu.enqueue_dma source(%dma_start3A_170 : memref<16x128xf32, #tpu.memory_space<vmem>>) target(%dma_start3A_166 : memref<16x128xf32, #tpu.memory_space<vmem_shared>>) target_semaphore(%run_scoped3A_156 : memref<!tpu.dma_semaphore, #tpu.memory_space<semaphore_mem>>)
          %dma_wait3A_171 = arith.constant 0 : i32
          %dma_wait3A_172 = arith.constant 0 : i32
          %dma_wait3A_173 = tpu.memref_slice %arg8[%run_scoped3A_155, %dma_wait3A_171, %dma_wait3A_172] : memref<2x128x128xf32, #tpu.memory_space<vmem>> -> memref<1x16x128xf32, #tpu.memory_space<vmem>>
          %dma_wait3A_174 = tpu.memref_squeeze %dma_wait3A_173 : memref<1x16x128xf32, #tpu.memory_space<vmem>> -> memref<16x128xf32, #tpu.memory_space<vmem>>
          %dma_wait3A_175 = arith.constant 9984 : i32
          %dma_wait3A_176 = arith.constant 0 : i32
          %dma_wait3A_177 = tpu.memref_slice %arg9[%dma_wait3A_175, %dma_wait3A_176] : memref<10064x128xf32, #tpu.memory_space<vmem_shared>> -> memref<16x128xf32, #tpu.memory_space<vmem_shared>>
          %dma_wait3A_178 = arith.constant 9984 : i32
          %dma_wait3A_179 = arith.constant 0 : i32
          %dma_wait3A_180 = tpu.memref_slice %arg9[%dma_wait3A_178, %dma_wait3A_179] : memref<10064x128xf32, #tpu.memory_space<vmem_shared>> -> memref<16x128xf32, #tpu.memory_space<vmem_shared>>
          %dma_wait3A_181 = arith.constant 0 : i32
          %dma_wait3A_182 = arith.constant 0 : i32
          %dma_wait3A_183 = tpu.memref_slice %arg8[%run_scoped3A_155, %dma_wait3A_181, %dma_wait3A_182] : memref<2x128x128xf32, #tpu.memory_space<vmem>> -> memref<1x16x128xf32, #tpu.memory_space<vmem>>
          %dma_wait3A_184 = tpu.memref_squeeze %dma_wait3A_183 : memref<1x16x128xf32, #tpu.memory_space<vmem>> -> memref<16x128xf32, #tpu.memory_space<vmem>>
          tpu.wait_dma2 semaphore(%run_scoped3A_156 : memref<!tpu.dma_semaphore, #tpu.memory_space<semaphore_mem>>) src(%dma_wait3A_184 : memref<16x128xf32, #tpu.memory_space<vmem>>) dst(%dma_wait3A_180 : memref<16x128xf32, #tpu.memory_space<vmem_shared>>)
          tpu.yield
        }) : () -> ()
      } else {
      }
    } else {
    }
    %barrier3A = arith.constant 0 : index
    tpu.barrier barrier_id(%barrier3A)
    %dma_wait3A = arith.constant 0 : i32
    %dma_wait3A_66 = arith.constant 0 : i32
    %dma_wait3A_67 = arith.constant 0 : i32
    %dma_wait3A_68 = tpu.memref_slice %arg6[%dma_wait3A, %dma_wait3A_66, %dma_wait3A_67] : memref<2x8x128xi32, #tpu.memory_space<vmem>> -> memref<1x8x128xi32, #tpu.memory_space<vmem>>
    %dma_wait3A_69 = tpu.memref_squeeze %dma_wait3A_68 : memref<1x8x128xi32, #tpu.memory_space<vmem>> -> memref<8x128xi32, #tpu.memory_space<vmem>>
    %dma_wait3A_70 = arith.constant 0 : i32
    %dma_wait3A_71 = tpu.memref_slice %arg3[%mul3A_4, %dma_wait3A_70] : memref<2560x128xi32, #tpu.memory_space<hbm>> -> memref<8x128xi32, #tpu.memory_space<hbm>>
    %dma_wait3A_72 = arith.constant 0 : i32
    %dma_wait3A_73 = arith.constant 0 : i32
    %dma_wait3A_74 = tpu.memref_slice %arg6[%dma_wait3A, %dma_wait3A_72, %dma_wait3A_73] : memref<2x8x128xi32, #tpu.memory_space<vmem>> -> memref<1x8x128xi32, #tpu.memory_space<vmem>>
    %dma_wait3A_75 = tpu.memref_squeeze %dma_wait3A_74 : memref<1x8x128xi32, #tpu.memory_space<vmem>> -> memref<8x128xi32, #tpu.memory_space<vmem>>
    %dma_wait3A_76 = arith.constant 0 : i32
    %dma_wait3A_77 = tpu.memref_slice %arg3[%mul3A_4, %dma_wait3A_76] : memref<2560x128xi32, #tpu.memory_space<hbm>> -> memref<8x128xi32, #tpu.memory_space<hbm>>
    tpu.wait_dma2 semaphore(%arg13 : memref<!tpu.dma_semaphore, #tpu.memory_space<semaphore_mem>>) src(%dma_wait3A_77 : memref<8x128xi32, #tpu.memory_space<hbm>>) dst(%dma_wait3A_75 : memref<8x128xi32, #tpu.memory_space<vmem>>)
    %dma_wait3A_78 = arith.constant 0 : i32
    %dma_wait3A_79 = arith.constant 0 : i32
    %dma_wait3A_80 = arith.constant 0 : i32
    %dma_wait3A_81 = tpu.memref_slice %arg7[%dma_wait3A_78, %dma_wait3A_79, %dma_wait3A_80] : memref<2x8x128xi32, #tpu.memory_space<vmem>> -> memref<1x8x128xi32, #tpu.memory_space<vmem>>
    %dma_wait3A_82 = tpu.memref_squeeze %dma_wait3A_81 : memref<1x8x128xi32, #tpu.memory_space<vmem>> -> memref<8x128xi32, #tpu.memory_space<vmem>>
    %dma_wait3A_83 = arith.constant 0 : i32
    %dma_wait3A_84 = tpu.memref_slice %arg4[%mul3A_4, %dma_wait3A_83] : memref<2560x128xi32, #tpu.memory_space<hbm>> -> memref<8x128xi32, #tpu.memory_space<hbm>>
    %dma_wait3A_85 = arith.constant 0 : i32
    %dma_wait3A_86 = arith.constant 0 : i32
    %dma_wait3A_87 = tpu.memref_slice %arg7[%dma_wait3A_78, %dma_wait3A_85, %dma_wait3A_86] : memref<2x8x128xi32, #tpu.memory_space<vmem>> -> memref<1x8x128xi32, #tpu.memory_space<vmem>>
    %dma_wait3A_88 = tpu.memref_squeeze %dma_wait3A_87 : memref<1x8x128xi32, #tpu.memory_space<vmem>> -> memref<8x128xi32, #tpu.memory_space<vmem>>
    %dma_wait3A_89 = arith.constant 0 : i32
    %dma_wait3A_90 = tpu.memref_slice %arg4[%mul3A_4, %dma_wait3A_89] : memref<2560x128xi32, #tpu.memory_space<hbm>> -> memref<8x128xi32, #tpu.memory_space<hbm>>
    tpu.wait_dma2 semaphore(%arg13 : memref<!tpu.dma_semaphore, #tpu.memory_space<semaphore_mem>>) src(%dma_wait3A_90 : memref<8x128xi32, #tpu.memory_space<hbm>>) dst(%dma_wait3A_88 : memref<8x128xi32, #tpu.memory_space<vmem>>)
    %dma_start3A_91 = arith.constant 0 : i32
    %dma_start3A_92 = arith.constant 0 : i32
    %dma_start3A_93 = arith.constant 0 : i32
    %dma_start3A_94 = arith.constant 0 : i32
    %dma_start3A_95 = arith.constant 0 : i32
    %dma_start3A_96 = tpu.memref_slice %arg8[%dma_start3A_93, %dma_start3A_94, %dma_start3A_95] : memref<2x128x128xf32, #tpu.memory_space<vmem>> -> memref<1x128x128xf32, #tpu.memory_space<vmem>>
    %dma_start3A_97 = tpu.memref_squeeze %dma_start3A_96 : memref<1x128x128xf32, #tpu.memory_space<vmem>> -> memref<128x128xf32, #tpu.memory_space<vmem>>
    %dma_start3A_98 = arith.constant 0 : i32
    %dma_start3A_99 = tpu.memref_slice %arg6[%dma_start3A_91, %dma_start3A_92, %dma_start3A_98] : memref<2x8x128xi32, #tpu.memory_space<vmem>> -> memref<1x1x128xi32, #tpu.memory_space<vmem>>
    %dma_start3A_100 = tpu.memref_squeeze %dma_start3A_99 : memref<1x1x128xi32, #tpu.memory_space<vmem>> -> memref<128xi32, #tpu.memory_space<vmem>>
    %dma_start3A_101 = arith.constant 0 : i32
    %dma_start3A_102 = arith.constant 0 : i32
    %dma_start3A_103 = tpu.memref_slice %arg2[%dma_start3A_101, %dma_start3A_102] : memref<10000x128xf32, #tpu.memory_space<hbm>> -> memref<10000x128xf32, #tpu.memory_space<hbm>>
    tpu.enqueue_indirect_dma source(%dma_start3A_103 : memref<10000x128xf32, #tpu.memory_space<hbm>>) target(%dma_start3A_97 : memref<128x128xf32, #tpu.memory_space<vmem>>) offsets(%dma_start3A_100 : memref<128xi32, #tpu.memory_space<vmem>>) semaphore(%arg10 : memref<!tpu.dma_semaphore, #tpu.memory_space<semaphore_mem>>)
    %scan3A = arith.constant 0 : i32
    %scan3A_104 = arith.constant 0 : i32
    %scan3A_105 = arith.constant 10 : i32
    %scan3A_106 = arith.addi %scan3A_104, %scan3A_105 : i32
    %scan3A_107 = arith.constant 1 : i32
    scf.for %scan3A_128 = %scan3A_104 to %scan3A_106 step %scan3A_107  : i32 {
      %jit3A = arith.constant 2 : i32
      %eq3A_129 = arith.constant 0 : i32
      %eq3A_130 = arith.cmpi eq, %jit3A, %eq3A_129 : i32
      %jit3A_131 = arith.constant 1 : i32
      %select_n3A = arith.select %eq3A_130, %jit3A_131, %jit3A : i32
      %rem3A = arith.remsi %scan3A_128, %select_n3A : i32
      %ne3A_132 = arith.constant 0 : i32
      %ne3A_133 = arith.cmpi ne, %rem3A, %ne3A_132 : i32
      %lt3A = arith.constant 0 : i32
      %lt3A_134 = arith.cmpi slt, %rem3A, %lt3A : i32
      %lt3A_135 = arith.constant 0 : i32
      %lt3A_136 = arith.cmpi slt, %select_n3A, %lt3A_135 : i32
      %ne3A_137 = arith.xori %lt3A_134, %lt3A_136 : i1
      %and3A = arith.andi %ne3A_137, %ne3A_133 : i1
      %add3A_138 = arith.addi %rem3A, %select_n3A : i32
      %select_n3A_139 = arith.select %and3A, %add3A_138, %rem3A : i32
      %dma_wait3A_140 = arith.constant 0 : i32
      %dma_wait3A_141 = arith.constant 0 : i32
      %dma_wait3A_142 = arith.constant 0 : i32
      %dma_wait3A_143 = arith.constant 0 : i32
      %dma_wait3A_144 = arith.constant 0 : i32
      %dma_wait3A_145 = tpu.memref_slice %arg8[%dma_wait3A_142, %dma_wait3A_143, %dma_wait3A_144] : memref<2x128x128xf32, #tpu.memory_space<vmem>> -> memref<1x128x128xf32, #tpu.memory_space<vmem>>
      %dma_wait3A_146 = tpu.memref_squeeze %dma_wait3A_145 : memref<1x128x128xf32, #tpu.memory_space<vmem>> -> memref<128x128xf32, #tpu.memory_space<vmem>>
      %dma_wait3A_147 = arith.constant 0 : i32
      %dma_wait3A_148 = tpu.memref_slice %arg6[%dma_wait3A_140, %dma_wait3A_141, %dma_wait3A_147] : memref<2x8x128xi32, #tpu.memory_space<vmem>> -> memref<1x1x128xi32, #tpu.memory_space<vmem>>
      %dma_wait3A_149 = tpu.memref_squeeze %dma_wait3A_148 : memref<1x1x128xi32, #tpu.memory_space<vmem>> -> memref<128xi32, #tpu.memory_space<vmem>>
      %dma_wait3A_150 = arith.constant 0 : i32
      %dma_wait3A_151 = arith.constant 0 : i32
      %dma_wait3A_152 = tpu.memref_slice %arg2[%dma_wait3A_150, %dma_wait3A_151] : memref<10000x128xf32, #tpu.memory_space<hbm>> -> memref<10000x128xf32, #tpu.memory_space<hbm>>
      tpu.wait_indirect_dma semaphore(%arg10 : memref<!tpu.dma_semaphore, #tpu.memory_space<semaphore_mem>>) src(%dma_wait3A_152 : memref<10000x128xf32, #tpu.memory_space<hbm>>) dst(%dma_wait3A_146 : memref<128x128xf32, #tpu.memory_space<vmem>>)
      %dma_start3A_153 = arith.constant 0 : i32
      %dma_start3A_154 = arith.constant 0 : i32
      %dma_start3A_155 = arith.constant 0 : i32
      %dma_start3A_156 = arith.constant 0 : i32
      %dma_start3A_157 = tpu.memref_slice %arg8[%dma_start3A_153, %dma_start3A_155, %dma_start3A_156] : memref<2x128x128xf32, #tpu.memory_space<vmem>> -> memref<1x128x128xf32, #tpu.memory_space<vmem>>
      %dma_start3A_158 = tpu.memref_squeeze %dma_start3A_157 : memref<1x128x128xf32, #tpu.memory_space<vmem>> -> memref<128x128xf32, #tpu.memory_space<vmem>>
      %dma_start3A_159 = arith.constant 0 : i32
      %dma_start3A_160 = tpu.memref_slice %arg7[%select_n3A_139, %dma_start3A_154, %dma_start3A_159] : memref<2x8x128xi32, #tpu.memory_space<vmem>> -> memref<1x1x128xi32, #tpu.memory_space<vmem>>
      %dma_start3A_161 = tpu.memref_squeeze %dma_start3A_160 : memref<1x1x128xi32, #tpu.memory_space<vmem>> -> memref<128xi32, #tpu.memory_space<vmem>>
      %dma_start3A_162 = arith.constant 0 : i32
      %dma_start3A_163 = arith.constant 0 : i32
      %dma_start3A_164 = tpu.memref_slice %arg9[%dma_start3A_162, %dma_start3A_163] : memref<10064x128xf32, #tpu.memory_space<vmem_shared>> -> memref<10064x128xf32, #tpu.memory_space<vmem_shared>>
      tpu.enqueue_indirect_dma source(%dma_start3A_158 : memref<128x128xf32, #tpu.memory_space<vmem>>) target(%dma_start3A_164 : memref<10064x128xf32, #tpu.memory_space<vmem_shared>>) offsets(%dma_start3A_161 : memref<128xi32, #tpu.memory_space<vmem>>) semaphore(%arg11 : memref<!tpu.dma_semaphore, #tpu.memory_space<semaphore_mem>>) {add = true}
      %ge3A = arith.constant 1 : i32
      %ge3A_165 = arith.cmpi sge, %scan3A_128, %ge3A : i32
      %convert_element_type3A_166 = arith.extui %ge3A_165 : i1 to i32
      %cond3A_167 = arith.constant 0 : i32
      %cond3A_168 = arith.cmpi ne, %convert_element_type3A_166, %cond3A_167 : i32
      scf.if %cond3A_168 {
        %dma_wait3A_526 = arith.constant 1 : i32
        %dma_wait3A_527 = arith.constant 0 : i32
        %dma_wait3A_528 = arith.constant 0 : i32
        %dma_wait3A_529 = arith.constant 0 : i32
        %dma_wait3A_530 = arith.constant 0 : i32
        %dma_wait3A_531 = tpu.memref_slice %arg8[%dma_wait3A_526, %dma_wait3A_529, %dma_wait3A_530] : memref<2x128x128xf32, #tpu.memory_space<vmem>> -> memref<1x128x128xf32, #tpu.memory_space<vmem>>
        %dma_wait3A_532 = tpu.memref_squeeze %dma_wait3A_531 : memref<1x128x128xf32, #tpu.memory_space<vmem>> -> memref<128x128xf32, #tpu.memory_space<vmem>>
        %dma_wait3A_533 = arith.constant 0 : i32
        %dma_wait3A_534 = tpu.memref_slice %arg7[%dma_wait3A_527, %dma_wait3A_528, %dma_wait3A_533] : memref<2x8x128xi32, #tpu.memory_space<vmem>> -> memref<1x1x128xi32, #tpu.memory_space<vmem>>
        %dma_wait3A_535 = tpu.memref_squeeze %dma_wait3A_534 : memref<1x1x128xi32, #tpu.memory_space<vmem>> -> memref<128xi32, #tpu.memory_space<vmem>>
        %dma_wait3A_536 = arith.constant 0 : i32
        %dma_wait3A_537 = arith.constant 0 : i32
        %dma_wait3A_538 = tpu.memref_slice %arg9[%dma_wait3A_536, %dma_wait3A_537] : memref<10064x128xf32, #tpu.memory_space<vmem_shared>> -> memref<10064x128xf32, #tpu.memory_space<vmem_shared>>
        tpu.wait_indirect_dma semaphore(%arg12 : memref<!tpu.dma_semaphore, #tpu.memory_space<semaphore_mem>>) src(%dma_wait3A_532 : memref<128x128xf32, #tpu.memory_space<vmem>>) dst(%dma_wait3A_538 : memref<10064x128xf32, #tpu.memory_space<vmem_shared>>)
      } else {
      }
      %dma_start3A_169 = arith.constant 1 : i32
      %dma_start3A_170 = arith.constant 1 : i32
      %dma_start3A_171 = arith.constant 0 : i32
      %dma_start3A_172 = arith.constant 0 : i32
      %dma_start3A_173 = tpu.memref_slice %arg8[%dma_start3A_170, %dma_start3A_171, %dma_start3A_172] : memref<2x128x128xf32, #tpu.memory_space<vmem>> -> memref<1x128x128xf32, #tpu.memory_space<vmem>>
      %dma_start3A_174 = tpu.memref_squeeze %dma_start3A_173 : memref<1x128x128xf32, #tpu.memory_space<vmem>> -> memref<128x128xf32, #tpu.memory_space<vmem>>
      %dma_start3A_175 = arith.constant 0 : i32
      %dma_start3A_176 = tpu.memref_slice %arg6[%select_n3A_139, %dma_start3A_169, %dma_start3A_175] : memref<2x8x128xi32, #tpu.memory_space<vmem>> -> memref<1x1x128xi32, #tpu.memory_space<vmem>>
      %dma_start3A_177 = tpu.memref_squeeze %dma_start3A_176 : memref<1x1x128xi32, #tpu.memory_space<vmem>> -> memref<128xi32, #tpu.memory_space<vmem>>
      %dma_start3A_178 = arith.constant 0 : i32
      %dma_start3A_179 = arith.constant 0 : i32
      %dma_start3A_180 = tpu.memref_slice %arg2[%dma_start3A_178, %dma_start3A_179] : memref<10000x128xf32, #tpu.memory_space<hbm>> -> memref<10000x128xf32, #tpu.memory_space<hbm>>
      tpu.enqueue_indirect_dma source(%dma_start3A_180 : memref<10000x128xf32, #tpu.memory_space<hbm>>) target(%dma_start3A_174 : memref<128x128xf32, #tpu.memory_space<vmem>>) offsets(%dma_start3A_177 : memref<128xi32, #tpu.memory_space<vmem>>) semaphore(%arg10 : memref<!tpu.dma_semaphore, #tpu.memory_space<semaphore_mem>>)
      %dma_wait3A_181 = arith.constant 0 : i32
      %dma_wait3A_182 = arith.constant 0 : i32
      %dma_wait3A_183 = arith.constant 1 : i32
      %dma_wait3A_184 = arith.constant 0 : i32
      %dma_wait3A_185 = arith.constant 0 : i32
      %dma_wait3A_186 = tpu.memref_slice %arg8[%dma_wait3A_183, %dma_wait3A_184, %dma_wait3A_185] : memref<2x128x128xf32, #tpu.memory_space<vmem>> -> memref<1x128x128xf32, #tpu.memory_space<vmem>>
      %dma_wait3A_187 = tpu.memref_squeeze %dma_wait3A_186 : memref<1x128x128xf32, #tpu.memory_space<vmem>> -> memref<128x128xf32, #tpu.memory_space<vmem>>
      %dma_wait3A_188 = arith.constant 0 : i32
      %dma_wait3A_189 = tpu.memref_slice %arg6[%dma_wait3A_181, %dma_wait3A_182, %dma_wait3A_188] : memref<2x8x128xi32, #tpu.memory_space<vmem>> -> memref<1x1x128xi32, #tpu.memory_space<vmem>>
      %dma_wait3A_190 = tpu.memref_squeeze %dma_wait3A_189 : memref<1x1x128xi32, #tpu.memory_space<vmem>> -> memref<128xi32, #tpu.memory_space<vmem>>
      %dma_wait3A_191 = arith.constant 0 : i32
      %dma_wait3A_192 = arith.constant 0 : i32
      %dma_wait3A_193 = tpu.memref_slice %arg2[%dma_wait3A_191, %dma_wait3A_192] : memref<10000x128xf32, #tpu.memory_space<hbm>> -> memref<10000x128xf32, #tpu.memory_space<hbm>>
      tpu.wait_indirect_dma semaphore(%arg10 : memref<!tpu.dma_semaphore, #tpu.memory_space<semaphore_mem>>) src(%dma_wait3A_193 : memref<10000x128xf32, #tpu.memory_space<hbm>>) dst(%dma_wait3A_187 : memref<128x128xf32, #tpu.memory_space<vmem>>)
      %dma_start3A_194 = arith.constant 1 : i32
      %dma_start3A_195 = arith.constant 1 : i32
      %dma_start3A_196 = arith.constant 0 : i32
      %dma_start3A_197 = arith.constant 0 : i32
      %dma_start3A_198 = tpu.memref_slice %arg8[%dma_start3A_194, %dma_start3A_196, %dma_start3A_197] : memref<2x128x128xf32, #tpu.memory_space<vmem>> -> memref<1x128x128xf32, #tpu.memory_space<vmem>>
      %dma_start3A_199 = tpu.memref_squeeze %dma_start3A_198 : memref<1x128x128xf32, #tpu.memory_space<vmem>> -> memref<128x128xf32, #tpu.memory_space<vmem>>
      %dma_start3A_200 = arith.constant 0 : i32
      %dma_start3A_201 = tpu.memref_slice %arg7[%select_n3A_139, %dma_start3A_195, %dma_start3A_200] : memref<2x8x128xi32, #tpu.memory_space<vmem>> -> memref<1x1x128xi32, #tpu.memory_space<vmem>>
      %dma_start3A_202 = tpu.memref_squeeze %dma_start3A_201 : memref<1x1x128xi32, #tpu.memory_space<vmem>> -> memref<128xi32, #tpu.memory_space<vmem>>
      %dma_start3A_203 = arith.constant 0 : i32
      %dma_start3A_204 = arith.constant 0 : i32
      %dma_start3A_205 = tpu.memref_slice %arg9[%dma_start3A_203, %dma_start3A_204] : memref<10064x128xf32, #tpu.memory_space<vmem_shared>> -> memref<10064x128xf32, #tpu.memory_space<vmem_shared>>
      tpu.enqueue_indirect_dma source(%dma_start3A_199 : memref<128x128xf32, #tpu.memory_space<vmem>>) target(%dma_start3A_205 : memref<10064x128xf32, #tpu.memory_space<vmem_shared>>) offsets(%dma_start3A_202 : memref<128xi32, #tpu.memory_space<vmem>>) semaphore(%arg12 : memref<!tpu.dma_semaphore, #tpu.memory_space<semaphore_mem>>) {add = true}
      %dma_wait3A_206 = arith.constant 0 : i32
      %dma_wait3A_207 = arith.constant 0 : i32
      %dma_wait3A_208 = arith.constant 0 : i32
      %dma_wait3A_209 = arith.constant 0 : i32
      %dma_wait3A_210 = arith.constant 0 : i32
      %dma_wait3A_211 = tpu.memref_slice %arg8[%dma_wait3A_206, %dma_wait3A_209, %dma_wait3A_210] : memref<2x128x128xf32, #tpu.memory_space<vmem>> -> memref<1x128x128xf32, #tpu.memory_space<vmem>>
      %dma_wait3A_212 = tpu.memref_squeeze %dma_wait3A_211 : memref<1x128x128xf32, #tpu.memory_space<vmem>> -> memref<128x128xf32, #tpu.memory_space<vmem>>
      %dma_wait3A_213 = arith.constant 0 : i32
      %dma_wait3A_214 = tpu.memref_slice %arg7[%dma_wait3A_207, %dma_wait3A_208, %dma_wait3A_213] : memref<2x8x128xi32, #tpu.memory_space<vmem>> -> memref<1x1x128xi32, #tpu.memory_space<vmem>>
      %dma_wait3A_215 = tpu.memref_squeeze %dma_wait3A_214 : memref<1x1x128xi32, #tpu.memory_space<vmem>> -> memref<128xi32, #tpu.memory_space<vmem>>
      %dma_wait3A_216 = arith.constant 0 : i32
      %dma_wait3A_217 = arith.constant 0 : i32
      %dma_wait3A_218 = tpu.memref_slice %arg9[%dma_wait3A_216, %dma_wait3A_217] : memref<10064x128xf32, #tpu.memory_space<vmem_shared>> -> memref<10064x128xf32, #tpu.memory_space<vmem_shared>>
      tpu.wait_indirect_dma semaphore(%arg11 : memref<!tpu.dma_semaphore, #tpu.memory_space<semaphore_mem>>) src(%dma_wait3A_212 : memref<128x128xf32, #tpu.memory_space<vmem>>) dst(%dma_wait3A_218 : memref<10064x128xf32, #tpu.memory_space<vmem_shared>>)
      %dma_start3A_219 = arith.constant 2 : i32
      %dma_start3A_220 = arith.constant 0 : i32
      %dma_start3A_221 = arith.constant 0 : i32
      %dma_start3A_222 = arith.constant 0 : i32
      %dma_start3A_223 = tpu.memref_slice %arg8[%dma_start3A_220, %dma_start3A_221, %dma_start3A_222] : memref<2x128x128xf32, #tpu.memory_space<vmem>> -> memref<1x128x128xf32, #tpu.memory_space<vmem>>
      %dma_start3A_224 = tpu.memref_squeeze %dma_start3A_223 : memref<1x128x128xf32, #tpu.memory_space<vmem>> -> memref<128x128xf32, #tpu.memory_space<vmem>>
      %dma_start3A_225 = arith.constant 0 : i32
      %dma_start3A_226 = tpu.memref_slice %arg6[%select_n3A_139, %dma_start3A_219, %dma_start3A_225] : memref<2x8x128xi32, #tpu.memory_space<vmem>> -> memref<1x1x128xi32, #tpu.memory_space<vmem>>
      %dma_start3A_227 = tpu.memref_squeeze %dma_start3A_226 : memref<1x1x128xi32, #tpu.memory_space<vmem>> -> memref<128xi32, #tpu.memory_space<vmem>>
      %dma_start3A_228 = arith.constant 0 : i32
      %dma_start3A_229 = arith.constant 0 : i32
      %dma_start3A_230 = tpu.memref_slice %arg2[%dma_start3A_228, %dma_start3A_229] : memref<10000x128xf32, #tpu.memory_space<hbm>> -> memref<10000x128xf32, #tpu.memory_space<hbm>>
      tpu.enqueue_indirect_dma source(%dma_start3A_230 : memref<10000x128xf32, #tpu.memory_space<hbm>>) target(%dma_start3A_224 : memref<128x128xf32, #tpu.memory_space<vmem>>) offsets(%dma_start3A_227 : memref<128xi32, #tpu.memory_space<vmem>>) semaphore(%arg10 : memref<!tpu.dma_semaphore, #tpu.memory_space<semaphore_mem>>)
      %dma_wait3A_231 = arith.constant 0 : i32
      %dma_wait3A_232 = arith.constant 0 : i32
      %dma_wait3A_233 = arith.constant 0 : i32
      %dma_wait3A_234 = arith.constant 0 : i32
      %dma_wait3A_235 = arith.constant 0 : i32
      %dma_wait3A_236 = tpu.memref_slice %arg8[%dma_wait3A_233, %dma_wait3A_234, %dma_wait3A_235] : memref<2x128x128xf32, #tpu.memory_space<vmem>> -> memref<1x128x128xf32, #tpu.memory_space<vmem>>
      %dma_wait3A_237 = tpu.memref_squeeze %dma_wait3A_236 : memref<1x128x128xf32, #tpu.memory_space<vmem>> -> memref<128x128xf32, #tpu.memory_space<vmem>>
      %dma_wait3A_238 = arith.constant 0 : i32
      %dma_wait3A_239 = tpu.memref_slice %arg6[%dma_wait3A_231, %dma_wait3A_232, %dma_wait3A_238] : memref<2x8x128xi32, #tpu.memory_space<vmem>> -> memref<1x1x128xi32, #tpu.memory_space<vmem>>
      %dma_wait3A_240 = tpu.memref_squeeze %dma_wait3A_239 : memref<1x1x128xi32, #tpu.memory_space<vmem>> -> memref<128xi32, #tpu.memory_space<vmem>>
      %dma_wait3A_241 = arith.constant 0 : i32
      %dma_wait3A_242 = arith.constant 0 : i32
      %dma_wait3A_243 = tpu.memref_slice %arg2[%dma_wait3A_241, %dma_wait3A_242] : memref<10000x128xf32, #tpu.memory_space<hbm>> -> memref<10000x128xf32, #tpu.memory_space<hbm>>
      tpu.wait_indirect_dma semaphore(%arg10 : memref<!tpu.dma_semaphore, #tpu.memory_space<semaphore_mem>>) src(%dma_wait3A_243 : memref<10000x128xf32, #tpu.memory_space<hbm>>) dst(%dma_wait3A_237 : memref<128x128xf32, #tpu.memory_space<vmem>>)
      %dma_start3A_244 = arith.constant 0 : i32
      %dma_start3A_245 = arith.constant 2 : i32
      %dma_start3A_246 = arith.constant 0 : i32
      %dma_start3A_247 = arith.constant 0 : i32
      %dma_start3A_248 = tpu.memref_slice %arg8[%dma_start3A_244, %dma_start3A_246, %dma_start3A_247] : memref<2x128x128xf32, #tpu.memory_space<vmem>> -> memref<1x128x128xf32, #tpu.memory_space<vmem>>
      %dma_start3A_249 = tpu.memref_squeeze %dma_start3A_248 : memref<1x128x128xf32, #tpu.memory_space<vmem>> -> memref<128x128xf32, #tpu.memory_space<vmem>>
      %dma_start3A_250 = arith.constant 0 : i32
      %dma_start3A_251 = tpu.memref_slice %arg7[%select_n3A_139, %dma_start3A_245, %dma_start3A_250] : memref<2x8x128xi32, #tpu.memory_space<vmem>> -> memref<1x1x128xi32, #tpu.memory_space<vmem>>
      %dma_start3A_252 = tpu.memref_squeeze %dma_start3A_251 : memref<1x1x128xi32, #tpu.memory_space<vmem>> -> memref<128xi32, #tpu.memory_space<vmem>>
      %dma_start3A_253 = arith.constant 0 : i32
      %dma_start3A_254 = arith.constant 0 : i32
      %dma_start3A_255 = tpu.memref_slice %arg9[%dma_start3A_253, %dma_start3A_254] : memref<10064x128xf32, #tpu.memory_space<vmem_shared>> -> memref<10064x128xf32, #tpu.memory_space<vmem_shared>>
      tpu.enqueue_indirect_dma source(%dma_start3A_249 : memref<128x128xf32, #tpu.memory_space<vmem>>) target(%dma_start3A_255 : memref<10064x128xf32, #tpu.memory_space<vmem_shared>>) offsets(%dma_start3A_252 : memref<128xi32, #tpu.memory_space<vmem>>) semaphore(%arg11 : memref<!tpu.dma_semaphore, #tpu.memory_space<semaphore_mem>>) {add = true}
      %dma_wait3A_256 = arith.constant 1 : i32
      %dma_wait3A_257 = arith.constant 0 : i32
      %dma_wait3A_258 = arith.constant 0 : i32
      %dma_wait3A_259 = arith.constant 0 : i32
      %dma_wait3A_260 = arith.constant 0 : i32
      %dma_wait3A_261 = tpu.memref_slice %arg8[%dma_wait3A_256, %dma_wait3A_259, %dma_wait3A_260] : memref<2x128x128xf32, #tpu.memory_space<vmem>> -> memref<1x128x128xf32, #tpu.memory_space<vmem>>
      %dma_wait3A_262 = tpu.memref_squeeze %dma_wait3A_261 : memref<1x128x128xf32, #tpu.memory_space<vmem>> -> memref<128x128xf32, #tpu.memory_space<vmem>>
      %dma_wait3A_263 = arith.constant 0 : i32
      %dma_wait3A_264 = tpu.memref_slice %arg7[%dma_wait3A_257, %dma_wait3A_258, %dma_wait3A_263] : memref<2x8x128xi32, #tpu.memory_space<vmem>> -> memref<1x1x128xi32, #tpu.memory_space<vmem>>
      %dma_wait3A_265 = tpu.memref_squeeze %dma_wait3A_264 : memref<1x1x128xi32, #tpu.memory_space<vmem>> -> memref<128xi32, #tpu.memory_space<vmem>>
      %dma_wait3A_266 = arith.constant 0 : i32
      %dma_wait3A_267 = arith.constant 0 : i32
      %dma_wait3A_268 = tpu.memref_slice %arg9[%dma_wait3A_266, %dma_wait3A_267] : memref<10064x128xf32, #tpu.memory_space<vmem_shared>> -> memref<10064x128xf32, #tpu.memory_space<vmem_shared>>
      tpu.wait_indirect_dma semaphore(%arg12 : memref<!tpu.dma_semaphore, #tpu.memory_space<semaphore_mem>>) src(%dma_wait3A_262 : memref<128x128xf32, #tpu.memory_space<vmem>>) dst(%dma_wait3A_268 : memref<10064x128xf32, #tpu.memory_space<vmem_shared>>)
      %dma_start3A_269 = arith.constant 3 : i32
      %dma_start3A_270 = arith.constant 1 : i32
      %dma_start3A_271 = arith.constant 0 : i32
      %dma_start3A_272 = arith.constant 0 : i32
      %dma_start3A_273 = tpu.memref_slice %arg8[%dma_start3A_270, %dma_start3A_271, %dma_start3A_272] : memref<2x128x128xf32, #tpu.memory_space<vmem>> -> memref<1x128x128xf32, #tpu.memory_space<vmem>>
      %dma_start3A_274 = tpu.memref_squeeze %dma_start3A_273 : memref<1x128x128xf32, #tpu.memory_space<vmem>> -> memref<128x128xf32, #tpu.memory_space<vmem>>
      %dma_start3A_275 = arith.constant 0 : i32
      %dma_start3A_276 = tpu.memref_slice %arg6[%select_n3A_139, %dma_start3A_269, %dma_start3A_275] : memref<2x8x128xi32, #tpu.memory_space<vmem>> -> memref<1x1x128xi32, #tpu.memory_space<vmem>>
      %dma_start3A_277 = tpu.memref_squeeze %dma_start3A_276 : memref<1x1x128xi32, #tpu.memory_space<vmem>> -> memref<128xi32, #tpu.memory_space<vmem>>
      %dma_start3A_278 = arith.constant 0 : i32
      %dma_start3A_279 = arith.constant 0 : i32
      %dma_start3A_280 = tpu.memref_slice %arg2[%dma_start3A_278, %dma_start3A_279] : memref<10000x128xf32, #tpu.memory_space<hbm>> -> memref<10000x128xf32, #tpu.memory_space<hbm>>
      tpu.enqueue_indirect_dma source(%dma_start3A_280 : memref<10000x128xf32, #tpu.memory_space<hbm>>) target(%dma_start3A_274 : memref<128x128xf32, #tpu.memory_space<vmem>>) offsets(%dma_start3A_277 : memref<128xi32, #tpu.memory_space<vmem>>) semaphore(%arg10 : memref<!tpu.dma_semaphore, #tpu.memory_space<semaphore_mem>>)
      %dma_wait3A_281 = arith.constant 0 : i32
      %dma_wait3A_282 = arith.constant 0 : i32
      %dma_wait3A_283 = arith.constant 1 : i32
      %dma_wait3A_284 = arith.constant 0 : i32
      %dma_wait3A_285 = arith.constant 0 : i32
      %dma_wait3A_286 = tpu.memref_slice %arg8[%dma_wait3A_283, %dma_wait3A_284, %dma_wait3A_285] : memref<2x128x128xf32, #tpu.memory_space<vmem>> -> memref<1x128x128xf32, #tpu.memory_space<vmem>>
      %dma_wait3A_287 = tpu.memref_squeeze %dma_wait3A_286 : memref<1x128x128xf32, #tpu.memory_space<vmem>> -> memref<128x128xf32, #tpu.memory_space<vmem>>
      %dma_wait3A_288 = arith.constant 0 : i32
      %dma_wait3A_289 = tpu.memref_slice %arg6[%dma_wait3A_281, %dma_wait3A_282, %dma_wait3A_288] : memref<2x8x128xi32, #tpu.memory_space<vmem>> -> memref<1x1x128xi32, #tpu.memory_space<vmem>>
      %dma_wait3A_290 = tpu.memref_squeeze %dma_wait3A_289 : memref<1x1x128xi32, #tpu.memory_space<vmem>> -> memref<128xi32, #tpu.memory_space<vmem>>
      %dma_wait3A_291 = arith.constant 0 : i32
      %dma_wait3A_292 = arith.constant 0 : i32
      %dma_wait3A_293 = tpu.memref_slice %arg2[%dma_wait3A_291, %dma_wait3A_292] : memref<10000x128xf32, #tpu.memory_space<hbm>> -> memref<10000x128xf32, #tpu.memory_space<hbm>>
      tpu.wait_indirect_dma semaphore(%arg10 : memref<!tpu.dma_semaphore, #tpu.memory_space<semaphore_mem>>) src(%dma_wait3A_293 : memref<10000x128xf32, #tpu.memory_space<hbm>>) dst(%dma_wait3A_287 : memref<128x128xf32, #tpu.memory_space<vmem>>)
      %dma_start3A_294 = arith.constant 1 : i32
      %dma_start3A_295 = arith.constant 3 : i32
      %dma_start3A_296 = arith.constant 0 : i32
      %dma_start3A_297 = arith.constant 0 : i32
      %dma_start3A_298 = tpu.memref_slice %arg8[%dma_start3A_294, %dma_start3A_296, %dma_start3A_297] : memref<2x128x128xf32, #tpu.memory_space<vmem>> -> memref<1x128x128xf32, #tpu.memory_space<vmem>>
      %dma_start3A_299 = tpu.memref_squeeze %dma_start3A_298 : memref<1x128x128xf32, #tpu.memory_space<vmem>> -> memref<128x128xf32, #tpu.memory_space<vmem>>
      %dma_start3A_300 = arith.constant 0 : i32
      %dma_start3A_301 = tpu.memref_slice %arg7[%select_n3A_139, %dma_start3A_295, %dma_start3A_300] : memref<2x8x128xi32, #tpu.memory_space<vmem>> -> memref<1x1x128xi32, #tpu.memory_space<vmem>>
      %dma_start3A_302 = tpu.memref_squeeze %dma_start3A_301 : memref<1x1x128xi32, #tpu.memory_space<vmem>> -> memref<128xi32, #tpu.memory_space<vmem>>
      %dma_start3A_303 = arith.constant 0 : i32
      %dma_start3A_304 = arith.constant 0 : i32
      %dma_start3A_305 = tpu.memref_slice %arg9[%dma_start3A_303, %dma_start3A_304] : memref<10064x128xf32, #tpu.memory_space<vmem_shared>> -> memref<10064x128xf32, #tpu.memory_space<vmem_shared>>
      tpu.enqueue_indirect_dma source(%dma_start3A_299 : memref<128x128xf32, #tpu.memory_space<vmem>>) target(%dma_start3A_305 : memref<10064x128xf32, #tpu.memory_space<vmem_shared>>) offsets(%dma_start3A_302 : memref<128xi32, #tpu.memory_space<vmem>>) semaphore(%arg12 : memref<!tpu.dma_semaphore, #tpu.memory_space<semaphore_mem>>) {add = true}
      %dma_wait3A_306 = arith.constant 0 : i32
      %dma_wait3A_307 = arith.constant 0 : i32
      %dma_wait3A_308 = arith.constant 0 : i32
      %dma_wait3A_309 = arith.constant 0 : i32
      %dma_wait3A_310 = arith.constant 0 : i32
      %dma_wait3A_311 = tpu.memref_slice %arg8[%dma_wait3A_306, %dma_wait3A_309, %dma_wait3A_310] : memref<2x128x128xf32, #tpu.memory_space<vmem>> -> memref<1x128x128xf32, #tpu.memory_space<vmem>>
      %dma_wait3A_312 = tpu.memref_squeeze %dma_wait3A_311 : memref<1x128x128xf32, #tpu.memory_space<vmem>> -> memref<128x128xf32, #tpu.memory_space<vmem>>
      %dma_wait3A_313 = arith.constant 0 : i32
      %dma_wait3A_314 = tpu.memref_slice %arg7[%dma_wait3A_307, %dma_wait3A_308, %dma_wait3A_313] : memref<2x8x128xi32, #tpu.memory_space<vmem>> -> memref<1x1x128xi32, #tpu.memory_space<vmem>>
      %dma_wait3A_315 = tpu.memref_squeeze %dma_wait3A_314 : memref<1x1x128xi32, #tpu.memory_space<vmem>> -> memref<128xi32, #tpu.memory_space<vmem>>
      %dma_wait3A_316 = arith.constant 0 : i32
      %dma_wait3A_317 = arith.constant 0 : i32
      %dma_wait3A_318 = tpu.memref_slice %arg9[%dma_wait3A_316, %dma_wait3A_317] : memref<10064x128xf32, #tpu.memory_space<vmem_shared>> -> memref<10064x128xf32, #tpu.memory_space<vmem_shared>>
      tpu.wait_indirect_dma semaphore(%arg11 : memref<!tpu.dma_semaphore, #tpu.memory_space<semaphore_mem>>) src(%dma_wait3A_312 : memref<128x128xf32, #tpu.memory_space<vmem>>) dst(%dma_wait3A_318 : memref<10064x128xf32, #tpu.memory_space<vmem_shared>>)
      %dma_start3A_319 = arith.constant 4 : i32
      %dma_start3A_320 = arith.constant 0 : i32
      %dma_start3A_321 = arith.constant 0 : i32
      %dma_start3A_322 = arith.constant 0 : i32
      %dma_start3A_323 = tpu.memref_slice %arg8[%dma_start3A_320, %dma_start3A_321, %dma_start3A_322] : memref<2x128x128xf32, #tpu.memory_space<vmem>> -> memref<1x128x128xf32, #tpu.memory_space<vmem>>
      %dma_start3A_324 = tpu.memref_squeeze %dma_start3A_323 : memref<1x128x128xf32, #tpu.memory_space<vmem>> -> memref<128x128xf32, #tpu.memory_space<vmem>>
      %dma_start3A_325 = arith.constant 0 : i32
      %dma_start3A_326 = tpu.memref_slice %arg6[%select_n3A_139, %dma_start3A_319, %dma_start3A_325] : memref<2x8x128xi32, #tpu.memory_space<vmem>> -> memref<1x1x128xi32, #tpu.memory_space<vmem>>
      %dma_start3A_327 = tpu.memref_squeeze %dma_start3A_326 : memref<1x1x128xi32, #tpu.memory_space<vmem>> -> memref<128xi32, #tpu.memory_space<vmem>>
      %dma_start3A_328 = arith.constant 0 : i32
      %dma_start3A_329 = arith.constant 0 : i32
      %dma_start3A_330 = tpu.memref_slice %arg2[%dma_start3A_328, %dma_start3A_329] : memref<10000x128xf32, #tpu.memory_space<hbm>> -> memref<10000x128xf32, #tpu.memory_space<hbm>>
      tpu.enqueue_indirect_dma source(%dma_start3A_330 : memref<10000x128xf32, #tpu.memory_space<hbm>>) target(%dma_start3A_324 : memref<128x128xf32, #tpu.memory_space<vmem>>) offsets(%dma_start3A_327 : memref<128xi32, #tpu.memory_space<vmem>>) semaphore(%arg10 : memref<!tpu.dma_semaphore, #tpu.memory_space<semaphore_mem>>)
      %dma_wait3A_331 = arith.constant 0 : i32
      %dma_wait3A_332 = arith.constant 0 : i32
      %dma_wait3A_333 = arith.constant 0 : i32
      %dma_wait3A_334 = arith.constant 0 : i32
      %dma_wait3A_335 = arith.constant 0 : i32
      %dma_wait3A_336 = tpu.memref_slice %arg8[%dma_wait3A_333, %dma_wait3A_334, %dma_wait3A_335] : memref<2x128x128xf32, #tpu.memory_space<vmem>> -> memref<1x128x128xf32, #tpu.memory_space<vmem>>
      %dma_wait3A_337 = tpu.memref_squeeze %dma_wait3A_336 : memref<1x128x128xf32, #tpu.memory_space<vmem>> -> memref<128x128xf32, #tpu.memory_space<vmem>>
      %dma_wait3A_338 = arith.constant 0 : i32
      %dma_wait3A_339 = tpu.memref_slice %arg6[%dma_wait3A_331, %dma_wait3A_332, %dma_wait3A_338] : memref<2x8x128xi32, #tpu.memory_space<vmem>> -> memref<1x1x128xi32, #tpu.memory_space<vmem>>
      %dma_wait3A_340 = tpu.memref_squeeze %dma_wait3A_339 : memref<1x1x128xi32, #tpu.memory_space<vmem>> -> memref<128xi32, #tpu.memory_space<vmem>>
      %dma_wait3A_341 = arith.constant 0 : i32
      %dma_wait3A_342 = arith.constant 0 : i32
      %dma_wait3A_343 = tpu.memref_slice %arg2[%dma_wait3A_341, %dma_wait3A_342] : memref<10000x128xf32, #tpu.memory_space<hbm>> -> memref<10000x128xf32, #tpu.memory_space<hbm>>
      tpu.wait_indirect_dma semaphore(%arg10 : memref<!tpu.dma_semaphore, #tpu.memory_space<semaphore_mem>>) src(%dma_wait3A_343 : memref<10000x128xf32, #tpu.memory_space<hbm>>) dst(%dma_wait3A_337 : memref<128x128xf32, #tpu.memory_space<vmem>>)
      %dma_start3A_344 = arith.constant 0 : i32
      %dma_start3A_345 = arith.constant 4 : i32
      %dma_start3A_346 = arith.constant 0 : i32
      %dma_start3A_347 = arith.constant 0 : i32
      %dma_start3A_348 = tpu.memref_slice %arg8[%dma_start3A_344, %dma_start3A_346, %dma_start3A_347] : memref<2x128x128xf32, #tpu.memory_space<vmem>> -> memref<1x128x128xf32, #tpu.memory_space<vmem>>
      %dma_start3A_349 = tpu.memref_squeeze %dma_start3A_348 : memref<1x128x128xf32, #tpu.memory_space<vmem>> -> memref<128x128xf32, #tpu.memory_space<vmem>>
      %dma_start3A_350 = arith.constant 0 : i32
      %dma_start3A_351 = tpu.memref_slice %arg7[%select_n3A_139, %dma_start3A_345, %dma_start3A_350] : memref<2x8x128xi32, #tpu.memory_space<vmem>> -> memref<1x1x128xi32, #tpu.memory_space<vmem>>
      %dma_start3A_352 = tpu.memref_squeeze %dma_start3A_351 : memref<1x1x128xi32, #tpu.memory_space<vmem>> -> memref<128xi32, #tpu.memory_space<vmem>>
      %dma_start3A_353 = arith.constant 0 : i32
      %dma_start3A_354 = arith.constant 0 : i32
      %dma_start3A_355 = tpu.memref_slice %arg9[%dma_start3A_353, %dma_start3A_354] : memref<10064x128xf32, #tpu.memory_space<vmem_shared>> -> memref<10064x128xf32, #tpu.memory_space<vmem_shared>>
      tpu.enqueue_indirect_dma source(%dma_start3A_349 : memref<128x128xf32, #tpu.memory_space<vmem>>) target(%dma_start3A_355 : memref<10064x128xf32, #tpu.memory_space<vmem_shared>>) offsets(%dma_start3A_352 : memref<128xi32, #tpu.memory_space<vmem>>) semaphore(%arg11 : memref<!tpu.dma_semaphore, #tpu.memory_space<semaphore_mem>>) {add = true}
      %dma_wait3A_356 = arith.constant 1 : i32
      %dma_wait3A_357 = arith.constant 0 : i32
      %dma_wait3A_358 = arith.constant 0 : i32
      %dma_wait3A_359 = arith.constant 0 : i32
      %dma_wait3A_360 = arith.constant 0 : i32
      %dma_wait3A_361 = tpu.memref_slice %arg8[%dma_wait3A_356, %dma_wait3A_359, %dma_wait3A_360] : memref<2x128x128xf32, #tpu.memory_space<vmem>> -> memref<1x128x128xf32, #tpu.memory_space<vmem>>
      %dma_wait3A_362 = tpu.memref_squeeze %dma_wait3A_361 : memref<1x128x128xf32, #tpu.memory_space<vmem>> -> memref<128x128xf32, #tpu.memory_space<vmem>>
      %dma_wait3A_363 = arith.constant 0 : i32
      %dma_wait3A_364 = tpu.memref_slice %arg7[%dma_wait3A_357, %dma_wait3A_358, %dma_wait3A_363] : memref<2x8x128xi32, #tpu.memory_space<vmem>> -> memref<1x1x128xi32, #tpu.memory_space<vmem>>
      %dma_wait3A_365 = tpu.memref_squeeze %dma_wait3A_364 : memref<1x1x128xi32, #tpu.memory_space<vmem>> -> memref<128xi32, #tpu.memory_space<vmem>>
      %dma_wait3A_366 = arith.constant 0 : i32
      %dma_wait3A_367 = arith.constant 0 : i32
      %dma_wait3A_368 = tpu.memref_slice %arg9[%dma_wait3A_366, %dma_wait3A_367] : memref<10064x128xf32, #tpu.memory_space<vmem_shared>> -> memref<10064x128xf32, #tpu.memory_space<vmem_shared>>
      tpu.wait_indirect_dma semaphore(%arg12 : memref<!tpu.dma_semaphore, #tpu.memory_space<semaphore_mem>>) src(%dma_wait3A_362 : memref<128x128xf32, #tpu.memory_space<vmem>>) dst(%dma_wait3A_368 : memref<10064x128xf32, #tpu.memory_space<vmem_shared>>)
      %dma_start3A_369 = arith.constant 5 : i32
      %dma_start3A_370 = arith.constant 1 : i32
      %dma_start3A_371 = arith.constant 0 : i32
      %dma_start3A_372 = arith.constant 0 : i32
      %dma_start3A_373 = tpu.memref_slice %arg8[%dma_start3A_370, %dma_start3A_371, %dma_start3A_372] : memref<2x128x128xf32, #tpu.memory_space<vmem>> -> memref<1x128x128xf32, #tpu.memory_space<vmem>>
      %dma_start3A_374 = tpu.memref_squeeze %dma_start3A_373 : memref<1x128x128xf32, #tpu.memory_space<vmem>> -> memref<128x128xf32, #tpu.memory_space<vmem>>
      %dma_start3A_375 = arith.constant 0 : i32
      %dma_start3A_376 = tpu.memref_slice %arg6[%select_n3A_139, %dma_start3A_369, %dma_start3A_375] : memref<2x8x128xi32, #tpu.memory_space<vmem>> -> memref<1x1x128xi32, #tpu.memory_space<vmem>>
      %dma_start3A_377 = tpu.memref_squeeze %dma_start3A_376 : memref<1x1x128xi32, #tpu.memory_space<vmem>> -> memref<128xi32, #tpu.memory_space<vmem>>
      %dma_start3A_378 = arith.constant 0 : i32
      %dma_start3A_379 = arith.constant 0 : i32
      %dma_start3A_380 = tpu.memref_slice %arg2[%dma_start3A_378, %dma_start3A_379] : memref<10000x128xf32, #tpu.memory_space<hbm>> -> memref<10000x128xf32, #tpu.memory_space<hbm>>
      tpu.enqueue_indirect_dma source(%dma_start3A_380 : memref<10000x128xf32, #tpu.memory_space<hbm>>) target(%dma_start3A_374 : memref<128x128xf32, #tpu.memory_space<vmem>>) offsets(%dma_start3A_377 : memref<128xi32, #tpu.memory_space<vmem>>) semaphore(%arg10 : memref<!tpu.dma_semaphore, #tpu.memory_space<semaphore_mem>>)
      %dma_wait3A_381 = arith.constant 0 : i32
      %dma_wait3A_382 = arith.constant 0 : i32
      %dma_wait3A_383 = arith.constant 1 : i32
      %dma_wait3A_384 = arith.constant 0 : i32
      %dma_wait3A_385 = arith.constant 0 : i32
      %dma_wait3A_386 = tpu.memref_slice %arg8[%dma_wait3A_383, %dma_wait3A_384, %dma_wait3A_385] : memref<2x128x128xf32, #tpu.memory_space<vmem>> -> memref<1x128x128xf32, #tpu.memory_space<vmem>>
      %dma_wait3A_387 = tpu.memref_squeeze %dma_wait3A_386 : memref<1x128x128xf32, #tpu.memory_space<vmem>> -> memref<128x128xf32, #tpu.memory_space<vmem>>
      %dma_wait3A_388 = arith.constant 0 : i32
      %dma_wait3A_389 = tpu.memref_slice %arg6[%dma_wait3A_381, %dma_wait3A_382, %dma_wait3A_388] : memref<2x8x128xi32, #tpu.memory_space<vmem>> -> memref<1x1x128xi32, #tpu.memory_space<vmem>>
      %dma_wait3A_390 = tpu.memref_squeeze %dma_wait3A_389 : memref<1x1x128xi32, #tpu.memory_space<vmem>> -> memref<128xi32, #tpu.memory_space<vmem>>
      %dma_wait3A_391 = arith.constant 0 : i32
      %dma_wait3A_392 = arith.constant 0 : i32
      %dma_wait3A_393 = tpu.memref_slice %arg2[%dma_wait3A_391, %dma_wait3A_392] : memref<10000x128xf32, #tpu.memory_space<hbm>> -> memref<10000x128xf32, #tpu.memory_space<hbm>>
      tpu.wait_indirect_dma semaphore(%arg10 : memref<!tpu.dma_semaphore, #tpu.memory_space<semaphore_mem>>) src(%dma_wait3A_393 : memref<10000x128xf32, #tpu.memory_space<hbm>>) dst(%dma_wait3A_387 : memref<128x128xf32, #tpu.memory_space<vmem>>)
      %dma_start3A_394 = arith.constant 1 : i32
      %dma_start3A_395 = arith.constant 5 : i32
      %dma_start3A_396 = arith.constant 0 : i32
      %dma_start3A_397 = arith.constant 0 : i32
      %dma_start3A_398 = tpu.memref_slice %arg8[%dma_start3A_394, %dma_start3A_396, %dma_start3A_397] : memref<2x128x128xf32, #tpu.memory_space<vmem>> -> memref<1x128x128xf32, #tpu.memory_space<vmem>>
      %dma_start3A_399 = tpu.memref_squeeze %dma_start3A_398 : memref<1x128x128xf32, #tpu.memory_space<vmem>> -> memref<128x128xf32, #tpu.memory_space<vmem>>
      %dma_start3A_400 = arith.constant 0 : i32
      %dma_start3A_401 = tpu.memref_slice %arg7[%select_n3A_139, %dma_start3A_395, %dma_start3A_400] : memref<2x8x128xi32, #tpu.memory_space<vmem>> -> memref<1x1x128xi32, #tpu.memory_space<vmem>>
      %dma_start3A_402 = tpu.memref_squeeze %dma_start3A_401 : memref<1x1x128xi32, #tpu.memory_space<vmem>> -> memref<128xi32, #tpu.memory_space<vmem>>
      %dma_start3A_403 = arith.constant 0 : i32
      %dma_start3A_404 = arith.constant 0 : i32
      %dma_start3A_405 = tpu.memref_slice %arg9[%dma_start3A_403, %dma_start3A_404] : memref<10064x128xf32, #tpu.memory_space<vmem_shared>> -> memref<10064x128xf32, #tpu.memory_space<vmem_shared>>
      tpu.enqueue_indirect_dma source(%dma_start3A_399 : memref<128x128xf32, #tpu.memory_space<vmem>>) target(%dma_start3A_405 : memref<10064x128xf32, #tpu.memory_space<vmem_shared>>) offsets(%dma_start3A_402 : memref<128xi32, #tpu.memory_space<vmem>>) semaphore(%arg12 : memref<!tpu.dma_semaphore, #tpu.memory_space<semaphore_mem>>) {add = true}
      %dma_wait3A_406 = arith.constant 0 : i32
      %dma_wait3A_407 = arith.constant 0 : i32
      %dma_wait3A_408 = arith.constant 0 : i32
      %dma_wait3A_409 = arith.constant 0 : i32
      %dma_wait3A_410 = arith.constant 0 : i32
      %dma_wait3A_411 = tpu.memref_slice %arg8[%dma_wait3A_406, %dma_wait3A_409, %dma_wait3A_410] : memref<2x128x128xf32, #tpu.memory_space<vmem>> -> memref<1x128x128xf32, #tpu.memory_space<vmem>>
      %dma_wait3A_412 = tpu.memref_squeeze %dma_wait3A_411 : memref<1x128x128xf32, #tpu.memory_space<vmem>> -> memref<128x128xf32, #tpu.memory_space<vmem>>
      %dma_wait3A_413 = arith.constant 0 : i32
      %dma_wait3A_414 = tpu.memref_slice %arg7[%dma_wait3A_407, %dma_wait3A_408, %dma_wait3A_413] : memref<2x8x128xi32, #tpu.memory_space<vmem>> -> memref<1x1x128xi32, #tpu.memory_space<vmem>>
      %dma_wait3A_415 = tpu.memref_squeeze %dma_wait3A_414 : memref<1x1x128xi32, #tpu.memory_space<vmem>> -> memref<128xi32, #tpu.memory_space<vmem>>
      %dma_wait3A_416 = arith.constant 0 : i32
      %dma_wait3A_417 = arith.constant 0 : i32
      %dma_wait3A_418 = tpu.memref_slice %arg9[%dma_wait3A_416, %dma_wait3A_417] : memref<10064x128xf32, #tpu.memory_space<vmem_shared>> -> memref<10064x128xf32, #tpu.memory_space<vmem_shared>>
      tpu.wait_indirect_dma semaphore(%arg11 : memref<!tpu.dma_semaphore, #tpu.memory_space<semaphore_mem>>) src(%dma_wait3A_412 : memref<128x128xf32, #tpu.memory_space<vmem>>) dst(%dma_wait3A_418 : memref<10064x128xf32, #tpu.memory_space<vmem_shared>>)
      %dma_start3A_419 = arith.constant 6 : i32
      %dma_start3A_420 = arith.constant 0 : i32
      %dma_start3A_421 = arith.constant 0 : i32
      %dma_start3A_422 = arith.constant 0 : i32
      %dma_start3A_423 = tpu.memref_slice %arg8[%dma_start3A_420, %dma_start3A_421, %dma_start3A_422] : memref<2x128x128xf32, #tpu.memory_space<vmem>> -> memref<1x128x128xf32, #tpu.memory_space<vmem>>
      %dma_start3A_424 = tpu.memref_squeeze %dma_start3A_423 : memref<1x128x128xf32, #tpu.memory_space<vmem>> -> memref<128x128xf32, #tpu.memory_space<vmem>>
      %dma_start3A_425 = arith.constant 0 : i32
      %dma_start3A_426 = tpu.memref_slice %arg6[%select_n3A_139, %dma_start3A_419, %dma_start3A_425] : memref<2x8x128xi32, #tpu.memory_space<vmem>> -> memref<1x1x128xi32, #tpu.memory_space<vmem>>
      %dma_start3A_427 = tpu.memref_squeeze %dma_start3A_426 : memref<1x1x128xi32, #tpu.memory_space<vmem>> -> memref<128xi32, #tpu.memory_space<vmem>>
      %dma_start3A_428 = arith.constant 0 : i32
      %dma_start3A_429 = arith.constant 0 : i32
      %dma_start3A_430 = tpu.memref_slice %arg2[%dma_start3A_428, %dma_start3A_429] : memref<10000x128xf32, #tpu.memory_space<hbm>> -> memref<10000x128xf32, #tpu.memory_space<hbm>>
      tpu.enqueue_indirect_dma source(%dma_start3A_430 : memref<10000x128xf32, #tpu.memory_space<hbm>>) target(%dma_start3A_424 : memref<128x128xf32, #tpu.memory_space<vmem>>) offsets(%dma_start3A_427 : memref<128xi32, #tpu.memory_space<vmem>>) semaphore(%arg10 : memref<!tpu.dma_semaphore, #tpu.memory_space<semaphore_mem>>)
      %dma_wait3A_431 = arith.constant 0 : i32
      %dma_wait3A_432 = arith.constant 0 : i32
      %dma_wait3A_433 = arith.constant 0 : i32
      %dma_wait3A_434 = arith.constant 0 : i32
      %dma_wait3A_435 = arith.constant 0 : i32
      %dma_wait3A_436 = tpu.memref_slice %arg8[%dma_wait3A_433, %dma_wait3A_434, %dma_wait3A_435] : memref<2x128x128xf32, #tpu.memory_space<vmem>> -> memref<1x128x128xf32, #tpu.memory_space<vmem>>
      %dma_wait3A_437 = tpu.memref_squeeze %dma_wait3A_436 : memref<1x128x128xf32, #tpu.memory_space<vmem>> -> memref<128x128xf32, #tpu.memory_space<vmem>>
      %dma_wait3A_438 = arith.constant 0 : i32
      %dma_wait3A_439 = tpu.memref_slice %arg6[%dma_wait3A_431, %dma_wait3A_432, %dma_wait3A_438] : memref<2x8x128xi32, #tpu.memory_space<vmem>> -> memref<1x1x128xi32, #tpu.memory_space<vmem>>
      %dma_wait3A_440 = tpu.memref_squeeze %dma_wait3A_439 : memref<1x1x128xi32, #tpu.memory_space<vmem>> -> memref<128xi32, #tpu.memory_space<vmem>>
      %dma_wait3A_441 = arith.constant 0 : i32
      %dma_wait3A_442 = arith.constant 0 : i32
      %dma_wait3A_443 = tpu.memref_slice %arg2[%dma_wait3A_441, %dma_wait3A_442] : memref<10000x128xf32, #tpu.memory_space<hbm>> -> memref<10000x128xf32, #tpu.memory_space<hbm>>
      tpu.wait_indirect_dma semaphore(%arg10 : memref<!tpu.dma_semaphore, #tpu.memory_space<semaphore_mem>>) src(%dma_wait3A_443 : memref<10000x128xf32, #tpu.memory_space<hbm>>) dst(%dma_wait3A_437 : memref<128x128xf32, #tpu.memory_space<vmem>>)
      %dma_start3A_444 = arith.constant 0 : i32
      %dma_start3A_445 = arith.constant 6 : i32
      %dma_start3A_446 = arith.constant 0 : i32
      %dma_start3A_447 = arith.constant 0 : i32
      %dma_start3A_448 = tpu.memref_slice %arg8[%dma_start3A_444, %dma_start3A_446, %dma_start3A_447] : memref<2x128x128xf32, #tpu.memory_space<vmem>> -> memref<1x128x128xf32, #tpu.memory_space<vmem>>
      %dma_start3A_449 = tpu.memref_squeeze %dma_start3A_448 : memref<1x128x128xf32, #tpu.memory_space<vmem>> -> memref<128x128xf32, #tpu.memory_space<vmem>>
      %dma_start3A_450 = arith.constant 0 : i32
      %dma_start3A_451 = tpu.memref_slice %arg7[%select_n3A_139, %dma_start3A_445, %dma_start3A_450] : memref<2x8x128xi32, #tpu.memory_space<vmem>> -> memref<1x1x128xi32, #tpu.memory_space<vmem>>
      %dma_start3A_452 = tpu.memref_squeeze %dma_start3A_451 : memref<1x1x128xi32, #tpu.memory_space<vmem>> -> memref<128xi32, #tpu.memory_space<vmem>>
      %dma_start3A_453 = arith.constant 0 : i32
      %dma_start3A_454 = arith.constant 0 : i32
      %dma_start3A_455 = tpu.memref_slice %arg9[%dma_start3A_453, %dma_start3A_454] : memref<10064x128xf32, #tpu.memory_space<vmem_shared>> -> memref<10064x128xf32, #tpu.memory_space<vmem_shared>>
      tpu.enqueue_indirect_dma source(%dma_start3A_449 : memref<128x128xf32, #tpu.memory_space<vmem>>) target(%dma_start3A_455 : memref<10064x128xf32, #tpu.memory_space<vmem_shared>>) offsets(%dma_start3A_452 : memref<128xi32, #tpu.memory_space<vmem>>) semaphore(%arg11 : memref<!tpu.dma_semaphore, #tpu.memory_space<semaphore_mem>>) {add = true}
      %dma_wait3A_456 = arith.constant 1 : i32
      %dma_wait3A_457 = arith.constant 0 : i32
      %dma_wait3A_458 = arith.constant 0 : i32
      %dma_wait3A_459 = arith.constant 0 : i32
      %dma_wait3A_460 = arith.constant 0 : i32
      %dma_wait3A_461 = tpu.memref_slice %arg8[%dma_wait3A_456, %dma_wait3A_459, %dma_wait3A_460] : memref<2x128x128xf32, #tpu.memory_space<vmem>> -> memref<1x128x128xf32, #tpu.memory_space<vmem>>
      %dma_wait3A_462 = tpu.memref_squeeze %dma_wait3A_461 : memref<1x128x128xf32, #tpu.memory_space<vmem>> -> memref<128x128xf32, #tpu.memory_space<vmem>>
      %dma_wait3A_463 = arith.constant 0 : i32
      %dma_wait3A_464 = tpu.memref_slice %arg7[%dma_wait3A_457, %dma_wait3A_458, %dma_wait3A_463] : memref<2x8x128xi32, #tpu.memory_space<vmem>> -> memref<1x1x128xi32, #tpu.memory_space<vmem>>
      %dma_wait3A_465 = tpu.memref_squeeze %dma_wait3A_464 : memref<1x1x128xi32, #tpu.memory_space<vmem>> -> memref<128xi32, #tpu.memory_space<vmem>>
      %dma_wait3A_466 = arith.constant 0 : i32
      %dma_wait3A_467 = arith.constant 0 : i32
      %dma_wait3A_468 = tpu.memref_slice %arg9[%dma_wait3A_466, %dma_wait3A_467] : memref<10064x128xf32, #tpu.memory_space<vmem_shared>> -> memref<10064x128xf32, #tpu.memory_space<vmem_shared>>
      tpu.wait_indirect_dma semaphore(%arg12 : memref<!tpu.dma_semaphore, #tpu.memory_space<semaphore_mem>>) src(%dma_wait3A_462 : memref<128x128xf32, #tpu.memory_space<vmem>>) dst(%dma_wait3A_468 : memref<10064x128xf32, #tpu.memory_space<vmem_shared>>)
      %dma_start3A_469 = arith.constant 7 : i32
      %dma_start3A_470 = arith.constant 1 : i32
      %dma_start3A_471 = arith.constant 0 : i32
      %dma_start3A_472 = arith.constant 0 : i32
      %dma_start3A_473 = tpu.memref_slice %arg8[%dma_start3A_470, %dma_start3A_471, %dma_start3A_472] : memref<2x128x128xf32, #tpu.memory_space<vmem>> -> memref<1x128x128xf32, #tpu.memory_space<vmem>>
      %dma_start3A_474 = tpu.memref_squeeze %dma_start3A_473 : memref<1x128x128xf32, #tpu.memory_space<vmem>> -> memref<128x128xf32, #tpu.memory_space<vmem>>
      %dma_start3A_475 = arith.constant 0 : i32
      %dma_start3A_476 = tpu.memref_slice %arg6[%select_n3A_139, %dma_start3A_469, %dma_start3A_475] : memref<2x8x128xi32, #tpu.memory_space<vmem>> -> memref<1x1x128xi32, #tpu.memory_space<vmem>>
      %dma_start3A_477 = tpu.memref_squeeze %dma_start3A_476 : memref<1x1x128xi32, #tpu.memory_space<vmem>> -> memref<128xi32, #tpu.memory_space<vmem>>
      %dma_start3A_478 = arith.constant 0 : i32
      %dma_start3A_479 = arith.constant 0 : i32
      %dma_start3A_480 = tpu.memref_slice %arg2[%dma_start3A_478, %dma_start3A_479] : memref<10000x128xf32, #tpu.memory_space<hbm>> -> memref<10000x128xf32, #tpu.memory_space<hbm>>
      tpu.enqueue_indirect_dma source(%dma_start3A_480 : memref<10000x128xf32, #tpu.memory_space<hbm>>) target(%dma_start3A_474 : memref<128x128xf32, #tpu.memory_space<vmem>>) offsets(%dma_start3A_477 : memref<128xi32, #tpu.memory_space<vmem>>) semaphore(%arg10 : memref<!tpu.dma_semaphore, #tpu.memory_space<semaphore_mem>>)
      %dma_wait3A_481 = arith.constant 0 : i32
      %dma_wait3A_482 = arith.constant 0 : i32
      %dma_wait3A_483 = arith.constant 1 : i32
      %dma_wait3A_484 = arith.constant 0 : i32
      %dma_wait3A_485 = arith.constant 0 : i32
      %dma_wait3A_486 = tpu.memref_slice %arg8[%dma_wait3A_483, %dma_wait3A_484, %dma_wait3A_485] : memref<2x128x128xf32, #tpu.memory_space<vmem>> -> memref<1x128x128xf32, #tpu.memory_space<vmem>>
      %dma_wait3A_487 = tpu.memref_squeeze %dma_wait3A_486 : memref<1x128x128xf32, #tpu.memory_space<vmem>> -> memref<128x128xf32, #tpu.memory_space<vmem>>
      %dma_wait3A_488 = arith.constant 0 : i32
      %dma_wait3A_489 = tpu.memref_slice %arg6[%dma_wait3A_481, %dma_wait3A_482, %dma_wait3A_488] : memref<2x8x128xi32, #tpu.memory_space<vmem>> -> memref<1x1x128xi32, #tpu.memory_space<vmem>>
      %dma_wait3A_490 = tpu.memref_squeeze %dma_wait3A_489 : memref<1x1x128xi32, #tpu.memory_space<vmem>> -> memref<128xi32, #tpu.memory_space<vmem>>
      %dma_wait3A_491 = arith.constant 0 : i32
      %dma_wait3A_492 = arith.constant 0 : i32
      %dma_wait3A_493 = tpu.memref_slice %arg2[%dma_wait3A_491, %dma_wait3A_492] : memref<10000x128xf32, #tpu.memory_space<hbm>> -> memref<10000x128xf32, #tpu.memory_space<hbm>>
      tpu.wait_indirect_dma semaphore(%arg10 : memref<!tpu.dma_semaphore, #tpu.memory_space<semaphore_mem>>) src(%dma_wait3A_493 : memref<10000x128xf32, #tpu.memory_space<hbm>>) dst(%dma_wait3A_487 : memref<128x128xf32, #tpu.memory_space<vmem>>)
      %dma_start3A_494 = arith.constant 1 : i32
      %dma_start3A_495 = arith.constant 7 : i32
      %dma_start3A_496 = arith.constant 0 : i32
      %dma_start3A_497 = arith.constant 0 : i32
      %dma_start3A_498 = tpu.memref_slice %arg8[%dma_start3A_494, %dma_start3A_496, %dma_start3A_497] : memref<2x128x128xf32, #tpu.memory_space<vmem>> -> memref<1x128x128xf32, #tpu.memory_space<vmem>>
      %dma_start3A_499 = tpu.memref_squeeze %dma_start3A_498 : memref<1x128x128xf32, #tpu.memory_space<vmem>> -> memref<128x128xf32, #tpu.memory_space<vmem>>
      %dma_start3A_500 = arith.constant 0 : i32
      %dma_start3A_501 = tpu.memref_slice %arg7[%select_n3A_139, %dma_start3A_495, %dma_start3A_500] : memref<2x8x128xi32, #tpu.memory_space<vmem>> -> memref<1x1x128xi32, #tpu.memory_space<vmem>>
      %dma_start3A_502 = tpu.memref_squeeze %dma_start3A_501 : memref<1x1x128xi32, #tpu.memory_space<vmem>> -> memref<128xi32, #tpu.memory_space<vmem>>
      %dma_start3A_503 = arith.constant 0 : i32
      %dma_start3A_504 = arith.constant 0 : i32
      %dma_start3A_505 = tpu.memref_slice %arg9[%dma_start3A_503, %dma_start3A_504] : memref<10064x128xf32, #tpu.memory_space<vmem_shared>> -> memref<10064x128xf32, #tpu.memory_space<vmem_shared>>
      tpu.enqueue_indirect_dma source(%dma_start3A_499 : memref<128x128xf32, #tpu.memory_space<vmem>>) target(%dma_start3A_505 : memref<10064x128xf32, #tpu.memory_space<vmem_shared>>) offsets(%dma_start3A_502 : memref<128xi32, #tpu.memory_space<vmem>>) semaphore(%arg12 : memref<!tpu.dma_semaphore, #tpu.memory_space<semaphore_mem>>) {add = true}
      %dma_wait3A_506 = arith.constant 0 : i32
      %dma_wait3A_507 = arith.constant 0 : i32
      %dma_wait3A_508 = arith.constant 0 : i32
      %dma_wait3A_509 = arith.constant 0 : i32
      %dma_wait3A_510 = arith.constant 0 : i32
      %dma_wait3A_511 = tpu.memref_slice %arg8[%dma_wait3A_506, %dma_wait3A_509, %dma_wait3A_510] : memref<2x128x128xf32, #tpu.memory_space<vmem>> -> memref<1x128x128xf32, #tpu.memory_space<vmem>>
      %dma_wait3A_512 = tpu.memref_squeeze %dma_wait3A_511 : memref<1x128x128xf32, #tpu.memory_space<vmem>> -> memref<128x128xf32, #tpu.memory_space<vmem>>
      %dma_wait3A_513 = arith.constant 0 : i32
      %dma_wait3A_514 = tpu.memref_slice %arg7[%dma_wait3A_507, %dma_wait3A_508, %dma_wait3A_513] : memref<2x8x128xi32, #tpu.memory_space<vmem>> -> memref<1x1x128xi32, #tpu.memory_space<vmem>>
      %dma_wait3A_515 = tpu.memref_squeeze %dma_wait3A_514 : memref<1x1x128xi32, #tpu.memory_space<vmem>> -> memref<128xi32, #tpu.memory_space<vmem>>
      %dma_wait3A_516 = arith.constant 0 : i32
      %dma_wait3A_517 = arith.constant 0 : i32
      %dma_wait3A_518 = tpu.memref_slice %arg9[%dma_wait3A_516, %dma_wait3A_517] : memref<10064x128xf32, #tpu.memory_space<vmem_shared>> -> memref<10064x128xf32, #tpu.memory_space<vmem_shared>>
      tpu.wait_indirect_dma semaphore(%arg11 : memref<!tpu.dma_semaphore, #tpu.memory_space<semaphore_mem>>) src(%dma_wait3A_512 : memref<128x128xf32, #tpu.memory_space<vmem>>) dst(%dma_wait3A_518 : memref<10064x128xf32, #tpu.memory_space<vmem_shared>>)
      %add3A_519 = arith.constant 1 : i32
      %add3A_520 = arith.addi %scan3A_128, %add3A_519 : i32
      %lt3A_521 = arith.constant 10 : i32
      %lt3A_522 = arith.cmpi slt, %add3A_520, %lt3A_521 : i32
      %convert_element_type3A_523 = arith.extui %lt3A_522 : i1 to i32
      %cond3A_524 = arith.constant 0 : i32
      %cond3A_525 = arith.cmpi ne, %convert_element_type3A_523, %cond3A_524 : i32
      scf.if %cond3A_525 {
        %sub3A = arith.constant 1 : i32
        %sub3A_526 = arith.subi %sub3A, %select_n3A_139 : i32
        %add3A_527 = arith.constant 1 : i32
        %add3A_528 = arith.addi %scan3A_128, %add3A_527 : i32
        %mul3A_529 = arith.constant 8 : i32
        %mul3A_530 = arith.muli %add3A_528, %mul3A_529 : i32
        %add3A_531 = arith.addi %mul3A_4, %mul3A_530 : i32
        %dma_wait3A_532 = arith.constant 0 : i32
        %dma_wait3A_533 = arith.constant 0 : i32
        %dma_wait3A_534 = tpu.memref_slice %arg6[%sub3A_526, %dma_wait3A_532, %dma_wait3A_533] : memref<2x8x128xi32, #tpu.memory_space<vmem>> -> memref<1x8x128xi32, #tpu.memory_space<vmem>>
        %dma_wait3A_535 = tpu.memref_squeeze %dma_wait3A_534 : memref<1x8x128xi32, #tpu.memory_space<vmem>> -> memref<8x128xi32, #tpu.memory_space<vmem>>
        %dma_wait3A_536 = arith.constant 0 : i32
        %dma_wait3A_537 = tpu.memref_slice %arg3[%add3A_531, %dma_wait3A_536] : memref<2560x128xi32, #tpu.memory_space<hbm>> -> memref<8x128xi32, #tpu.memory_space<hbm>>
        %dma_wait3A_538 = arith.constant 0 : i32
        %dma_wait3A_539 = arith.constant 0 : i32
        %dma_wait3A_540 = tpu.memref_slice %arg6[%sub3A_526, %dma_wait3A_538, %dma_wait3A_539] : memref<2x8x128xi32, #tpu.memory_space<vmem>> -> memref<1x8x128xi32, #tpu.memory_space<vmem>>
        %dma_wait3A_541 = tpu.memref_squeeze %dma_wait3A_540 : memref<1x8x128xi32, #tpu.memory_space<vmem>> -> memref<8x128xi32, #tpu.memory_space<vmem>>
        %dma_wait3A_542 = arith.constant 0 : i32
        %dma_wait3A_543 = tpu.memref_slice %arg3[%add3A_531, %dma_wait3A_542] : memref<2560x128xi32, #tpu.memory_space<hbm>> -> memref<8x128xi32, #tpu.memory_space<hbm>>
        tpu.wait_dma2 semaphore(%arg13 : memref<!tpu.dma_semaphore, #tpu.memory_space<semaphore_mem>>) src(%dma_wait3A_543 : memref<8x128xi32, #tpu.memory_space<hbm>>) dst(%dma_wait3A_541 : memref<8x128xi32, #tpu.memory_space<vmem>>)
        %dma_wait3A_544 = arith.constant 0 : i32
        %dma_wait3A_545 = arith.constant 0 : i32
        %dma_wait3A_546 = tpu.memref_slice %arg7[%sub3A_526, %dma_wait3A_544, %dma_wait3A_545] : memref<2x8x128xi32, #tpu.memory_space<vmem>> -> memref<1x8x128xi32, #tpu.memory_space<vmem>>
        %dma_wait3A_547 = tpu.memref_squeeze %dma_wait3A_546 : memref<1x8x128xi32, #tpu.memory_space<vmem>> -> memref<8x128xi32, #tpu.memory_space<vmem>>
        %dma_wait3A_548 = arith.constant 0 : i32
        %dma_wait3A_549 = tpu.memref_slice %arg4[%add3A_531, %dma_wait3A_548] : memref<2560x128xi32, #tpu.memory_space<hbm>> -> memref<8x128xi32, #tpu.memory_space<hbm>>
        %dma_wait3A_550 = arith.constant 0 : i32
        %dma_wait3A_551 = arith.constant 0 : i32
        %dma_wait3A_552 = tpu.memref_slice %arg7[%sub3A_526, %dma_wait3A_550, %dma_wait3A_551] : memref<2x8x128xi32, #tpu.memory_space<vmem>> -> memref<1x8x128xi32, #tpu.memory_space<vmem>>
        %dma_wait3A_553 = tpu.memref_squeeze %dma_wait3A_552 : memref<1x8x128xi32, #tpu.memory_space<vmem>> -> memref<8x128xi32, #tpu.memory_space<vmem>>
        %dma_wait3A_554 = arith.constant 0 : i32
        %dma_wait3A_555 = tpu.memref_slice %arg4[%add3A_531, %dma_wait3A_554] : memref<2560x128xi32, #tpu.memory_space<hbm>> -> memref<8x128xi32, #tpu.memory_space<hbm>>
        tpu.wait_dma2 semaphore(%arg13 : memref<!tpu.dma_semaphore, #tpu.memory_space<semaphore_mem>>) src(%dma_wait3A_555 : memref<8x128xi32, #tpu.memory_space<hbm>>) dst(%dma_wait3A_553 : memref<8x128xi32, #tpu.memory_space<vmem>>)
        %add3A_556 = arith.constant 2 : i32
        %add3A_557 = arith.addi %scan3A_128, %add3A_556 : i32
        %lt3A_558 = arith.constant 10 : i32
        %lt3A_559 = arith.cmpi slt, %add3A_557, %lt3A_558 : i32
        %convert_element_type3A_560 = arith.extui %lt3A_559 : i1 to i32
        %cond3A_561 = arith.constant 0 : i32
        %cond3A_562 = arith.cmpi ne, %convert_element_type3A_560, %cond3A_561 : i32
        scf.if %cond3A_562 {
          %add3A_575 = arith.constant 2 : i32
          %add3A_576 = arith.addi %scan3A_128, %add3A_575 : i32
          %mul3A_577 = arith.constant 8 : i32
          %mul3A_578 = arith.muli %add3A_576, %mul3A_577 : i32
          %add3A_579 = arith.addi %mul3A_4, %mul3A_578 : i32
          %sub3A_580 = arith.constant 1 : i32
          %sub3A_581 = arith.subi %sub3A_580, %sub3A_526 : i32
          %dma_start3A_582 = arith.constant 0 : i32
          %dma_start3A_583 = arith.constant 0 : i32
          %dma_start3A_584 = tpu.memref_slice %arg6[%sub3A_581, %dma_start3A_582, %dma_start3A_583] : memref<2x8x128xi32, #tpu.memory_space<vmem>> -> memref<1x8x128xi32, #tpu.memory_space<vmem>>
          %dma_start3A_585 = tpu.memref_squeeze %dma_start3A_584 : memref<1x8x128xi32, #tpu.memory_space<vmem>> -> memref<8x128xi32, #tpu.memory_space<vmem>>
          %dma_start3A_586 = arith.constant 0 : i32
          %dma_start3A_587 = tpu.memref_slice %arg3[%add3A_579, %dma_start3A_586] : memref<2560x128xi32, #tpu.memory_space<hbm>> -> memref<8x128xi32, #tpu.memory_space<hbm>>
          %dma_start3A_588 = arith.constant 0 : i32
          %dma_start3A_589 = arith.constant 0 : i32
          %dma_start3A_590 = tpu.memref_slice %arg6[%sub3A_581, %dma_start3A_588, %dma_start3A_589] : memref<2x8x128xi32, #tpu.memory_space<vmem>> -> memref<1x8x128xi32, #tpu.memory_space<vmem>>
          %dma_start3A_591 = tpu.memref_squeeze %dma_start3A_590 : memref<1x8x128xi32, #tpu.memory_space<vmem>> -> memref<8x128xi32, #tpu.memory_space<vmem>>
          %dma_start3A_592 = arith.constant 0 : i32
          %dma_start3A_593 = tpu.memref_slice %arg3[%add3A_579, %dma_start3A_592] : memref<2560x128xi32, #tpu.memory_space<hbm>> -> memref<8x128xi32, #tpu.memory_space<hbm>>
          tpu.enqueue_dma source(%dma_start3A_593 : memref<8x128xi32, #tpu.memory_space<hbm>>) target(%dma_start3A_591 : memref<8x128xi32, #tpu.memory_space<vmem>>) target_semaphore(%arg13 : memref<!tpu.dma_semaphore, #tpu.memory_space<semaphore_mem>>)
          %sub3A_594 = arith.constant 1 : i32
          %sub3A_595 = arith.subi %sub3A_594, %sub3A_526 : i32
          %dma_start3A_596 = arith.constant 0 : i32
          %dma_start3A_597 = arith.constant 0 : i32
          %dma_start3A_598 = tpu.memref_slice %arg7[%sub3A_595, %dma_start3A_596, %dma_start3A_597] : memref<2x8x128xi32, #tpu.memory_space<vmem>> -> memref<1x8x128xi32, #tpu.memory_space<vmem>>
          %dma_start3A_599 = tpu.memref_squeeze %dma_start3A_598 : memref<1x8x128xi32, #tpu.memory_space<vmem>> -> memref<8x128xi32, #tpu.memory_space<vmem>>
          %dma_start3A_600 = arith.constant 0 : i32
          %dma_start3A_601 = tpu.memref_slice %arg4[%add3A_579, %dma_start3A_600] : memref<2560x128xi32, #tpu.memory_space<hbm>> -> memref<8x128xi32, #tpu.memory_space<hbm>>
          %dma_start3A_602 = arith.constant 0 : i32
          %dma_start3A_603 = arith.constant 0 : i32
          %dma_start3A_604 = tpu.memref_slice %arg7[%sub3A_595, %dma_start3A_602, %dma_start3A_603] : memref<2x8x128xi32, #tpu.memory_space<vmem>> -> memref<1x8x128xi32, #tpu.memory_space<vmem>>
          %dma_start3A_605 = tpu.memref_squeeze %dma_start3A_604 : memref<1x8x128xi32, #tpu.memory_space<vmem>> -> memref<8x128xi32, #tpu.memory_space<vmem>>
          %dma_start3A_606 = arith.constant 0 : i32
          %dma_start3A_607 = tpu.memref_slice %arg4[%add3A_579, %dma_start3A_606] : memref<2560x128xi32, #tpu.memory_space<hbm>> -> memref<8x128xi32, #tpu.memory_space<hbm>>
          tpu.enqueue_dma source(%dma_start3A_607 : memref<8x128xi32, #tpu.memory_space<hbm>>) target(%dma_start3A_605 : memref<8x128xi32, #tpu.memory_space<vmem>>) target_semaphore(%arg13 : memref<!tpu.dma_semaphore, #tpu.memory_space<semaphore_mem>>)
        } else {
        }
        %dma_start3A_563 = arith.constant 0 : i32
        %dma_start3A_564 = arith.constant 0 : i32
        %dma_start3A_565 = arith.constant 0 : i32
        %dma_start3A_566 = arith.constant 0 : i32
        %dma_start3A_567 = tpu.memref_slice %arg8[%dma_start3A_564, %dma_start3A_565, %dma_start3A_566] : memref<2x128x128xf32, #tpu.memory_space<vmem>> -> memref<1x128x128xf32, #tpu.memory_space<vmem>>
        %dma_start3A_568 = tpu.memref_squeeze %dma_start3A_567 : memref<1x128x128xf32, #tpu.memory_space<vmem>> -> memref<128x128xf32, #tpu.memory_space<vmem>>
        %dma_start3A_569 = arith.constant 0 : i32
        %dma_start3A_570 = tpu.memref_slice %arg6[%sub3A_526, %dma_start3A_563, %dma_start3A_569] : memref<2x8x128xi32, #tpu.memory_space<vmem>> -> memref<1x1x128xi32, #tpu.memory_space<vmem>>
        %dma_start3A_571 = tpu.memref_squeeze %dma_start3A_570 : memref<1x1x128xi32, #tpu.memory_space<vmem>> -> memref<128xi32, #tpu.memory_space<vmem>>
        %dma_start3A_572 = arith.constant 0 : i32
        %dma_start3A_573 = arith.constant 0 : i32
        %dma_start3A_574 = tpu.memref_slice %arg2[%dma_start3A_572, %dma_start3A_573] : memref<10000x128xf32, #tpu.memory_space<hbm>> -> memref<10000x128xf32, #tpu.memory_space<hbm>>
        tpu.enqueue_indirect_dma source(%dma_start3A_574 : memref<10000x128xf32, #tpu.memory_space<hbm>>) target(%dma_start3A_568 : memref<128x128xf32, #tpu.memory_space<vmem>>) offsets(%dma_start3A_571 : memref<128xi32, #tpu.memory_space<vmem>>) semaphore(%arg10 : memref<!tpu.dma_semaphore, #tpu.memory_space<semaphore_mem>>)
      } else {
      }
    }
    %scan3A_108 = arith.constant 10 : i32
    %dma_wait3A_109 = arith.constant 1 : i32
    %dma_wait3A_110 = arith.constant 0 : i32
    %dma_wait3A_111 = arith.constant 0 : i32
    %dma_wait3A_112 = arith.constant 0 : i32
    %dma_wait3A_113 = arith.constant 0 : i32
    %dma_wait3A_114 = tpu.memref_slice %arg8[%dma_wait3A_109, %dma_wait3A_112, %dma_wait3A_113] : memref<2x128x128xf32, #tpu.memory_space<vmem>> -> memref<1x128x128xf32, #tpu.memory_space<vmem>>
    %dma_wait3A_115 = tpu.memref_squeeze %dma_wait3A_114 : memref<1x128x128xf32, #tpu.memory_space<vmem>> -> memref<128x128xf32, #tpu.memory_space<vmem>>
    %dma_wait3A_116 = arith.constant 0 : i32
    %dma_wait3A_117 = tpu.memref_slice %arg7[%dma_wait3A_110, %dma_wait3A_111, %dma_wait3A_116] : memref<2x8x128xi32, #tpu.memory_space<vmem>> -> memref<1x1x128xi32, #tpu.memory_space<vmem>>
    %dma_wait3A_118 = tpu.memref_squeeze %dma_wait3A_117 : memref<1x1x128xi32, #tpu.memory_space<vmem>> -> memref<128xi32, #tpu.memory_space<vmem>>
    %dma_wait3A_119 = arith.constant 0 : i32
    %dma_wait3A_120 = arith.constant 0 : i32
    %dma_wait3A_121 = tpu.memref_slice %arg9[%dma_wait3A_119, %dma_wait3A_120] : memref<10064x128xf32, #tpu.memory_space<vmem_shared>> -> memref<10064x128xf32, #tpu.memory_space<vmem_shared>>
    tpu.wait_indirect_dma semaphore(%arg12 : memref<!tpu.dma_semaphore, #tpu.memory_space<semaphore_mem>>) src(%dma_wait3A_115 : memref<128x128xf32, #tpu.memory_space<vmem>>) dst(%dma_wait3A_121 : memref<10064x128xf32, #tpu.memory_space<vmem_shared>>)
    %barrier3A_122 = arith.constant 0 : index
    tpu.barrier barrier_id(%barrier3A_122)
    "tpu.region"() ({
      %run_scoped3A = tpu.sem_alloc : memref<!tpu.dma_semaphore, #tpu.memory_space<semaphore_mem>>
      %dma_start3A_128 = arith.constant 0 : i32
      %dma_start3A_129 = tpu.memref_slice %arg5[%arg0, %mul3A_2, %dma_start3A_128] : memref<2x10064x128xf32, #tpu.memory_space<hbm>> -> memref<1x624x128xf32, #tpu.memory_space<hbm>>
      %dma_start3A_130 = tpu.memref_squeeze %dma_start3A_129 : memref<1x624x128xf32, #tpu.memory_space<hbm>> -> memref<624x128xf32, #tpu.memory_space<hbm>>
      %dma_start3A_131 = arith.constant 0 : i32
      %dma_start3A_132 = tpu.memref_slice %arg9[%mul3A_2, %dma_start3A_131] : memref<10064x128xf32, #tpu.memory_space<vmem_shared>> -> memref<624x128xf32, #tpu.memory_space<vmem_shared>>
      tpu.enqueue_dma source(%dma_start3A_132 : memref<624x128xf32, #tpu.memory_space<vmem_shared>>) target(%dma_start3A_130 : memref<624x128xf32, #tpu.memory_space<hbm>>) target_semaphore(%run_scoped3A : memref<!tpu.dma_semaphore, #tpu.memory_space<semaphore_mem>>)
      %dma_wait3A_133 = arith.constant 0 : i32
      %dma_wait3A_134 = tpu.memref_slice %arg5[%arg0, %mul3A_2, %dma_wait3A_133] : memref<2x10064x128xf32, #tpu.memory_space<hbm>> -> memref<1x624x128xf32, #tpu.memory_space<hbm>>
      %dma_wait3A_135 = tpu.memref_squeeze %dma_wait3A_134 : memref<1x624x128xf32, #tpu.memory_space<hbm>> -> memref<624x128xf32, #tpu.memory_space<hbm>>
      %dma_wait3A_136 = arith.constant 0 : i32
      %dma_wait3A_137 = tpu.memref_slice %arg9[%mul3A_2, %dma_wait3A_136] : memref<10064x128xf32, #tpu.memory_space<vmem_shared>> -> memref<624x128xf32, #tpu.memory_space<vmem_shared>>
      tpu.wait_dma2 semaphore(%run_scoped3A : memref<!tpu.dma_semaphore, #tpu.memory_space<semaphore_mem>>) src(%dma_wait3A_137 : memref<624x128xf32, #tpu.memory_space<vmem_shared>>) dst(%dma_wait3A_135 : memref<624x128xf32, #tpu.memory_space<hbm>>)
      tpu.yield
    }) : () -> ()
    %eq3A_123 = arith.constant 15 : i32
    %eq3A_124 = arith.cmpi eq, %arg1, %eq3A_123 : i32
    %convert_element_type3A_125 = arith.extui %eq3A_124 : i1 to i32
    %cond3A_126 = arith.constant 0 : i32
    %cond3A_127 = arith.cmpi ne, %convert_element_type3A_125, %cond3A_126 : i32
    scf.if %cond3A_127 {
      "tpu.region"() ({
        %run_scoped3A = tpu.sem_alloc : memref<!tpu.dma_semaphore, #tpu.memory_space<semaphore_mem>>
        %dma_start3A_128 = arith.constant 9984 : i32
        %dma_start3A_129 = arith.constant 0 : i32
        %dma_start3A_130 = tpu.memref_slice %arg5[%arg0, %dma_start3A_128, %dma_start3A_129] : memref<2x10064x128xf32, #tpu.memory_space<hbm>> -> memref<1x16x128xf32, #tpu.memory_space<hbm>>
        %dma_start3A_131 = tpu.memref_squeeze %dma_start3A_130 : memref<1x16x128xf32, #tpu.memory_space<hbm>> -> memref<16x128xf32, #tpu.memory_space<hbm>>
        %dma_start3A_132 = arith.constant 9984 : i32
        %dma_start3A_133 = arith.constant 0 : i32
        %dma_start3A_134 = tpu.memref_slice %arg9[%dma_start3A_132, %dma_start3A_133] : memref<10064x128xf32, #tpu.memory_space<vmem_shared>> -> memref<16x128xf32, #tpu.memory_space<vmem_shared>>
        tpu.enqueue_dma source(%dma_start3A_134 : memref<16x128xf32, #tpu.memory_space<vmem_shared>>) target(%dma_start3A_131 : memref<16x128xf32, #tpu.memory_space<hbm>>) target_semaphore(%run_scoped3A : memref<!tpu.dma_semaphore, #tpu.memory_space<semaphore_mem>>)
        %dma_wait3A_135 = arith.constant 9984 : i32
        %dma_wait3A_136 = arith.constant 0 : i32
        %dma_wait3A_137 = tpu.memref_slice %arg5[%arg0, %dma_wait3A_135, %dma_wait3A_136] : memref<2x10064x128xf32, #tpu.memory_space<hbm>> -> memref<1x16x128xf32, #tpu.memory_space<hbm>>
        %dma_wait3A_138 = tpu.memref_squeeze %dma_wait3A_137 : memref<1x16x128xf32, #tpu.memory_space<hbm>> -> memref<16x128xf32, #tpu.memory_space<hbm>>
        %dma_wait3A_139 = arith.constant 9984 : i32
        %dma_wait3A_140 = arith.constant 0 : i32
        %dma_wait3A_141 = tpu.memref_slice %arg9[%dma_wait3A_139, %dma_wait3A_140] : memref<10064x128xf32, #tpu.memory_space<vmem_shared>> -> memref<16x128xf32, #tpu.memory_space<vmem_shared>>
        tpu.wait_dma2 semaphore(%run_scoped3A : memref<!tpu.dma_semaphore, #tpu.memory_space<semaphore_mem>>) src(%dma_wait3A_141 : memref<16x128xf32, #tpu.memory_space<vmem_shared>>) dst(%dma_wait3A_138 : memref<16x128xf32, #tpu.memory_space<hbm>>)
        tpu.yield
      }) : () -> ()
    } else {
    }
    return
  }
}

#map = affine_map<(d0, d1) -> (0)>
#map1 = affine_map<(d0, d1) -> (0, 0)>
module attributes {stable_mosaic.version = 14 : i64} {
  func.func @_deg_kernel(%arg0: i32, %arg1: i32, %arg2: memref<320000xi32, #tpu.memory_space<hbm>>, %arg3: memref<32x10000xf32, #tpu.memory_space<hbm>>, %arg4: memref<10000xf32, #tpu.memory_space<vmem>>, %arg5: memref<10000xi32, #tpu.memory_space<vmem>>) attributes {dimension_semantics = [#tpu.dimension_semantics<core_parallel>, #tpu.dimension_semantics<subcore_parallel>], iteration_bounds = array<i64: 2, 16>, scalar_prefetch = 0 : i64, scratch_operands = 2 : i64, tpu.core_type = #tpu.core_type<sc_vector_subcore>, window_params = [{transform_indices = #map}, {transform_indices = #map1}]} {
    %mul3A = arith.constant 2 : i32
    %mul3A_0 = arith.muli %arg1, %mul3A : i32
    %add3A = arith.addi %mul3A_0, %arg0 : i32
    %broadcast_in_dim3A = arith.constant 0.000000e+00 : f32
    %broadcast_in_dim3A_1 = vector.broadcast %broadcast_in_dim3A : f32 to vector<16xf32>
    %scan3A = arith.constant 0 : i32
    %scan3A_2 = arith.constant 0 : i32
    %scan3A_3 = arith.constant 625 : i32
    %scan3A_4 = arith.addi %scan3A_2, %scan3A_3 : i32
    %scan3A_5 = arith.constant 1 : i32
    scf.for %scan3A_17 = %scan3A_2 to %scan3A_4 step %scan3A_5  : i32 {
      %mul3A_18 = arith.constant 16 : i32
      %mul3A_19 = arith.muli %scan3A_17, %mul3A_18 : i32
      %swap3A = arith.index_cast %mul3A_19 : i32 to index
      %swap3A_20 = tpu.vector_load %arg4[%swap3A] {strides = array<i32>} : memref<10000xf32, #tpu.memory_space<vmem>>, vector<16xf32>,
      tpu.vector_store %arg4[%swap3A], %broadcast_in_dim3A_1 {strides = array<i32>} : memref<10000xf32, #tpu.memory_space<vmem>>, vector<16xf32>,
    }
    %scan3A_6 = arith.constant 625 : i32
    %mul3A_7 = arith.constant 10000 : i32
    %mul3A_8 = arith.muli %add3A, %mul3A_7 : i32
    "tpu.region"() ({
      %run_scoped3A = tpu.sem_alloc : memref<!tpu.dma_semaphore, #tpu.memory_space<semaphore_mem>>
      %dma_start3A = tpu.memref_slice %arg2[%mul3A_8] : memref<320000xi32, #tpu.memory_space<hbm>> -> memref<10000xi32, #tpu.memory_space<hbm>>
      %dma_start3A_17 = tpu.memref_slice %arg2[%mul3A_8] : memref<320000xi32, #tpu.memory_space<hbm>> -> memref<10000xi32, #tpu.memory_space<hbm>>
      tpu.enqueue_dma source(%dma_start3A_17 : memref<10000xi32, #tpu.memory_space<hbm>>) target(%arg5 : memref<10000xi32, #tpu.memory_space<vmem>>) target_semaphore(%run_scoped3A : memref<!tpu.dma_semaphore, #tpu.memory_space<semaphore_mem>>)
      %dma_wait3A = tpu.memref_slice %arg2[%mul3A_8] : memref<320000xi32, #tpu.memory_space<hbm>> -> memref<10000xi32, #tpu.memory_space<hbm>>
      %dma_wait3A_18 = tpu.memref_slice %arg2[%mul3A_8] : memref<320000xi32, #tpu.memory_space<hbm>> -> memref<10000xi32, #tpu.memory_space<hbm>>
      tpu.wait_dma2 semaphore(%run_scoped3A : memref<!tpu.dma_semaphore, #tpu.memory_space<semaphore_mem>>) src(%dma_wait3A_18 : memref<10000xi32, #tpu.memory_space<hbm>>) dst(%arg5 : memref<10000xi32, #tpu.memory_space<vmem>>)
      tpu.yield
    }) : () -> ()
    %broadcast_in_dim3A_9 = arith.constant 1.000000e+00 : f32
    %broadcast_in_dim3A_10 = vector.broadcast %broadcast_in_dim3A_9 : f32 to vector<16xf32>
    %scan3A_11 = arith.constant 0 : i32
    %scan3A_12 = arith.constant 0 : i32
    %scan3A_13 = arith.constant 625 : i32
    %scan3A_14 = arith.addi %scan3A_12, %scan3A_13 : i32
    %scan3A_15 = arith.constant 1 : i32
    scf.for %scan3A_17 = %scan3A_12 to %scan3A_14 step %scan3A_15  : i32 {
      %mul3A_18 = arith.constant 16 : i32
      %mul3A_19 = arith.muli %scan3A_17, %mul3A_18 : i32
      %get3A = arith.index_cast %mul3A_19 : i32 to index
      %get3A_20 = tpu.vector_load %arg5[%get3A] {strides = array<i32>} : memref<10000xi32, #tpu.memory_space<vmem>>, vector<16xi32>,
      tpu.vector_store_idx %arg4[%get3A_20], %broadcast_in_dim3A_10 {add = true} : memref<10000xf32, #tpu.memory_space<vmem>>[vector<16xi32>], vector<16xf32>,
    }
    %scan3A_16 = arith.constant 625 : i32
    "tpu.region"() ({
      %run_scoped3A = tpu.sem_alloc : memref<!tpu.dma_semaphore, #tpu.memory_space<semaphore_mem>>
      %dma_start3A = arith.constant 0 : i32
      %dma_start3A_17 = tpu.memref_slice %arg3[%add3A, %dma_start3A] : memref<32x10000xf32, #tpu.memory_space<hbm>> -> memref<1x10000xf32, #tpu.memory_space<hbm>>
      %dma_start3A_18 = tpu.memref_squeeze %dma_start3A_17 : memref<1x10000xf32, #tpu.memory_space<hbm>> -> memref<10000xf32, #tpu.memory_space<hbm>>
      %dma_start3A_19 = arith.constant 0 : i32
      %dma_start3A_20 = tpu.memref_slice %arg3[%add3A, %dma_start3A_19] : memref<32x10000xf32, #tpu.memory_space<hbm>> -> memref<1x10000xf32, #tpu.memory_space<hbm>>
      %dma_start3A_21 = tpu.memref_squeeze %dma_start3A_20 : memref<1x10000xf32, #tpu.memory_space<hbm>> -> memref<10000xf32, #tpu.memory_space<hbm>>
      tpu.enqueue_dma source(%arg4 : memref<10000xf32, #tpu.memory_space<vmem>>) target(%dma_start3A_21 : memref<10000xf32, #tpu.memory_space<hbm>>) target_semaphore(%run_scoped3A : memref<!tpu.dma_semaphore, #tpu.memory_space<semaphore_mem>>)
      %dma_wait3A = arith.constant 0 : i32
      %dma_wait3A_22 = tpu.memref_slice %arg3[%add3A, %dma_wait3A] : memref<32x10000xf32, #tpu.memory_space<hbm>> -> memref<1x10000xf32, #tpu.memory_space<hbm>>
      %dma_wait3A_23 = tpu.memref_squeeze %dma_wait3A_22 : memref<1x10000xf32, #tpu.memory_space<hbm>> -> memref<10000xf32, #tpu.memory_space<hbm>>
      %dma_wait3A_24 = arith.constant 0 : i32
      %dma_wait3A_25 = tpu.memref_slice %arg3[%add3A, %dma_wait3A_24] : memref<32x10000xf32, #tpu.memory_space<hbm>> -> memref<1x10000xf32, #tpu.memory_space<hbm>>
      %dma_wait3A_26 = tpu.memref_squeeze %dma_wait3A_25 : memref<1x10000xf32, #tpu.memory_space<hbm>> -> memref<10000xf32, #tpu.memory_space<hbm>>
      tpu.wait_dma2 semaphore(%run_scoped3A : memref<!tpu.dma_semaphore, #tpu.memory_space<semaphore_mem>>) src(%arg4 : memref<10000xf32, #tpu.memory_space<vmem>>) dst(%dma_wait3A_26 : memref<10000xf32, #tpu.memory_space<hbm>>)
      tpu.yield
    }) : () -> ()
    return
  }
}

#map = affine_map<(d0, d1) -> (0, 0)>
#map1 = affine_map<(d0, d1) -> (0, 0, 0)>
module attributes {stable_mosaic.version = 14 : i64} {
  func.func @_agg_kernel(%arg0: i32, %arg1: i32, %arg2: memref<10000x128xf32, #tpu.memory_space<hbm>>, %arg3: memref<2560x128xi32, #tpu.memory_space<hbm>>, %arg4: memref<2560x128xi32, #tpu.memory_space<hbm>>, %arg5: memref<2x10064x128xf32, #tpu.memory_space<hbm>>, %arg6: memref<2x8x128xi32, #tpu.memory_space<vmem>>, %arg7: memref<2x8x128xi32, #tpu.memory_space<vmem>>, %arg8: memref<2x128x128xf32, #tpu.memory_space<vmem>>, %arg9: memref<10064x128xf32, #tpu.memory_space<vmem_shared>>, %arg10: memref<!tpu.dma_semaphore, #tpu.memory_space<semaphore_mem>>, %arg11: memref<!tpu.dma_semaphore, #tpu.memory_space<semaphore_mem>>, %arg12: memref<!tpu.dma_semaphore, #tpu.memory_space<semaphore_mem>>, %arg13: memref<!tpu.dma_semaphore, #tpu.memory_space<semaphore_mem>>) attributes {dimension_semantics = [#tpu.dimension_semantics<core_parallel>, #tpu.dimension_semantics<subcore_parallel>], iteration_bounds = array<i64: 2, 16>, scalar_prefetch = 0 : i64, scratch_operands = 8 : i64, tpu.core_type = #tpu.core_type<sc_vector_subcore>, window_params = [{transform_indices = #map}, {transform_indices = #map}, {transform_indices = #map}, {transform_indices = #map1}]} {
    %mul3A = arith.constant 2 : i32
    %mul3A_0 = arith.muli %arg1, %mul3A : i32
    %add3A = arith.addi %mul3A_0, %arg0 : i32
    %mul3A_1 = arith.constant 624 : i32
    %mul3A_2 = arith.muli %arg1, %mul3A_1 : i32
    %mul3A_3 = arith.constant 80 : i32
    %mul3A_4 = arith.muli %add3A, %mul3A_3 : i32
    %dma_start3A = arith.constant 0 : i32
    %dma_start3A_5 = arith.constant 0 : i32
    %dma_start3A_6 = arith.constant 0 : i32
    %dma_start3A_7 = tpu.memref_slice %arg6[%dma_start3A, %dma_start3A_5, %dma_start3A_6] : memref<2x8x128xi32, #tpu.memory_space<vmem>> -> memref<1x8x128xi32, #tpu.memory_space<vmem>>
    %dma_start3A_8 = tpu.memref_squeeze %dma_start3A_7 : memref<1x8x128xi32, #tpu.memory_space<vmem>> -> memref<8x128xi32, #tpu.memory_space<vmem>>
    %dma_start3A_9 = arith.constant 0 : i32
    %dma_start3A_10 = tpu.memref_slice %arg3[%mul3A_4, %dma_start3A_9] : memref<2560x128xi32, #tpu.memory_space<hbm>> -> memref<8x128xi32, #tpu.memory_space<hbm>>
    %dma_start3A_11 = arith.constant 0 : i32
    %dma_start3A_12 = arith.constant 0 : i32
    %dma_start3A_13 = tpu.memref_slice %arg6[%dma_start3A, %dma_start3A_11, %dma_start3A_12] : memref<2x8x128xi32, #tpu.memory_space<vmem>> -> memref<1x8x128xi32, #tpu.memory_space<vmem>>
    %dma_start3A_14 = tpu.memref_squeeze %dma_start3A_13 : memref<1x8x128xi32, #tpu.memory_space<vmem>> -> memref<8x128xi32, #tpu.memory_space<vmem>>
    %dma_start3A_15 = arith.constant 0 : i32
    %dma_start3A_16 = tpu.memref_slice %arg3[%mul3A_4, %dma_start3A_15] : memref<2560x128xi32, #tpu.memory_space<hbm>> -> memref<8x128xi32, #tpu.memory_space<hbm>>
    tpu.enqueue_dma source(%dma_start3A_16 : memref<8x128xi32, #tpu.memory_space<hbm>>) target(%dma_start3A_14 : memref<8x128xi32, #tpu.memory_space<vmem>>) target_semaphore(%arg13 : memref<!tpu.dma_semaphore, #tpu.memory_space<semaphore_mem>>)
    %dma_start3A_17 = arith.constant 0 : i32
    %dma_start3A_18 = arith.constant 0 : i32
    %dma_start3A_19 = arith.constant 0 : i32
    %dma_start3A_20 = tpu.memref_slice %arg7[%dma_start3A_17, %dma_start3A_18, %dma_start3A_19] : memref<2x8x128xi32, #tpu.memory_space<vmem>> -> memref<1x8x128xi32, #tpu.memory_space<vmem>>
    %dma_start3A_21 = tpu.memref_squeeze %dma_start3A_20 : memref<1x8x128xi32, #tpu.memory_space<vmem>> -> memref<8x128xi32, #tpu.memory_space<vmem>>
    %dma_start3A_22 = arith.constant 0 : i32
    %dma_start3A_23 = tpu.memref_slice %arg4[%mul3A_4, %dma_start3A_22] : memref<2560x128xi32, #tpu.memory_space<hbm>> -> memref<8x128xi32, #tpu.memory_space<hbm>>
    %dma_start3A_24 = arith.constant 0 : i32
    %dma_start3A_25 = arith.constant 0 : i32
    %dma_start3A_26 = tpu.memref_slice %arg7[%dma_start3A_17, %dma_start3A_24, %dma_start3A_25] : memref<2x8x128xi32, #tpu.memory_space<vmem>> -> memref<1x8x128xi32, #tpu.memory_space<vmem>>
    %dma_start3A_27 = tpu.memref_squeeze %dma_start3A_26 : memref<1x8x128xi32, #tpu.memory_space<vmem>> -> memref<8x128xi32, #tpu.memory_space<vmem>>
    %dma_start3A_28 = arith.constant 0 : i32
    %dma_start3A_29 = tpu.memref_slice %arg4[%mul3A_4, %dma_start3A_28] : memref<2560x128xi32, #tpu.memory_space<hbm>> -> memref<8x128xi32, #tpu.memory_space<hbm>>
    tpu.enqueue_dma source(%dma_start3A_29 : memref<8x128xi32, #tpu.memory_space<hbm>>) target(%dma_start3A_27 : memref<8x128xi32, #tpu.memory_space<vmem>>) target_semaphore(%arg13 : memref<!tpu.dma_semaphore, #tpu.memory_space<semaphore_mem>>)
    %add3A_30 = arith.constant 8 : i32
    %add3A_31 = arith.addi %mul3A_4, %add3A_30 : i32
    %dma_start3A_32 = arith.constant 1 : i32
    %dma_start3A_33 = arith.constant 0 : i32
    %dma_start3A_34 = arith.constant 0 : i32
    %dma_start3A_35 = tpu.memref_slice %arg6[%dma_start3A_32, %dma_start3A_33, %dma_start3A_34] : memref<2x8x128xi32, #tpu.memory_space<vmem>> -> memref<1x8x128xi32, #tpu.memory_space<vmem>>
    %dma_start3A_36 = tpu.memref_squeeze %dma_start3A_35 : memref<1x8x128xi32, #tpu.memory_space<vmem>> -> memref<8x128xi32, #tpu.memory_space<vmem>>
    %dma_start3A_37 = arith.constant 0 : i32
    %dma_start3A_38 = tpu.memref_slice %arg3[%add3A_31, %dma_start3A_37] : memref<2560x128xi32, #tpu.memory_space<hbm>> -> memref<8x128xi32, #tpu.memory_space<hbm>>
    %dma_start3A_39 = arith.constant 0 : i32
    %dma_start3A_40 = arith.constant 0 : i32
    %dma_start3A_41 = tpu.memref_slice %arg6[%dma_start3A_32, %dma_start3A_39, %dma_start3A_40] : memref<2x8x128xi32, #tpu.memory_space<vmem>> -> memref<1x8x128xi32, #tpu.memory_space<vmem>>
    %dma_start3A_42 = tpu.memref_squeeze %dma_start3A_41 : memref<1x8x128xi32, #tpu.memory_space<vmem>> -> memref<8x128xi32, #tpu.memory_space<vmem>>
    %dma_start3A_43 = arith.constant 0 : i32
    %dma_start3A_44 = tpu.memref_slice %arg3[%add3A_31, %dma_start3A_43] : memref<2560x128xi32, #tpu.memory_space<hbm>> -> memref<8x128xi32, #tpu.memory_space<hbm>>
    tpu.enqueue_dma source(%dma_start3A_44 : memref<8x128xi32, #tpu.memory_space<hbm>>) target(%dma_start3A_42 : memref<8x128xi32, #tpu.memory_space<vmem>>) target_semaphore(%arg13 : memref<!tpu.dma_semaphore, #tpu.memory_space<semaphore_mem>>)
    %add3A_45 = arith.constant 8 : i32
    %add3A_46 = arith.addi %mul3A_4, %add3A_45 : i32
    %dma_start3A_47 = arith.constant 1 : i32
    %dma_start3A_48 = arith.constant 0 : i32
    %dma_start3A_49 = arith.constant 0 : i32
    %dma_start3A_50 = tpu.memref_slice %arg7[%dma_start3A_47, %dma_start3A_48, %dma_start3A_49] : memref<2x8x128xi32, #tpu.memory_space<vmem>> -> memref<1x8x128xi32, #tpu.memory_space<vmem>>
    %dma_start3A_51 = tpu.memref_squeeze %dma_start3A_50 : memref<1x8x128xi32, #tpu.memory_space<vmem>> -> memref<8x128xi32, #tpu.memory_space<vmem>>
    %dma_start3A_52 = arith.constant 0 : i32
    %dma_start3A_53 = tpu.memref_slice %arg4[%add3A_46, %dma_start3A_52] : memref<2560x128xi32, #tpu.memory_space<hbm>> -> memref<8x128xi32, #tpu.memory_space<hbm>>
    %dma_start3A_54 = arith.constant 0 : i32
    %dma_start3A_55 = arith.constant 0 : i32
    %dma_start3A_56 = tpu.memref_slice %arg7[%dma_start3A_47, %dma_start3A_54, %dma_start3A_55] : memref<2x8x128xi32, #tpu.memory_space<vmem>> -> memref<1x8x128xi32, #tpu.memory_space<vmem>>
    %dma_start3A_57 = tpu.memref_squeeze %dma_start3A_56 : memref<1x8x128xi32, #tpu.memory_space<vmem>> -> memref<8x128xi32, #tpu.memory_space<vmem>>
    %dma_start3A_58 = arith.constant 0 : i32
    %dma_start3A_59 = tpu.memref_slice %arg4[%add3A_46, %dma_start3A_58] : memref<2560x128xi32, #tpu.memory_space<hbm>> -> memref<8x128xi32, #tpu.memory_space<hbm>>
    tpu.enqueue_dma source(%dma_start3A_59 : memref<8x128xi32, #tpu.memory_space<hbm>>) target(%dma_start3A_57 : memref<8x128xi32, #tpu.memory_space<vmem>>) target_semaphore(%arg13 : memref<!tpu.dma_semaphore, #tpu.memory_space<semaphore_mem>>)
    %eq3A = arith.constant 0 : i32
    %eq3A_60 = arith.cmpi eq, %arg0, %eq3A : i32
    %convert_element_type3A = arith.extui %eq3A_60 : i1 to i32
    %cond3A = arith.constant 0 : i32
    %cond3A_61 = arith.cmpi ne, %convert_element_type3A, %cond3A : i32
    scf.if %cond3A_61 {
      "tpu.region"() ({
        %run_scoped3A = tpu.sem_alloc : memref<!tpu.dma_semaphore, #tpu.memory_space<semaphore_mem>>
        %dma_start3A_133 = arith.constant 0 : i32
        %dma_start3A_134 = tpu.memref_slice %arg9[%mul3A_2, %dma_start3A_133] : memref<10064x128xf32, #tpu.memory_space<vmem_shared>> -> memref<624x128xf32, #tpu.memory_space<vmem_shared>>
        %dma_start3A_135 = arith.constant 0 : i32
        %dma_start3A_136 = tpu.memref_slice %arg2[%mul3A_2, %dma_start3A_135] : memref<10000x128xf32, #tpu.memory_space<hbm>> -> memref<624x128xf32, #tpu.memory_space<hbm>>
        tpu.enqueue_dma source(%dma_start3A_136 : memref<624x128xf32, #tpu.memory_space<hbm>>) target(%dma_start3A_134 : memref<624x128xf32, #tpu.memory_space<vmem_shared>>) target_semaphore(%run_scoped3A : memref<!tpu.dma_semaphore, #tpu.memory_space<semaphore_mem>>)
        %dma_wait3A_137 = arith.constant 0 : i32
        %dma_wait3A_138 = tpu.memref_slice %arg9[%mul3A_2, %dma_wait3A_137] : memref<10064x128xf32, #tpu.memory_space<vmem_shared>> -> memref<624x128xf32, #tpu.memory_space<vmem_shared>>
        %dma_wait3A_139 = arith.constant 0 : i32
        %dma_wait3A_140 = tpu.memref_slice %arg2[%mul3A_2, %dma_wait3A_139] : memref<10000x128xf32, #tpu.memory_space<hbm>> -> memref<624x128xf32, #tpu.memory_space<hbm>>
        tpu.wait_dma2 semaphore(%run_scoped3A : memref<!tpu.dma_semaphore, #tpu.memory_space<semaphore_mem>>) src(%dma_wait3A_140 : memref<624x128xf32, #tpu.memory_space<hbm>>) dst(%dma_wait3A_138 : memref<624x128xf32, #tpu.memory_space<vmem_shared>>)
        tpu.yield
      }) : () -> ()
      %eq3A_128 = arith.constant 15 : i32
      %eq3A_129 = arith.cmpi eq, %arg1, %eq3A_128 : i32
      %convert_element_type3A_130 = arith.extui %eq3A_129 : i1 to i32
      %cond3A_131 = arith.constant 0 : i32
      %cond3A_132 = arith.cmpi ne, %convert_element_type3A_130, %cond3A_131 : i32
      scf.if %cond3A_132 {
        "tpu.region"() ({
          %run_scoped3A = tpu.sem_alloc : memref<!tpu.dma_semaphore, #tpu.memory_space<semaphore_mem>>
          %dma_start3A_133 = arith.constant 9984 : i32
          %dma_start3A_134 = arith.constant 0 : i32
          %dma_start3A_135 = tpu.memref_slice %arg9[%dma_start3A_133, %dma_start3A_134] : memref<10064x128xf32, #tpu.memory_space<vmem_shared>> -> memref<16x128xf32, #tpu.memory_space<vmem_shared>>
          %dma_start3A_136 = arith.constant 9984 : i32
          %dma_start3A_137 = arith.constant 0 : i32
          %dma_start3A_138 = tpu.memref_slice %arg2[%dma_start3A_136, %dma_start3A_137] : memref<10000x128xf32, #tpu.memory_space<hbm>> -> memref<16x128xf32, #tpu.memory_space<hbm>>
          tpu.enqueue_dma source(%dma_start3A_138 : memref<16x128xf32, #tpu.memory_space<hbm>>) target(%dma_start3A_135 : memref<16x128xf32, #tpu.memory_space<vmem_shared>>) target_semaphore(%run_scoped3A : memref<!tpu.dma_semaphore, #tpu.memory_space<semaphore_mem>>)
          %dma_wait3A_139 = arith.constant 9984 : i32
          %dma_wait3A_140 = arith.constant 0 : i32
          %dma_wait3A_141 = tpu.memref_slice %arg9[%dma_wait3A_139, %dma_wait3A_140] : memref<10064x128xf32, #tpu.memory_space<vmem_shared>> -> memref<16x128xf32, #tpu.memory_space<vmem_shared>>
          %dma_wait3A_142 = arith.constant 9984 : i32
          %dma_wait3A_143 = arith.constant 0 : i32
          %dma_wait3A_144 = tpu.memref_slice %arg2[%dma_wait3A_142, %dma_wait3A_143] : memref<10000x128xf32, #tpu.memory_space<hbm>> -> memref<16x128xf32, #tpu.memory_space<hbm>>
          tpu.wait_dma2 semaphore(%run_scoped3A : memref<!tpu.dma_semaphore, #tpu.memory_space<semaphore_mem>>) src(%dma_wait3A_144 : memref<16x128xf32, #tpu.memory_space<hbm>>) dst(%dma_wait3A_141 : memref<16x128xf32, #tpu.memory_space<vmem_shared>>)
          tpu.yield
        }) : () -> ()
      } else {
      }
    } else {
    }
    %ne3A = arith.constant 0 : i32
    %ne3A_62 = arith.cmpi ne, %arg0, %ne3A : i32
    %convert_element_type3A_63 = arith.extui %ne3A_62 : i1 to i32
    %cond3A_64 = arith.constant 0 : i32
    %cond3A_65 = arith.cmpi ne, %convert_element_type3A_63, %cond3A_64 : i32
    scf.if %cond3A_65 {
      %broadcast_in_dim3A = arith.constant 0.000000e+00 : f32
      %broadcast_in_dim3A_128 = vector.broadcast %broadcast_in_dim3A : f32 to vector<16xf32>
      %scan3A_129 = arith.constant 0 : i32
      %scan3A_130 = arith.constant 0 : i32
      %scan3A_131 = arith.constant 128 : i32
      %scan3A_132 = arith.addi %scan3A_130, %scan3A_131 : i32
      %scan3A_133 = arith.constant 1 : i32
      scf.for %scan3A_155 = %scan3A_130 to %scan3A_132 step %scan3A_133  : i32 {
        %swap3A = arith.constant 0 : i32
        %swap3A_156 = arith.index_cast %swap3A : i32 to index
        %swap3A_157 = arith.index_cast %scan3A_155 : i32 to index
        %swap3A_158 = arith.constant 0 : index
        %swap3A_159 = tpu.vector_load %arg8[%swap3A_156, %swap3A_157, %swap3A_158] {strides = array<i32>} : memref<2x128x128xf32, #tpu.memory_space<vmem>>, vector<16xf32>,
        tpu.vector_store %arg8[%swap3A_156, %swap3A_157, %swap3A_158], %broadcast_in_dim3A_128 {strides = array<i32>} : memref<2x128x128xf32, #tpu.memory_space<vmem>>, vector<16xf32>,
        %swap3A_160 = arith.constant 0 : i32
        %swap3A_161 = arith.index_cast %swap3A_160 : i32 to index
        %swap3A_162 = arith.index_cast %scan3A_155 : i32 to index
        %swap3A_163 = arith.constant 16 : index
        %swap3A_164 = tpu.vector_load %arg8[%swap3A_161, %swap3A_162, %swap3A_163] {strides = array<i32>} : memref<2x128x128xf32, #tpu.memory_space<vmem>>, vector<16xf32>,
        tpu.vector_store %arg8[%swap3A_161, %swap3A_162, %swap3A_163], %broadcast_in_dim3A_128 {strides = array<i32>} : memref<2x128x128xf32, #tpu.memory_space<vmem>>, vector<16xf32>,
        %swap3A_165 = arith.constant 0 : i32
        %swap3A_166 = arith.index_cast %swap3A_165 : i32 to index
        %swap3A_167 = arith.index_cast %scan3A_155 : i32 to index
        %swap3A_168 = arith.constant 32 : index
        %swap3A_169 = tpu.vector_load %arg8[%swap3A_166, %swap3A_167, %swap3A_168] {strides = array<i32>} : memref<2x128x128xf32, #tpu.memory_space<vmem>>, vector<16xf32>,
        tpu.vector_store %arg8[%swap3A_166, %swap3A_167, %swap3A_168], %broadcast_in_dim3A_128 {strides = array<i32>} : memref<2x128x128xf32, #tpu.memory_space<vmem>>, vector<16xf32>,
        %swap3A_170 = arith.constant 0 : i32
        %swap3A_171 = arith.index_cast %swap3A_170 : i32 to index
        %swap3A_172 = arith.index_cast %scan3A_155 : i32 to index
        %swap3A_173 = arith.constant 48 : index
        %swap3A_174 = tpu.vector_load %arg8[%swap3A_171, %swap3A_172, %swap3A_173] {strides = array<i32>} : memref<2x128x128xf32, #tpu.memory_space<vmem>>, vector<16xf32>,
        tpu.vector_store %arg8[%swap3A_171, %swap3A_172, %swap3A_173], %broadcast_in_dim3A_128 {strides = array<i32>} : memref<2x128x128xf32, #tpu.memory_space<vmem>>, vector<16xf32>,
        %swap3A_175 = arith.constant 0 : i32
        %swap3A_176 = arith.index_cast %swap3A_175 : i32 to index
        %swap3A_177 = arith.index_cast %scan3A_155 : i32 to index
        %swap3A_178 = arith.constant 64 : index
        %swap3A_179 = tpu.vector_load %arg8[%swap3A_176, %swap3A_177, %swap3A_178] {strides = array<i32>} : memref<2x128x128xf32, #tpu.memory_space<vmem>>, vector<16xf32>,
        tpu.vector_store %arg8[%swap3A_176, %swap3A_177, %swap3A_178], %broadcast_in_dim3A_128 {strides = array<i32>} : memref<2x128x128xf32, #tpu.memory_space<vmem>>, vector<16xf32>,
        %swap3A_180 = arith.constant 0 : i32
        %swap3A_181 = arith.index_cast %swap3A_180 : i32 to index
        %swap3A_182 = arith.index_cast %scan3A_155 : i32 to index
        %swap3A_183 = arith.constant 80 : index
        %swap3A_184 = tpu.vector_load %arg8[%swap3A_181, %swap3A_182, %swap3A_183] {strides = array<i32>} : memref<2x128x128xf32, #tpu.memory_space<vmem>>, vector<16xf32>,
        tpu.vector_store %arg8[%swap3A_181, %swap3A_182, %swap3A_183], %broadcast_in_dim3A_128 {strides = array<i32>} : memref<2x128x128xf32, #tpu.memory_space<vmem>>, vector<16xf32>,
        %swap3A_185 = arith.constant 0 : i32
        %swap3A_186 = arith.index_cast %swap3A_185 : i32 to index
        %swap3A_187 = arith.index_cast %scan3A_155 : i32 to index
        %swap3A_188 = arith.constant 96 : index
        %swap3A_189 = tpu.vector_load %arg8[%swap3A_186, %swap3A_187, %swap3A_188] {strides = array<i32>} : memref<2x128x128xf32, #tpu.memory_space<vmem>>, vector<16xf32>,
        tpu.vector_store %arg8[%swap3A_186, %swap3A_187, %swap3A_188], %broadcast_in_dim3A_128 {strides = array<i32>} : memref<2x128x128xf32, #tpu.memory_space<vmem>>, vector<16xf32>,
        %swap3A_190 = arith.constant 0 : i32
        %swap3A_191 = arith.index_cast %swap3A_190 : i32 to index
        %swap3A_192 = arith.index_cast %scan3A_155 : i32 to index
        %swap3A_193 = arith.constant 112 : index
        %swap3A_194 = tpu.vector_load %arg8[%swap3A_191, %swap3A_192, %swap3A_193] {strides = array<i32>} : memref<2x128x128xf32, #tpu.memory_space<vmem>>, vector<16xf32>,
        tpu.vector_store %arg8[%swap3A_191, %swap3A_192, %swap3A_193], %broadcast_in_dim3A_128 {strides = array<i32>} : memref<2x128x128xf32, #tpu.memory_space<vmem>>, vector<16xf32>,
      }
      %scan3A_134 = arith.constant 128 : i32
      %add3A_135 = arith.constant 0 : i32
      %add3A_136 = arith.addi %mul3A_2, %add3A_135 : i32
      %run_scoped3A = arith.constant 0 : i32
      "tpu.region"() ({
        %run_scoped3A_155 = tpu.sem_alloc : memref<!tpu.dma_semaphore, #tpu.memory_space<semaphore_mem>>
        %dma_start3A_156 = arith.constant 0 : i32
        %dma_start3A_157 = arith.constant 0 : i32
        %dma_start3A_158 = tpu.memref_slice %arg8[%run_scoped3A, %dma_start3A_156, %dma_start3A_157] : memref<2x128x128xf32, #tpu.memory_space<vmem>> -> memref<1x128x128xf32, #tpu.memory_space<vmem>>
        %dma_start3A_159 = tpu.memref_squeeze %dma_start3A_158 : memref<1x128x128xf32, #tpu.memory_space<vmem>> -> memref<128x128xf32, #tpu.memory_space<vmem>>
        %dma_start3A_160 = arith.constant 0 : i32
        %dma_start3A_161 = tpu.memref_slice %arg9[%add3A_136, %dma_start3A_160] : memref<10064x128xf32, #tpu.memory_space<vmem_shared>> -> memref<128x128xf32, #tpu.memory_space<vmem_shared>>
        %dma_start3A_162 = arith.constant 0 : i32
        %dma_start3A_163 = tpu.memref_slice %arg9[%add3A_136, %dma_start3A_162] : memref<10064x128xf32, #tpu.memory_space<vmem_shared>> -> memref<128x128xf32, #tpu.memory_space<vmem_shared>>
        %dma_start3A_164 = arith.constant 0 : i32
        %dma_start3A_165 = arith.constant 0 : i32
        %dma_start3A_166 = tpu.memref_slice %arg8[%run_scoped3A, %dma_start3A_164, %dma_start3A_165] : memref<2x128x128xf32, #tpu.memory_space<vmem>> -> memref<1x128x128xf32, #tpu.memory_space<vmem>>
        %dma_start3A_167 = tpu.memref_squeeze %dma_start3A_166 : memref<1x128x128xf32, #tpu.memory_space<vmem>> -> memref<128x128xf32, #tpu.memory_space<vmem>>
        tpu.enqueue_dma source(%dma_start3A_167 : memref<128x128xf32, #tpu.memory_space<vmem>>) target(%dma_start3A_163 : memref<128x128xf32, #tpu.memory_space<vmem_shared>>) target_semaphore(%run_scoped3A_155 : memref<!tpu.dma_semaphore, #tpu.memory_space<semaphore_mem>>)
        %dma_wait3A_168 = arith.constant 0 : i32
        %dma_wait3A_169 = arith.constant 0 : i32
        %dma_wait3A_170 = tpu.memref_slice %arg8[%run_scoped3A, %dma_wait3A_168, %dma_wait3A_169] : memref<2x128x128xf32, #tpu.memory_space<vmem>> -> memref<1x128x128xf32, #tpu.memory_space<vmem>>
        %dma_wait3A_171 = tpu.memref_squeeze %dma_wait3A_170 : memref<1x128x128xf32, #tpu.memory_space<vmem>> -> memref<128x128xf32, #tpu.memory_space<vmem>>
        %dma_wait3A_172 = arith.constant 0 : i32
        %dma_wait3A_173 = tpu.memref_slice %arg9[%add3A_136, %dma_wait3A_172] : memref<10064x128xf32, #tpu.memory_space<vmem_shared>> -> memref<128x128xf32, #tpu.memory_space<vmem_shared>>
        %dma_wait3A_174 = arith.constant 0 : i32
        %dma_wait3A_175 = tpu.memref_slice %arg9[%add3A_136, %dma_wait3A_174] : memref<10064x128xf32, #tpu.memory_space<vmem_shared>> -> memref<128x128xf32, #tpu.memory_space<vmem_shared>>
        %dma_wait3A_176 = arith.constant 0 : i32
        %dma_wait3A_177 = arith.constant 0 : i32
        %dma_wait3A_178 = tpu.memref_slice %arg8[%run_scoped3A, %dma_wait3A_176, %dma_wait3A_177] : memref<2x128x128xf32, #tpu.memory_space<vmem>> -> memref<1x128x128xf32, #tpu.memory_space<vmem>>
        %dma_wait3A_179 = tpu.memref_squeeze %dma_wait3A_178 : memref<1x128x128xf32, #tpu.memory_space<vmem>> -> memref<128x128xf32, #tpu.memory_space<vmem>>
        tpu.wait_dma2 semaphore(%run_scoped3A_155 : memref<!tpu.dma_semaphore, #tpu.memory_space<semaphore_mem>>) src(%dma_wait3A_179 : memref<128x128xf32, #tpu.memory_space<vmem>>) dst(%dma_wait3A_175 : memref<128x128xf32, #tpu.memory_space<vmem_shared>>)
        tpu.yield
      }) : () -> ()
      %add3A_137 = arith.constant 128 : i32
      %add3A_138 = arith.addi %mul3A_2, %add3A_137 : i32
      %run_scoped3A_139 = arith.constant 0 : i32
      "tpu.region"() ({
        %run_scoped3A_155 = tpu.sem_alloc : memref<!tpu.dma_semaphore, #tpu.memory_space<semaphore_mem>>
        %dma_start3A_156 = arith.constant 0 : i32
        %dma_start3A_157 = arith.constant 0 : i32
        %dma_start3A_158 = tpu.memref_slice %arg8[%run_scoped3A_139, %dma_start3A_156, %dma_start3A_157] : memref<2x128x128xf32, #tpu.memory_space<vmem>> -> memref<1x128x128xf32, #tpu.memory_space<vmem>>
        %dma_start3A_159 = tpu.memref_squeeze %dma_start3A_158 : memref<1x128x128xf32, #tpu.memory_space<vmem>> -> memref<128x128xf32, #tpu.memory_space<vmem>>
        %dma_start3A_160 = arith.constant 0 : i32
        %dma_start3A_161 = tpu.memref_slice %arg9[%add3A_138, %dma_start3A_160] : memref<10064x128xf32, #tpu.memory_space<vmem_shared>> -> memref<128x128xf32, #tpu.memory_space<vmem_shared>>
        %dma_start3A_162 = arith.constant 0 : i32
        %dma_start3A_163 = tpu.memref_slice %arg9[%add3A_138, %dma_start3A_162] : memref<10064x128xf32, #tpu.memory_space<vmem_shared>> -> memref<128x128xf32, #tpu.memory_space<vmem_shared>>
        %dma_start3A_164 = arith.constant 0 : i32
        %dma_start3A_165 = arith.constant 0 : i32
        %dma_start3A_166 = tpu.memref_slice %arg8[%run_scoped3A_139, %dma_start3A_164, %dma_start3A_165] : memref<2x128x128xf32, #tpu.memory_space<vmem>> -> memref<1x128x128xf32, #tpu.memory_space<vmem>>
        %dma_start3A_167 = tpu.memref_squeeze %dma_start3A_166 : memref<1x128x128xf32, #tpu.memory_space<vmem>> -> memref<128x128xf32, #tpu.memory_space<vmem>>
        tpu.enqueue_dma source(%dma_start3A_167 : memref<128x128xf32, #tpu.memory_space<vmem>>) target(%dma_start3A_163 : memref<128x128xf32, #tpu.memory_space<vmem_shared>>) target_semaphore(%run_scoped3A_155 : memref<!tpu.dma_semaphore, #tpu.memory_space<semaphore_mem>>)
        %dma_wait3A_168 = arith.constant 0 : i32
        %dma_wait3A_169 = arith.constant 0 : i32
        %dma_wait3A_170 = tpu.memref_slice %arg8[%run_scoped3A_139, %dma_wait3A_168, %dma_wait3A_169] : memref<2x128x128xf32, #tpu.memory_space<vmem>> -> memref<1x128x128xf32, #tpu.memory_space<vmem>>
        %dma_wait3A_171 = tpu.memref_squeeze %dma_wait3A_170 : memref<1x128x128xf32, #tpu.memory_space<vmem>> -> memref<128x128xf32, #tpu.memory_space<vmem>>
        %dma_wait3A_172 = arith.constant 0 : i32
        %dma_wait3A_173 = tpu.memref_slice %arg9[%add3A_138, %dma_wait3A_172] : memref<10064x128xf32, #tpu.memory_space<vmem_shared>> -> memref<128x128xf32, #tpu.memory_space<vmem_shared>>
        %dma_wait3A_174 = arith.constant 0 : i32
        %dma_wait3A_175 = tpu.memref_slice %arg9[%add3A_138, %dma_wait3A_174] : memref<10064x128xf32, #tpu.memory_space<vmem_shared>> -> memref<128x128xf32, #tpu.memory_space<vmem_shared>>
        %dma_wait3A_176 = arith.constant 0 : i32
        %dma_wait3A_177 = arith.constant 0 : i32
        %dma_wait3A_178 = tpu.memref_slice %arg8[%run_scoped3A_139, %dma_wait3A_176, %dma_wait3A_177] : memref<2x128x128xf32, #tpu.memory_space<vmem>> -> memref<1x128x128xf32, #tpu.memory_space<vmem>>
        %dma_wait3A_179 = tpu.memref_squeeze %dma_wait3A_178 : memref<1x128x128xf32, #tpu.memory_space<vmem>> -> memref<128x128xf32, #tpu.memory_space<vmem>>
        tpu.wait_dma2 semaphore(%run_scoped3A_155 : memref<!tpu.dma_semaphore, #tpu.memory_space<semaphore_mem>>) src(%dma_wait3A_179 : memref<128x128xf32, #tpu.memory_space<vmem>>) dst(%dma_wait3A_175 : memref<128x128xf32, #tpu.memory_space<vmem_shared>>)
        tpu.yield
      }) : () -> ()
      %add3A_140 = arith.constant 256 : i32
      %add3A_141 = arith.addi %mul3A_2, %add3A_140 : i32
      %run_scoped3A_142 = arith.constant 0 : i32
      "tpu.region"() ({
        %run_scoped3A_155 = tpu.sem_alloc : memref<!tpu.dma_semaphore, #tpu.memory_space<semaphore_mem>>
        %dma_start3A_156 = arith.constant 0 : i32
        %dma_start3A_157 = arith.constant 0 : i32
        %dma_start3A_158 = tpu.memref_slice %arg8[%run_scoped3A_142, %dma_start3A_156, %dma_start3A_157] : memref<2x128x128xf32, #tpu.memory_space<vmem>> -> memref<1x128x128xf32, #tpu.memory_space<vmem>>
        %dma_start3A_159 = tpu.memref_squeeze %dma_start3A_158 : memref<1x128x128xf32, #tpu.memory_space<vmem>> -> memref<128x128xf32, #tpu.memory_space<vmem>>
        %dma_start3A_160 = arith.constant 0 : i32
        %dma_start3A_161 = tpu.memref_slice %arg9[%add3A_141, %dma_start3A_160] : memref<10064x128xf32, #tpu.memory_space<vmem_shared>> -> memref<128x128xf32, #tpu.memory_space<vmem_shared>>
        %dma_start3A_162 = arith.constant 0 : i32
        %dma_start3A_163 = tpu.memref_slice %arg9[%add3A_141, %dma_start3A_162] : memref<10064x128xf32, #tpu.memory_space<vmem_shared>> -> memref<128x128xf32, #tpu.memory_space<vmem_shared>>
        %dma_start3A_164 = arith.constant 0 : i32
        %dma_start3A_165 = arith.constant 0 : i32
        %dma_start3A_166 = tpu.memref_slice %arg8[%run_scoped3A_142, %dma_start3A_164, %dma_start3A_165] : memref<2x128x128xf32, #tpu.memory_space<vmem>> -> memref<1x128x128xf32, #tpu.memory_space<vmem>>
        %dma_start3A_167 = tpu.memref_squeeze %dma_start3A_166 : memref<1x128x128xf32, #tpu.memory_space<vmem>> -> memref<128x128xf32, #tpu.memory_space<vmem>>
        tpu.enqueue_dma source(%dma_start3A_167 : memref<128x128xf32, #tpu.memory_space<vmem>>) target(%dma_start3A_163 : memref<128x128xf32, #tpu.memory_space<vmem_shared>>) target_semaphore(%run_scoped3A_155 : memref<!tpu.dma_semaphore, #tpu.memory_space<semaphore_mem>>)
        %dma_wait3A_168 = arith.constant 0 : i32
        %dma_wait3A_169 = arith.constant 0 : i32
        %dma_wait3A_170 = tpu.memref_slice %arg8[%run_scoped3A_142, %dma_wait3A_168, %dma_wait3A_169] : memref<2x128x128xf32, #tpu.memory_space<vmem>> -> memref<1x128x128xf32, #tpu.memory_space<vmem>>
        %dma_wait3A_171 = tpu.memref_squeeze %dma_wait3A_170 : memref<1x128x128xf32, #tpu.memory_space<vmem>> -> memref<128x128xf32, #tpu.memory_space<vmem>>
        %dma_wait3A_172 = arith.constant 0 : i32
        %dma_wait3A_173 = tpu.memref_slice %arg9[%add3A_141, %dma_wait3A_172] : memref<10064x128xf32, #tpu.memory_space<vmem_shared>> -> memref<128x128xf32, #tpu.memory_space<vmem_shared>>
        %dma_wait3A_174 = arith.constant 0 : i32
        %dma_wait3A_175 = tpu.memref_slice %arg9[%add3A_141, %dma_wait3A_174] : memref<10064x128xf32, #tpu.memory_space<vmem_shared>> -> memref<128x128xf32, #tpu.memory_space<vmem_shared>>
        %dma_wait3A_176 = arith.constant 0 : i32
        %dma_wait3A_177 = arith.constant 0 : i32
        %dma_wait3A_178 = tpu.memref_slice %arg8[%run_scoped3A_142, %dma_wait3A_176, %dma_wait3A_177] : memref<2x128x128xf32, #tpu.memory_space<vmem>> -> memref<1x128x128xf32, #tpu.memory_space<vmem>>
        %dma_wait3A_179 = tpu.memref_squeeze %dma_wait3A_178 : memref<1x128x128xf32, #tpu.memory_space<vmem>> -> memref<128x128xf32, #tpu.memory_space<vmem>>
        tpu.wait_dma2 semaphore(%run_scoped3A_155 : memref<!tpu.dma_semaphore, #tpu.memory_space<semaphore_mem>>) src(%dma_wait3A_179 : memref<128x128xf32, #tpu.memory_space<vmem>>) dst(%dma_wait3A_175 : memref<128x128xf32, #tpu.memory_space<vmem_shared>>)
        tpu.yield
      }) : () -> ()
      %add3A_143 = arith.constant 384 : i32
      %add3A_144 = arith.addi %mul3A_2, %add3A_143 : i32
      %run_scoped3A_145 = arith.constant 0 : i32
      "tpu.region"() ({
        %run_scoped3A_155 = tpu.sem_alloc : memref<!tpu.dma_semaphore, #tpu.memory_space<semaphore_mem>>
        %dma_start3A_156 = arith.constant 0 : i32
        %dma_start3A_157 = arith.constant 0 : i32
        %dma_start3A_158 = tpu.memref_slice %arg8[%run_scoped3A_145, %dma_start3A_156, %dma_start3A_157] : memref<2x128x128xf32, #tpu.memory_space<vmem>> -> memref<1x128x128xf32, #tpu.memory_space<vmem>>
        %dma_start3A_159 = tpu.memref_squeeze %dma_start3A_158 : memref<1x128x128xf32, #tpu.memory_space<vmem>> -> memref<128x128xf32, #tpu.memory_space<vmem>>
        %dma_start3A_160 = arith.constant 0 : i32
        %dma_start3A_161 = tpu.memref_slice %arg9[%add3A_144, %dma_start3A_160] : memref<10064x128xf32, #tpu.memory_space<vmem_shared>> -> memref<128x128xf32, #tpu.memory_space<vmem_shared>>
        %dma_start3A_162 = arith.constant 0 : i32
        %dma_start3A_163 = tpu.memref_slice %arg9[%add3A_144, %dma_start3A_162] : memref<10064x128xf32, #tpu.memory_space<vmem_shared>> -> memref<128x128xf32, #tpu.memory_space<vmem_shared>>
        %dma_start3A_164 = arith.constant 0 : i32
        %dma_start3A_165 = arith.constant 0 : i32
        %dma_start3A_166 = tpu.memref_slice %arg8[%run_scoped3A_145, %dma_start3A_164, %dma_start3A_165] : memref<2x128x128xf32, #tpu.memory_space<vmem>> -> memref<1x128x128xf32, #tpu.memory_space<vmem>>
        %dma_start3A_167 = tpu.memref_squeeze %dma_start3A_166 : memref<1x128x128xf32, #tpu.memory_space<vmem>> -> memref<128x128xf32, #tpu.memory_space<vmem>>
        tpu.enqueue_dma source(%dma_start3A_167 : memref<128x128xf32, #tpu.memory_space<vmem>>) target(%dma_start3A_163 : memref<128x128xf32, #tpu.memory_space<vmem_shared>>) target_semaphore(%run_scoped3A_155 : memref<!tpu.dma_semaphore, #tpu.memory_space<semaphore_mem>>)
        %dma_wait3A_168 = arith.constant 0 : i32
        %dma_wait3A_169 = arith.constant 0 : i32
        %dma_wait3A_170 = tpu.memref_slice %arg8[%run_scoped3A_145, %dma_wait3A_168, %dma_wait3A_169] : memref<2x128x128xf32, #tpu.memory_space<vmem>> -> memref<1x128x128xf32, #tpu.memory_space<vmem>>
        %dma_wait3A_171 = tpu.memref_squeeze %dma_wait3A_170 : memref<1x128x128xf32, #tpu.memory_space<vmem>> -> memref<128x128xf32, #tpu.memory_space<vmem>>
        %dma_wait3A_172 = arith.constant 0 : i32
        %dma_wait3A_173 = tpu.memref_slice %arg9[%add3A_144, %dma_wait3A_172] : memref<10064x128xf32, #tpu.memory_space<vmem_shared>> -> memref<128x128xf32, #tpu.memory_space<vmem_shared>>
        %dma_wait3A_174 = arith.constant 0 : i32
        %dma_wait3A_175 = tpu.memref_slice %arg9[%add3A_144, %dma_wait3A_174] : memref<10064x128xf32, #tpu.memory_space<vmem_shared>> -> memref<128x128xf32, #tpu.memory_space<vmem_shared>>
        %dma_wait3A_176 = arith.constant 0 : i32
        %dma_wait3A_177 = arith.constant 0 : i32
        %dma_wait3A_178 = tpu.memref_slice %arg8[%run_scoped3A_145, %dma_wait3A_176, %dma_wait3A_177] : memref<2x128x128xf32, #tpu.memory_space<vmem>> -> memref<1x128x128xf32, #tpu.memory_space<vmem>>
        %dma_wait3A_179 = tpu.memref_squeeze %dma_wait3A_178 : memref<1x128x128xf32, #tpu.memory_space<vmem>> -> memref<128x128xf32, #tpu.memory_space<vmem>>
        tpu.wait_dma2 semaphore(%run_scoped3A_155 : memref<!tpu.dma_semaphore, #tpu.memory_space<semaphore_mem>>) src(%dma_wait3A_179 : memref<128x128xf32, #tpu.memory_space<vmem>>) dst(%dma_wait3A_175 : memref<128x128xf32, #tpu.memory_space<vmem_shared>>)
        tpu.yield
      }) : () -> ()
      %add3A_146 = arith.constant 624 : i32
      %add3A_147 = arith.addi %mul3A_2, %add3A_146 : i32
      %sub3A = arith.constant 112 : i32
      %sub3A_148 = arith.subi %add3A_147, %sub3A : i32
      %run_scoped3A_149 = arith.constant 0 : i32
      "tpu.region"() ({
        %run_scoped3A_155 = tpu.sem_alloc : memref<!tpu.dma_semaphore, #tpu.memory_space<semaphore_mem>>
        %dma_start3A_156 = arith.constant 0 : i32
        %dma_start3A_157 = arith.constant 0 : i32
        %dma_start3A_158 = tpu.memref_slice %arg8[%run_scoped3A_149, %dma_start3A_156, %dma_start3A_157] : memref<2x128x128xf32, #tpu.memory_space<vmem>> -> memref<1x112x128xf32, #tpu.memory_space<vmem>>
        %dma_start3A_159 = tpu.memref_squeeze %dma_start3A_158 : memref<1x112x128xf32, #tpu.memory_space<vmem>> -> memref<112x128xf32, #tpu.memory_space<vmem>>
        %dma_start3A_160 = arith.constant 0 : i32
        %dma_start3A_161 = tpu.memref_slice %arg9[%sub3A_148, %dma_start3A_160] : memref<10064x128xf32, #tpu.memory_space<vmem_shared>> -> memref<112x128xf32, #tpu.memory_space<vmem_shared>>
        %dma_start3A_162 = arith.constant 0 : i32
        %dma_start3A_163 = tpu.memref_slice %arg9[%sub3A_148, %dma_start3A_162] : memref<10064x128xf32, #tpu.memory_space<vmem_shared>> -> memref<112x128xf32, #tpu.memory_space<vmem_shared>>
        %dma_start3A_164 = arith.constant 0 : i32
        %dma_start3A_165 = arith.constant 0 : i32
        %dma_start3A_166 = tpu.memref_slice %arg8[%run_scoped3A_149, %dma_start3A_164, %dma_start3A_165] : memref<2x128x128xf32, #tpu.memory_space<vmem>> -> memref<1x112x128xf32, #tpu.memory_space<vmem>>
        %dma_start3A_167 = tpu.memref_squeeze %dma_start3A_166 : memref<1x112x128xf32, #tpu.memory_space<vmem>> -> memref<112x128xf32, #tpu.memory_space<vmem>>
        tpu.enqueue_dma source(%dma_start3A_167 : memref<112x128xf32, #tpu.memory_space<vmem>>) target(%dma_start3A_163 : memref<112x128xf32, #tpu.memory_space<vmem_shared>>) target_semaphore(%run_scoped3A_155 : memref<!tpu.dma_semaphore, #tpu.memory_space<semaphore_mem>>)
        %dma_wait3A_168 = arith.constant 0 : i32
        %dma_wait3A_169 = arith.constant 0 : i32
        %dma_wait3A_170 = tpu.memref_slice %arg8[%run_scoped3A_149, %dma_wait3A_168, %dma_wait3A_169] : memref<2x128x128xf32, #tpu.memory_space<vmem>> -> memref<1x112x128xf32, #tpu.memory_space<vmem>>
        %dma_wait3A_171 = tpu.memref_squeeze %dma_wait3A_170 : memref<1x112x128xf32, #tpu.memory_space<vmem>> -> memref<112x128xf32, #tpu.memory_space<vmem>>
        %dma_wait3A_172 = arith.constant 0 : i32
        %dma_wait3A_173 = tpu.memref_slice %arg9[%sub3A_148, %dma_wait3A_172] : memref<10064x128xf32, #tpu.memory_space<vmem_shared>> -> memref<112x128xf32, #tpu.memory_space<vmem_shared>>
        %dma_wait3A_174 = arith.constant 0 : i32
        %dma_wait3A_175 = tpu.memref_slice %arg9[%sub3A_148, %dma_wait3A_174] : memref<10064x128xf32, #tpu.memory_space<vmem_shared>> -> memref<112x128xf32, #tpu.memory_space<vmem_shared>>
        %dma_wait3A_176 = arith.constant 0 : i32
        %dma_wait3A_177 = arith.constant 0 : i32
        %dma_wait3A_178 = tpu.memref_slice %arg8[%run_scoped3A_149, %dma_wait3A_176, %dma_wait3A_177] : memref<2x128x128xf32, #tpu.memory_space<vmem>> -> memref<1x112x128xf32, #tpu.memory_space<vmem>>
        %dma_wait3A_179 = tpu.memref_squeeze %dma_wait3A_178 : memref<1x112x128xf32, #tpu.memory_space<vmem>> -> memref<112x128xf32, #tpu.memory_space<vmem>>
        tpu.wait_dma2 semaphore(%run_scoped3A_155 : memref<!tpu.dma_semaphore, #tpu.memory_space<semaphore_mem>>) src(%dma_wait3A_179 : memref<112x128xf32, #tpu.memory_space<vmem>>) dst(%dma_wait3A_175 : memref<112x128xf32, #tpu.memory_space<vmem_shared>>)
        tpu.yield
      }) : () -> ()
      %eq3A_150 = arith.constant 15 : i32
      %eq3A_151 = arith.cmpi eq, %arg1, %eq3A_150 : i32
      %convert_element_type3A_152 = arith.extui %eq3A_151 : i1 to i32
      %cond3A_153 = arith.constant 0 : i32
      %cond3A_154 = arith.cmpi ne, %convert_element_type3A_152, %cond3A_153 : i32
      scf.if %cond3A_154 {
        %run_scoped3A_155 = arith.constant 0 : i32
        "tpu.region"() ({
          %run_scoped3A_156 = tpu.sem_alloc : memref<!tpu.dma_semaphore, #tpu.memory_space<semaphore_mem>>
          %dma_start3A_157 = arith.constant 0 : i32
          %dma_start3A_158 = arith.constant 0 : i32
          %dma_start3A_159 = tpu.memref_slice %arg8[%run_scoped3A_155, %dma_start3A_157, %dma_start3A_158] : memref<2x128x128xf32, #tpu.memory_space<vmem>> -> memref<1x16x128xf32, #tpu.memory_space<vmem>>
          %dma_start3A_160 = tpu.memref_squeeze %dma_start3A_159 : memref<1x16x128xf32, #tpu.memory_space<vmem>> -> memref<16x128xf32, #tpu.memory_space<vmem>>
          %dma_start3A_161 = arith.constant 9984 : i32
          %dma_start3A_162 = arith.constant 0 : i32
          %dma_start3A_163 = tpu.memref_slice %arg9[%dma_start3A_161, %dma_start3A_162] : memref<10064x128xf32, #tpu.memory_space<vmem_shared>> -> memref<16x128xf32, #tpu.memory_space<vmem_shared>>
          %dma_start3A_164 = arith.constant 9984 : i32
          %dma_start3A_165 = arith.constant 0 : i32
          %dma_start3A_166 = tpu.memref_slice %arg9[%dma_start3A_164, %dma_start3A_165] : memref<10064x128xf32, #tpu.memory_space<vmem_shared>> -> memref<16x128xf32, #tpu.memory_space<vmem_shared>>
          %dma_start3A_167 = arith.constant 0 : i32
          %dma_start3A_168 = arith.constant 0 : i32
          %dma_start3A_169 = tpu.memref_slice %arg8[%run_scoped3A_155, %dma_start3A_167, %dma_start3A_168] : memref<2x128x128xf32, #tpu.memory_space<vmem>> -> memref<1x16x128xf32, #tpu.memory_space<vmem>>
          %dma_start3A_170 = tpu.memref_squeeze %dma_start3A_169 : memref<1x16x128xf32, #tpu.memory_space<vmem>> -> memref<16x128xf32, #tpu.memory_space<vmem>>
          tpu.enqueue_dma source(%dma_start3A_170 : memref<16x128xf32, #tpu.memory_space<vmem>>) target(%dma_start3A_166 : memref<16x128xf32, #tpu.memory_space<vmem_shared>>) target_semaphore(%run_scoped3A_156 : memref<!tpu.dma_semaphore, #tpu.memory_space<semaphore_mem>>)
          %dma_wait3A_171 = arith.constant 0 : i32
          %dma_wait3A_172 = arith.constant 0 : i32
          %dma_wait3A_173 = tpu.memref_slice %arg8[%run_scoped3A_155, %dma_wait3A_171, %dma_wait3A_172] : memref<2x128x128xf32, #tpu.memory_space<vmem>> -> memref<1x16x128xf32, #tpu.memory_space<vmem>>
          %dma_wait3A_174 = tpu.memref_squeeze %dma_wait3A_173 : memref<1x16x128xf32, #tpu.memory_space<vmem>> -> memref<16x128xf32, #tpu.memory_space<vmem>>
          %dma_wait3A_175 = arith.constant 9984 : i32
          %dma_wait3A_176 = arith.constant 0 : i32
          %dma_wait3A_177 = tpu.memref_slice %arg9[%dma_wait3A_175, %dma_wait3A_176] : memref<10064x128xf32, #tpu.memory_space<vmem_shared>> -> memref<16x128xf32, #tpu.memory_space<vmem_shared>>
          %dma_wait3A_178 = arith.constant 9984 : i32
          %dma_wait3A_179 = arith.constant 0 : i32
          %dma_wait3A_180 = tpu.memref_slice %arg9[%dma_wait3A_178, %dma_wait3A_179] : memref<10064x128xf32, #tpu.memory_space<vmem_shared>> -> memref<16x128xf32, #tpu.memory_space<vmem_shared>>
          %dma_wait3A_181 = arith.constant 0 : i32
          %dma_wait3A_182 = arith.constant 0 : i32
          %dma_wait3A_183 = tpu.memref_slice %arg8[%run_scoped3A_155, %dma_wait3A_181, %dma_wait3A_182] : memref<2x128x128xf32, #tpu.memory_space<vmem>> -> memref<1x16x128xf32, #tpu.memory_space<vmem>>
          %dma_wait3A_184 = tpu.memref_squeeze %dma_wait3A_183 : memref<1x16x128xf32, #tpu.memory_space<vmem>> -> memref<16x128xf32, #tpu.memory_space<vmem>>
          tpu.wait_dma2 semaphore(%run_scoped3A_156 : memref<!tpu.dma_semaphore, #tpu.memory_space<semaphore_mem>>) src(%dma_wait3A_184 : memref<16x128xf32, #tpu.memory_space<vmem>>) dst(%dma_wait3A_180 : memref<16x128xf32, #tpu.memory_space<vmem_shared>>)
          tpu.yield
        }) : () -> ()
      } else {
      }
    } else {
    }
    %barrier3A = arith.constant 0 : index
    tpu.barrier barrier_id(%barrier3A)
    %dma_wait3A = arith.constant 0 : i32
    %dma_wait3A_66 = arith.constant 0 : i32
    %dma_wait3A_67 = arith.constant 0 : i32
    %dma_wait3A_68 = tpu.memref_slice %arg6[%dma_wait3A, %dma_wait3A_66, %dma_wait3A_67] : memref<2x8x128xi32, #tpu.memory_space<vmem>> -> memref<1x8x128xi32, #tpu.memory_space<vmem>>
    %dma_wait3A_69 = tpu.memref_squeeze %dma_wait3A_68 : memref<1x8x128xi32, #tpu.memory_space<vmem>> -> memref<8x128xi32, #tpu.memory_space<vmem>>
    %dma_wait3A_70 = arith.constant 0 : i32
    %dma_wait3A_71 = tpu.memref_slice %arg3[%mul3A_4, %dma_wait3A_70] : memref<2560x128xi32, #tpu.memory_space<hbm>> -> memref<8x128xi32, #tpu.memory_space<hbm>>
    %dma_wait3A_72 = arith.constant 0 : i32
    %dma_wait3A_73 = arith.constant 0 : i32
    %dma_wait3A_74 = tpu.memref_slice %arg6[%dma_wait3A, %dma_wait3A_72, %dma_wait3A_73] : memref<2x8x128xi32, #tpu.memory_space<vmem>> -> memref<1x8x128xi32, #tpu.memory_space<vmem>>
    %dma_wait3A_75 = tpu.memref_squeeze %dma_wait3A_74 : memref<1x8x128xi32, #tpu.memory_space<vmem>> -> memref<8x128xi32, #tpu.memory_space<vmem>>
    %dma_wait3A_76 = arith.constant 0 : i32
    %dma_wait3A_77 = tpu.memref_slice %arg3[%mul3A_4, %dma_wait3A_76] : memref<2560x128xi32, #tpu.memory_space<hbm>> -> memref<8x128xi32, #tpu.memory_space<hbm>>
    tpu.wait_dma2 semaphore(%arg13 : memref<!tpu.dma_semaphore, #tpu.memory_space<semaphore_mem>>) src(%dma_wait3A_77 : memref<8x128xi32, #tpu.memory_space<hbm>>) dst(%dma_wait3A_75 : memref<8x128xi32, #tpu.memory_space<vmem>>)
    %dma_wait3A_78 = arith.constant 0 : i32
    %dma_wait3A_79 = arith.constant 0 : i32
    %dma_wait3A_80 = arith.constant 0 : i32
    %dma_wait3A_81 = tpu.memref_slice %arg7[%dma_wait3A_78, %dma_wait3A_79, %dma_wait3A_80] : memref<2x8x128xi32, #tpu.memory_space<vmem>> -> memref<1x8x128xi32, #tpu.memory_space<vmem>>
    %dma_wait3A_82 = tpu.memref_squeeze %dma_wait3A_81 : memref<1x8x128xi32, #tpu.memory_space<vmem>> -> memref<8x128xi32, #tpu.memory_space<vmem>>
    %dma_wait3A_83 = arith.constant 0 : i32
    %dma_wait3A_84 = tpu.memref_slice %arg4[%mul3A_4, %dma_wait3A_83] : memref<2560x128xi32, #tpu.memory_space<hbm>> -> memref<8x128xi32, #tpu.memory_space<hbm>>
    %dma_wait3A_85 = arith.constant 0 : i32
    %dma_wait3A_86 = arith.constant 0 : i32
    %dma_wait3A_87 = tpu.memref_slice %arg7[%dma_wait3A_78, %dma_wait3A_85, %dma_wait3A_86] : memref<2x8x128xi32, #tpu.memory_space<vmem>> -> memref<1x8x128xi32, #tpu.memory_space<vmem>>
    %dma_wait3A_88 = tpu.memref_squeeze %dma_wait3A_87 : memref<1x8x128xi32, #tpu.memory_space<vmem>> -> memref<8x128xi32, #tpu.memory_space<vmem>>
    %dma_wait3A_89 = arith.constant 0 : i32
    %dma_wait3A_90 = tpu.memref_slice %arg4[%mul3A_4, %dma_wait3A_89] : memref<2560x128xi32, #tpu.memory_space<hbm>> -> memref<8x128xi32, #tpu.memory_space<hbm>>
    tpu.wait_dma2 semaphore(%arg13 : memref<!tpu.dma_semaphore, #tpu.memory_space<semaphore_mem>>) src(%dma_wait3A_90 : memref<8x128xi32, #tpu.memory_space<hbm>>) dst(%dma_wait3A_88 : memref<8x128xi32, #tpu.memory_space<vmem>>)
    %dma_start3A_91 = arith.constant 0 : i32
    %dma_start3A_92 = arith.constant 0 : i32
    %dma_start3A_93 = arith.constant 0 : i32
    %dma_start3A_94 = arith.constant 0 : i32
    %dma_start3A_95 = arith.constant 0 : i32
    %dma_start3A_96 = tpu.memref_slice %arg8[%dma_start3A_93, %dma_start3A_94, %dma_start3A_95] : memref<2x128x128xf32, #tpu.memory_space<vmem>> -> memref<1x128x128xf32, #tpu.memory_space<vmem>>
    %dma_start3A_97 = tpu.memref_squeeze %dma_start3A_96 : memref<1x128x128xf32, #tpu.memory_space<vmem>> -> memref<128x128xf32, #tpu.memory_space<vmem>>
    %dma_start3A_98 = arith.constant 0 : i32
    %dma_start3A_99 = tpu.memref_slice %arg6[%dma_start3A_91, %dma_start3A_92, %dma_start3A_98] : memref<2x8x128xi32, #tpu.memory_space<vmem>> -> memref<1x1x128xi32, #tpu.memory_space<vmem>>
    %dma_start3A_100 = tpu.memref_squeeze %dma_start3A_99 : memref<1x1x128xi32, #tpu.memory_space<vmem>> -> memref<128xi32, #tpu.memory_space<vmem>>
    %dma_start3A_101 = arith.constant 0 : i32
    %dma_start3A_102 = arith.constant 0 : i32
    %dma_start3A_103 = tpu.memref_slice %arg2[%dma_start3A_101, %dma_start3A_102] : memref<10000x128xf32, #tpu.memory_space<hbm>> -> memref<10000x128xf32, #tpu.memory_space<hbm>>
    tpu.enqueue_indirect_dma source(%dma_start3A_103 : memref<10000x128xf32, #tpu.memory_space<hbm>>) target(%dma_start3A_97 : memref<128x128xf32, #tpu.memory_space<vmem>>) offsets(%dma_start3A_100 : memref<128xi32, #tpu.memory_space<vmem>>) semaphore(%arg10 : memref<!tpu.dma_semaphore, #tpu.memory_space<semaphore_mem>>)
    %scan3A = arith.constant 0 : i32
    %scan3A_104 = arith.constant 0 : i32
    %scan3A_105 = arith.constant 10 : i32
    %scan3A_106 = arith.addi %scan3A_104, %scan3A_105 : i32
    %scan3A_107 = arith.constant 1 : i32
    scf.for %scan3A_128 = %scan3A_104 to %scan3A_106 step %scan3A_107  : i32 {
      %jit3A = arith.constant 2 : i32
      %eq3A_129 = arith.constant 0 : i32
      %eq3A_130 = arith.cmpi eq, %jit3A, %eq3A_129 : i32
      %jit3A_131 = arith.constant 1 : i32
      %select_n3A = arith.select %eq3A_130, %jit3A_131, %jit3A : i32
      %rem3A = arith.remsi %scan3A_128, %select_n3A : i32
      %ne3A_132 = arith.constant 0 : i32
      %ne3A_133 = arith.cmpi ne, %rem3A, %ne3A_132 : i32
      %lt3A = arith.constant 0 : i32
      %lt3A_134 = arith.cmpi slt, %rem3A, %lt3A : i32
      %lt3A_135 = arith.constant 0 : i32
      %lt3A_136 = arith.cmpi slt, %select_n3A, %lt3A_135 : i32
      %ne3A_137 = arith.xori %lt3A_134, %lt3A_136 : i1
      %and3A = arith.andi %ne3A_137, %ne3A_133 : i1
      %add3A_138 = arith.addi %rem3A, %select_n3A : i32
      %select_n3A_139 = arith.select %and3A, %add3A_138, %rem3A : i32
      %dma_wait3A_140 = arith.constant 0 : i32
      %dma_wait3A_141 = arith.constant 0 : i32
      %dma_wait3A_142 = arith.constant 0 : i32
      %dma_wait3A_143 = arith.constant 0 : i32
      %dma_wait3A_144 = arith.constant 0 : i32
      %dma_wait3A_145 = tpu.memref_slice %arg8[%dma_wait3A_142, %dma_wait3A_143, %dma_wait3A_144] : memref<2x128x128xf32, #tpu.memory_space<vmem>> -> memref<1x128x128xf32, #tpu.memory_space<vmem>>
      %dma_wait3A_146 = tpu.memref_squeeze %dma_wait3A_145 : memref<1x128x128xf32, #tpu.memory_space<vmem>> -> memref<128x128xf32, #tpu.memory_space<vmem>>
      %dma_wait3A_147 = arith.constant 0 : i32
      %dma_wait3A_148 = tpu.memref_slice %arg6[%dma_wait3A_140, %dma_wait3A_141, %dma_wait3A_147] : memref<2x8x128xi32, #tpu.memory_space<vmem>> -> memref<1x1x128xi32, #tpu.memory_space<vmem>>
      %dma_wait3A_149 = tpu.memref_squeeze %dma_wait3A_148 : memref<1x1x128xi32, #tpu.memory_space<vmem>> -> memref<128xi32, #tpu.memory_space<vmem>>
      %dma_wait3A_150 = arith.constant 0 : i32
      %dma_wait3A_151 = arith.constant 0 : i32
      %dma_wait3A_152 = tpu.memref_slice %arg2[%dma_wait3A_150, %dma_wait3A_151] : memref<10000x128xf32, #tpu.memory_space<hbm>> -> memref<10000x128xf32, #tpu.memory_space<hbm>>
      tpu.wait_indirect_dma semaphore(%arg10 : memref<!tpu.dma_semaphore, #tpu.memory_space<semaphore_mem>>) src(%dma_wait3A_152 : memref<10000x128xf32, #tpu.memory_space<hbm>>) dst(%dma_wait3A_146 : memref<128x128xf32, #tpu.memory_space<vmem>>)
      %dma_start3A_153 = arith.constant 0 : i32
      %dma_start3A_154 = arith.constant 0 : i32
      %dma_start3A_155 = arith.constant 0 : i32
      %dma_start3A_156 = arith.constant 0 : i32
      %dma_start3A_157 = tpu.memref_slice %arg8[%dma_start3A_153, %dma_start3A_155, %dma_start3A_156] : memref<2x128x128xf32, #tpu.memory_space<vmem>> -> memref<1x128x128xf32, #tpu.memory_space<vmem>>
      %dma_start3A_158 = tpu.memref_squeeze %dma_start3A_157 : memref<1x128x128xf32, #tpu.memory_space<vmem>> -> memref<128x128xf32, #tpu.memory_space<vmem>>
      %dma_start3A_159 = arith.constant 0 : i32
      %dma_start3A_160 = tpu.memref_slice %arg7[%select_n3A_139, %dma_start3A_154, %dma_start3A_159] : memref<2x8x128xi32, #tpu.memory_space<vmem>> -> memref<1x1x128xi32, #tpu.memory_space<vmem>>
      %dma_start3A_161 = tpu.memref_squeeze %dma_start3A_160 : memref<1x1x128xi32, #tpu.memory_space<vmem>> -> memref<128xi32, #tpu.memory_space<vmem>>
      %dma_start3A_162 = arith.constant 0 : i32
      %dma_start3A_163 = arith.constant 0 : i32
      %dma_start3A_164 = tpu.memref_slice %arg9[%dma_start3A_162, %dma_start3A_163] : memref<10064x128xf32, #tpu.memory_space<vmem_shared>> -> memref<10064x128xf32, #tpu.memory_space<vmem_shared>>
      tpu.enqueue_indirect_dma source(%dma_start3A_158 : memref<128x128xf32, #tpu.memory_space<vmem>>) target(%dma_start3A_164 : memref<10064x128xf32, #tpu.memory_space<vmem_shared>>) offsets(%dma_start3A_161 : memref<128xi32, #tpu.memory_space<vmem>>) semaphore(%arg11 : memref<!tpu.dma_semaphore, #tpu.memory_space<semaphore_mem>>) {add = true}
      %ge3A = arith.constant 1 : i32
      %ge3A_165 = arith.cmpi sge, %scan3A_128, %ge3A : i32
      %convert_element_type3A_166 = arith.extui %ge3A_165 : i1 to i32
      %cond3A_167 = arith.constant 0 : i32
      %cond3A_168 = arith.cmpi ne, %convert_element_type3A_166, %cond3A_167 : i32
      scf.if %cond3A_168 {
        %dma_wait3A_526 = arith.constant 1 : i32
        %dma_wait3A_527 = arith.constant 0 : i32
        %dma_wait3A_528 = arith.constant 0 : i32
        %dma_wait3A_529 = arith.constant 0 : i32
        %dma_wait3A_530 = arith.constant 0 : i32
        %dma_wait3A_531 = tpu.memref_slice %arg8[%dma_wait3A_526, %dma_wait3A_529, %dma_wait3A_530] : memref<2x128x128xf32, #tpu.memory_space<vmem>> -> memref<1x128x128xf32, #tpu.memory_space<vmem>>
        %dma_wait3A_532 = tpu.memref_squeeze %dma_wait3A_531 : memref<1x128x128xf32, #tpu.memory_space<vmem>> -> memref<128x128xf32, #tpu.memory_space<vmem>>
        %dma_wait3A_533 = arith.constant 0 : i32
        %dma_wait3A_534 = tpu.memref_slice %arg7[%dma_wait3A_527, %dma_wait3A_528, %dma_wait3A_533] : memref<2x8x128xi32, #tpu.memory_space<vmem>> -> memref<1x1x128xi32, #tpu.memory_space<vmem>>
        %dma_wait3A_535 = tpu.memref_squeeze %dma_wait3A_534 : memref<1x1x128xi32, #tpu.memory_space<vmem>> -> memref<128xi32, #tpu.memory_space<vmem>>
        %dma_wait3A_536 = arith.constant 0 : i32
        %dma_wait3A_537 = arith.constant 0 : i32
        %dma_wait3A_538 = tpu.memref_slice %arg9[%dma_wait3A_536, %dma_wait3A_537] : memref<10064x128xf32, #tpu.memory_space<vmem_shared>> -> memref<10064x128xf32, #tpu.memory_space<vmem_shared>>
        tpu.wait_indirect_dma semaphore(%arg12 : memref<!tpu.dma_semaphore, #tpu.memory_space<semaphore_mem>>) src(%dma_wait3A_532 : memref<128x128xf32, #tpu.memory_space<vmem>>) dst(%dma_wait3A_538 : memref<10064x128xf32, #tpu.memory_space<vmem_shared>>)
      } else {
      }
      %dma_start3A_169 = arith.constant 1 : i32
      %dma_start3A_170 = arith.constant 1 : i32
      %dma_start3A_171 = arith.constant 0 : i32
      %dma_start3A_172 = arith.constant 0 : i32
      %dma_start3A_173 = tpu.memref_slice %arg8[%dma_start3A_170, %dma_start3A_171, %dma_start3A_172] : memref<2x128x128xf32, #tpu.memory_space<vmem>> -> memref<1x128x128xf32, #tpu.memory_space<vmem>>
      %dma_start3A_174 = tpu.memref_squeeze %dma_start3A_173 : memref<1x128x128xf32, #tpu.memory_space<vmem>> -> memref<128x128xf32, #tpu.memory_space<vmem>>
      %dma_start3A_175 = arith.constant 0 : i32
      %dma_start3A_176 = tpu.memref_slice %arg6[%select_n3A_139, %dma_start3A_169, %dma_start3A_175] : memref<2x8x128xi32, #tpu.memory_space<vmem>> -> memref<1x1x128xi32, #tpu.memory_space<vmem>>
      %dma_start3A_177 = tpu.memref_squeeze %dma_start3A_176 : memref<1x1x128xi32, #tpu.memory_space<vmem>> -> memref<128xi32, #tpu.memory_space<vmem>>
      %dma_start3A_178 = arith.constant 0 : i32
      %dma_start3A_179 = arith.constant 0 : i32
      %dma_start3A_180 = tpu.memref_slice %arg2[%dma_start3A_178, %dma_start3A_179] : memref<10000x128xf32, #tpu.memory_space<hbm>> -> memref<10000x128xf32, #tpu.memory_space<hbm>>
      tpu.enqueue_indirect_dma source(%dma_start3A_180 : memref<10000x128xf32, #tpu.memory_space<hbm>>) target(%dma_start3A_174 : memref<128x128xf32, #tpu.memory_space<vmem>>) offsets(%dma_start3A_177 : memref<128xi32, #tpu.memory_space<vmem>>) semaphore(%arg10 : memref<!tpu.dma_semaphore, #tpu.memory_space<semaphore_mem>>)
      %dma_wait3A_181 = arith.constant 0 : i32
      %dma_wait3A_182 = arith.constant 0 : i32
      %dma_wait3A_183 = arith.constant 1 : i32
      %dma_wait3A_184 = arith.constant 0 : i32
      %dma_wait3A_185 = arith.constant 0 : i32
      %dma_wait3A_186 = tpu.memref_slice %arg8[%dma_wait3A_183, %dma_wait3A_184, %dma_wait3A_185] : memref<2x128x128xf32, #tpu.memory_space<vmem>> -> memref<1x128x128xf32, #tpu.memory_space<vmem>>
      %dma_wait3A_187 = tpu.memref_squeeze %dma_wait3A_186 : memref<1x128x128xf32, #tpu.memory_space<vmem>> -> memref<128x128xf32, #tpu.memory_space<vmem>>
      %dma_wait3A_188 = arith.constant 0 : i32
      %dma_wait3A_189 = tpu.memref_slice %arg6[%dma_wait3A_181, %dma_wait3A_182, %dma_wait3A_188] : memref<2x8x128xi32, #tpu.memory_space<vmem>> -> memref<1x1x128xi32, #tpu.memory_space<vmem>>
      %dma_wait3A_190 = tpu.memref_squeeze %dma_wait3A_189 : memref<1x1x128xi32, #tpu.memory_space<vmem>> -> memref<128xi32, #tpu.memory_space<vmem>>
      %dma_wait3A_191 = arith.constant 0 : i32
      %dma_wait3A_192 = arith.constant 0 : i32
      %dma_wait3A_193 = tpu.memref_slice %arg2[%dma_wait3A_191, %dma_wait3A_192] : memref<10000x128xf32, #tpu.memory_space<hbm>> -> memref<10000x128xf32, #tpu.memory_space<hbm>>
      tpu.wait_indirect_dma semaphore(%arg10 : memref<!tpu.dma_semaphore, #tpu.memory_space<semaphore_mem>>) src(%dma_wait3A_193 : memref<10000x128xf32, #tpu.memory_space<hbm>>) dst(%dma_wait3A_187 : memref<128x128xf32, #tpu.memory_space<vmem>>)
      %dma_start3A_194 = arith.constant 1 : i32
      %dma_start3A_195 = arith.constant 1 : i32
      %dma_start3A_196 = arith.constant 0 : i32
      %dma_start3A_197 = arith.constant 0 : i32
      %dma_start3A_198 = tpu.memref_slice %arg8[%dma_start3A_194, %dma_start3A_196, %dma_start3A_197] : memref<2x128x128xf32, #tpu.memory_space<vmem>> -> memref<1x128x128xf32, #tpu.memory_space<vmem>>
      %dma_start3A_199 = tpu.memref_squeeze %dma_start3A_198 : memref<1x128x128xf32, #tpu.memory_space<vmem>> -> memref<128x128xf32, #tpu.memory_space<vmem>>
      %dma_start3A_200 = arith.constant 0 : i32
      %dma_start3A_201 = tpu.memref_slice %arg7[%select_n3A_139, %dma_start3A_195, %dma_start3A_200] : memref<2x8x128xi32, #tpu.memory_space<vmem>> -> memref<1x1x128xi32, #tpu.memory_space<vmem>>
      %dma_start3A_202 = tpu.memref_squeeze %dma_start3A_201 : memref<1x1x128xi32, #tpu.memory_space<vmem>> -> memref<128xi32, #tpu.memory_space<vmem>>
      %dma_start3A_203 = arith.constant 0 : i32
      %dma_start3A_204 = arith.constant 0 : i32
      %dma_start3A_205 = tpu.memref_slice %arg9[%dma_start3A_203, %dma_start3A_204] : memref<10064x128xf32, #tpu.memory_space<vmem_shared>> -> memref<10064x128xf32, #tpu.memory_space<vmem_shared>>
      tpu.enqueue_indirect_dma source(%dma_start3A_199 : memref<128x128xf32, #tpu.memory_space<vmem>>) target(%dma_start3A_205 : memref<10064x128xf32, #tpu.memory_space<vmem_shared>>) offsets(%dma_start3A_202 : memref<128xi32, #tpu.memory_space<vmem>>) semaphore(%arg12 : memref<!tpu.dma_semaphore, #tpu.memory_space<semaphore_mem>>) {add = true}
      %dma_wait3A_206 = arith.constant 0 : i32
      %dma_wait3A_207 = arith.constant 0 : i32
      %dma_wait3A_208 = arith.constant 0 : i32
      %dma_wait3A_209 = arith.constant 0 : i32
      %dma_wait3A_210 = arith.constant 0 : i32
      %dma_wait3A_211 = tpu.memref_slice %arg8[%dma_wait3A_206, %dma_wait3A_209, %dma_wait3A_210] : memref<2x128x128xf32, #tpu.memory_space<vmem>> -> memref<1x128x128xf32, #tpu.memory_space<vmem>>
      %dma_wait3A_212 = tpu.memref_squeeze %dma_wait3A_211 : memref<1x128x128xf32, #tpu.memory_space<vmem>> -> memref<128x128xf32, #tpu.memory_space<vmem>>
      %dma_wait3A_213 = arith.constant 0 : i32
      %dma_wait3A_214 = tpu.memref_slice %arg7[%dma_wait3A_207, %dma_wait3A_208, %dma_wait3A_213] : memref<2x8x128xi32, #tpu.memory_space<vmem>> -> memref<1x1x128xi32, #tpu.memory_space<vmem>>
      %dma_wait3A_215 = tpu.memref_squeeze %dma_wait3A_214 : memref<1x1x128xi32, #tpu.memory_space<vmem>> -> memref<128xi32, #tpu.memory_space<vmem>>
      %dma_wait3A_216 = arith.constant 0 : i32
      %dma_wait3A_217 = arith.constant 0 : i32
      %dma_wait3A_218 = tpu.memref_slice %arg9[%dma_wait3A_216, %dma_wait3A_217] : memref<10064x128xf32, #tpu.memory_space<vmem_shared>> -> memref<10064x128xf32, #tpu.memory_space<vmem_shared>>
      tpu.wait_indirect_dma semaphore(%arg11 : memref<!tpu.dma_semaphore, #tpu.memory_space<semaphore_mem>>) src(%dma_wait3A_212 : memref<128x128xf32, #tpu.memory_space<vmem>>) dst(%dma_wait3A_218 : memref<10064x128xf32, #tpu.memory_space<vmem_shared>>)
      %dma_start3A_219 = arith.constant 2 : i32
      %dma_start3A_220 = arith.constant 0 : i32
      %dma_start3A_221 = arith.constant 0 : i32
      %dma_start3A_222 = arith.constant 0 : i32
      %dma_start3A_223 = tpu.memref_slice %arg8[%dma_start3A_220, %dma_start3A_221, %dma_start3A_222] : memref<2x128x128xf32, #tpu.memory_space<vmem>> -> memref<1x128x128xf32, #tpu.memory_space<vmem>>
      %dma_start3A_224 = tpu.memref_squeeze %dma_start3A_223 : memref<1x128x128xf32, #tpu.memory_space<vmem>> -> memref<128x128xf32, #tpu.memory_space<vmem>>
      %dma_start3A_225 = arith.constant 0 : i32
      %dma_start3A_226 = tpu.memref_slice %arg6[%select_n3A_139, %dma_start3A_219, %dma_start3A_225] : memref<2x8x128xi32, #tpu.memory_space<vmem>> -> memref<1x1x128xi32, #tpu.memory_space<vmem>>
      %dma_start3A_227 = tpu.memref_squeeze %dma_start3A_226 : memref<1x1x128xi32, #tpu.memory_space<vmem>> -> memref<128xi32, #tpu.memory_space<vmem>>
      %dma_start3A_228 = arith.constant 0 : i32
      %dma_start3A_229 = arith.constant 0 : i32
      %dma_start3A_230 = tpu.memref_slice %arg2[%dma_start3A_228, %dma_start3A_229] : memref<10000x128xf32, #tpu.memory_space<hbm>> -> memref<10000x128xf32, #tpu.memory_space<hbm>>
      tpu.enqueue_indirect_dma source(%dma_start3A_230 : memref<10000x128xf32, #tpu.memory_space<hbm>>) target(%dma_start3A_224 : memref<128x128xf32, #tpu.memory_space<vmem>>) offsets(%dma_start3A_227 : memref<128xi32, #tpu.memory_space<vmem>>) semaphore(%arg10 : memref<!tpu.dma_semaphore, #tpu.memory_space<semaphore_mem>>)
      %dma_wait3A_231 = arith.constant 0 : i32
      %dma_wait3A_232 = arith.constant 0 : i32
      %dma_wait3A_233 = arith.constant 0 : i32
      %dma_wait3A_234 = arith.constant 0 : i32
      %dma_wait3A_235 = arith.constant 0 : i32
      %dma_wait3A_236 = tpu.memref_slice %arg8[%dma_wait3A_233, %dma_wait3A_234, %dma_wait3A_235] : memref<2x128x128xf32, #tpu.memory_space<vmem>> -> memref<1x128x128xf32, #tpu.memory_space<vmem>>
      %dma_wait3A_237 = tpu.memref_squeeze %dma_wait3A_236 : memref<1x128x128xf32, #tpu.memory_space<vmem>> -> memref<128x128xf32, #tpu.memory_space<vmem>>
      %dma_wait3A_238 = arith.constant 0 : i32
      %dma_wait3A_239 = tpu.memref_slice %arg6[%dma_wait3A_231, %dma_wait3A_232, %dma_wait3A_238] : memref<2x8x128xi32, #tpu.memory_space<vmem>> -> memref<1x1x128xi32, #tpu.memory_space<vmem>>
      %dma_wait3A_240 = tpu.memref_squeeze %dma_wait3A_239 : memref<1x1x128xi32, #tpu.memory_space<vmem>> -> memref<128xi32, #tpu.memory_space<vmem>>
      %dma_wait3A_241 = arith.constant 0 : i32
      %dma_wait3A_242 = arith.constant 0 : i32
      %dma_wait3A_243 = tpu.memref_slice %arg2[%dma_wait3A_241, %dma_wait3A_242] : memref<10000x128xf32, #tpu.memory_space<hbm>> -> memref<10000x128xf32, #tpu.memory_space<hbm>>
      tpu.wait_indirect_dma semaphore(%arg10 : memref<!tpu.dma_semaphore, #tpu.memory_space<semaphore_mem>>) src(%dma_wait3A_243 : memref<10000x128xf32, #tpu.memory_space<hbm>>) dst(%dma_wait3A_237 : memref<128x128xf32, #tpu.memory_space<vmem>>)
      %dma_start3A_244 = arith.constant 0 : i32
      %dma_start3A_245 = arith.constant 2 : i32
      %dma_start3A_246 = arith.constant 0 : i32
      %dma_start3A_247 = arith.constant 0 : i32
      %dma_start3A_248 = tpu.memref_slice %arg8[%dma_start3A_244, %dma_start3A_246, %dma_start3A_247] : memref<2x128x128xf32, #tpu.memory_space<vmem>> -> memref<1x128x128xf32, #tpu.memory_space<vmem>>
      %dma_start3A_249 = tpu.memref_squeeze %dma_start3A_248 : memref<1x128x128xf32, #tpu.memory_space<vmem>> -> memref<128x128xf32, #tpu.memory_space<vmem>>
      %dma_start3A_250 = arith.constant 0 : i32
      %dma_start3A_251 = tpu.memref_slice %arg7[%select_n3A_139, %dma_start3A_245, %dma_start3A_250] : memref<2x8x128xi32, #tpu.memory_space<vmem>> -> memref<1x1x128xi32, #tpu.memory_space<vmem>>
      %dma_start3A_252 = tpu.memref_squeeze %dma_start3A_251 : memref<1x1x128xi32, #tpu.memory_space<vmem>> -> memref<128xi32, #tpu.memory_space<vmem>>
      %dma_start3A_253 = arith.constant 0 : i32
      %dma_start3A_254 = arith.constant 0 : i32
      %dma_start3A_255 = tpu.memref_slice %arg9[%dma_start3A_253, %dma_start3A_254] : memref<10064x128xf32, #tpu.memory_space<vmem_shared>> -> memref<10064x128xf32, #tpu.memory_space<vmem_shared>>
      tpu.enqueue_indirect_dma source(%dma_start3A_249 : memref<128x128xf32, #tpu.memory_space<vmem>>) target(%dma_start3A_255 : memref<10064x128xf32, #tpu.memory_space<vmem_shared>>) offsets(%dma_start3A_252 : memref<128xi32, #tpu.memory_space<vmem>>) semaphore(%arg11 : memref<!tpu.dma_semaphore, #tpu.memory_space<semaphore_mem>>) {add = true}
      %dma_wait3A_256 = arith.constant 1 : i32
      %dma_wait3A_257 = arith.constant 0 : i32
      %dma_wait3A_258 = arith.constant 0 : i32
      %dma_wait3A_259 = arith.constant 0 : i32
      %dma_wait3A_260 = arith.constant 0 : i32
      %dma_wait3A_261 = tpu.memref_slice %arg8[%dma_wait3A_256, %dma_wait3A_259, %dma_wait3A_260] : memref<2x128x128xf32, #tpu.memory_space<vmem>> -> memref<1x128x128xf32, #tpu.memory_space<vmem>>
      %dma_wait3A_262 = tpu.memref_squeeze %dma_wait3A_261 : memref<1x128x128xf32, #tpu.memory_space<vmem>> -> memref<128x128xf32, #tpu.memory_space<vmem>>
      %dma_wait3A_263 = arith.constant 0 : i32
      %dma_wait3A_264 = tpu.memref_slice %arg7[%dma_wait3A_257, %dma_wait3A_258, %dma_wait3A_263] : memref<2x8x128xi32, #tpu.memory_space<vmem>> -> memref<1x1x128xi32, #tpu.memory_space<vmem>>
      %dma_wait3A_265 = tpu.memref_squeeze %dma_wait3A_264 : memref<1x1x128xi32, #tpu.memory_space<vmem>> -> memref<128xi32, #tpu.memory_space<vmem>>
      %dma_wait3A_266 = arith.constant 0 : i32
      %dma_wait3A_267 = arith.constant 0 : i32
      %dma_wait3A_268 = tpu.memref_slice %arg9[%dma_wait3A_266, %dma_wait3A_267] : memref<10064x128xf32, #tpu.memory_space<vmem_shared>> -> memref<10064x128xf32, #tpu.memory_space<vmem_shared>>
      tpu.wait_indirect_dma semaphore(%arg12 : memref<!tpu.dma_semaphore, #tpu.memory_space<semaphore_mem>>) src(%dma_wait3A_262 : memref<128x128xf32, #tpu.memory_space<vmem>>) dst(%dma_wait3A_268 : memref<10064x128xf32, #tpu.memory_space<vmem_shared>>)
      %dma_start3A_269 = arith.constant 3 : i32
      %dma_start3A_270 = arith.constant 1 : i32
      %dma_start3A_271 = arith.constant 0 : i32
      %dma_start3A_272 = arith.constant 0 : i32
      %dma_start3A_273 = tpu.memref_slice %arg8[%dma_start3A_270, %dma_start3A_271, %dma_start3A_272] : memref<2x128x128xf32, #tpu.memory_space<vmem>> -> memref<1x128x128xf32, #tpu.memory_space<vmem>>
      %dma_start3A_274 = tpu.memref_squeeze %dma_start3A_273 : memref<1x128x128xf32, #tpu.memory_space<vmem>> -> memref<128x128xf32, #tpu.memory_space<vmem>>
      %dma_start3A_275 = arith.constant 0 : i32
      %dma_start3A_276 = tpu.memref_slice %arg6[%select_n3A_139, %dma_start3A_269, %dma_start3A_275] : memref<2x8x128xi32, #tpu.memory_space<vmem>> -> memref<1x1x128xi32, #tpu.memory_space<vmem>>
      %dma_start3A_277 = tpu.memref_squeeze %dma_start3A_276 : memref<1x1x128xi32, #tpu.memory_space<vmem>> -> memref<128xi32, #tpu.memory_space<vmem>>
      %dma_start3A_278 = arith.constant 0 : i32
      %dma_start3A_279 = arith.constant 0 : i32
      %dma_start3A_280 = tpu.memref_slice %arg2[%dma_start3A_278, %dma_start3A_279] : memref<10000x128xf32, #tpu.memory_space<hbm>> -> memref<10000x128xf32, #tpu.memory_space<hbm>>
      tpu.enqueue_indirect_dma source(%dma_start3A_280 : memref<10000x128xf32, #tpu.memory_space<hbm>>) target(%dma_start3A_274 : memref<128x128xf32, #tpu.memory_space<vmem>>) offsets(%dma_start3A_277 : memref<128xi32, #tpu.memory_space<vmem>>) semaphore(%arg10 : memref<!tpu.dma_semaphore, #tpu.memory_space<semaphore_mem>>)
      %dma_wait3A_281 = arith.constant 0 : i32
      %dma_wait3A_282 = arith.constant 0 : i32
      %dma_wait3A_283 = arith.constant 1 : i32
      %dma_wait3A_284 = arith.constant 0 : i32
      %dma_wait3A_285 = arith.constant 0 : i32
      %dma_wait3A_286 = tpu.memref_slice %arg8[%dma_wait3A_283, %dma_wait3A_284, %dma_wait3A_285] : memref<2x128x128xf32, #tpu.memory_space<vmem>> -> memref<1x128x128xf32, #tpu.memory_space<vmem>>
      %dma_wait3A_287 = tpu.memref_squeeze %dma_wait3A_286 : memref<1x128x128xf32, #tpu.memory_space<vmem>> -> memref<128x128xf32, #tpu.memory_space<vmem>>
      %dma_wait3A_288 = arith.constant 0 : i32
      %dma_wait3A_289 = tpu.memref_slice %arg6[%dma_wait3A_281, %dma_wait3A_282, %dma_wait3A_288] : memref<2x8x128xi32, #tpu.memory_space<vmem>> -> memref<1x1x128xi32, #tpu.memory_space<vmem>>
      %dma_wait3A_290 = tpu.memref_squeeze %dma_wait3A_289 : memref<1x1x128xi32, #tpu.memory_space<vmem>> -> memref<128xi32, #tpu.memory_space<vmem>>
      %dma_wait3A_291 = arith.constant 0 : i32
      %dma_wait3A_292 = arith.constant 0 : i32
      %dma_wait3A_293 = tpu.memref_slice %arg2[%dma_wait3A_291, %dma_wait3A_292] : memref<10000x128xf32, #tpu.memory_space<hbm>> -> memref<10000x128xf32, #tpu.memory_space<hbm>>
      tpu.wait_indirect_dma semaphore(%arg10 : memref<!tpu.dma_semaphore, #tpu.memory_space<semaphore_mem>>) src(%dma_wait3A_293 : memref<10000x128xf32, #tpu.memory_space<hbm>>) dst(%dma_wait3A_287 : memref<128x128xf32, #tpu.memory_space<vmem>>)
      %dma_start3A_294 = arith.constant 1 : i32
      %dma_start3A_295 = arith.constant 3 : i32
      %dma_start3A_296 = arith.constant 0 : i32
      %dma_start3A_297 = arith.constant 0 : i32
      %dma_start3A_298 = tpu.memref_slice %arg8[%dma_start3A_294, %dma_start3A_296, %dma_start3A_297] : memref<2x128x128xf32, #tpu.memory_space<vmem>> -> memref<1x128x128xf32, #tpu.memory_space<vmem>>
      %dma_start3A_299 = tpu.memref_squeeze %dma_start3A_298 : memref<1x128x128xf32, #tpu.memory_space<vmem>> -> memref<128x128xf32, #tpu.memory_space<vmem>>
      %dma_start3A_300 = arith.constant 0 : i32
      %dma_start3A_301 = tpu.memref_slice %arg7[%select_n3A_139, %dma_start3A_295, %dma_start3A_300] : memref<2x8x128xi32, #tpu.memory_space<vmem>> -> memref<1x1x128xi32, #tpu.memory_space<vmem>>
      %dma_start3A_302 = tpu.memref_squeeze %dma_start3A_301 : memref<1x1x128xi32, #tpu.memory_space<vmem>> -> memref<128xi32, #tpu.memory_space<vmem>>
      %dma_start3A_303 = arith.constant 0 : i32
      %dma_start3A_304 = arith.constant 0 : i32
      %dma_start3A_305 = tpu.memref_slice %arg9[%dma_start3A_303, %dma_start3A_304] : memref<10064x128xf32, #tpu.memory_space<vmem_shared>> -> memref<10064x128xf32, #tpu.memory_space<vmem_shared>>
      tpu.enqueue_indirect_dma source(%dma_start3A_299 : memref<128x128xf32, #tpu.memory_space<vmem>>) target(%dma_start3A_305 : memref<10064x128xf32, #tpu.memory_space<vmem_shared>>) offsets(%dma_start3A_302 : memref<128xi32, #tpu.memory_space<vmem>>) semaphore(%arg12 : memref<!tpu.dma_semaphore, #tpu.memory_space<semaphore_mem>>) {add = true}
      %dma_wait3A_306 = arith.constant 0 : i32
      %dma_wait3A_307 = arith.constant 0 : i32
      %dma_wait3A_308 = arith.constant 0 : i32
      %dma_wait3A_309 = arith.constant 0 : i32
      %dma_wait3A_310 = arith.constant 0 : i32
      %dma_wait3A_311 = tpu.memref_slice %arg8[%dma_wait3A_306, %dma_wait3A_309, %dma_wait3A_310] : memref<2x128x128xf32, #tpu.memory_space<vmem>> -> memref<1x128x128xf32, #tpu.memory_space<vmem>>
      %dma_wait3A_312 = tpu.memref_squeeze %dma_wait3A_311 : memref<1x128x128xf32, #tpu.memory_space<vmem>> -> memref<128x128xf32, #tpu.memory_space<vmem>>
      %dma_wait3A_313 = arith.constant 0 : i32
      %dma_wait3A_314 = tpu.memref_slice %arg7[%dma_wait3A_307, %dma_wait3A_308, %dma_wait3A_313] : memref<2x8x128xi32, #tpu.memory_space<vmem>> -> memref<1x1x128xi32, #tpu.memory_space<vmem>>
      %dma_wait3A_315 = tpu.memref_squeeze %dma_wait3A_314 : memref<1x1x128xi32, #tpu.memory_space<vmem>> -> memref<128xi32, #tpu.memory_space<vmem>>
      %dma_wait3A_316 = arith.constant 0 : i32
      %dma_wait3A_317 = arith.constant 0 : i32
      %dma_wait3A_318 = tpu.memref_slice %arg9[%dma_wait3A_316, %dma_wait3A_317] : memref<10064x128xf32, #tpu.memory_space<vmem_shared>> -> memref<10064x128xf32, #tpu.memory_space<vmem_shared>>
      tpu.wait_indirect_dma semaphore(%arg11 : memref<!tpu.dma_semaphore, #tpu.memory_space<semaphore_mem>>) src(%dma_wait3A_312 : memref<128x128xf32, #tpu.memory_space<vmem>>) dst(%dma_wait3A_318 : memref<10064x128xf32, #tpu.memory_space<vmem_shared>>)
      %dma_start3A_319 = arith.constant 4 : i32
      %dma_start3A_320 = arith.constant 0 : i32
      %dma_start3A_321 = arith.constant 0 : i32
      %dma_start3A_322 = arith.constant 0 : i32
      %dma_start3A_323 = tpu.memref_slice %arg8[%dma_start3A_320, %dma_start3A_321, %dma_start3A_322] : memref<2x128x128xf32, #tpu.memory_space<vmem>> -> memref<1x128x128xf32, #tpu.memory_space<vmem>>
      %dma_start3A_324 = tpu.memref_squeeze %dma_start3A_323 : memref<1x128x128xf32, #tpu.memory_space<vmem>> -> memref<128x128xf32, #tpu.memory_space<vmem>>
      %dma_start3A_325 = arith.constant 0 : i32
      %dma_start3A_326 = tpu.memref_slice %arg6[%select_n3A_139, %dma_start3A_319, %dma_start3A_325] : memref<2x8x128xi32, #tpu.memory_space<vmem>> -> memref<1x1x128xi32, #tpu.memory_space<vmem>>
      %dma_start3A_327 = tpu.memref_squeeze %dma_start3A_326 : memref<1x1x128xi32, #tpu.memory_space<vmem>> -> memref<128xi32, #tpu.memory_space<vmem>>
      %dma_start3A_328 = arith.constant 0 : i32
      %dma_start3A_329 = arith.constant 0 : i32
      %dma_start3A_330 = tpu.memref_slice %arg2[%dma_start3A_328, %dma_start3A_329] : memref<10000x128xf32, #tpu.memory_space<hbm>> -> memref<10000x128xf32, #tpu.memory_space<hbm>>
      tpu.enqueue_indirect_dma source(%dma_start3A_330 : memref<10000x128xf32, #tpu.memory_space<hbm>>) target(%dma_start3A_324 : memref<128x128xf32, #tpu.memory_space<vmem>>) offsets(%dma_start3A_327 : memref<128xi32, #tpu.memory_space<vmem>>) semaphore(%arg10 : memref<!tpu.dma_semaphore, #tpu.memory_space<semaphore_mem>>)
      %dma_wait3A_331 = arith.constant 0 : i32
      %dma_wait3A_332 = arith.constant 0 : i32
      %dma_wait3A_333 = arith.constant 0 : i32
      %dma_wait3A_334 = arith.constant 0 : i32
      %dma_wait3A_335 = arith.constant 0 : i32
      %dma_wait3A_336 = tpu.memref_slice %arg8[%dma_wait3A_333, %dma_wait3A_334, %dma_wait3A_335] : memref<2x128x128xf32, #tpu.memory_space<vmem>> -> memref<1x128x128xf32, #tpu.memory_space<vmem>>
      %dma_wait3A_337 = tpu.memref_squeeze %dma_wait3A_336 : memref<1x128x128xf32, #tpu.memory_space<vmem>> -> memref<128x128xf32, #tpu.memory_space<vmem>>
      %dma_wait3A_338 = arith.constant 0 : i32
      %dma_wait3A_339 = tpu.memref_slice %arg6[%dma_wait3A_331, %dma_wait3A_332, %dma_wait3A_338] : memref<2x8x128xi32, #tpu.memory_space<vmem>> -> memref<1x1x128xi32, #tpu.memory_space<vmem>>
      %dma_wait3A_340 = tpu.memref_squeeze %dma_wait3A_339 : memref<1x1x128xi32, #tpu.memory_space<vmem>> -> memref<128xi32, #tpu.memory_space<vmem>>
      %dma_wait3A_341 = arith.constant 0 : i32
      %dma_wait3A_342 = arith.constant 0 : i32
      %dma_wait3A_343 = tpu.memref_slice %arg2[%dma_wait3A_341, %dma_wait3A_342] : memref<10000x128xf32, #tpu.memory_space<hbm>> -> memref<10000x128xf32, #tpu.memory_space<hbm>>
      tpu.wait_indirect_dma semaphore(%arg10 : memref<!tpu.dma_semaphore, #tpu.memory_space<semaphore_mem>>) src(%dma_wait3A_343 : memref<10000x128xf32, #tpu.memory_space<hbm>>) dst(%dma_wait3A_337 : memref<128x128xf32, #tpu.memory_space<vmem>>)
      %dma_start3A_344 = arith.constant 0 : i32
      %dma_start3A_345 = arith.constant 4 : i32
      %dma_start3A_346 = arith.constant 0 : i32
      %dma_start3A_347 = arith.constant 0 : i32
      %dma_start3A_348 = tpu.memref_slice %arg8[%dma_start3A_344, %dma_start3A_346, %dma_start3A_347] : memref<2x128x128xf32, #tpu.memory_space<vmem>> -> memref<1x128x128xf32, #tpu.memory_space<vmem>>
      %dma_start3A_349 = tpu.memref_squeeze %dma_start3A_348 : memref<1x128x128xf32, #tpu.memory_space<vmem>> -> memref<128x128xf32, #tpu.memory_space<vmem>>
      %dma_start3A_350 = arith.constant 0 : i32
      %dma_start3A_351 = tpu.memref_slice %arg7[%select_n3A_139, %dma_start3A_345, %dma_start3A_350] : memref<2x8x128xi32, #tpu.memory_space<vmem>> -> memref<1x1x128xi32, #tpu.memory_space<vmem>>
      %dma_start3A_352 = tpu.memref_squeeze %dma_start3A_351 : memref<1x1x128xi32, #tpu.memory_space<vmem>> -> memref<128xi32, #tpu.memory_space<vmem>>
      %dma_start3A_353 = arith.constant 0 : i32
      %dma_start3A_354 = arith.constant 0 : i32
      %dma_start3A_355 = tpu.memref_slice %arg9[%dma_start3A_353, %dma_start3A_354] : memref<10064x128xf32, #tpu.memory_space<vmem_shared>> -> memref<10064x128xf32, #tpu.memory_space<vmem_shared>>
      tpu.enqueue_indirect_dma source(%dma_start3A_349 : memref<128x128xf32, #tpu.memory_space<vmem>>) target(%dma_start3A_355 : memref<10064x128xf32, #tpu.memory_space<vmem_shared>>) offsets(%dma_start3A_352 : memref<128xi32, #tpu.memory_space<vmem>>) semaphore(%arg11 : memref<!tpu.dma_semaphore, #tpu.memory_space<semaphore_mem>>) {add = true}
      %dma_wait3A_356 = arith.constant 1 : i32
      %dma_wait3A_357 = arith.constant 0 : i32
      %dma_wait3A_358 = arith.constant 0 : i32
      %dma_wait3A_359 = arith.constant 0 : i32
      %dma_wait3A_360 = arith.constant 0 : i32
      %dma_wait3A_361 = tpu.memref_slice %arg8[%dma_wait3A_356, %dma_wait3A_359, %dma_wait3A_360] : memref<2x128x128xf32, #tpu.memory_space<vmem>> -> memref<1x128x128xf32, #tpu.memory_space<vmem>>
      %dma_wait3A_362 = tpu.memref_squeeze %dma_wait3A_361 : memref<1x128x128xf32, #tpu.memory_space<vmem>> -> memref<128x128xf32, #tpu.memory_space<vmem>>
      %dma_wait3A_363 = arith.constant 0 : i32
      %dma_wait3A_364 = tpu.memref_slice %arg7[%dma_wait3A_357, %dma_wait3A_358, %dma_wait3A_363] : memref<2x8x128xi32, #tpu.memory_space<vmem>> -> memref<1x1x128xi32, #tpu.memory_space<vmem>>
      %dma_wait3A_365 = tpu.memref_squeeze %dma_wait3A_364 : memref<1x1x128xi32, #tpu.memory_space<vmem>> -> memref<128xi32, #tpu.memory_space<vmem>>
      %dma_wait3A_366 = arith.constant 0 : i32
      %dma_wait3A_367 = arith.constant 0 : i32
      %dma_wait3A_368 = tpu.memref_slice %arg9[%dma_wait3A_366, %dma_wait3A_367] : memref<10064x128xf32, #tpu.memory_space<vmem_shared>> -> memref<10064x128xf32, #tpu.memory_space<vmem_shared>>
      tpu.wait_indirect_dma semaphore(%arg12 : memref<!tpu.dma_semaphore, #tpu.memory_space<semaphore_mem>>) src(%dma_wait3A_362 : memref<128x128xf32, #tpu.memory_space<vmem>>) dst(%dma_wait3A_368 : memref<10064x128xf32, #tpu.memory_space<vmem_shared>>)
      %dma_start3A_369 = arith.constant 5 : i32
      %dma_start3A_370 = arith.constant 1 : i32
      %dma_start3A_371 = arith.constant 0 : i32
      %dma_start3A_372 = arith.constant 0 : i32
      %dma_start3A_373 = tpu.memref_slice %arg8[%dma_start3A_370, %dma_start3A_371, %dma_start3A_372] : memref<2x128x128xf32, #tpu.memory_space<vmem>> -> memref<1x128x128xf32, #tpu.memory_space<vmem>>
      %dma_start3A_374 = tpu.memref_squeeze %dma_start3A_373 : memref<1x128x128xf32, #tpu.memory_space<vmem>> -> memref<128x128xf32, #tpu.memory_space<vmem>>
      %dma_start3A_375 = arith.constant 0 : i32
      %dma_start3A_376 = tpu.memref_slice %arg6[%select_n3A_139, %dma_start3A_369, %dma_start3A_375] : memref<2x8x128xi32, #tpu.memory_space<vmem>> -> memref<1x1x128xi32, #tpu.memory_space<vmem>>
      %dma_start3A_377 = tpu.memref_squeeze %dma_start3A_376 : memref<1x1x128xi32, #tpu.memory_space<vmem>> -> memref<128xi32, #tpu.memory_space<vmem>>
      %dma_start3A_378 = arith.constant 0 : i32
      %dma_start3A_379 = arith.constant 0 : i32
      %dma_start3A_380 = tpu.memref_slice %arg2[%dma_start3A_378, %dma_start3A_379] : memref<10000x128xf32, #tpu.memory_space<hbm>> -> memref<10000x128xf32, #tpu.memory_space<hbm>>
      tpu.enqueue_indirect_dma source(%dma_start3A_380 : memref<10000x128xf32, #tpu.memory_space<hbm>>) target(%dma_start3A_374 : memref<128x128xf32, #tpu.memory_space<vmem>>) offsets(%dma_start3A_377 : memref<128xi32, #tpu.memory_space<vmem>>) semaphore(%arg10 : memref<!tpu.dma_semaphore, #tpu.memory_space<semaphore_mem>>)
      %dma_wait3A_381 = arith.constant 0 : i32
      %dma_wait3A_382 = arith.constant 0 : i32
      %dma_wait3A_383 = arith.constant 1 : i32
      %dma_wait3A_384 = arith.constant 0 : i32
      %dma_wait3A_385 = arith.constant 0 : i32
      %dma_wait3A_386 = tpu.memref_slice %arg8[%dma_wait3A_383, %dma_wait3A_384, %dma_wait3A_385] : memref<2x128x128xf32, #tpu.memory_space<vmem>> -> memref<1x128x128xf32, #tpu.memory_space<vmem>>
      %dma_wait3A_387 = tpu.memref_squeeze %dma_wait3A_386 : memref<1x128x128xf32, #tpu.memory_space<vmem>> -> memref<128x128xf32, #tpu.memory_space<vmem>>
      %dma_wait3A_388 = arith.constant 0 : i32
      %dma_wait3A_389 = tpu.memref_slice %arg6[%dma_wait3A_381, %dma_wait3A_382, %dma_wait3A_388] : memref<2x8x128xi32, #tpu.memory_space<vmem>> -> memref<1x1x128xi32, #tpu.memory_space<vmem>>
      %dma_wait3A_390 = tpu.memref_squeeze %dma_wait3A_389 : memref<1x1x128xi32, #tpu.memory_space<vmem>> -> memref<128xi32, #tpu.memory_space<vmem>>
      %dma_wait3A_391 = arith.constant 0 : i32
      %dma_wait3A_392 = arith.constant 0 : i32
      %dma_wait3A_393 = tpu.memref_slice %arg2[%dma_wait3A_391, %dma_wait3A_392] : memref<10000x128xf32, #tpu.memory_space<hbm>> -> memref<10000x128xf32, #tpu.memory_space<hbm>>
      tpu.wait_indirect_dma semaphore(%arg10 : memref<!tpu.dma_semaphore, #tpu.memory_space<semaphore_mem>>) src(%dma_wait3A_393 : memref<10000x128xf32, #tpu.memory_space<hbm>>) dst(%dma_wait3A_387 : memref<128x128xf32, #tpu.memory_space<vmem>>)
      %dma_start3A_394 = arith.constant 1 : i32
      %dma_start3A_395 = arith.constant 5 : i32
      %dma_start3A_396 = arith.constant 0 : i32
      %dma_start3A_397 = arith.constant 0 : i32
      %dma_start3A_398 = tpu.memref_slice %arg8[%dma_start3A_394, %dma_start3A_396, %dma_start3A_397] : memref<2x128x128xf32, #tpu.memory_space<vmem>> -> memref<1x128x128xf32, #tpu.memory_space<vmem>>
      %dma_start3A_399 = tpu.memref_squeeze %dma_start3A_398 : memref<1x128x128xf32, #tpu.memory_space<vmem>> -> memref<128x128xf32, #tpu.memory_space<vmem>>
      %dma_start3A_400 = arith.constant 0 : i32
      %dma_start3A_401 = tpu.memref_slice %arg7[%select_n3A_139, %dma_start3A_395, %dma_start3A_400] : memref<2x8x128xi32, #tpu.memory_space<vmem>> -> memref<1x1x128xi32, #tpu.memory_space<vmem>>
      %dma_start3A_402 = tpu.memref_squeeze %dma_start3A_401 : memref<1x1x128xi32, #tpu.memory_space<vmem>> -> memref<128xi32, #tpu.memory_space<vmem>>
      %dma_start3A_403 = arith.constant 0 : i32
      %dma_start3A_404 = arith.constant 0 : i32
      %dma_start3A_405 = tpu.memref_slice %arg9[%dma_start3A_403, %dma_start3A_404] : memref<10064x128xf32, #tpu.memory_space<vmem_shared>> -> memref<10064x128xf32, #tpu.memory_space<vmem_shared>>
      tpu.enqueue_indirect_dma source(%dma_start3A_399 : memref<128x128xf32, #tpu.memory_space<vmem>>) target(%dma_start3A_405 : memref<10064x128xf32, #tpu.memory_space<vmem_shared>>) offsets(%dma_start3A_402 : memref<128xi32, #tpu.memory_space<vmem>>) semaphore(%arg12 : memref<!tpu.dma_semaphore, #tpu.memory_space<semaphore_mem>>) {add = true}
      %dma_wait3A_406 = arith.constant 0 : i32
      %dma_wait3A_407 = arith.constant 0 : i32
      %dma_wait3A_408 = arith.constant 0 : i32
      %dma_wait3A_409 = arith.constant 0 : i32
      %dma_wait3A_410 = arith.constant 0 : i32
      %dma_wait3A_411 = tpu.memref_slice %arg8[%dma_wait3A_406, %dma_wait3A_409, %dma_wait3A_410] : memref<2x128x128xf32, #tpu.memory_space<vmem>> -> memref<1x128x128xf32, #tpu.memory_space<vmem>>
      %dma_wait3A_412 = tpu.memref_squeeze %dma_wait3A_411 : memref<1x128x128xf32, #tpu.memory_space<vmem>> -> memref<128x128xf32, #tpu.memory_space<vmem>>
      %dma_wait3A_413 = arith.constant 0 : i32
      %dma_wait3A_414 = tpu.memref_slice %arg7[%dma_wait3A_407, %dma_wait3A_408, %dma_wait3A_413] : memref<2x8x128xi32, #tpu.memory_space<vmem>> -> memref<1x1x128xi32, #tpu.memory_space<vmem>>
      %dma_wait3A_415 = tpu.memref_squeeze %dma_wait3A_414 : memref<1x1x128xi32, #tpu.memory_space<vmem>> -> memref<128xi32, #tpu.memory_space<vmem>>
      %dma_wait3A_416 = arith.constant 0 : i32
      %dma_wait3A_417 = arith.constant 0 : i32
      %dma_wait3A_418 = tpu.memref_slice %arg9[%dma_wait3A_416, %dma_wait3A_417] : memref<10064x128xf32, #tpu.memory_space<vmem_shared>> -> memref<10064x128xf32, #tpu.memory_space<vmem_shared>>
      tpu.wait_indirect_dma semaphore(%arg11 : memref<!tpu.dma_semaphore, #tpu.memory_space<semaphore_mem>>) src(%dma_wait3A_412 : memref<128x128xf32, #tpu.memory_space<vmem>>) dst(%dma_wait3A_418 : memref<10064x128xf32, #tpu.memory_space<vmem_shared>>)
      %dma_start3A_419 = arith.constant 6 : i32
      %dma_start3A_420 = arith.constant 0 : i32
      %dma_start3A_421 = arith.constant 0 : i32
      %dma_start3A_422 = arith.constant 0 : i32
      %dma_start3A_423 = tpu.memref_slice %arg8[%dma_start3A_420, %dma_start3A_421, %dma_start3A_422] : memref<2x128x128xf32, #tpu.memory_space<vmem>> -> memref<1x128x128xf32, #tpu.memory_space<vmem>>
      %dma_start3A_424 = tpu.memref_squeeze %dma_start3A_423 : memref<1x128x128xf32, #tpu.memory_space<vmem>> -> memref<128x128xf32, #tpu.memory_space<vmem>>
      %dma_start3A_425 = arith.constant 0 : i32
      %dma_start3A_426 = tpu.memref_slice %arg6[%select_n3A_139, %dma_start3A_419, %dma_start3A_425] : memref<2x8x128xi32, #tpu.memory_space<vmem>> -> memref<1x1x128xi32, #tpu.memory_space<vmem>>
      %dma_start3A_427 = tpu.memref_squeeze %dma_start3A_426 : memref<1x1x128xi32, #tpu.memory_space<vmem>> -> memref<128xi32, #tpu.memory_space<vmem>>
      %dma_start3A_428 = arith.constant 0 : i32
      %dma_start3A_429 = arith.constant 0 : i32
      %dma_start3A_430 = tpu.memref_slice %arg2[%dma_start3A_428, %dma_start3A_429] : memref<10000x128xf32, #tpu.memory_space<hbm>> -> memref<10000x128xf32, #tpu.memory_space<hbm>>
      tpu.enqueue_indirect_dma source(%dma_start3A_430 : memref<10000x128xf32, #tpu.memory_space<hbm>>) target(%dma_start3A_424 : memref<128x128xf32, #tpu.memory_space<vmem>>) offsets(%dma_start3A_427 : memref<128xi32, #tpu.memory_space<vmem>>) semaphore(%arg10 : memref<!tpu.dma_semaphore, #tpu.memory_space<semaphore_mem>>)
      %dma_wait3A_431 = arith.constant 0 : i32
      %dma_wait3A_432 = arith.constant 0 : i32
      %dma_wait3A_433 = arith.constant 0 : i32
      %dma_wait3A_434 = arith.constant 0 : i32
      %dma_wait3A_435 = arith.constant 0 : i32
      %dma_wait3A_436 = tpu.memref_slice %arg8[%dma_wait3A_433, %dma_wait3A_434, %dma_wait3A_435] : memref<2x128x128xf32, #tpu.memory_space<vmem>> -> memref<1x128x128xf32, #tpu.memory_space<vmem>>
      %dma_wait3A_437 = tpu.memref_squeeze %dma_wait3A_436 : memref<1x128x128xf32, #tpu.memory_space<vmem>> -> memref<128x128xf32, #tpu.memory_space<vmem>>
      %dma_wait3A_438 = arith.constant 0 : i32
      %dma_wait3A_439 = tpu.memref_slice %arg6[%dma_wait3A_431, %dma_wait3A_432, %dma_wait3A_438] : memref<2x8x128xi32, #tpu.memory_space<vmem>> -> memref<1x1x128xi32, #tpu.memory_space<vmem>>
      %dma_wait3A_440 = tpu.memref_squeeze %dma_wait3A_439 : memref<1x1x128xi32, #tpu.memory_space<vmem>> -> memref<128xi32, #tpu.memory_space<vmem>>
      %dma_wait3A_441 = arith.constant 0 : i32
      %dma_wait3A_442 = arith.constant 0 : i32
      %dma_wait3A_443 = tpu.memref_slice %arg2[%dma_wait3A_441, %dma_wait3A_442] : memref<10000x128xf32, #tpu.memory_space<hbm>> -> memref<10000x128xf32, #tpu.memory_space<hbm>>
      tpu.wait_indirect_dma semaphore(%arg10 : memref<!tpu.dma_semaphore, #tpu.memory_space<semaphore_mem>>) src(%dma_wait3A_443 : memref<10000x128xf32, #tpu.memory_space<hbm>>) dst(%dma_wait3A_437 : memref<128x128xf32, #tpu.memory_space<vmem>>)
      %dma_start3A_444 = arith.constant 0 : i32
      %dma_start3A_445 = arith.constant 6 : i32
      %dma_start3A_446 = arith.constant 0 : i32
      %dma_start3A_447 = arith.constant 0 : i32
      %dma_start3A_448 = tpu.memref_slice %arg8[%dma_start3A_444, %dma_start3A_446, %dma_start3A_447] : memref<2x128x128xf32, #tpu.memory_space<vmem>> -> memref<1x128x128xf32, #tpu.memory_space<vmem>>
      %dma_start3A_449 = tpu.memref_squeeze %dma_start3A_448 : memref<1x128x128xf32, #tpu.memory_space<vmem>> -> memref<128x128xf32, #tpu.memory_space<vmem>>
      %dma_start3A_450 = arith.constant 0 : i32
      %dma_start3A_451 = tpu.memref_slice %arg7[%select_n3A_139, %dma_start3A_445, %dma_start3A_450] : memref<2x8x128xi32, #tpu.memory_space<vmem>> -> memref<1x1x128xi32, #tpu.memory_space<vmem>>
      %dma_start3A_452 = tpu.memref_squeeze %dma_start3A_451 : memref<1x1x128xi32, #tpu.memory_space<vmem>> -> memref<128xi32, #tpu.memory_space<vmem>>
      %dma_start3A_453 = arith.constant 0 : i32
      %dma_start3A_454 = arith.constant 0 : i32
      %dma_start3A_455 = tpu.memref_slice %arg9[%dma_start3A_453, %dma_start3A_454] : memref<10064x128xf32, #tpu.memory_space<vmem_shared>> -> memref<10064x128xf32, #tpu.memory_space<vmem_shared>>
      tpu.enqueue_indirect_dma source(%dma_start3A_449 : memref<128x128xf32, #tpu.memory_space<vmem>>) target(%dma_start3A_455 : memref<10064x128xf32, #tpu.memory_space<vmem_shared>>) offsets(%dma_start3A_452 : memref<128xi32, #tpu.memory_space<vmem>>) semaphore(%arg11 : memref<!tpu.dma_semaphore, #tpu.memory_space<semaphore_mem>>) {add = true}
      %dma_wait3A_456 = arith.constant 1 : i32
      %dma_wait3A_457 = arith.constant 0 : i32
      %dma_wait3A_458 = arith.constant 0 : i32
      %dma_wait3A_459 = arith.constant 0 : i32
      %dma_wait3A_460 = arith.constant 0 : i32
      %dma_wait3A_461 = tpu.memref_slice %arg8[%dma_wait3A_456, %dma_wait3A_459, %dma_wait3A_460] : memref<2x128x128xf32, #tpu.memory_space<vmem>> -> memref<1x128x128xf32, #tpu.memory_space<vmem>>
      %dma_wait3A_462 = tpu.memref_squeeze %dma_wait3A_461 : memref<1x128x128xf32, #tpu.memory_space<vmem>> -> memref<128x128xf32, #tpu.memory_space<vmem>>
      %dma_wait3A_463 = arith.constant 0 : i32
      %dma_wait3A_464 = tpu.memref_slice %arg7[%dma_wait3A_457, %dma_wait3A_458, %dma_wait3A_463] : memref<2x8x128xi32, #tpu.memory_space<vmem>> -> memref<1x1x128xi32, #tpu.memory_space<vmem>>
      %dma_wait3A_465 = tpu.memref_squeeze %dma_wait3A_464 : memref<1x1x128xi32, #tpu.memory_space<vmem>> -> memref<128xi32, #tpu.memory_space<vmem>>
      %dma_wait3A_466 = arith.constant 0 : i32
      %dma_wait3A_467 = arith.constant 0 : i32
      %dma_wait3A_468 = tpu.memref_slice %arg9[%dma_wait3A_466, %dma_wait3A_467] : memref<10064x128xf32, #tpu.memory_space<vmem_shared>> -> memref<10064x128xf32, #tpu.memory_space<vmem_shared>>
      tpu.wait_indirect_dma semaphore(%arg12 : memref<!tpu.dma_semaphore, #tpu.memory_space<semaphore_mem>>) src(%dma_wait3A_462 : memref<128x128xf32, #tpu.memory_space<vmem>>) dst(%dma_wait3A_468 : memref<10064x128xf32, #tpu.memory_space<vmem_shared>>)
      %dma_start3A_469 = arith.constant 7 : i32
      %dma_start3A_470 = arith.constant 1 : i32
      %dma_start3A_471 = arith.constant 0 : i32
      %dma_start3A_472 = arith.constant 0 : i32
      %dma_start3A_473 = tpu.memref_slice %arg8[%dma_start3A_470, %dma_start3A_471, %dma_start3A_472] : memref<2x128x128xf32, #tpu.memory_space<vmem>> -> memref<1x128x128xf32, #tpu.memory_space<vmem>>
      %dma_start3A_474 = tpu.memref_squeeze %dma_start3A_473 : memref<1x128x128xf32, #tpu.memory_space<vmem>> -> memref<128x128xf32, #tpu.memory_space<vmem>>
      %dma_start3A_475 = arith.constant 0 : i32
      %dma_start3A_476 = tpu.memref_slice %arg6[%select_n3A_139, %dma_start3A_469, %dma_start3A_475] : memref<2x8x128xi32, #tpu.memory_space<vmem>> -> memref<1x1x128xi32, #tpu.memory_space<vmem>>
      %dma_start3A_477 = tpu.memref_squeeze %dma_start3A_476 : memref<1x1x128xi32, #tpu.memory_space<vmem>> -> memref<128xi32, #tpu.memory_space<vmem>>
      %dma_start3A_478 = arith.constant 0 : i32
      %dma_start3A_479 = arith.constant 0 : i32
      %dma_start3A_480 = tpu.memref_slice %arg2[%dma_start3A_478, %dma_start3A_479] : memref<10000x128xf32, #tpu.memory_space<hbm>> -> memref<10000x128xf32, #tpu.memory_space<hbm>>
      tpu.enqueue_indirect_dma source(%dma_start3A_480 : memref<10000x128xf32, #tpu.memory_space<hbm>>) target(%dma_start3A_474 : memref<128x128xf32, #tpu.memory_space<vmem>>) offsets(%dma_start3A_477 : memref<128xi32, #tpu.memory_space<vmem>>) semaphore(%arg10 : memref<!tpu.dma_semaphore, #tpu.memory_space<semaphore_mem>>)
      %dma_wait3A_481 = arith.constant 0 : i32
      %dma_wait3A_482 = arith.constant 0 : i32
      %dma_wait3A_483 = arith.constant 1 : i32
      %dma_wait3A_484 = arith.constant 0 : i32
      %dma_wait3A_485 = arith.constant 0 : i32
      %dma_wait3A_486 = tpu.memref_slice %arg8[%dma_wait3A_483, %dma_wait3A_484, %dma_wait3A_485] : memref<2x128x128xf32, #tpu.memory_space<vmem>> -> memref<1x128x128xf32, #tpu.memory_space<vmem>>
      %dma_wait3A_487 = tpu.memref_squeeze %dma_wait3A_486 : memref<1x128x128xf32, #tpu.memory_space<vmem>> -> memref<128x128xf32, #tpu.memory_space<vmem>>
      %dma_wait3A_488 = arith.constant 0 : i32
      %dma_wait3A_489 = tpu.memref_slice %arg6[%dma_wait3A_481, %dma_wait3A_482, %dma_wait3A_488] : memref<2x8x128xi32, #tpu.memory_space<vmem>> -> memref<1x1x128xi32, #tpu.memory_space<vmem>>
      %dma_wait3A_490 = tpu.memref_squeeze %dma_wait3A_489 : memref<1x1x128xi32, #tpu.memory_space<vmem>> -> memref<128xi32, #tpu.memory_space<vmem>>
      %dma_wait3A_491 = arith.constant 0 : i32
      %dma_wait3A_492 = arith.constant 0 : i32
      %dma_wait3A_493 = tpu.memref_slice %arg2[%dma_wait3A_491, %dma_wait3A_492] : memref<10000x128xf32, #tpu.memory_space<hbm>> -> memref<10000x128xf32, #tpu.memory_space<hbm>>
      tpu.wait_indirect_dma semaphore(%arg10 : memref<!tpu.dma_semaphore, #tpu.memory_space<semaphore_mem>>) src(%dma_wait3A_493 : memref<10000x128xf32, #tpu.memory_space<hbm>>) dst(%dma_wait3A_487 : memref<128x128xf32, #tpu.memory_space<vmem>>)
      %dma_start3A_494 = arith.constant 1 : i32
      %dma_start3A_495 = arith.constant 7 : i32
      %dma_start3A_496 = arith.constant 0 : i32
      %dma_start3A_497 = arith.constant 0 : i32
      %dma_start3A_498 = tpu.memref_slice %arg8[%dma_start3A_494, %dma_start3A_496, %dma_start3A_497] : memref<2x128x128xf32, #tpu.memory_space<vmem>> -> memref<1x128x128xf32, #tpu.memory_space<vmem>>
      %dma_start3A_499 = tpu.memref_squeeze %dma_start3A_498 : memref<1x128x128xf32, #tpu.memory_space<vmem>> -> memref<128x128xf32, #tpu.memory_space<vmem>>
      %dma_start3A_500 = arith.constant 0 : i32
      %dma_start3A_501 = tpu.memref_slice %arg7[%select_n3A_139, %dma_start3A_495, %dma_start3A_500] : memref<2x8x128xi32, #tpu.memory_space<vmem>> -> memref<1x1x128xi32, #tpu.memory_space<vmem>>
      %dma_start3A_502 = tpu.memref_squeeze %dma_start3A_501 : memref<1x1x128xi32, #tpu.memory_space<vmem>> -> memref<128xi32, #tpu.memory_space<vmem>>
      %dma_start3A_503 = arith.constant 0 : i32
      %dma_start3A_504 = arith.constant 0 : i32
      %dma_start3A_505 = tpu.memref_slice %arg9[%dma_start3A_503, %dma_start3A_504] : memref<10064x128xf32, #tpu.memory_space<vmem_shared>> -> memref<10064x128xf32, #tpu.memory_space<vmem_shared>>
      tpu.enqueue_indirect_dma source(%dma_start3A_499 : memref<128x128xf32, #tpu.memory_space<vmem>>) target(%dma_start3A_505 : memref<10064x128xf32, #tpu.memory_space<vmem_shared>>) offsets(%dma_start3A_502 : memref<128xi32, #tpu.memory_space<vmem>>) semaphore(%arg12 : memref<!tpu.dma_semaphore, #tpu.memory_space<semaphore_mem>>) {add = true}
      %dma_wait3A_506 = arith.constant 0 : i32
      %dma_wait3A_507 = arith.constant 0 : i32
      %dma_wait3A_508 = arith.constant 0 : i32
      %dma_wait3A_509 = arith.constant 0 : i32
      %dma_wait3A_510 = arith.constant 0 : i32
      %dma_wait3A_511 = tpu.memref_slice %arg8[%dma_wait3A_506, %dma_wait3A_509, %dma_wait3A_510] : memref<2x128x128xf32, #tpu.memory_space<vmem>> -> memref<1x128x128xf32, #tpu.memory_space<vmem>>
      %dma_wait3A_512 = tpu.memref_squeeze %dma_wait3A_511 : memref<1x128x128xf32, #tpu.memory_space<vmem>> -> memref<128x128xf32, #tpu.memory_space<vmem>>
      %dma_wait3A_513 = arith.constant 0 : i32
      %dma_wait3A_514 = tpu.memref_slice %arg7[%dma_wait3A_507, %dma_wait3A_508, %dma_wait3A_513] : memref<2x8x128xi32, #tpu.memory_space<vmem>> -> memref<1x1x128xi32, #tpu.memory_space<vmem>>
      %dma_wait3A_515 = tpu.memref_squeeze %dma_wait3A_514 : memref<1x1x128xi32, #tpu.memory_space<vmem>> -> memref<128xi32, #tpu.memory_space<vmem>>
      %dma_wait3A_516 = arith.constant 0 : i32
      %dma_wait3A_517 = arith.constant 0 : i32
      %dma_wait3A_518 = tpu.memref_slice %arg9[%dma_wait3A_516, %dma_wait3A_517] : memref<10064x128xf32, #tpu.memory_space<vmem_shared>> -> memref<10064x128xf32, #tpu.memory_space<vmem_shared>>
      tpu.wait_indirect_dma semaphore(%arg11 : memref<!tpu.dma_semaphore, #tpu.memory_space<semaphore_mem>>) src(%dma_wait3A_512 : memref<128x128xf32, #tpu.memory_space<vmem>>) dst(%dma_wait3A_518 : memref<10064x128xf32, #tpu.memory_space<vmem_shared>>)
      %add3A_519 = arith.constant 1 : i32
      %add3A_520 = arith.addi %scan3A_128, %add3A_519 : i32
      %lt3A_521 = arith.constant 10 : i32
      %lt3A_522 = arith.cmpi slt, %add3A_520, %lt3A_521 : i32
      %convert_element_type3A_523 = arith.extui %lt3A_522 : i1 to i32
      %cond3A_524 = arith.constant 0 : i32
      %cond3A_525 = arith.cmpi ne, %convert_element_type3A_523, %cond3A_524 : i32
      scf.if %cond3A_525 {
        %sub3A = arith.constant 1 : i32
        %sub3A_526 = arith.subi %sub3A, %select_n3A_139 : i32
        %add3A_527 = arith.constant 1 : i32
        %add3A_528 = arith.addi %scan3A_128, %add3A_527 : i32
        %mul3A_529 = arith.constant 8 : i32
        %mul3A_530 = arith.muli %add3A_528, %mul3A_529 : i32
        %add3A_531 = arith.addi %mul3A_4, %mul3A_530 : i32
        %dma_wait3A_532 = arith.constant 0 : i32
        %dma_wait3A_533 = arith.constant 0 : i32
        %dma_wait3A_534 = tpu.memref_slice %arg6[%sub3A_526, %dma_wait3A_532, %dma_wait3A_533] : memref<2x8x128xi32, #tpu.memory_space<vmem>> -> memref<1x8x128xi32, #tpu.memory_space<vmem>>
        %dma_wait3A_535 = tpu.memref_squeeze %dma_wait3A_534 : memref<1x8x128xi32, #tpu.memory_space<vmem>> -> memref<8x128xi32, #tpu.memory_space<vmem>>
        %dma_wait3A_536 = arith.constant 0 : i32
        %dma_wait3A_537 = tpu.memref_slice %arg3[%add3A_531, %dma_wait3A_536] : memref<2560x128xi32, #tpu.memory_space<hbm>> -> memref<8x128xi32, #tpu.memory_space<hbm>>
        %dma_wait3A_538 = arith.constant 0 : i32
        %dma_wait3A_539 = arith.constant 0 : i32
        %dma_wait3A_540 = tpu.memref_slice %arg6[%sub3A_526, %dma_wait3A_538, %dma_wait3A_539] : memref<2x8x128xi32, #tpu.memory_space<vmem>> -> memref<1x8x128xi32, #tpu.memory_space<vmem>>
        %dma_wait3A_541 = tpu.memref_squeeze %dma_wait3A_540 : memref<1x8x128xi32, #tpu.memory_space<vmem>> -> memref<8x128xi32, #tpu.memory_space<vmem>>
        %dma_wait3A_542 = arith.constant 0 : i32
        %dma_wait3A_543 = tpu.memref_slice %arg3[%add3A_531, %dma_wait3A_542] : memref<2560x128xi32, #tpu.memory_space<hbm>> -> memref<8x128xi32, #tpu.memory_space<hbm>>
        tpu.wait_dma2 semaphore(%arg13 : memref<!tpu.dma_semaphore, #tpu.memory_space<semaphore_mem>>) src(%dma_wait3A_543 : memref<8x128xi32, #tpu.memory_space<hbm>>) dst(%dma_wait3A_541 : memref<8x128xi32, #tpu.memory_space<vmem>>)
        %dma_wait3A_544 = arith.constant 0 : i32
        %dma_wait3A_545 = arith.constant 0 : i32
        %dma_wait3A_546 = tpu.memref_slice %arg7[%sub3A_526, %dma_wait3A_544, %dma_wait3A_545] : memref<2x8x128xi32, #tpu.memory_space<vmem>> -> memref<1x8x128xi32, #tpu.memory_space<vmem>>
        %dma_wait3A_547 = tpu.memref_squeeze %dma_wait3A_546 : memref<1x8x128xi32, #tpu.memory_space<vmem>> -> memref<8x128xi32, #tpu.memory_space<vmem>>
        %dma_wait3A_548 = arith.constant 0 : i32
        %dma_wait3A_549 = tpu.memref_slice %arg4[%add3A_531, %dma_wait3A_548] : memref<2560x128xi32, #tpu.memory_space<hbm>> -> memref<8x128xi32, #tpu.memory_space<hbm>>
        %dma_wait3A_550 = arith.constant 0 : i32
        %dma_wait3A_551 = arith.constant 0 : i32
        %dma_wait3A_552 = tpu.memref_slice %arg7[%sub3A_526, %dma_wait3A_550, %dma_wait3A_551] : memref<2x8x128xi32, #tpu.memory_space<vmem>> -> memref<1x8x128xi32, #tpu.memory_space<vmem>>
        %dma_wait3A_553 = tpu.memref_squeeze %dma_wait3A_552 : memref<1x8x128xi32, #tpu.memory_space<vmem>> -> memref<8x128xi32, #tpu.memory_space<vmem>>
        %dma_wait3A_554 = arith.constant 0 : i32
        %dma_wait3A_555 = tpu.memref_slice %arg4[%add3A_531, %dma_wait3A_554] : memref<2560x128xi32, #tpu.memory_space<hbm>> -> memref<8x128xi32, #tpu.memory_space<hbm>>
        tpu.wait_dma2 semaphore(%arg13 : memref<!tpu.dma_semaphore, #tpu.memory_space<semaphore_mem>>) src(%dma_wait3A_555 : memref<8x128xi32, #tpu.memory_space<hbm>>) dst(%dma_wait3A_553 : memref<8x128xi32, #tpu.memory_space<vmem>>)
        %add3A_556 = arith.constant 2 : i32
        %add3A_557 = arith.addi %scan3A_128, %add3A_556 : i32
        %lt3A_558 = arith.constant 10 : i32
        %lt3A_559 = arith.cmpi slt, %add3A_557, %lt3A_558 : i32
        %convert_element_type3A_560 = arith.extui %lt3A_559 : i1 to i32
        %cond3A_561 = arith.constant 0 : i32
        %cond3A_562 = arith.cmpi ne, %convert_element_type3A_560, %cond3A_561 : i32
        scf.if %cond3A_562 {
          %add3A_575 = arith.constant 2 : i32
          %add3A_576 = arith.addi %scan3A_128, %add3A_575 : i32
          %mul3A_577 = arith.constant 8 : i32
          %mul3A_578 = arith.muli %add3A_576, %mul3A_577 : i32
          %add3A_579 = arith.addi %mul3A_4, %mul3A_578 : i32
          %sub3A_580 = arith.constant 1 : i32
          %sub3A_581 = arith.subi %sub3A_580, %sub3A_526 : i32
          %dma_start3A_582 = arith.constant 0 : i32
          %dma_start3A_583 = arith.constant 0 : i32
          %dma_start3A_584 = tpu.memref_slice %arg6[%sub3A_581, %dma_start3A_582, %dma_start3A_583] : memref<2x8x128xi32, #tpu.memory_space<vmem>> -> memref<1x8x128xi32, #tpu.memory_space<vmem>>
          %dma_start3A_585 = tpu.memref_squeeze %dma_start3A_584 : memref<1x8x128xi32, #tpu.memory_space<vmem>> -> memref<8x128xi32, #tpu.memory_space<vmem>>
          %dma_start3A_586 = arith.constant 0 : i32
          %dma_start3A_587 = tpu.memref_slice %arg3[%add3A_579, %dma_start3A_586] : memref<2560x128xi32, #tpu.memory_space<hbm>> -> memref<8x128xi32, #tpu.memory_space<hbm>>
          %dma_start3A_588 = arith.constant 0 : i32
          %dma_start3A_589 = arith.constant 0 : i32
          %dma_start3A_590 = tpu.memref_slice %arg6[%sub3A_581, %dma_start3A_588, %dma_start3A_589] : memref<2x8x128xi32, #tpu.memory_space<vmem>> -> memref<1x8x128xi32, #tpu.memory_space<vmem>>
          %dma_start3A_591 = tpu.memref_squeeze %dma_start3A_590 : memref<1x8x128xi32, #tpu.memory_space<vmem>> -> memref<8x128xi32, #tpu.memory_space<vmem>>
          %dma_start3A_592 = arith.constant 0 : i32
          %dma_start3A_593 = tpu.memref_slice %arg3[%add3A_579, %dma_start3A_592] : memref<2560x128xi32, #tpu.memory_space<hbm>> -> memref<8x128xi32, #tpu.memory_space<hbm>>
          tpu.enqueue_dma source(%dma_start3A_593 : memref<8x128xi32, #tpu.memory_space<hbm>>) target(%dma_start3A_591 : memref<8x128xi32, #tpu.memory_space<vmem>>) target_semaphore(%arg13 : memref<!tpu.dma_semaphore, #tpu.memory_space<semaphore_mem>>)
          %sub3A_594 = arith.constant 1 : i32
          %sub3A_595 = arith.subi %sub3A_594, %sub3A_526 : i32
          %dma_start3A_596 = arith.constant 0 : i32
          %dma_start3A_597 = arith.constant 0 : i32
          %dma_start3A_598 = tpu.memref_slice %arg7[%sub3A_595, %dma_start3A_596, %dma_start3A_597] : memref<2x8x128xi32, #tpu.memory_space<vmem>> -> memref<1x8x128xi32, #tpu.memory_space<vmem>>
          %dma_start3A_599 = tpu.memref_squeeze %dma_start3A_598 : memref<1x8x128xi32, #tpu.memory_space<vmem>> -> memref<8x128xi32, #tpu.memory_space<vmem>>
          %dma_start3A_600 = arith.constant 0 : i32
          %dma_start3A_601 = tpu.memref_slice %arg4[%add3A_579, %dma_start3A_600] : memref<2560x128xi32, #tpu.memory_space<hbm>> -> memref<8x128xi32, #tpu.memory_space<hbm>>
          %dma_start3A_602 = arith.constant 0 : i32
          %dma_start3A_603 = arith.constant 0 : i32
          %dma_start3A_604 = tpu.memref_slice %arg7[%sub3A_595, %dma_start3A_602, %dma_start3A_603] : memref<2x8x128xi32, #tpu.memory_space<vmem>> -> memref<1x8x128xi32, #tpu.memory_space<vmem>>
          %dma_start3A_605 = tpu.memref_squeeze %dma_start3A_604 : memref<1x8x128xi32, #tpu.memory_space<vmem>> -> memref<8x128xi32, #tpu.memory_space<vmem>>
          %dma_start3A_606 = arith.constant 0 : i32
          %dma_start3A_607 = tpu.memref_slice %arg4[%add3A_579, %dma_start3A_606] : memref<2560x128xi32, #tpu.memory_space<hbm>> -> memref<8x128xi32, #tpu.memory_space<hbm>>
          tpu.enqueue_dma source(%dma_start3A_607 : memref<8x128xi32, #tpu.memory_space<hbm>>) target(%dma_start3A_605 : memref<8x128xi32, #tpu.memory_space<vmem>>) target_semaphore(%arg13 : memref<!tpu.dma_semaphore, #tpu.memory_space<semaphore_mem>>)
        } else {
        }
        %dma_start3A_563 = arith.constant 0 : i32
        %dma_start3A_564 = arith.constant 0 : i32
        %dma_start3A_565 = arith.constant 0 : i32
        %dma_start3A_566 = arith.constant 0 : i32
        %dma_start3A_567 = tpu.memref_slice %arg8[%dma_start3A_564, %dma_start3A_565, %dma_start3A_566] : memref<2x128x128xf32, #tpu.memory_space<vmem>> -> memref<1x128x128xf32, #tpu.memory_space<vmem>>
        %dma_start3A_568 = tpu.memref_squeeze %dma_start3A_567 : memref<1x128x128xf32, #tpu.memory_space<vmem>> -> memref<128x128xf32, #tpu.memory_space<vmem>>
        %dma_start3A_569 = arith.constant 0 : i32
        %dma_start3A_570 = tpu.memref_slice %arg6[%sub3A_526, %dma_start3A_563, %dma_start3A_569] : memref<2x8x128xi32, #tpu.memory_space<vmem>> -> memref<1x1x128xi32, #tpu.memory_space<vmem>>
        %dma_start3A_571 = tpu.memref_squeeze %dma_start3A_570 : memref<1x1x128xi32, #tpu.memory_space<vmem>> -> memref<128xi32, #tpu.memory_space<vmem>>
        %dma_start3A_572 = arith.constant 0 : i32
        %dma_start3A_573 = arith.constant 0 : i32
        %dma_start3A_574 = tpu.memref_slice %arg2[%dma_start3A_572, %dma_start3A_573] : memref<10000x128xf32, #tpu.memory_space<hbm>> -> memref<10000x128xf32, #tpu.memory_space<hbm>>
        tpu.enqueue_indirect_dma source(%dma_start3A_574 : memref<10000x128xf32, #tpu.memory_space<hbm>>) target(%dma_start3A_568 : memref<128x128xf32, #tpu.memory_space<vmem>>) offsets(%dma_start3A_571 : memref<128xi32, #tpu.memory_space<vmem>>) semaphore(%arg10 : memref<!tpu.dma_semaphore, #tpu.memory_space<semaphore_mem>>)
      } else {
      }
    }
    %scan3A_108 = arith.constant 10 : i32
    %dma_wait3A_109 = arith.constant 1 : i32
    %dma_wait3A_110 = arith.constant 0 : i32
    %dma_wait3A_111 = arith.constant 0 : i32
    %dma_wait3A_112 = arith.constant 0 : i32
    %dma_wait3A_113 = arith.constant 0 : i32
    %dma_wait3A_114 = tpu.memref_slice %arg8[%dma_wait3A_109, %dma_wait3A_112, %dma_wait3A_113] : memref<2x128x128xf32, #tpu.memory_space<vmem>> -> memref<1x128x128xf32, #tpu.memory_space<vmem>>
    %dma_wait3A_115 = tpu.memref_squeeze %dma_wait3A_114 : memref<1x128x128xf32, #tpu.memory_space<vmem>> -> memref<128x128xf32, #tpu.memory_space<vmem>>
    %dma_wait3A_116 = arith.constant 0 : i32
    %dma_wait3A_117 = tpu.memref_slice %arg7[%dma_wait3A_110, %dma_wait3A_111, %dma_wait3A_116] : memref<2x8x128xi32, #tpu.memory_space<vmem>> -> memref<1x1x128xi32, #tpu.memory_space<vmem>>
    %dma_wait3A_118 = tpu.memref_squeeze %dma_wait3A_117 : memref<1x1x128xi32, #tpu.memory_space<vmem>> -> memref<128xi32, #tpu.memory_space<vmem>>
    %dma_wait3A_119 = arith.constant 0 : i32
    %dma_wait3A_120 = arith.constant 0 : i32
    %dma_wait3A_121 = tpu.memref_slice %arg9[%dma_wait3A_119, %dma_wait3A_120] : memref<10064x128xf32, #tpu.memory_space<vmem_shared>> -> memref<10064x128xf32, #tpu.memory_space<vmem_shared>>
    tpu.wait_indirect_dma semaphore(%arg12 : memref<!tpu.dma_semaphore, #tpu.memory_space<semaphore_mem>>) src(%dma_wait3A_115 : memref<128x128xf32, #tpu.memory_space<vmem>>) dst(%dma_wait3A_121 : memref<10064x128xf32, #tpu.memory_space<vmem_shared>>)
    %barrier3A_122 = arith.constant 0 : index
    tpu.barrier barrier_id(%barrier3A_122)
    "tpu.region"() ({
      %run_scoped3A = tpu.sem_alloc : memref<!tpu.dma_semaphore, #tpu.memory_space<semaphore_mem>>
      %dma_start3A_128 = arith.constant 0 : i32
      %dma_start3A_129 = tpu.memref_slice %arg5[%arg0, %mul3A_2, %dma_start3A_128] : memref<2x10064x128xf32, #tpu.memory_space<hbm>> -> memref<1x624x128xf32, #tpu.memory_space<hbm>>
      %dma_start3A_130 = tpu.memref_squeeze %dma_start3A_129 : memref<1x624x128xf32, #tpu.memory_space<hbm>> -> memref<624x128xf32, #tpu.memory_space<hbm>>
      %dma_start3A_131 = arith.constant 0 : i32
      %dma_start3A_132 = tpu.memref_slice %arg9[%mul3A_2, %dma_start3A_131] : memref<10064x128xf32, #tpu.memory_space<vmem_shared>> -> memref<624x128xf32, #tpu.memory_space<vmem_shared>>
      tpu.enqueue_dma source(%dma_start3A_132 : memref<624x128xf32, #tpu.memory_space<vmem_shared>>) target(%dma_start3A_130 : memref<624x128xf32, #tpu.memory_space<hbm>>) target_semaphore(%run_scoped3A : memref<!tpu.dma_semaphore, #tpu.memory_space<semaphore_mem>>)
      %dma_wait3A_133 = arith.constant 0 : i32
      %dma_wait3A_134 = tpu.memref_slice %arg5[%arg0, %mul3A_2, %dma_wait3A_133] : memref<2x10064x128xf32, #tpu.memory_space<hbm>> -> memref<1x624x128xf32, #tpu.memory_space<hbm>>
      %dma_wait3A_135 = tpu.memref_squeeze %dma_wait3A_134 : memref<1x624x128xf32, #tpu.memory_space<hbm>> -> memref<624x128xf32, #tpu.memory_space<hbm>>
      %dma_wait3A_136 = arith.constant 0 : i32
      %dma_wait3A_137 = tpu.memref_slice %arg9[%mul3A_2, %dma_wait3A_136] : memref<10064x128xf32, #tpu.memory_space<vmem_shared>> -> memref<624x128xf32, #tpu.memory_space<vmem_shared>>
      tpu.wait_dma2 semaphore(%run_scoped3A : memref<!tpu.dma_semaphore, #tpu.memory_space<semaphore_mem>>) src(%dma_wait3A_137 : memref<624x128xf32, #tpu.memory_space<vmem_shared>>) dst(%dma_wait3A_135 : memref<624x128xf32, #tpu.memory_space<hbm>>)
      tpu.yield
    }) : () -> ()
    %eq3A_123 = arith.constant 15 : i32
    %eq3A_124 = arith.cmpi eq, %arg1, %eq3A_123 : i32
    %convert_element_type3A_125 = arith.extui %eq3A_124 : i1 to i32
    %cond3A_126 = arith.constant 0 : i32
    %cond3A_127 = arith.cmpi ne, %convert_element_type3A_125, %cond3A_126 : i32
    scf.if %cond3A_127 {
      "tpu.region"() ({
        %run_scoped3A = tpu.sem_alloc : memref<!tpu.dma_semaphore, #tpu.memory_space<semaphore_mem>>
        %dma_start3A_128 = arith.constant 9984 : i32
        %dma_start3A_129 = arith.constant 0 : i32
        %dma_start3A_130 = tpu.memref_slice %arg5[%arg0, %dma_start3A_128, %dma_start3A_129] : memref<2x10064x128xf32, #tpu.memory_space<hbm>> -> memref<1x16x128xf32, #tpu.memory_space<hbm>>
        %dma_start3A_131 = tpu.memref_squeeze %dma_start3A_130 : memref<1x16x128xf32, #tpu.memory_space<hbm>> -> memref<16x128xf32, #tpu.memory_space<hbm>>
        %dma_start3A_132 = arith.constant 9984 : i32
        %dma_start3A_133 = arith.constant 0 : i32
        %dma_start3A_134 = tpu.memref_slice %arg9[%dma_start3A_132, %dma_start3A_133] : memref<10064x128xf32, #tpu.memory_space<vmem_shared>> -> memref<16x128xf32, #tpu.memory_space<vmem_shared>>
        tpu.enqueue_dma source(%dma_start3A_134 : memref<16x128xf32, #tpu.memory_space<vmem_shared>>) target(%dma_start3A_131 : memref<16x128xf32, #tpu.memory_space<hbm>>) target_semaphore(%run_scoped3A : memref<!tpu.dma_semaphore, #tpu.memory_space<semaphore_mem>>)
        %dma_wait3A_135 = arith.constant 9984 : i32
        %dma_wait3A_136 = arith.constant 0 : i32
        %dma_wait3A_137 = tpu.memref_slice %arg5[%arg0, %dma_wait3A_135, %dma_wait3A_136] : memref<2x10064x128xf32, #tpu.memory_space<hbm>> -> memref<1x16x128xf32, #tpu.memory_space<hbm>>
        %dma_wait3A_138 = tpu.memref_squeeze %dma_wait3A_137 : memref<1x16x128xf32, #tpu.memory_space<hbm>> -> memref<16x128xf32, #tpu.memory_space<hbm>>
        %dma_wait3A_139 = arith.constant 9984 : i32
        %dma_wait3A_140 = arith.constant 0 : i32
        %dma_wait3A_141 = tpu.memref_slice %arg9[%dma_wait3A_139, %dma_wait3A_140] : memref<10064x128xf32, #tpu.memory_space<vmem_shared>> -> memref<16x128xf32, #tpu.memory_space<vmem_shared>>
        tpu.wait_dma2 semaphore(%run_scoped3A : memref<!tpu.dma_semaphore, #tpu.memory_space<semaphore_mem>>) src(%dma_wait3A_141 : memref<16x128xf32, #tpu.memory_space<vmem_shared>>) dst(%dma_wait3A_138 : memref<16x128xf32, #tpu.memory_space<hbm>>)
        tpu.yield
      }) : () -> ()
    } else {
    }
    return
  }
}

#map = affine_map<(d0, d1) -> (0, 0)>
#map1 = affine_map<(d0, d1) -> (0, 0, 0)>
module attributes {stable_mosaic.version = 14 : i64} {
  func.func @_agg_kernel(%arg0: i32, %arg1: i32, %arg2: memref<10000x128xf32, #tpu.memory_space<hbm>>, %arg3: memref<2560x128xi32, #tpu.memory_space<hbm>>, %arg4: memref<2560x128xi32, #tpu.memory_space<hbm>>, %arg5: memref<2x10064x128xf32, #tpu.memory_space<hbm>>, %arg6: memref<2x8x128xi32, #tpu.memory_space<vmem>>, %arg7: memref<2x8x128xi32, #tpu.memory_space<vmem>>, %arg8: memref<2x128x128xf32, #tpu.memory_space<vmem>>, %arg9: memref<10064x128xf32, #tpu.memory_space<vmem_shared>>, %arg10: memref<!tpu.dma_semaphore, #tpu.memory_space<semaphore_mem>>, %arg11: memref<!tpu.dma_semaphore, #tpu.memory_space<semaphore_mem>>, %arg12: memref<!tpu.dma_semaphore, #tpu.memory_space<semaphore_mem>>, %arg13: memref<!tpu.dma_semaphore, #tpu.memory_space<semaphore_mem>>) attributes {dimension_semantics = [#tpu.dimension_semantics<core_parallel>, #tpu.dimension_semantics<subcore_parallel>], iteration_bounds = array<i64: 2, 16>, scalar_prefetch = 0 : i64, scratch_operands = 8 : i64, tpu.core_type = #tpu.core_type<sc_vector_subcore>, window_params = [{transform_indices = #map}, {transform_indices = #map}, {transform_indices = #map}, {transform_indices = #map1}]} {
    %mul3A = arith.constant 2 : i32
    %mul3A_0 = arith.muli %arg1, %mul3A : i32
    %add3A = arith.addi %mul3A_0, %arg0 : i32
    %mul3A_1 = arith.constant 624 : i32
    %mul3A_2 = arith.muli %arg1, %mul3A_1 : i32
    %mul3A_3 = arith.constant 80 : i32
    %mul3A_4 = arith.muli %add3A, %mul3A_3 : i32
    %dma_start3A = arith.constant 0 : i32
    %dma_start3A_5 = arith.constant 0 : i32
    %dma_start3A_6 = arith.constant 0 : i32
    %dma_start3A_7 = tpu.memref_slice %arg6[%dma_start3A, %dma_start3A_5, %dma_start3A_6] : memref<2x8x128xi32, #tpu.memory_space<vmem>> -> memref<1x8x128xi32, #tpu.memory_space<vmem>>
    %dma_start3A_8 = tpu.memref_squeeze %dma_start3A_7 : memref<1x8x128xi32, #tpu.memory_space<vmem>> -> memref<8x128xi32, #tpu.memory_space<vmem>>
    %dma_start3A_9 = arith.constant 0 : i32
    %dma_start3A_10 = tpu.memref_slice %arg3[%mul3A_4, %dma_start3A_9] : memref<2560x128xi32, #tpu.memory_space<hbm>> -> memref<8x128xi32, #tpu.memory_space<hbm>>
    %dma_start3A_11 = arith.constant 0 : i32
    %dma_start3A_12 = arith.constant 0 : i32
    %dma_start3A_13 = tpu.memref_slice %arg6[%dma_start3A, %dma_start3A_11, %dma_start3A_12] : memref<2x8x128xi32, #tpu.memory_space<vmem>> -> memref<1x8x128xi32, #tpu.memory_space<vmem>>
    %dma_start3A_14 = tpu.memref_squeeze %dma_start3A_13 : memref<1x8x128xi32, #tpu.memory_space<vmem>> -> memref<8x128xi32, #tpu.memory_space<vmem>>
    %dma_start3A_15 = arith.constant 0 : i32
    %dma_start3A_16 = tpu.memref_slice %arg3[%mul3A_4, %dma_start3A_15] : memref<2560x128xi32, #tpu.memory_space<hbm>> -> memref<8x128xi32, #tpu.memory_space<hbm>>
    tpu.enqueue_dma source(%dma_start3A_16 : memref<8x128xi32, #tpu.memory_space<hbm>>) target(%dma_start3A_14 : memref<8x128xi32, #tpu.memory_space<vmem>>) target_semaphore(%arg13 : memref<!tpu.dma_semaphore, #tpu.memory_space<semaphore_mem>>)
    %dma_start3A_17 = arith.constant 0 : i32
    %dma_start3A_18 = arith.constant 0 : i32
    %dma_start3A_19 = arith.constant 0 : i32
    %dma_start3A_20 = tpu.memref_slice %arg7[%dma_start3A_17, %dma_start3A_18, %dma_start3A_19] : memref<2x8x128xi32, #tpu.memory_space<vmem>> -> memref<1x8x128xi32, #tpu.memory_space<vmem>>
    %dma_start3A_21 = tpu.memref_squeeze %dma_start3A_20 : memref<1x8x128xi32, #tpu.memory_space<vmem>> -> memref<8x128xi32, #tpu.memory_space<vmem>>
    %dma_start3A_22 = arith.constant 0 : i32
    %dma_start3A_23 = tpu.memref_slice %arg4[%mul3A_4, %dma_start3A_22] : memref<2560x128xi32, #tpu.memory_space<hbm>> -> memref<8x128xi32, #tpu.memory_space<hbm>>
    %dma_start3A_24 = arith.constant 0 : i32
    %dma_start3A_25 = arith.constant 0 : i32
    %dma_start3A_26 = tpu.memref_slice %arg7[%dma_start3A_17, %dma_start3A_24, %dma_start3A_25] : memref<2x8x128xi32, #tpu.memory_space<vmem>> -> memref<1x8x128xi32, #tpu.memory_space<vmem>>
    %dma_start3A_27 = tpu.memref_squeeze %dma_start3A_26 : memref<1x8x128xi32, #tpu.memory_space<vmem>> -> memref<8x128xi32, #tpu.memory_space<vmem>>
    %dma_start3A_28 = arith.constant 0 : i32
    %dma_start3A_29 = tpu.memref_slice %arg4[%mul3A_4, %dma_start3A_28] : memref<2560x128xi32, #tpu.memory_space<hbm>> -> memref<8x128xi32, #tpu.memory_space<hbm>>
    tpu.enqueue_dma source(%dma_start3A_29 : memref<8x128xi32, #tpu.memory_space<hbm>>) target(%dma_start3A_27 : memref<8x128xi32, #tpu.memory_space<vmem>>) target_semaphore(%arg13 : memref<!tpu.dma_semaphore, #tpu.memory_space<semaphore_mem>>)
    %add3A_30 = arith.constant 8 : i32
    %add3A_31 = arith.addi %mul3A_4, %add3A_30 : i32
    %dma_start3A_32 = arith.constant 1 : i32
    %dma_start3A_33 = arith.constant 0 : i32
    %dma_start3A_34 = arith.constant 0 : i32
    %dma_start3A_35 = tpu.memref_slice %arg6[%dma_start3A_32, %dma_start3A_33, %dma_start3A_34] : memref<2x8x128xi32, #tpu.memory_space<vmem>> -> memref<1x8x128xi32, #tpu.memory_space<vmem>>
    %dma_start3A_36 = tpu.memref_squeeze %dma_start3A_35 : memref<1x8x128xi32, #tpu.memory_space<vmem>> -> memref<8x128xi32, #tpu.memory_space<vmem>>
    %dma_start3A_37 = arith.constant 0 : i32
    %dma_start3A_38 = tpu.memref_slice %arg3[%add3A_31, %dma_start3A_37] : memref<2560x128xi32, #tpu.memory_space<hbm>> -> memref<8x128xi32, #tpu.memory_space<hbm>>
    %dma_start3A_39 = arith.constant 0 : i32
    %dma_start3A_40 = arith.constant 0 : i32
    %dma_start3A_41 = tpu.memref_slice %arg6[%dma_start3A_32, %dma_start3A_39, %dma_start3A_40] : memref<2x8x128xi32, #tpu.memory_space<vmem>> -> memref<1x8x128xi32, #tpu.memory_space<vmem>>
    %dma_start3A_42 = tpu.memref_squeeze %dma_start3A_41 : memref<1x8x128xi32, #tpu.memory_space<vmem>> -> memref<8x128xi32, #tpu.memory_space<vmem>>
    %dma_start3A_43 = arith.constant 0 : i32
    %dma_start3A_44 = tpu.memref_slice %arg3[%add3A_31, %dma_start3A_43] : memref<2560x128xi32, #tpu.memory_space<hbm>> -> memref<8x128xi32, #tpu.memory_space<hbm>>
    tpu.enqueue_dma source(%dma_start3A_44 : memref<8x128xi32, #tpu.memory_space<hbm>>) target(%dma_start3A_42 : memref<8x128xi32, #tpu.memory_space<vmem>>) target_semaphore(%arg13 : memref<!tpu.dma_semaphore, #tpu.memory_space<semaphore_mem>>)
    %add3A_45 = arith.constant 8 : i32
    %add3A_46 = arith.addi %mul3A_4, %add3A_45 : i32
    %dma_start3A_47 = arith.constant 1 : i32
    %dma_start3A_48 = arith.constant 0 : i32
    %dma_start3A_49 = arith.constant 0 : i32
    %dma_start3A_50 = tpu.memref_slice %arg7[%dma_start3A_47, %dma_start3A_48, %dma_start3A_49] : memref<2x8x128xi32, #tpu.memory_space<vmem>> -> memref<1x8x128xi32, #tpu.memory_space<vmem>>
    %dma_start3A_51 = tpu.memref_squeeze %dma_start3A_50 : memref<1x8x128xi32, #tpu.memory_space<vmem>> -> memref<8x128xi32, #tpu.memory_space<vmem>>
    %dma_start3A_52 = arith.constant 0 : i32
    %dma_start3A_53 = tpu.memref_slice %arg4[%add3A_46, %dma_start3A_52] : memref<2560x128xi32, #tpu.memory_space<hbm>> -> memref<8x128xi32, #tpu.memory_space<hbm>>
    %dma_start3A_54 = arith.constant 0 : i32
    %dma_start3A_55 = arith.constant 0 : i32
    %dma_start3A_56 = tpu.memref_slice %arg7[%dma_start3A_47, %dma_start3A_54, %dma_start3A_55] : memref<2x8x128xi32, #tpu.memory_space<vmem>> -> memref<1x8x128xi32, #tpu.memory_space<vmem>>
    %dma_start3A_57 = tpu.memref_squeeze %dma_start3A_56 : memref<1x8x128xi32, #tpu.memory_space<vmem>> -> memref<8x128xi32, #tpu.memory_space<vmem>>
    %dma_start3A_58 = arith.constant 0 : i32
    %dma_start3A_59 = tpu.memref_slice %arg4[%add3A_46, %dma_start3A_58] : memref<2560x128xi32, #tpu.memory_space<hbm>> -> memref<8x128xi32, #tpu.memory_space<hbm>>
    tpu.enqueue_dma source(%dma_start3A_59 : memref<8x128xi32, #tpu.memory_space<hbm>>) target(%dma_start3A_57 : memref<8x128xi32, #tpu.memory_space<vmem>>) target_semaphore(%arg13 : memref<!tpu.dma_semaphore, #tpu.memory_space<semaphore_mem>>)
    %eq3A = arith.constant 0 : i32
    %eq3A_60 = arith.cmpi eq, %arg0, %eq3A : i32
    %convert_element_type3A = arith.extui %eq3A_60 : i1 to i32
    %cond3A = arith.constant 0 : i32
    %cond3A_61 = arith.cmpi ne, %convert_element_type3A, %cond3A : i32
    scf.if %cond3A_61 {
      "tpu.region"() ({
        %run_scoped3A = tpu.sem_alloc : memref<!tpu.dma_semaphore, #tpu.memory_space<semaphore_mem>>
        %dma_start3A_133 = arith.constant 0 : i32
        %dma_start3A_134 = tpu.memref_slice %arg9[%mul3A_2, %dma_start3A_133] : memref<10064x128xf32, #tpu.memory_space<vmem_shared>> -> memref<624x128xf32, #tpu.memory_space<vmem_shared>>
        %dma_start3A_135 = arith.constant 0 : i32
        %dma_start3A_136 = tpu.memref_slice %arg2[%mul3A_2, %dma_start3A_135] : memref<10000x128xf32, #tpu.memory_space<hbm>> -> memref<624x128xf32, #tpu.memory_space<hbm>>
        tpu.enqueue_dma source(%dma_start3A_136 : memref<624x128xf32, #tpu.memory_space<hbm>>) target(%dma_start3A_134 : memref<624x128xf32, #tpu.memory_space<vmem_shared>>) target_semaphore(%run_scoped3A : memref<!tpu.dma_semaphore, #tpu.memory_space<semaphore_mem>>)
        %dma_wait3A_137 = arith.constant 0 : i32
        %dma_wait3A_138 = tpu.memref_slice %arg9[%mul3A_2, %dma_wait3A_137] : memref<10064x128xf32, #tpu.memory_space<vmem_shared>> -> memref<624x128xf32, #tpu.memory_space<vmem_shared>>
        %dma_wait3A_139 = arith.constant 0 : i32
        %dma_wait3A_140 = tpu.memref_slice %arg2[%mul3A_2, %dma_wait3A_139] : memref<10000x128xf32, #tpu.memory_space<hbm>> -> memref<624x128xf32, #tpu.memory_space<hbm>>
        tpu.wait_dma2 semaphore(%run_scoped3A : memref<!tpu.dma_semaphore, #tpu.memory_space<semaphore_mem>>) src(%dma_wait3A_140 : memref<624x128xf32, #tpu.memory_space<hbm>>) dst(%dma_wait3A_138 : memref<624x128xf32, #tpu.memory_space<vmem_shared>>)
        tpu.yield
      }) : () -> ()
      %eq3A_128 = arith.constant 15 : i32
      %eq3A_129 = arith.cmpi eq, %arg1, %eq3A_128 : i32
      %convert_element_type3A_130 = arith.extui %eq3A_129 : i1 to i32
      %cond3A_131 = arith.constant 0 : i32
      %cond3A_132 = arith.cmpi ne, %convert_element_type3A_130, %cond3A_131 : i32
      scf.if %cond3A_132 {
        "tpu.region"() ({
          %run_scoped3A = tpu.sem_alloc : memref<!tpu.dma_semaphore, #tpu.memory_space<semaphore_mem>>
          %dma_start3A_133 = arith.constant 9984 : i32
          %dma_start3A_134 = arith.constant 0 : i32
          %dma_start3A_135 = tpu.memref_slice %arg9[%dma_start3A_133, %dma_start3A_134] : memref<10064x128xf32, #tpu.memory_space<vmem_shared>> -> memref<16x128xf32, #tpu.memory_space<vmem_shared>>
          %dma_start3A_136 = arith.constant 9984 : i32
          %dma_start3A_137 = arith.constant 0 : i32
          %dma_start3A_138 = tpu.memref_slice %arg2[%dma_start3A_136, %dma_start3A_137] : memref<10000x128xf32, #tpu.memory_space<hbm>> -> memref<16x128xf32, #tpu.memory_space<hbm>>
          tpu.enqueue_dma source(%dma_start3A_138 : memref<16x128xf32, #tpu.memory_space<hbm>>) target(%dma_start3A_135 : memref<16x128xf32, #tpu.memory_space<vmem_shared>>) target_semaphore(%run_scoped3A : memref<!tpu.dma_semaphore, #tpu.memory_space<semaphore_mem>>)
          %dma_wait3A_139 = arith.constant 9984 : i32
          %dma_wait3A_140 = arith.constant 0 : i32
          %dma_wait3A_141 = tpu.memref_slice %arg9[%dma_wait3A_139, %dma_wait3A_140] : memref<10064x128xf32, #tpu.memory_space<vmem_shared>> -> memref<16x128xf32, #tpu.memory_space<vmem_shared>>
          %dma_wait3A_142 = arith.constant 9984 : i32
          %dma_wait3A_143 = arith.constant 0 : i32
          %dma_wait3A_144 = tpu.memref_slice %arg2[%dma_wait3A_142, %dma_wait3A_143] : memref<10000x128xf32, #tpu.memory_space<hbm>> -> memref<16x128xf32, #tpu.memory_space<hbm>>
          tpu.wait_dma2 semaphore(%run_scoped3A : memref<!tpu.dma_semaphore, #tpu.memory_space<semaphore_mem>>) src(%dma_wait3A_144 : memref<16x128xf32, #tpu.memory_space<hbm>>) dst(%dma_wait3A_141 : memref<16x128xf32, #tpu.memory_space<vmem_shared>>)
          tpu.yield
        }) : () -> ()
      } else {
      }
    } else {
    }
    %ne3A = arith.constant 0 : i32
    %ne3A_62 = arith.cmpi ne, %arg0, %ne3A : i32
    %convert_element_type3A_63 = arith.extui %ne3A_62 : i1 to i32
    %cond3A_64 = arith.constant 0 : i32
    %cond3A_65 = arith.cmpi ne, %convert_element_type3A_63, %cond3A_64 : i32
    scf.if %cond3A_65 {
      %broadcast_in_dim3A = arith.constant 0.000000e+00 : f32
      %broadcast_in_dim3A_128 = vector.broadcast %broadcast_in_dim3A : f32 to vector<16xf32>
      %scan3A_129 = arith.constant 0 : i32
      %scan3A_130 = arith.constant 0 : i32
      %scan3A_131 = arith.constant 128 : i32
      %scan3A_132 = arith.addi %scan3A_130, %scan3A_131 : i32
      %scan3A_133 = arith.constant 1 : i32
      scf.for %scan3A_155 = %scan3A_130 to %scan3A_132 step %scan3A_133  : i32 {
        %swap3A = arith.constant 0 : i32
        %swap3A_156 = arith.index_cast %swap3A : i32 to index
        %swap3A_157 = arith.index_cast %scan3A_155 : i32 to index
        %swap3A_158 = arith.constant 0 : index
        %swap3A_159 = tpu.vector_load %arg8[%swap3A_156, %swap3A_157, %swap3A_158] {strides = array<i32>} : memref<2x128x128xf32, #tpu.memory_space<vmem>>, vector<16xf32>,
        tpu.vector_store %arg8[%swap3A_156, %swap3A_157, %swap3A_158], %broadcast_in_dim3A_128 {strides = array<i32>} : memref<2x128x128xf32, #tpu.memory_space<vmem>>, vector<16xf32>,
        %swap3A_160 = arith.constant 0 : i32
        %swap3A_161 = arith.index_cast %swap3A_160 : i32 to index
        %swap3A_162 = arith.index_cast %scan3A_155 : i32 to index
        %swap3A_163 = arith.constant 16 : index
        %swap3A_164 = tpu.vector_load %arg8[%swap3A_161, %swap3A_162, %swap3A_163] {strides = array<i32>} : memref<2x128x128xf32, #tpu.memory_space<vmem>>, vector<16xf32>,
        tpu.vector_store %arg8[%swap3A_161, %swap3A_162, %swap3A_163], %broadcast_in_dim3A_128 {strides = array<i32>} : memref<2x128x128xf32, #tpu.memory_space<vmem>>, vector<16xf32>,
        %swap3A_165 = arith.constant 0 : i32
        %swap3A_166 = arith.index_cast %swap3A_165 : i32 to index
        %swap3A_167 = arith.index_cast %scan3A_155 : i32 to index
        %swap3A_168 = arith.constant 32 : index
        %swap3A_169 = tpu.vector_load %arg8[%swap3A_166, %swap3A_167, %swap3A_168] {strides = array<i32>} : memref<2x128x128xf32, #tpu.memory_space<vmem>>, vector<16xf32>,
        tpu.vector_store %arg8[%swap3A_166, %swap3A_167, %swap3A_168], %broadcast_in_dim3A_128 {strides = array<i32>} : memref<2x128x128xf32, #tpu.memory_space<vmem>>, vector<16xf32>,
        %swap3A_170 = arith.constant 0 : i32
        %swap3A_171 = arith.index_cast %swap3A_170 : i32 to index
        %swap3A_172 = arith.index_cast %scan3A_155 : i32 to index
        %swap3A_173 = arith.constant 48 : index
        %swap3A_174 = tpu.vector_load %arg8[%swap3A_171, %swap3A_172, %swap3A_173] {strides = array<i32>} : memref<2x128x128xf32, #tpu.memory_space<vmem>>, vector<16xf32>,
        tpu.vector_store %arg8[%swap3A_171, %swap3A_172, %swap3A_173], %broadcast_in_dim3A_128 {strides = array<i32>} : memref<2x128x128xf32, #tpu.memory_space<vmem>>, vector<16xf32>,
        %swap3A_175 = arith.constant 0 : i32
        %swap3A_176 = arith.index_cast %swap3A_175 : i32 to index
        %swap3A_177 = arith.index_cast %scan3A_155 : i32 to index
        %swap3A_178 = arith.constant 64 : index
        %swap3A_179 = tpu.vector_load %arg8[%swap3A_176, %swap3A_177, %swap3A_178] {strides = array<i32>} : memref<2x128x128xf32, #tpu.memory_space<vmem>>, vector<16xf32>,
        tpu.vector_store %arg8[%swap3A_176, %swap3A_177, %swap3A_178], %broadcast_in_dim3A_128 {strides = array<i32>} : memref<2x128x128xf32, #tpu.memory_space<vmem>>, vector<16xf32>,
        %swap3A_180 = arith.constant 0 : i32
        %swap3A_181 = arith.index_cast %swap3A_180 : i32 to index
        %swap3A_182 = arith.index_cast %scan3A_155 : i32 to index
        %swap3A_183 = arith.constant 80 : index
        %swap3A_184 = tpu.vector_load %arg8[%swap3A_181, %swap3A_182, %swap3A_183] {strides = array<i32>} : memref<2x128x128xf32, #tpu.memory_space<vmem>>, vector<16xf32>,
        tpu.vector_store %arg8[%swap3A_181, %swap3A_182, %swap3A_183], %broadcast_in_dim3A_128 {strides = array<i32>} : memref<2x128x128xf32, #tpu.memory_space<vmem>>, vector<16xf32>,
        %swap3A_185 = arith.constant 0 : i32
        %swap3A_186 = arith.index_cast %swap3A_185 : i32 to index
        %swap3A_187 = arith.index_cast %scan3A_155 : i32 to index
        %swap3A_188 = arith.constant 96 : index
        %swap3A_189 = tpu.vector_load %arg8[%swap3A_186, %swap3A_187, %swap3A_188] {strides = array<i32>} : memref<2x128x128xf32, #tpu.memory_space<vmem>>, vector<16xf32>,
        tpu.vector_store %arg8[%swap3A_186, %swap3A_187, %swap3A_188], %broadcast_in_dim3A_128 {strides = array<i32>} : memref<2x128x128xf32, #tpu.memory_space<vmem>>, vector<16xf32>,
        %swap3A_190 = arith.constant 0 : i32
        %swap3A_191 = arith.index_cast %swap3A_190 : i32 to index
        %swap3A_192 = arith.index_cast %scan3A_155 : i32 to index
        %swap3A_193 = arith.constant 112 : index
        %swap3A_194 = tpu.vector_load %arg8[%swap3A_191, %swap3A_192, %swap3A_193] {strides = array<i32>} : memref<2x128x128xf32, #tpu.memory_space<vmem>>, vector<16xf32>,
        tpu.vector_store %arg8[%swap3A_191, %swap3A_192, %swap3A_193], %broadcast_in_dim3A_128 {strides = array<i32>} : memref<2x128x128xf32, #tpu.memory_space<vmem>>, vector<16xf32>,
      }
      %scan3A_134 = arith.constant 128 : i32
      %add3A_135 = arith.constant 0 : i32
      %add3A_136 = arith.addi %mul3A_2, %add3A_135 : i32
      %run_scoped3A = arith.constant 0 : i32
      "tpu.region"() ({
        %run_scoped3A_155 = tpu.sem_alloc : memref<!tpu.dma_semaphore, #tpu.memory_space<semaphore_mem>>
        %dma_start3A_156 = arith.constant 0 : i32
        %dma_start3A_157 = arith.constant 0 : i32
        %dma_start3A_158 = tpu.memref_slice %arg8[%run_scoped3A, %dma_start3A_156, %dma_start3A_157] : memref<2x128x128xf32, #tpu.memory_space<vmem>> -> memref<1x128x128xf32, #tpu.memory_space<vmem>>
        %dma_start3A_159 = tpu.memref_squeeze %dma_start3A_158 : memref<1x128x128xf32, #tpu.memory_space<vmem>> -> memref<128x128xf32, #tpu.memory_space<vmem>>
        %dma_start3A_160 = arith.constant 0 : i32
        %dma_start3A_161 = tpu.memref_slice %arg9[%add3A_136, %dma_start3A_160] : memref<10064x128xf32, #tpu.memory_space<vmem_shared>> -> memref<128x128xf32, #tpu.memory_space<vmem_shared>>
        %dma_start3A_162 = arith.constant 0 : i32
        %dma_start3A_163 = tpu.memref_slice %arg9[%add3A_136, %dma_start3A_162] : memref<10064x128xf32, #tpu.memory_space<vmem_shared>> -> memref<128x128xf32, #tpu.memory_space<vmem_shared>>
        %dma_start3A_164 = arith.constant 0 : i32
        %dma_start3A_165 = arith.constant 0 : i32
        %dma_start3A_166 = tpu.memref_slice %arg8[%run_scoped3A, %dma_start3A_164, %dma_start3A_165] : memref<2x128x128xf32, #tpu.memory_space<vmem>> -> memref<1x128x128xf32, #tpu.memory_space<vmem>>
        %dma_start3A_167 = tpu.memref_squeeze %dma_start3A_166 : memref<1x128x128xf32, #tpu.memory_space<vmem>> -> memref<128x128xf32, #tpu.memory_space<vmem>>
        tpu.enqueue_dma source(%dma_start3A_167 : memref<128x128xf32, #tpu.memory_space<vmem>>) target(%dma_start3A_163 : memref<128x128xf32, #tpu.memory_space<vmem_shared>>) target_semaphore(%run_scoped3A_155 : memref<!tpu.dma_semaphore, #tpu.memory_space<semaphore_mem>>)
        %dma_wait3A_168 = arith.constant 0 : i32
        %dma_wait3A_169 = arith.constant 0 : i32
        %dma_wait3A_170 = tpu.memref_slice %arg8[%run_scoped3A, %dma_wait3A_168, %dma_wait3A_169] : memref<2x128x128xf32, #tpu.memory_space<vmem>> -> memref<1x128x128xf32, #tpu.memory_space<vmem>>
        %dma_wait3A_171 = tpu.memref_squeeze %dma_wait3A_170 : memref<1x128x128xf32, #tpu.memory_space<vmem>> -> memref<128x128xf32, #tpu.memory_space<vmem>>
        %dma_wait3A_172 = arith.constant 0 : i32
        %dma_wait3A_173 = tpu.memref_slice %arg9[%add3A_136, %dma_wait3A_172] : memref<10064x128xf32, #tpu.memory_space<vmem_shared>> -> memref<128x128xf32, #tpu.memory_space<vmem_shared>>
        %dma_wait3A_174 = arith.constant 0 : i32
        %dma_wait3A_175 = tpu.memref_slice %arg9[%add3A_136, %dma_wait3A_174] : memref<10064x128xf32, #tpu.memory_space<vmem_shared>> -> memref<128x128xf32, #tpu.memory_space<vmem_shared>>
        %dma_wait3A_176 = arith.constant 0 : i32
        %dma_wait3A_177 = arith.constant 0 : i32
        %dma_wait3A_178 = tpu.memref_slice %arg8[%run_scoped3A, %dma_wait3A_176, %dma_wait3A_177] : memref<2x128x128xf32, #tpu.memory_space<vmem>> -> memref<1x128x128xf32, #tpu.memory_space<vmem>>
        %dma_wait3A_179 = tpu.memref_squeeze %dma_wait3A_178 : memref<1x128x128xf32, #tpu.memory_space<vmem>> -> memref<128x128xf32, #tpu.memory_space<vmem>>
        tpu.wait_dma2 semaphore(%run_scoped3A_155 : memref<!tpu.dma_semaphore, #tpu.memory_space<semaphore_mem>>) src(%dma_wait3A_179 : memref<128x128xf32, #tpu.memory_space<vmem>>) dst(%dma_wait3A_175 : memref<128x128xf32, #tpu.memory_space<vmem_shared>>)
        tpu.yield
      }) : () -> ()
      %add3A_137 = arith.constant 128 : i32
      %add3A_138 = arith.addi %mul3A_2, %add3A_137 : i32
      %run_scoped3A_139 = arith.constant 0 : i32
      "tpu.region"() ({
        %run_scoped3A_155 = tpu.sem_alloc : memref<!tpu.dma_semaphore, #tpu.memory_space<semaphore_mem>>
        %dma_start3A_156 = arith.constant 0 : i32
        %dma_start3A_157 = arith.constant 0 : i32
        %dma_start3A_158 = tpu.memref_slice %arg8[%run_scoped3A_139, %dma_start3A_156, %dma_start3A_157] : memref<2x128x128xf32, #tpu.memory_space<vmem>> -> memref<1x128x128xf32, #tpu.memory_space<vmem>>
        %dma_start3A_159 = tpu.memref_squeeze %dma_start3A_158 : memref<1x128x128xf32, #tpu.memory_space<vmem>> -> memref<128x128xf32, #tpu.memory_space<vmem>>
        %dma_start3A_160 = arith.constant 0 : i32
        %dma_start3A_161 = tpu.memref_slice %arg9[%add3A_138, %dma_start3A_160] : memref<10064x128xf32, #tpu.memory_space<vmem_shared>> -> memref<128x128xf32, #tpu.memory_space<vmem_shared>>
        %dma_start3A_162 = arith.constant 0 : i32
        %dma_start3A_163 = tpu.memref_slice %arg9[%add3A_138, %dma_start3A_162] : memref<10064x128xf32, #tpu.memory_space<vmem_shared>> -> memref<128x128xf32, #tpu.memory_space<vmem_shared>>
        %dma_start3A_164 = arith.constant 0 : i32
        %dma_start3A_165 = arith.constant 0 : i32
        %dma_start3A_166 = tpu.memref_slice %arg8[%run_scoped3A_139, %dma_start3A_164, %dma_start3A_165] : memref<2x128x128xf32, #tpu.memory_space<vmem>> -> memref<1x128x128xf32, #tpu.memory_space<vmem>>
        %dma_start3A_167 = tpu.memref_squeeze %dma_start3A_166 : memref<1x128x128xf32, #tpu.memory_space<vmem>> -> memref<128x128xf32, #tpu.memory_space<vmem>>
        tpu.enqueue_dma source(%dma_start3A_167 : memref<128x128xf32, #tpu.memory_space<vmem>>) target(%dma_start3A_163 : memref<128x128xf32, #tpu.memory_space<vmem_shared>>) target_semaphore(%run_scoped3A_155 : memref<!tpu.dma_semaphore, #tpu.memory_space<semaphore_mem>>)
        %dma_wait3A_168 = arith.constant 0 : i32
        %dma_wait3A_169 = arith.constant 0 : i32
        %dma_wait3A_170 = tpu.memref_slice %arg8[%run_scoped3A_139, %dma_wait3A_168, %dma_wait3A_169] : memref<2x128x128xf32, #tpu.memory_space<vmem>> -> memref<1x128x128xf32, #tpu.memory_space<vmem>>
        %dma_wait3A_171 = tpu.memref_squeeze %dma_wait3A_170 : memref<1x128x128xf32, #tpu.memory_space<vmem>> -> memref<128x128xf32, #tpu.memory_space<vmem>>
        %dma_wait3A_172 = arith.constant 0 : i32
        %dma_wait3A_173 = tpu.memref_slice %arg9[%add3A_138, %dma_wait3A_172] : memref<10064x128xf32, #tpu.memory_space<vmem_shared>> -> memref<128x128xf32, #tpu.memory_space<vmem_shared>>
        %dma_wait3A_174 = arith.constant 0 : i32
        %dma_wait3A_175 = tpu.memref_slice %arg9[%add3A_138, %dma_wait3A_174] : memref<10064x128xf32, #tpu.memory_space<vmem_shared>> -> memref<128x128xf32, #tpu.memory_space<vmem_shared>>
        %dma_wait3A_176 = arith.constant 0 : i32
        %dma_wait3A_177 = arith.constant 0 : i32
        %dma_wait3A_178 = tpu.memref_slice %arg8[%run_scoped3A_139, %dma_wait3A_176, %dma_wait3A_177] : memref<2x128x128xf32, #tpu.memory_space<vmem>> -> memref<1x128x128xf32, #tpu.memory_space<vmem>>
        %dma_wait3A_179 = tpu.memref_squeeze %dma_wait3A_178 : memref<1x128x128xf32, #tpu.memory_space<vmem>> -> memref<128x128xf32, #tpu.memory_space<vmem>>
        tpu.wait_dma2 semaphore(%run_scoped3A_155 : memref<!tpu.dma_semaphore, #tpu.memory_space<semaphore_mem>>) src(%dma_wait3A_179 : memref<128x128xf32, #tpu.memory_space<vmem>>) dst(%dma_wait3A_175 : memref<128x128xf32, #tpu.memory_space<vmem_shared>>)
        tpu.yield
      }) : () -> ()
      %add3A_140 = arith.constant 256 : i32
      %add3A_141 = arith.addi %mul3A_2, %add3A_140 : i32
      %run_scoped3A_142 = arith.constant 0 : i32
      "tpu.region"() ({
        %run_scoped3A_155 = tpu.sem_alloc : memref<!tpu.dma_semaphore, #tpu.memory_space<semaphore_mem>>
        %dma_start3A_156 = arith.constant 0 : i32
        %dma_start3A_157 = arith.constant 0 : i32
        %dma_start3A_158 = tpu.memref_slice %arg8[%run_scoped3A_142, %dma_start3A_156, %dma_start3A_157] : memref<2x128x128xf32, #tpu.memory_space<vmem>> -> memref<1x128x128xf32, #tpu.memory_space<vmem>>
        %dma_start3A_159 = tpu.memref_squeeze %dma_start3A_158 : memref<1x128x128xf32, #tpu.memory_space<vmem>> -> memref<128x128xf32, #tpu.memory_space<vmem>>
        %dma_start3A_160 = arith.constant 0 : i32
        %dma_start3A_161 = tpu.memref_slice %arg9[%add3A_141, %dma_start3A_160] : memref<10064x128xf32, #tpu.memory_space<vmem_shared>> -> memref<128x128xf32, #tpu.memory_space<vmem_shared>>
        %dma_start3A_162 = arith.constant 0 : i32
        %dma_start3A_163 = tpu.memref_slice %arg9[%add3A_141, %dma_start3A_162] : memref<10064x128xf32, #tpu.memory_space<vmem_shared>> -> memref<128x128xf32, #tpu.memory_space<vmem_shared>>
        %dma_start3A_164 = arith.constant 0 : i32
        %dma_start3A_165 = arith.constant 0 : i32
        %dma_start3A_166 = tpu.memref_slice %arg8[%run_scoped3A_142, %dma_start3A_164, %dma_start3A_165] : memref<2x128x128xf32, #tpu.memory_space<vmem>> -> memref<1x128x128xf32, #tpu.memory_space<vmem>>
        %dma_start3A_167 = tpu.memref_squeeze %dma_start3A_166 : memref<1x128x128xf32, #tpu.memory_space<vmem>> -> memref<128x128xf32, #tpu.memory_space<vmem>>
        tpu.enqueue_dma source(%dma_start3A_167 : memref<128x128xf32, #tpu.memory_space<vmem>>) target(%dma_start3A_163 : memref<128x128xf32, #tpu.memory_space<vmem_shared>>) target_semaphore(%run_scoped3A_155 : memref<!tpu.dma_semaphore, #tpu.memory_space<semaphore_mem>>)
        %dma_wait3A_168 = arith.constant 0 : i32
        %dma_wait3A_169 = arith.constant 0 : i32
        %dma_wait3A_170 = tpu.memref_slice %arg8[%run_scoped3A_142, %dma_wait3A_168, %dma_wait3A_169] : memref<2x128x128xf32, #tpu.memory_space<vmem>> -> memref<1x128x128xf32, #tpu.memory_space<vmem>>
        %dma_wait3A_171 = tpu.memref_squeeze %dma_wait3A_170 : memref<1x128x128xf32, #tpu.memory_space<vmem>> -> memref<128x128xf32, #tpu.memory_space<vmem>>
        %dma_wait3A_172 = arith.constant 0 : i32
        %dma_wait3A_173 = tpu.memref_slice %arg9[%add3A_141, %dma_wait3A_172] : memref<10064x128xf32, #tpu.memory_space<vmem_shared>> -> memref<128x128xf32, #tpu.memory_space<vmem_shared>>
        %dma_wait3A_174 = arith.constant 0 : i32
        %dma_wait3A_175 = tpu.memref_slice %arg9[%add3A_141, %dma_wait3A_174] : memref<10064x128xf32, #tpu.memory_space<vmem_shared>> -> memref<128x128xf32, #tpu.memory_space<vmem_shared>>
        %dma_wait3A_176 = arith.constant 0 : i32
        %dma_wait3A_177 = arith.constant 0 : i32
        %dma_wait3A_178 = tpu.memref_slice %arg8[%run_scoped3A_142, %dma_wait3A_176, %dma_wait3A_177] : memref<2x128x128xf32, #tpu.memory_space<vmem>> -> memref<1x128x128xf32, #tpu.memory_space<vmem>>
        %dma_wait3A_179 = tpu.memref_squeeze %dma_wait3A_178 : memref<1x128x128xf32, #tpu.memory_space<vmem>> -> memref<128x128xf32, #tpu.memory_space<vmem>>
        tpu.wait_dma2 semaphore(%run_scoped3A_155 : memref<!tpu.dma_semaphore, #tpu.memory_space<semaphore_mem>>) src(%dma_wait3A_179 : memref<128x128xf32, #tpu.memory_space<vmem>>) dst(%dma_wait3A_175 : memref<128x128xf32, #tpu.memory_space<vmem_shared>>)
        tpu.yield
      }) : () -> ()
      %add3A_143 = arith.constant 384 : i32
      %add3A_144 = arith.addi %mul3A_2, %add3A_143 : i32
      %run_scoped3A_145 = arith.constant 0 : i32
      "tpu.region"() ({
        %run_scoped3A_155 = tpu.sem_alloc : memref<!tpu.dma_semaphore, #tpu.memory_space<semaphore_mem>>
        %dma_start3A_156 = arith.constant 0 : i32
        %dma_start3A_157 = arith.constant 0 : i32
        %dma_start3A_158 = tpu.memref_slice %arg8[%run_scoped3A_145, %dma_start3A_156, %dma_start3A_157] : memref<2x128x128xf32, #tpu.memory_space<vmem>> -> memref<1x128x128xf32, #tpu.memory_space<vmem>>
        %dma_start3A_159 = tpu.memref_squeeze %dma_start3A_158 : memref<1x128x128xf32, #tpu.memory_space<vmem>> -> memref<128x128xf32, #tpu.memory_space<vmem>>
        %dma_start3A_160 = arith.constant 0 : i32
        %dma_start3A_161 = tpu.memref_slice %arg9[%add3A_144, %dma_start3A_160] : memref<10064x128xf32, #tpu.memory_space<vmem_shared>> -> memref<128x128xf32, #tpu.memory_space<vmem_shared>>
        %dma_start3A_162 = arith.constant 0 : i32
        %dma_start3A_163 = tpu.memref_slice %arg9[%add3A_144, %dma_start3A_162] : memref<10064x128xf32, #tpu.memory_space<vmem_shared>> -> memref<128x128xf32, #tpu.memory_space<vmem_shared>>
        %dma_start3A_164 = arith.constant 0 : i32
        %dma_start3A_165 = arith.constant 0 : i32
        %dma_start3A_166 = tpu.memref_slice %arg8[%run_scoped3A_145, %dma_start3A_164, %dma_start3A_165] : memref<2x128x128xf32, #tpu.memory_space<vmem>> -> memref<1x128x128xf32, #tpu.memory_space<vmem>>
        %dma_start3A_167 = tpu.memref_squeeze %dma_start3A_166 : memref<1x128x128xf32, #tpu.memory_space<vmem>> -> memref<128x128xf32, #tpu.memory_space<vmem>>
        tpu.enqueue_dma source(%dma_start3A_167 : memref<128x128xf32, #tpu.memory_space<vmem>>) target(%dma_start3A_163 : memref<128x128xf32, #tpu.memory_space<vmem_shared>>) target_semaphore(%run_scoped3A_155 : memref<!tpu.dma_semaphore, #tpu.memory_space<semaphore_mem>>)
        %dma_wait3A_168 = arith.constant 0 : i32
        %dma_wait3A_169 = arith.constant 0 : i32
        %dma_wait3A_170 = tpu.memref_slice %arg8[%run_scoped3A_145, %dma_wait3A_168, %dma_wait3A_169] : memref<2x128x128xf32, #tpu.memory_space<vmem>> -> memref<1x128x128xf32, #tpu.memory_space<vmem>>
        %dma_wait3A_171 = tpu.memref_squeeze %dma_wait3A_170 : memref<1x128x128xf32, #tpu.memory_space<vmem>> -> memref<128x128xf32, #tpu.memory_space<vmem>>
        %dma_wait3A_172 = arith.constant 0 : i32
        %dma_wait3A_173 = tpu.memref_slice %arg9[%add3A_144, %dma_wait3A_172] : memref<10064x128xf32, #tpu.memory_space<vmem_shared>> -> memref<128x128xf32, #tpu.memory_space<vmem_shared>>
        %dma_wait3A_174 = arith.constant 0 : i32
        %dma_wait3A_175 = tpu.memref_slice %arg9[%add3A_144, %dma_wait3A_174] : memref<10064x128xf32, #tpu.memory_space<vmem_shared>> -> memref<128x128xf32, #tpu.memory_space<vmem_shared>>
        %dma_wait3A_176 = arith.constant 0 : i32
        %dma_wait3A_177 = arith.constant 0 : i32
        %dma_wait3A_178 = tpu.memref_slice %arg8[%run_scoped3A_145, %dma_wait3A_176, %dma_wait3A_177] : memref<2x128x128xf32, #tpu.memory_space<vmem>> -> memref<1x128x128xf32, #tpu.memory_space<vmem>>
        %dma_wait3A_179 = tpu.memref_squeeze %dma_wait3A_178 : memref<1x128x128xf32, #tpu.memory_space<vmem>> -> memref<128x128xf32, #tpu.memory_space<vmem>>
        tpu.wait_dma2 semaphore(%run_scoped3A_155 : memref<!tpu.dma_semaphore, #tpu.memory_space<semaphore_mem>>) src(%dma_wait3A_179 : memref<128x128xf32, #tpu.memory_space<vmem>>) dst(%dma_wait3A_175 : memref<128x128xf32, #tpu.memory_space<vmem_shared>>)
        tpu.yield
      }) : () -> ()
      %add3A_146 = arith.constant 624 : i32
      %add3A_147 = arith.addi %mul3A_2, %add3A_146 : i32
      %sub3A = arith.constant 112 : i32
      %sub3A_148 = arith.subi %add3A_147, %sub3A : i32
      %run_scoped3A_149 = arith.constant 0 : i32
      "tpu.region"() ({
        %run_scoped3A_155 = tpu.sem_alloc : memref<!tpu.dma_semaphore, #tpu.memory_space<semaphore_mem>>
        %dma_start3A_156 = arith.constant 0 : i32
        %dma_start3A_157 = arith.constant 0 : i32
        %dma_start3A_158 = tpu.memref_slice %arg8[%run_scoped3A_149, %dma_start3A_156, %dma_start3A_157] : memref<2x128x128xf32, #tpu.memory_space<vmem>> -> memref<1x112x128xf32, #tpu.memory_space<vmem>>
        %dma_start3A_159 = tpu.memref_squeeze %dma_start3A_158 : memref<1x112x128xf32, #tpu.memory_space<vmem>> -> memref<112x128xf32, #tpu.memory_space<vmem>>
        %dma_start3A_160 = arith.constant 0 : i32
        %dma_start3A_161 = tpu.memref_slice %arg9[%sub3A_148, %dma_start3A_160] : memref<10064x128xf32, #tpu.memory_space<vmem_shared>> -> memref<112x128xf32, #tpu.memory_space<vmem_shared>>
        %dma_start3A_162 = arith.constant 0 : i32
        %dma_start3A_163 = tpu.memref_slice %arg9[%sub3A_148, %dma_start3A_162] : memref<10064x128xf32, #tpu.memory_space<vmem_shared>> -> memref<112x128xf32, #tpu.memory_space<vmem_shared>>
        %dma_start3A_164 = arith.constant 0 : i32
        %dma_start3A_165 = arith.constant 0 : i32
        %dma_start3A_166 = tpu.memref_slice %arg8[%run_scoped3A_149, %dma_start3A_164, %dma_start3A_165] : memref<2x128x128xf32, #tpu.memory_space<vmem>> -> memref<1x112x128xf32, #tpu.memory_space<vmem>>
        %dma_start3A_167 = tpu.memref_squeeze %dma_start3A_166 : memref<1x112x128xf32, #tpu.memory_space<vmem>> -> memref<112x128xf32, #tpu.memory_space<vmem>>
        tpu.enqueue_dma source(%dma_start3A_167 : memref<112x128xf32, #tpu.memory_space<vmem>>) target(%dma_start3A_163 : memref<112x128xf32, #tpu.memory_space<vmem_shared>>) target_semaphore(%run_scoped3A_155 : memref<!tpu.dma_semaphore, #tpu.memory_space<semaphore_mem>>)
        %dma_wait3A_168 = arith.constant 0 : i32
        %dma_wait3A_169 = arith.constant 0 : i32
        %dma_wait3A_170 = tpu.memref_slice %arg8[%run_scoped3A_149, %dma_wait3A_168, %dma_wait3A_169] : memref<2x128x128xf32, #tpu.memory_space<vmem>> -> memref<1x112x128xf32, #tpu.memory_space<vmem>>
        %dma_wait3A_171 = tpu.memref_squeeze %dma_wait3A_170 : memref<1x112x128xf32, #tpu.memory_space<vmem>> -> memref<112x128xf32, #tpu.memory_space<vmem>>
        %dma_wait3A_172 = arith.constant 0 : i32
        %dma_wait3A_173 = tpu.memref_slice %arg9[%sub3A_148, %dma_wait3A_172] : memref<10064x128xf32, #tpu.memory_space<vmem_shared>> -> memref<112x128xf32, #tpu.memory_space<vmem_shared>>
        %dma_wait3A_174 = arith.constant 0 : i32
        %dma_wait3A_175 = tpu.memref_slice %arg9[%sub3A_148, %dma_wait3A_174] : memref<10064x128xf32, #tpu.memory_space<vmem_shared>> -> memref<112x128xf32, #tpu.memory_space<vmem_shared>>
        %dma_wait3A_176 = arith.constant 0 : i32
        %dma_wait3A_177 = arith.constant 0 : i32
        %dma_wait3A_178 = tpu.memref_slice %arg8[%run_scoped3A_149, %dma_wait3A_176, %dma_wait3A_177] : memref<2x128x128xf32, #tpu.memory_space<vmem>> -> memref<1x112x128xf32, #tpu.memory_space<vmem>>
        %dma_wait3A_179 = tpu.memref_squeeze %dma_wait3A_178 : memref<1x112x128xf32, #tpu.memory_space<vmem>> -> memref<112x128xf32, #tpu.memory_space<vmem>>
        tpu.wait_dma2 semaphore(%run_scoped3A_155 : memref<!tpu.dma_semaphore, #tpu.memory_space<semaphore_mem>>) src(%dma_wait3A_179 : memref<112x128xf32, #tpu.memory_space<vmem>>) dst(%dma_wait3A_175 : memref<112x128xf32, #tpu.memory_space<vmem_shared>>)
        tpu.yield
      }) : () -> ()
      %eq3A_150 = arith.constant 15 : i32
      %eq3A_151 = arith.cmpi eq, %arg1, %eq3A_150 : i32
      %convert_element_type3A_152 = arith.extui %eq3A_151 : i1 to i32
      %cond3A_153 = arith.constant 0 : i32
      %cond3A_154 = arith.cmpi ne, %convert_element_type3A_152, %cond3A_153 : i32
      scf.if %cond3A_154 {
        %run_scoped3A_155 = arith.constant 0 : i32
        "tpu.region"() ({
          %run_scoped3A_156 = tpu.sem_alloc : memref<!tpu.dma_semaphore, #tpu.memory_space<semaphore_mem>>
          %dma_start3A_157 = arith.constant 0 : i32
          %dma_start3A_158 = arith.constant 0 : i32
          %dma_start3A_159 = tpu.memref_slice %arg8[%run_scoped3A_155, %dma_start3A_157, %dma_start3A_158] : memref<2x128x128xf32, #tpu.memory_space<vmem>> -> memref<1x16x128xf32, #tpu.memory_space<vmem>>
          %dma_start3A_160 = tpu.memref_squeeze %dma_start3A_159 : memref<1x16x128xf32, #tpu.memory_space<vmem>> -> memref<16x128xf32, #tpu.memory_space<vmem>>
          %dma_start3A_161 = arith.constant 9984 : i32
          %dma_start3A_162 = arith.constant 0 : i32
          %dma_start3A_163 = tpu.memref_slice %arg9[%dma_start3A_161, %dma_start3A_162] : memref<10064x128xf32, #tpu.memory_space<vmem_shared>> -> memref<16x128xf32, #tpu.memory_space<vmem_shared>>
          %dma_start3A_164 = arith.constant 9984 : i32
          %dma_start3A_165 = arith.constant 0 : i32
          %dma_start3A_166 = tpu.memref_slice %arg9[%dma_start3A_164, %dma_start3A_165] : memref<10064x128xf32, #tpu.memory_space<vmem_shared>> -> memref<16x128xf32, #tpu.memory_space<vmem_shared>>
          %dma_start3A_167 = arith.constant 0 : i32
          %dma_start3A_168 = arith.constant 0 : i32
          %dma_start3A_169 = tpu.memref_slice %arg8[%run_scoped3A_155, %dma_start3A_167, %dma_start3A_168] : memref<2x128x128xf32, #tpu.memory_space<vmem>> -> memref<1x16x128xf32, #tpu.memory_space<vmem>>
          %dma_start3A_170 = tpu.memref_squeeze %dma_start3A_169 : memref<1x16x128xf32, #tpu.memory_space<vmem>> -> memref<16x128xf32, #tpu.memory_space<vmem>>
          tpu.enqueue_dma source(%dma_start3A_170 : memref<16x128xf32, #tpu.memory_space<vmem>>) target(%dma_start3A_166 : memref<16x128xf32, #tpu.memory_space<vmem_shared>>) target_semaphore(%run_scoped3A_156 : memref<!tpu.dma_semaphore, #tpu.memory_space<semaphore_mem>>)
          %dma_wait3A_171 = arith.constant 0 : i32
          %dma_wait3A_172 = arith.constant 0 : i32
          %dma_wait3A_173 = tpu.memref_slice %arg8[%run_scoped3A_155, %dma_wait3A_171, %dma_wait3A_172] : memref<2x128x128xf32, #tpu.memory_space<vmem>> -> memref<1x16x128xf32, #tpu.memory_space<vmem>>
          %dma_wait3A_174 = tpu.memref_squeeze %dma_wait3A_173 : memref<1x16x128xf32, #tpu.memory_space<vmem>> -> memref<16x128xf32, #tpu.memory_space<vmem>>
          %dma_wait3A_175 = arith.constant 9984 : i32
          %dma_wait3A_176 = arith.constant 0 : i32
          %dma_wait3A_177 = tpu.memref_slice %arg9[%dma_wait3A_175, %dma_wait3A_176] : memref<10064x128xf32, #tpu.memory_space<vmem_shared>> -> memref<16x128xf32, #tpu.memory_space<vmem_shared>>
          %dma_wait3A_178 = arith.constant 9984 : i32
          %dma_wait3A_179 = arith.constant 0 : i32
          %dma_wait3A_180 = tpu.memref_slice %arg9[%dma_wait3A_178, %dma_wait3A_179] : memref<10064x128xf32, #tpu.memory_space<vmem_shared>> -> memref<16x128xf32, #tpu.memory_space<vmem_shared>>
          %dma_wait3A_181 = arith.constant 0 : i32
          %dma_wait3A_182 = arith.constant 0 : i32
          %dma_wait3A_183 = tpu.memref_slice %arg8[%run_scoped3A_155, %dma_wait3A_181, %dma_wait3A_182] : memref<2x128x128xf32, #tpu.memory_space<vmem>> -> memref<1x16x128xf32, #tpu.memory_space<vmem>>
          %dma_wait3A_184 = tpu.memref_squeeze %dma_wait3A_183 : memref<1x16x128xf32, #tpu.memory_space<vmem>> -> memref<16x128xf32, #tpu.memory_space<vmem>>
          tpu.wait_dma2 semaphore(%run_scoped3A_156 : memref<!tpu.dma_semaphore, #tpu.memory_space<semaphore_mem>>) src(%dma_wait3A_184 : memref<16x128xf32, #tpu.memory_space<vmem>>) dst(%dma_wait3A_180 : memref<16x128xf32, #tpu.memory_space<vmem_shared>>)
          tpu.yield
        }) : () -> ()
      } else {
      }
    } else {
    }
    %barrier3A = arith.constant 0 : index
    tpu.barrier barrier_id(%barrier3A)
    %dma_wait3A = arith.constant 0 : i32
    %dma_wait3A_66 = arith.constant 0 : i32
    %dma_wait3A_67 = arith.constant 0 : i32
    %dma_wait3A_68 = tpu.memref_slice %arg6[%dma_wait3A, %dma_wait3A_66, %dma_wait3A_67] : memref<2x8x128xi32, #tpu.memory_space<vmem>> -> memref<1x8x128xi32, #tpu.memory_space<vmem>>
    %dma_wait3A_69 = tpu.memref_squeeze %dma_wait3A_68 : memref<1x8x128xi32, #tpu.memory_space<vmem>> -> memref<8x128xi32, #tpu.memory_space<vmem>>
    %dma_wait3A_70 = arith.constant 0 : i32
    %dma_wait3A_71 = tpu.memref_slice %arg3[%mul3A_4, %dma_wait3A_70] : memref<2560x128xi32, #tpu.memory_space<hbm>> -> memref<8x128xi32, #tpu.memory_space<hbm>>
    %dma_wait3A_72 = arith.constant 0 : i32
    %dma_wait3A_73 = arith.constant 0 : i32
    %dma_wait3A_74 = tpu.memref_slice %arg6[%dma_wait3A, %dma_wait3A_72, %dma_wait3A_73] : memref<2x8x128xi32, #tpu.memory_space<vmem>> -> memref<1x8x128xi32, #tpu.memory_space<vmem>>
    %dma_wait3A_75 = tpu.memref_squeeze %dma_wait3A_74 : memref<1x8x128xi32, #tpu.memory_space<vmem>> -> memref<8x128xi32, #tpu.memory_space<vmem>>
    %dma_wait3A_76 = arith.constant 0 : i32
    %dma_wait3A_77 = tpu.memref_slice %arg3[%mul3A_4, %dma_wait3A_76] : memref<2560x128xi32, #tpu.memory_space<hbm>> -> memref<8x128xi32, #tpu.memory_space<hbm>>
    tpu.wait_dma2 semaphore(%arg13 : memref<!tpu.dma_semaphore, #tpu.memory_space<semaphore_mem>>) src(%dma_wait3A_77 : memref<8x128xi32, #tpu.memory_space<hbm>>) dst(%dma_wait3A_75 : memref<8x128xi32, #tpu.memory_space<vmem>>)
    %dma_wait3A_78 = arith.constant 0 : i32
    %dma_wait3A_79 = arith.constant 0 : i32
    %dma_wait3A_80 = arith.constant 0 : i32
    %dma_wait3A_81 = tpu.memref_slice %arg7[%dma_wait3A_78, %dma_wait3A_79, %dma_wait3A_80] : memref<2x8x128xi32, #tpu.memory_space<vmem>> -> memref<1x8x128xi32, #tpu.memory_space<vmem>>
    %dma_wait3A_82 = tpu.memref_squeeze %dma_wait3A_81 : memref<1x8x128xi32, #tpu.memory_space<vmem>> -> memref<8x128xi32, #tpu.memory_space<vmem>>
    %dma_wait3A_83 = arith.constant 0 : i32
    %dma_wait3A_84 = tpu.memref_slice %arg4[%mul3A_4, %dma_wait3A_83] : memref<2560x128xi32, #tpu.memory_space<hbm>> -> memref<8x128xi32, #tpu.memory_space<hbm>>
    %dma_wait3A_85 = arith.constant 0 : i32
    %dma_wait3A_86 = arith.constant 0 : i32
    %dma_wait3A_87 = tpu.memref_slice %arg7[%dma_wait3A_78, %dma_wait3A_85, %dma_wait3A_86] : memref<2x8x128xi32, #tpu.memory_space<vmem>> -> memref<1x8x128xi32, #tpu.memory_space<vmem>>
    %dma_wait3A_88 = tpu.memref_squeeze %dma_wait3A_87 : memref<1x8x128xi32, #tpu.memory_space<vmem>> -> memref<8x128xi32, #tpu.memory_space<vmem>>
    %dma_wait3A_89 = arith.constant 0 : i32
    %dma_wait3A_90 = tpu.memref_slice %arg4[%mul3A_4, %dma_wait3A_89] : memref<2560x128xi32, #tpu.memory_space<hbm>> -> memref<8x128xi32, #tpu.memory_space<hbm>>
    tpu.wait_dma2 semaphore(%arg13 : memref<!tpu.dma_semaphore, #tpu.memory_space<semaphore_mem>>) src(%dma_wait3A_90 : memref<8x128xi32, #tpu.memory_space<hbm>>) dst(%dma_wait3A_88 : memref<8x128xi32, #tpu.memory_space<vmem>>)
    %dma_start3A_91 = arith.constant 0 : i32
    %dma_start3A_92 = arith.constant 0 : i32
    %dma_start3A_93 = arith.constant 0 : i32
    %dma_start3A_94 = arith.constant 0 : i32
    %dma_start3A_95 = arith.constant 0 : i32
    %dma_start3A_96 = tpu.memref_slice %arg8[%dma_start3A_93, %dma_start3A_94, %dma_start3A_95] : memref<2x128x128xf32, #tpu.memory_space<vmem>> -> memref<1x128x128xf32, #tpu.memory_space<vmem>>
    %dma_start3A_97 = tpu.memref_squeeze %dma_start3A_96 : memref<1x128x128xf32, #tpu.memory_space<vmem>> -> memref<128x128xf32, #tpu.memory_space<vmem>>
    %dma_start3A_98 = arith.constant 0 : i32
    %dma_start3A_99 = tpu.memref_slice %arg6[%dma_start3A_91, %dma_start3A_92, %dma_start3A_98] : memref<2x8x128xi32, #tpu.memory_space<vmem>> -> memref<1x1x128xi32, #tpu.memory_space<vmem>>
    %dma_start3A_100 = tpu.memref_squeeze %dma_start3A_99 : memref<1x1x128xi32, #tpu.memory_space<vmem>> -> memref<128xi32, #tpu.memory_space<vmem>>
    %dma_start3A_101 = arith.constant 0 : i32
    %dma_start3A_102 = arith.constant 0 : i32
    %dma_start3A_103 = tpu.memref_slice %arg2[%dma_start3A_101, %dma_start3A_102] : memref<10000x128xf32, #tpu.memory_space<hbm>> -> memref<10000x128xf32, #tpu.memory_space<hbm>>
    tpu.enqueue_indirect_dma source(%dma_start3A_103 : memref<10000x128xf32, #tpu.memory_space<hbm>>) target(%dma_start3A_97 : memref<128x128xf32, #tpu.memory_space<vmem>>) offsets(%dma_start3A_100 : memref<128xi32, #tpu.memory_space<vmem>>) semaphore(%arg10 : memref<!tpu.dma_semaphore, #tpu.memory_space<semaphore_mem>>)
    %scan3A = arith.constant 0 : i32
    %scan3A_104 = arith.constant 0 : i32
    %scan3A_105 = arith.constant 10 : i32
    %scan3A_106 = arith.addi %scan3A_104, %scan3A_105 : i32
    %scan3A_107 = arith.constant 1 : i32
    scf.for %scan3A_128 = %scan3A_104 to %scan3A_106 step %scan3A_107  : i32 {
      %jit3A = arith.constant 2 : i32
      %eq3A_129 = arith.constant 0 : i32
      %eq3A_130 = arith.cmpi eq, %jit3A, %eq3A_129 : i32
      %jit3A_131 = arith.constant 1 : i32
      %select_n3A = arith.select %eq3A_130, %jit3A_131, %jit3A : i32
      %rem3A = arith.remsi %scan3A_128, %select_n3A : i32
      %ne3A_132 = arith.constant 0 : i32
      %ne3A_133 = arith.cmpi ne, %rem3A, %ne3A_132 : i32
      %lt3A = arith.constant 0 : i32
      %lt3A_134 = arith.cmpi slt, %rem3A, %lt3A : i32
      %lt3A_135 = arith.constant 0 : i32
      %lt3A_136 = arith.cmpi slt, %select_n3A, %lt3A_135 : i32
      %ne3A_137 = arith.xori %lt3A_134, %lt3A_136 : i1
      %and3A = arith.andi %ne3A_137, %ne3A_133 : i1
      %add3A_138 = arith.addi %rem3A, %select_n3A : i32
      %select_n3A_139 = arith.select %and3A, %add3A_138, %rem3A : i32
      %dma_wait3A_140 = arith.constant 0 : i32
      %dma_wait3A_141 = arith.constant 0 : i32
      %dma_wait3A_142 = arith.constant 0 : i32
      %dma_wait3A_143 = arith.constant 0 : i32
      %dma_wait3A_144 = arith.constant 0 : i32
      %dma_wait3A_145 = tpu.memref_slice %arg8[%dma_wait3A_142, %dma_wait3A_143, %dma_wait3A_144] : memref<2x128x128xf32, #tpu.memory_space<vmem>> -> memref<1x128x128xf32, #tpu.memory_space<vmem>>
      %dma_wait3A_146 = tpu.memref_squeeze %dma_wait3A_145 : memref<1x128x128xf32, #tpu.memory_space<vmem>> -> memref<128x128xf32, #tpu.memory_space<vmem>>
      %dma_wait3A_147 = arith.constant 0 : i32
      %dma_wait3A_148 = tpu.memref_slice %arg6[%dma_wait3A_140, %dma_wait3A_141, %dma_wait3A_147] : memref<2x8x128xi32, #tpu.memory_space<vmem>> -> memref<1x1x128xi32, #tpu.memory_space<vmem>>
      %dma_wait3A_149 = tpu.memref_squeeze %dma_wait3A_148 : memref<1x1x128xi32, #tpu.memory_space<vmem>> -> memref<128xi32, #tpu.memory_space<vmem>>
      %dma_wait3A_150 = arith.constant 0 : i32
      %dma_wait3A_151 = arith.constant 0 : i32
      %dma_wait3A_152 = tpu.memref_slice %arg2[%dma_wait3A_150, %dma_wait3A_151] : memref<10000x128xf32, #tpu.memory_space<hbm>> -> memref<10000x128xf32, #tpu.memory_space<hbm>>
      tpu.wait_indirect_dma semaphore(%arg10 : memref<!tpu.dma_semaphore, #tpu.memory_space<semaphore_mem>>) src(%dma_wait3A_152 : memref<10000x128xf32, #tpu.memory_space<hbm>>) dst(%dma_wait3A_146 : memref<128x128xf32, #tpu.memory_space<vmem>>)
      %dma_start3A_153 = arith.constant 0 : i32
      %dma_start3A_154 = arith.constant 0 : i32
      %dma_start3A_155 = arith.constant 0 : i32
      %dma_start3A_156 = arith.constant 0 : i32
      %dma_start3A_157 = tpu.memref_slice %arg8[%dma_start3A_153, %dma_start3A_155, %dma_start3A_156] : memref<2x128x128xf32, #tpu.memory_space<vmem>> -> memref<1x128x128xf32, #tpu.memory_space<vmem>>
      %dma_start3A_158 = tpu.memref_squeeze %dma_start3A_157 : memref<1x128x128xf32, #tpu.memory_space<vmem>> -> memref<128x128xf32, #tpu.memory_space<vmem>>
      %dma_start3A_159 = arith.constant 0 : i32
      %dma_start3A_160 = tpu.memref_slice %arg7[%select_n3A_139, %dma_start3A_154, %dma_start3A_159] : memref<2x8x128xi32, #tpu.memory_space<vmem>> -> memref<1x1x128xi32, #tpu.memory_space<vmem>>
      %dma_start3A_161 = tpu.memref_squeeze %dma_start3A_160 : memref<1x1x128xi32, #tpu.memory_space<vmem>> -> memref<128xi32, #tpu.memory_space<vmem>>
      %dma_start3A_162 = arith.constant 0 : i32
      %dma_start3A_163 = arith.constant 0 : i32
      %dma_start3A_164 = tpu.memref_slice %arg9[%dma_start3A_162, %dma_start3A_163] : memref<10064x128xf32, #tpu.memory_space<vmem_shared>> -> memref<10064x128xf32, #tpu.memory_space<vmem_shared>>
      tpu.enqueue_indirect_dma source(%dma_start3A_158 : memref<128x128xf32, #tpu.memory_space<vmem>>) target(%dma_start3A_164 : memref<10064x128xf32, #tpu.memory_space<vmem_shared>>) offsets(%dma_start3A_161 : memref<128xi32, #tpu.memory_space<vmem>>) semaphore(%arg11 : memref<!tpu.dma_semaphore, #tpu.memory_space<semaphore_mem>>) {add = true}
      %ge3A = arith.constant 1 : i32
      %ge3A_165 = arith.cmpi sge, %scan3A_128, %ge3A : i32
      %convert_element_type3A_166 = arith.extui %ge3A_165 : i1 to i32
      %cond3A_167 = arith.constant 0 : i32
      %cond3A_168 = arith.cmpi ne, %convert_element_type3A_166, %cond3A_167 : i32
      scf.if %cond3A_168 {
        %dma_wait3A_526 = arith.constant 1 : i32
        %dma_wait3A_527 = arith.constant 0 : i32
        %dma_wait3A_528 = arith.constant 0 : i32
        %dma_wait3A_529 = arith.constant 0 : i32
        %dma_wait3A_530 = arith.constant 0 : i32
        %dma_wait3A_531 = tpu.memref_slice %arg8[%dma_wait3A_526, %dma_wait3A_529, %dma_wait3A_530] : memref<2x128x128xf32, #tpu.memory_space<vmem>> -> memref<1x128x128xf32, #tpu.memory_space<vmem>>
        %dma_wait3A_532 = tpu.memref_squeeze %dma_wait3A_531 : memref<1x128x128xf32, #tpu.memory_space<vmem>> -> memref<128x128xf32, #tpu.memory_space<vmem>>
        %dma_wait3A_533 = arith.constant 0 : i32
        %dma_wait3A_534 = tpu.memref_slice %arg7[%dma_wait3A_527, %dma_wait3A_528, %dma_wait3A_533] : memref<2x8x128xi32, #tpu.memory_space<vmem>> -> memref<1x1x128xi32, #tpu.memory_space<vmem>>
        %dma_wait3A_535 = tpu.memref_squeeze %dma_wait3A_534 : memref<1x1x128xi32, #tpu.memory_space<vmem>> -> memref<128xi32, #tpu.memory_space<vmem>>
        %dma_wait3A_536 = arith.constant 0 : i32
        %dma_wait3A_537 = arith.constant 0 : i32
        %dma_wait3A_538 = tpu.memref_slice %arg9[%dma_wait3A_536, %dma_wait3A_537] : memref<10064x128xf32, #tpu.memory_space<vmem_shared>> -> memref<10064x128xf32, #tpu.memory_space<vmem_shared>>
        tpu.wait_indirect_dma semaphore(%arg12 : memref<!tpu.dma_semaphore, #tpu.memory_space<semaphore_mem>>) src(%dma_wait3A_532 : memref<128x128xf32, #tpu.memory_space<vmem>>) dst(%dma_wait3A_538 : memref<10064x128xf32, #tpu.memory_space<vmem_shared>>)
      } else {
      }
      %dma_start3A_169 = arith.constant 1 : i32
      %dma_start3A_170 = arith.constant 1 : i32
      %dma_start3A_171 = arith.constant 0 : i32
      %dma_start3A_172 = arith.constant 0 : i32
      %dma_start3A_173 = tpu.memref_slice %arg8[%dma_start3A_170, %dma_start3A_171, %dma_start3A_172] : memref<2x128x128xf32, #tpu.memory_space<vmem>> -> memref<1x128x128xf32, #tpu.memory_space<vmem>>
      %dma_start3A_174 = tpu.memref_squeeze %dma_start3A_173 : memref<1x128x128xf32, #tpu.memory_space<vmem>> -> memref<128x128xf32, #tpu.memory_space<vmem>>
      %dma_start3A_175 = arith.constant 0 : i32
      %dma_start3A_176 = tpu.memref_slice %arg6[%select_n3A_139, %dma_start3A_169, %dma_start3A_175] : memref<2x8x128xi32, #tpu.memory_space<vmem>> -> memref<1x1x128xi32, #tpu.memory_space<vmem>>
      %dma_start3A_177 = tpu.memref_squeeze %dma_start3A_176 : memref<1x1x128xi32, #tpu.memory_space<vmem>> -> memref<128xi32, #tpu.memory_space<vmem>>
      %dma_start3A_178 = arith.constant 0 : i32
      %dma_start3A_179 = arith.constant 0 : i32
      %dma_start3A_180 = tpu.memref_slice %arg2[%dma_start3A_178, %dma_start3A_179] : memref<10000x128xf32, #tpu.memory_space<hbm>> -> memref<10000x128xf32, #tpu.memory_space<hbm>>
      tpu.enqueue_indirect_dma source(%dma_start3A_180 : memref<10000x128xf32, #tpu.memory_space<hbm>>) target(%dma_start3A_174 : memref<128x128xf32, #tpu.memory_space<vmem>>) offsets(%dma_start3A_177 : memref<128xi32, #tpu.memory_space<vmem>>) semaphore(%arg10 : memref<!tpu.dma_semaphore, #tpu.memory_space<semaphore_mem>>)
      %dma_wait3A_181 = arith.constant 0 : i32
      %dma_wait3A_182 = arith.constant 0 : i32
      %dma_wait3A_183 = arith.constant 1 : i32
      %dma_wait3A_184 = arith.constant 0 : i32
      %dma_wait3A_185 = arith.constant 0 : i32
      %dma_wait3A_186 = tpu.memref_slice %arg8[%dma_wait3A_183, %dma_wait3A_184, %dma_wait3A_185] : memref<2x128x128xf32, #tpu.memory_space<vmem>> -> memref<1x128x128xf32, #tpu.memory_space<vmem>>
      %dma_wait3A_187 = tpu.memref_squeeze %dma_wait3A_186 : memref<1x128x128xf32, #tpu.memory_space<vmem>> -> memref<128x128xf32, #tpu.memory_space<vmem>>
      %dma_wait3A_188 = arith.constant 0 : i32
      %dma_wait3A_189 = tpu.memref_slice %arg6[%dma_wait3A_181, %dma_wait3A_182, %dma_wait3A_188] : memref<2x8x128xi32, #tpu.memory_space<vmem>> -> memref<1x1x128xi32, #tpu.memory_space<vmem>>
      %dma_wait3A_190 = tpu.memref_squeeze %dma_wait3A_189 : memref<1x1x128xi32, #tpu.memory_space<vmem>> -> memref<128xi32, #tpu.memory_space<vmem>>
      %dma_wait3A_191 = arith.constant 0 : i32
      %dma_wait3A_192 = arith.constant 0 : i32
      %dma_wait3A_193 = tpu.memref_slice %arg2[%dma_wait3A_191, %dma_wait3A_192] : memref<10000x128xf32, #tpu.memory_space<hbm>> -> memref<10000x128xf32, #tpu.memory_space<hbm>>
      tpu.wait_indirect_dma semaphore(%arg10 : memref<!tpu.dma_semaphore, #tpu.memory_space<semaphore_mem>>) src(%dma_wait3A_193 : memref<10000x128xf32, #tpu.memory_space<hbm>>) dst(%dma_wait3A_187 : memref<128x128xf32, #tpu.memory_space<vmem>>)
      %dma_start3A_194 = arith.constant 1 : i32
      %dma_start3A_195 = arith.constant 1 : i32
      %dma_start3A_196 = arith.constant 0 : i32
      %dma_start3A_197 = arith.constant 0 : i32
      %dma_start3A_198 = tpu.memref_slice %arg8[%dma_start3A_194, %dma_start3A_196, %dma_start3A_197] : memref<2x128x128xf32, #tpu.memory_space<vmem>> -> memref<1x128x128xf32, #tpu.memory_space<vmem>>
      %dma_start3A_199 = tpu.memref_squeeze %dma_start3A_198 : memref<1x128x128xf32, #tpu.memory_space<vmem>> -> memref<128x128xf32, #tpu.memory_space<vmem>>
      %dma_start3A_200 = arith.constant 0 : i32
      %dma_start3A_201 = tpu.memref_slice %arg7[%select_n3A_139, %dma_start3A_195, %dma_start3A_200] : memref<2x8x128xi32, #tpu.memory_space<vmem>> -> memref<1x1x128xi32, #tpu.memory_space<vmem>>
      %dma_start3A_202 = tpu.memref_squeeze %dma_start3A_201 : memref<1x1x128xi32, #tpu.memory_space<vmem>> -> memref<128xi32, #tpu.memory_space<vmem>>
      %dma_start3A_203 = arith.constant 0 : i32
      %dma_start3A_204 = arith.constant 0 : i32
      %dma_start3A_205 = tpu.memref_slice %arg9[%dma_start3A_203, %dma_start3A_204] : memref<10064x128xf32, #tpu.memory_space<vmem_shared>> -> memref<10064x128xf32, #tpu.memory_space<vmem_shared>>
      tpu.enqueue_indirect_dma source(%dma_start3A_199 : memref<128x128xf32, #tpu.memory_space<vmem>>) target(%dma_start3A_205 : memref<10064x128xf32, #tpu.memory_space<vmem_shared>>) offsets(%dma_start3A_202 : memref<128xi32, #tpu.memory_space<vmem>>) semaphore(%arg12 : memref<!tpu.dma_semaphore, #tpu.memory_space<semaphore_mem>>) {add = true}
      %dma_wait3A_206 = arith.constant 0 : i32
      %dma_wait3A_207 = arith.constant 0 : i32
      %dma_wait3A_208 = arith.constant 0 : i32
      %dma_wait3A_209 = arith.constant 0 : i32
      %dma_wait3A_210 = arith.constant 0 : i32
      %dma_wait3A_211 = tpu.memref_slice %arg8[%dma_wait3A_206, %dma_wait3A_209, %dma_wait3A_210] : memref<2x128x128xf32, #tpu.memory_space<vmem>> -> memref<1x128x128xf32, #tpu.memory_space<vmem>>
      %dma_wait3A_212 = tpu.memref_squeeze %dma_wait3A_211 : memref<1x128x128xf32, #tpu.memory_space<vmem>> -> memref<128x128xf32, #tpu.memory_space<vmem>>
      %dma_wait3A_213 = arith.constant 0 : i32
      %dma_wait3A_214 = tpu.memref_slice %arg7[%dma_wait3A_207, %dma_wait3A_208, %dma_wait3A_213] : memref<2x8x128xi32, #tpu.memory_space<vmem>> -> memref<1x1x128xi32, #tpu.memory_space<vmem>>
      %dma_wait3A_215 = tpu.memref_squeeze %dma_wait3A_214 : memref<1x1x128xi32, #tpu.memory_space<vmem>> -> memref<128xi32, #tpu.memory_space<vmem>>
      %dma_wait3A_216 = arith.constant 0 : i32
      %dma_wait3A_217 = arith.constant 0 : i32
      %dma_wait3A_218 = tpu.memref_slice %arg9[%dma_wait3A_216, %dma_wait3A_217] : memref<10064x128xf32, #tpu.memory_space<vmem_shared>> -> memref<10064x128xf32, #tpu.memory_space<vmem_shared>>
      tpu.wait_indirect_dma semaphore(%arg11 : memref<!tpu.dma_semaphore, #tpu.memory_space<semaphore_mem>>) src(%dma_wait3A_212 : memref<128x128xf32, #tpu.memory_space<vmem>>) dst(%dma_wait3A_218 : memref<10064x128xf32, #tpu.memory_space<vmem_shared>>)
      %dma_start3A_219 = arith.constant 2 : i32
      %dma_start3A_220 = arith.constant 0 : i32
      %dma_start3A_221 = arith.constant 0 : i32
      %dma_start3A_222 = arith.constant 0 : i32
      %dma_start3A_223 = tpu.memref_slice %arg8[%dma_start3A_220, %dma_start3A_221, %dma_start3A_222] : memref<2x128x128xf32, #tpu.memory_space<vmem>> -> memref<1x128x128xf32, #tpu.memory_space<vmem>>
      %dma_start3A_224 = tpu.memref_squeeze %dma_start3A_223 : memref<1x128x128xf32, #tpu.memory_space<vmem>> -> memref<128x128xf32, #tpu.memory_space<vmem>>
      %dma_start3A_225 = arith.constant 0 : i32
      %dma_start3A_226 = tpu.memref_slice %arg6[%select_n3A_139, %dma_start3A_219, %dma_start3A_225] : memref<2x8x128xi32, #tpu.memory_space<vmem>> -> memref<1x1x128xi32, #tpu.memory_space<vmem>>
      %dma_start3A_227 = tpu.memref_squeeze %dma_start3A_226 : memref<1x1x128xi32, #tpu.memory_space<vmem>> -> memref<128xi32, #tpu.memory_space<vmem>>
      %dma_start3A_228 = arith.constant 0 : i32
      %dma_start3A_229 = arith.constant 0 : i32
      %dma_start3A_230 = tpu.memref_slice %arg2[%dma_start3A_228, %dma_start3A_229] : memref<10000x128xf32, #tpu.memory_space<hbm>> -> memref<10000x128xf32, #tpu.memory_space<hbm>>
      tpu.enqueue_indirect_dma source(%dma_start3A_230 : memref<10000x128xf32, #tpu.memory_space<hbm>>) target(%dma_start3A_224 : memref<128x128xf32, #tpu.memory_space<vmem>>) offsets(%dma_start3A_227 : memref<128xi32, #tpu.memory_space<vmem>>) semaphore(%arg10 : memref<!tpu.dma_semaphore, #tpu.memory_space<semaphore_mem>>)
      %dma_wait3A_231 = arith.constant 0 : i32
      %dma_wait3A_232 = arith.constant 0 : i32
      %dma_wait3A_233 = arith.constant 0 : i32
      %dma_wait3A_234 = arith.constant 0 : i32
      %dma_wait3A_235 = arith.constant 0 : i32
      %dma_wait3A_236 = tpu.memref_slice %arg8[%dma_wait3A_233, %dma_wait3A_234, %dma_wait3A_235] : memref<2x128x128xf32, #tpu.memory_space<vmem>> -> memref<1x128x128xf32, #tpu.memory_space<vmem>>
      %dma_wait3A_237 = tpu.memref_squeeze %dma_wait3A_236 : memref<1x128x128xf32, #tpu.memory_space<vmem>> -> memref<128x128xf32, #tpu.memory_space<vmem>>
      %dma_wait3A_238 = arith.constant 0 : i32
      %dma_wait3A_239 = tpu.memref_slice %arg6[%dma_wait3A_231, %dma_wait3A_232, %dma_wait3A_238] : memref<2x8x128xi32, #tpu.memory_space<vmem>> -> memref<1x1x128xi32, #tpu.memory_space<vmem>>
      %dma_wait3A_240 = tpu.memref_squeeze %dma_wait3A_239 : memref<1x1x128xi32, #tpu.memory_space<vmem>> -> memref<128xi32, #tpu.memory_space<vmem>>
      %dma_wait3A_241 = arith.constant 0 : i32
      %dma_wait3A_242 = arith.constant 0 : i32
      %dma_wait3A_243 = tpu.memref_slice %arg2[%dma_wait3A_241, %dma_wait3A_242] : memref<10000x128xf32, #tpu.memory_space<hbm>> -> memref<10000x128xf32, #tpu.memory_space<hbm>>
      tpu.wait_indirect_dma semaphore(%arg10 : memref<!tpu.dma_semaphore, #tpu.memory_space<semaphore_mem>>) src(%dma_wait3A_243 : memref<10000x128xf32, #tpu.memory_space<hbm>>) dst(%dma_wait3A_237 : memref<128x128xf32, #tpu.memory_space<vmem>>)
      %dma_start3A_244 = arith.constant 0 : i32
      %dma_start3A_245 = arith.constant 2 : i32
      %dma_start3A_246 = arith.constant 0 : i32
      %dma_start3A_247 = arith.constant 0 : i32
      %dma_start3A_248 = tpu.memref_slice %arg8[%dma_start3A_244, %dma_start3A_246, %dma_start3A_247] : memref<2x128x128xf32, #tpu.memory_space<vmem>> -> memref<1x128x128xf32, #tpu.memory_space<vmem>>
      %dma_start3A_249 = tpu.memref_squeeze %dma_start3A_248 : memref<1x128x128xf32, #tpu.memory_space<vmem>> -> memref<128x128xf32, #tpu.memory_space<vmem>>
      %dma_start3A_250 = arith.constant 0 : i32
      %dma_start3A_251 = tpu.memref_slice %arg7[%select_n3A_139, %dma_start3A_245, %dma_start3A_250] : memref<2x8x128xi32, #tpu.memory_space<vmem>> -> memref<1x1x128xi32, #tpu.memory_space<vmem>>
      %dma_start3A_252 = tpu.memref_squeeze %dma_start3A_251 : memref<1x1x128xi32, #tpu.memory_space<vmem>> -> memref<128xi32, #tpu.memory_space<vmem>>
      %dma_start3A_253 = arith.constant 0 : i32
      %dma_start3A_254 = arith.constant 0 : i32
      %dma_start3A_255 = tpu.memref_slice %arg9[%dma_start3A_253, %dma_start3A_254] : memref<10064x128xf32, #tpu.memory_space<vmem_shared>> -> memref<10064x128xf32, #tpu.memory_space<vmem_shared>>
      tpu.enqueue_indirect_dma source(%dma_start3A_249 : memref<128x128xf32, #tpu.memory_space<vmem>>) target(%dma_start3A_255 : memref<10064x128xf32, #tpu.memory_space<vmem_shared>>) offsets(%dma_start3A_252 : memref<128xi32, #tpu.memory_space<vmem>>) semaphore(%arg11 : memref<!tpu.dma_semaphore, #tpu.memory_space<semaphore_mem>>) {add = true}
      %dma_wait3A_256 = arith.constant 1 : i32
      %dma_wait3A_257 = arith.constant 0 : i32
      %dma_wait3A_258 = arith.constant 0 : i32
      %dma_wait3A_259 = arith.constant 0 : i32
      %dma_wait3A_260 = arith.constant 0 : i32
      %dma_wait3A_261 = tpu.memref_slice %arg8[%dma_wait3A_256, %dma_wait3A_259, %dma_wait3A_260] : memref<2x128x128xf32, #tpu.memory_space<vmem>> -> memref<1x128x128xf32, #tpu.memory_space<vmem>>
      %dma_wait3A_262 = tpu.memref_squeeze %dma_wait3A_261 : memref<1x128x128xf32, #tpu.memory_space<vmem>> -> memref<128x128xf32, #tpu.memory_space<vmem>>
      %dma_wait3A_263 = arith.constant 0 : i32
      %dma_wait3A_264 = tpu.memref_slice %arg7[%dma_wait3A_257, %dma_wait3A_258, %dma_wait3A_263] : memref<2x8x128xi32, #tpu.memory_space<vmem>> -> memref<1x1x128xi32, #tpu.memory_space<vmem>>
      %dma_wait3A_265 = tpu.memref_squeeze %dma_wait3A_264 : memref<1x1x128xi32, #tpu.memory_space<vmem>> -> memref<128xi32, #tpu.memory_space<vmem>>
      %dma_wait3A_266 = arith.constant 0 : i32
      %dma_wait3A_267 = arith.constant 0 : i32
      %dma_wait3A_268 = tpu.memref_slice %arg9[%dma_wait3A_266, %dma_wait3A_267] : memref<10064x128xf32, #tpu.memory_space<vmem_shared>> -> memref<10064x128xf32, #tpu.memory_space<vmem_shared>>
      tpu.wait_indirect_dma semaphore(%arg12 : memref<!tpu.dma_semaphore, #tpu.memory_space<semaphore_mem>>) src(%dma_wait3A_262 : memref<128x128xf32, #tpu.memory_space<vmem>>) dst(%dma_wait3A_268 : memref<10064x128xf32, #tpu.memory_space<vmem_shared>>)
      %dma_start3A_269 = arith.constant 3 : i32
      %dma_start3A_270 = arith.constant 1 : i32
      %dma_start3A_271 = arith.constant 0 : i32
      %dma_start3A_272 = arith.constant 0 : i32
      %dma_start3A_273 = tpu.memref_slice %arg8[%dma_start3A_270, %dma_start3A_271, %dma_start3A_272] : memref<2x128x128xf32, #tpu.memory_space<vmem>> -> memref<1x128x128xf32, #tpu.memory_space<vmem>>
      %dma_start3A_274 = tpu.memref_squeeze %dma_start3A_273 : memref<1x128x128xf32, #tpu.memory_space<vmem>> -> memref<128x128xf32, #tpu.memory_space<vmem>>
      %dma_start3A_275 = arith.constant 0 : i32
      %dma_start3A_276 = tpu.memref_slice %arg6[%select_n3A_139, %dma_start3A_269, %dma_start3A_275] : memref<2x8x128xi32, #tpu.memory_space<vmem>> -> memref<1x1x128xi32, #tpu.memory_space<vmem>>
      %dma_start3A_277 = tpu.memref_squeeze %dma_start3A_276 : memref<1x1x128xi32, #tpu.memory_space<vmem>> -> memref<128xi32, #tpu.memory_space<vmem>>
      %dma_start3A_278 = arith.constant 0 : i32
      %dma_start3A_279 = arith.constant 0 : i32
      %dma_start3A_280 = tpu.memref_slice %arg2[%dma_start3A_278, %dma_start3A_279] : memref<10000x128xf32, #tpu.memory_space<hbm>> -> memref<10000x128xf32, #tpu.memory_space<hbm>>
      tpu.enqueue_indirect_dma source(%dma_start3A_280 : memref<10000x128xf32, #tpu.memory_space<hbm>>) target(%dma_start3A_274 : memref<128x128xf32, #tpu.memory_space<vmem>>) offsets(%dma_start3A_277 : memref<128xi32, #tpu.memory_space<vmem>>) semaphore(%arg10 : memref<!tpu.dma_semaphore, #tpu.memory_space<semaphore_mem>>)
      %dma_wait3A_281 = arith.constant 0 : i32
      %dma_wait3A_282 = arith.constant 0 : i32
      %dma_wait3A_283 = arith.constant 1 : i32
      %dma_wait3A_284 = arith.constant 0 : i32
      %dma_wait3A_285 = arith.constant 0 : i32
      %dma_wait3A_286 = tpu.memref_slice %arg8[%dma_wait3A_283, %dma_wait3A_284, %dma_wait3A_285] : memref<2x128x128xf32, #tpu.memory_space<vmem>> -> memref<1x128x128xf32, #tpu.memory_space<vmem>>
      %dma_wait3A_287 = tpu.memref_squeeze %dma_wait3A_286 : memref<1x128x128xf32, #tpu.memory_space<vmem>> -> memref<128x128xf32, #tpu.memory_space<vmem>>
      %dma_wait3A_288 = arith.constant 0 : i32
      %dma_wait3A_289 = tpu.memref_slice %arg6[%dma_wait3A_281, %dma_wait3A_282, %dma_wait3A_288] : memref<2x8x128xi32, #tpu.memory_space<vmem>> -> memref<1x1x128xi32, #tpu.memory_space<vmem>>
      %dma_wait3A_290 = tpu.memref_squeeze %dma_wait3A_289 : memref<1x1x128xi32, #tpu.memory_space<vmem>> -> memref<128xi32, #tpu.memory_space<vmem>>
      %dma_wait3A_291 = arith.constant 0 : i32
      %dma_wait3A_292 = arith.constant 0 : i32
      %dma_wait3A_293 = tpu.memref_slice %arg2[%dma_wait3A_291, %dma_wait3A_292] : memref<10000x128xf32, #tpu.memory_space<hbm>> -> memref<10000x128xf32, #tpu.memory_space<hbm>>
      tpu.wait_indirect_dma semaphore(%arg10 : memref<!tpu.dma_semaphore, #tpu.memory_space<semaphore_mem>>) src(%dma_wait3A_293 : memref<10000x128xf32, #tpu.memory_space<hbm>>) dst(%dma_wait3A_287 : memref<128x128xf32, #tpu.memory_space<vmem>>)
      %dma_start3A_294 = arith.constant 1 : i32
      %dma_start3A_295 = arith.constant 3 : i32
      %dma_start3A_296 = arith.constant 0 : i32
      %dma_start3A_297 = arith.constant 0 : i32
      %dma_start3A_298 = tpu.memref_slice %arg8[%dma_start3A_294, %dma_start3A_296, %dma_start3A_297] : memref<2x128x128xf32, #tpu.memory_space<vmem>> -> memref<1x128x128xf32, #tpu.memory_space<vmem>>
      %dma_start3A_299 = tpu.memref_squeeze %dma_start3A_298 : memref<1x128x128xf32, #tpu.memory_space<vmem>> -> memref<128x128xf32, #tpu.memory_space<vmem>>
      %dma_start3A_300 = arith.constant 0 : i32
      %dma_start3A_301 = tpu.memref_slice %arg7[%select_n3A_139, %dma_start3A_295, %dma_start3A_300] : memref<2x8x128xi32, #tpu.memory_space<vmem>> -> memref<1x1x128xi32, #tpu.memory_space<vmem>>
      %dma_start3A_302 = tpu.memref_squeeze %dma_start3A_301 : memref<1x1x128xi32, #tpu.memory_space<vmem>> -> memref<128xi32, #tpu.memory_space<vmem>>
      %dma_start3A_303 = arith.constant 0 : i32
      %dma_start3A_304 = arith.constant 0 : i32
      %dma_start3A_305 = tpu.memref_slice %arg9[%dma_start3A_303, %dma_start3A_304] : memref<10064x128xf32, #tpu.memory_space<vmem_shared>> -> memref<10064x128xf32, #tpu.memory_space<vmem_shared>>
      tpu.enqueue_indirect_dma source(%dma_start3A_299 : memref<128x128xf32, #tpu.memory_space<vmem>>) target(%dma_start3A_305 : memref<10064x128xf32, #tpu.memory_space<vmem_shared>>) offsets(%dma_start3A_302 : memref<128xi32, #tpu.memory_space<vmem>>) semaphore(%arg12 : memref<!tpu.dma_semaphore, #tpu.memory_space<semaphore_mem>>) {add = true}
      %dma_wait3A_306 = arith.constant 0 : i32
      %dma_wait3A_307 = arith.constant 0 : i32
      %dma_wait3A_308 = arith.constant 0 : i32
      %dma_wait3A_309 = arith.constant 0 : i32
      %dma_wait3A_310 = arith.constant 0 : i32
      %dma_wait3A_311 = tpu.memref_slice %arg8[%dma_wait3A_306, %dma_wait3A_309, %dma_wait3A_310] : memref<2x128x128xf32, #tpu.memory_space<vmem>> -> memref<1x128x128xf32, #tpu.memory_space<vmem>>
      %dma_wait3A_312 = tpu.memref_squeeze %dma_wait3A_311 : memref<1x128x128xf32, #tpu.memory_space<vmem>> -> memref<128x128xf32, #tpu.memory_space<vmem>>
      %dma_wait3A_313 = arith.constant 0 : i32
      %dma_wait3A_314 = tpu.memref_slice %arg7[%dma_wait3A_307, %dma_wait3A_308, %dma_wait3A_313] : memref<2x8x128xi32, #tpu.memory_space<vmem>> -> memref<1x1x128xi32, #tpu.memory_space<vmem>>
      %dma_wait3A_315 = tpu.memref_squeeze %dma_wait3A_314 : memref<1x1x128xi32, #tpu.memory_space<vmem>> -> memref<128xi32, #tpu.memory_space<vmem>>
      %dma_wait3A_316 = arith.constant 0 : i32
      %dma_wait3A_317 = arith.constant 0 : i32
      %dma_wait3A_318 = tpu.memref_slice %arg9[%dma_wait3A_316, %dma_wait3A_317] : memref<10064x128xf32, #tpu.memory_space<vmem_shared>> -> memref<10064x128xf32, #tpu.memory_space<vmem_shared>>
      tpu.wait_indirect_dma semaphore(%arg11 : memref<!tpu.dma_semaphore, #tpu.memory_space<semaphore_mem>>) src(%dma_wait3A_312 : memref<128x128xf32, #tpu.memory_space<vmem>>) dst(%dma_wait3A_318 : memref<10064x128xf32, #tpu.memory_space<vmem_shared>>)
      %dma_start3A_319 = arith.constant 4 : i32
      %dma_start3A_320 = arith.constant 0 : i32
      %dma_start3A_321 = arith.constant 0 : i32
      %dma_start3A_322 = arith.constant 0 : i32
      %dma_start3A_323 = tpu.memref_slice %arg8[%dma_start3A_320, %dma_start3A_321, %dma_start3A_322] : memref<2x128x128xf32, #tpu.memory_space<vmem>> -> memref<1x128x128xf32, #tpu.memory_space<vmem>>
      %dma_start3A_324 = tpu.memref_squeeze %dma_start3A_323 : memref<1x128x128xf32, #tpu.memory_space<vmem>> -> memref<128x128xf32, #tpu.memory_space<vmem>>
      %dma_start3A_325 = arith.constant 0 : i32
      %dma_start3A_326 = tpu.memref_slice %arg6[%select_n3A_139, %dma_start3A_319, %dma_start3A_325] : memref<2x8x128xi32, #tpu.memory_space<vmem>> -> memref<1x1x128xi32, #tpu.memory_space<vmem>>
      %dma_start3A_327 = tpu.memref_squeeze %dma_start3A_326 : memref<1x1x128xi32, #tpu.memory_space<vmem>> -> memref<128xi32, #tpu.memory_space<vmem>>
      %dma_start3A_328 = arith.constant 0 : i32
      %dma_start3A_329 = arith.constant 0 : i32
      %dma_start3A_330 = tpu.memref_slice %arg2[%dma_start3A_328, %dma_start3A_329] : memref<10000x128xf32, #tpu.memory_space<hbm>> -> memref<10000x128xf32, #tpu.memory_space<hbm>>
      tpu.enqueue_indirect_dma source(%dma_start3A_330 : memref<10000x128xf32, #tpu.memory_space<hbm>>) target(%dma_start3A_324 : memref<128x128xf32, #tpu.memory_space<vmem>>) offsets(%dma_start3A_327 : memref<128xi32, #tpu.memory_space<vmem>>) semaphore(%arg10 : memref<!tpu.dma_semaphore, #tpu.memory_space<semaphore_mem>>)
      %dma_wait3A_331 = arith.constant 0 : i32
      %dma_wait3A_332 = arith.constant 0 : i32
      %dma_wait3A_333 = arith.constant 0 : i32
      %dma_wait3A_334 = arith.constant 0 : i32
      %dma_wait3A_335 = arith.constant 0 : i32
      %dma_wait3A_336 = tpu.memref_slice %arg8[%dma_wait3A_333, %dma_wait3A_334, %dma_wait3A_335] : memref<2x128x128xf32, #tpu.memory_space<vmem>> -> memref<1x128x128xf32, #tpu.memory_space<vmem>>
      %dma_wait3A_337 = tpu.memref_squeeze %dma_wait3A_336 : memref<1x128x128xf32, #tpu.memory_space<vmem>> -> memref<128x128xf32, #tpu.memory_space<vmem>>
      %dma_wait3A_338 = arith.constant 0 : i32
      %dma_wait3A_339 = tpu.memref_slice %arg6[%dma_wait3A_331, %dma_wait3A_332, %dma_wait3A_338] : memref<2x8x128xi32, #tpu.memory_space<vmem>> -> memref<1x1x128xi32, #tpu.memory_space<vmem>>
      %dma_wait3A_340 = tpu.memref_squeeze %dma_wait3A_339 : memref<1x1x128xi32, #tpu.memory_space<vmem>> -> memref<128xi32, #tpu.memory_space<vmem>>
      %dma_wait3A_341 = arith.constant 0 : i32
      %dma_wait3A_342 = arith.constant 0 : i32
      %dma_wait3A_343 = tpu.memref_slice %arg2[%dma_wait3A_341, %dma_wait3A_342] : memref<10000x128xf32, #tpu.memory_space<hbm>> -> memref<10000x128xf32, #tpu.memory_space<hbm>>
      tpu.wait_indirect_dma semaphore(%arg10 : memref<!tpu.dma_semaphore, #tpu.memory_space<semaphore_mem>>) src(%dma_wait3A_343 : memref<10000x128xf32, #tpu.memory_space<hbm>>) dst(%dma_wait3A_337 : memref<128x128xf32, #tpu.memory_space<vmem>>)
      %dma_start3A_344 = arith.constant 0 : i32
      %dma_start3A_345 = arith.constant 4 : i32
      %dma_start3A_346 = arith.constant 0 : i32
      %dma_start3A_347 = arith.constant 0 : i32
      %dma_start3A_348 = tpu.memref_slice %arg8[%dma_start3A_344, %dma_start3A_346, %dma_start3A_347] : memref<2x128x128xf32, #tpu.memory_space<vmem>> -> memref<1x128x128xf32, #tpu.memory_space<vmem>>
      %dma_start3A_349 = tpu.memref_squeeze %dma_start3A_348 : memref<1x128x128xf32, #tpu.memory_space<vmem>> -> memref<128x128xf32, #tpu.memory_space<vmem>>
      %dma_start3A_350 = arith.constant 0 : i32
      %dma_start3A_351 = tpu.memref_slice %arg7[%select_n3A_139, %dma_start3A_345, %dma_start3A_350] : memref<2x8x128xi32, #tpu.memory_space<vmem>> -> memref<1x1x128xi32, #tpu.memory_space<vmem>>
      %dma_start3A_352 = tpu.memref_squeeze %dma_start3A_351 : memref<1x1x128xi32, #tpu.memory_space<vmem>> -> memref<128xi32, #tpu.memory_space<vmem>>
      %dma_start3A_353 = arith.constant 0 : i32
      %dma_start3A_354 = arith.constant 0 : i32
      %dma_start3A_355 = tpu.memref_slice %arg9[%dma_start3A_353, %dma_start3A_354] : memref<10064x128xf32, #tpu.memory_space<vmem_shared>> -> memref<10064x128xf32, #tpu.memory_space<vmem_shared>>
      tpu.enqueue_indirect_dma source(%dma_start3A_349 : memref<128x128xf32, #tpu.memory_space<vmem>>) target(%dma_start3A_355 : memref<10064x128xf32, #tpu.memory_space<vmem_shared>>) offsets(%dma_start3A_352 : memref<128xi32, #tpu.memory_space<vmem>>) semaphore(%arg11 : memref<!tpu.dma_semaphore, #tpu.memory_space<semaphore_mem>>) {add = true}
      %dma_wait3A_356 = arith.constant 1 : i32
      %dma_wait3A_357 = arith.constant 0 : i32
      %dma_wait3A_358 = arith.constant 0 : i32
      %dma_wait3A_359 = arith.constant 0 : i32
      %dma_wait3A_360 = arith.constant 0 : i32
      %dma_wait3A_361 = tpu.memref_slice %arg8[%dma_wait3A_356, %dma_wait3A_359, %dma_wait3A_360] : memref<2x128x128xf32, #tpu.memory_space<vmem>> -> memref<1x128x128xf32, #tpu.memory_space<vmem>>
      %dma_wait3A_362 = tpu.memref_squeeze %dma_wait3A_361 : memref<1x128x128xf32, #tpu.memory_space<vmem>> -> memref<128x128xf32, #tpu.memory_space<vmem>>
      %dma_wait3A_363 = arith.constant 0 : i32
      %dma_wait3A_364 = tpu.memref_slice %arg7[%dma_wait3A_357, %dma_wait3A_358, %dma_wait3A_363] : memref<2x8x128xi32, #tpu.memory_space<vmem>> -> memref<1x1x128xi32, #tpu.memory_space<vmem>>
      %dma_wait3A_365 = tpu.memref_squeeze %dma_wait3A_364 : memref<1x1x128xi32, #tpu.memory_space<vmem>> -> memref<128xi32, #tpu.memory_space<vmem>>
      %dma_wait3A_366 = arith.constant 0 : i32
      %dma_wait3A_367 = arith.constant 0 : i32
      %dma_wait3A_368 = tpu.memref_slice %arg9[%dma_wait3A_366, %dma_wait3A_367] : memref<10064x128xf32, #tpu.memory_space<vmem_shared>> -> memref<10064x128xf32, #tpu.memory_space<vmem_shared>>
      tpu.wait_indirect_dma semaphore(%arg12 : memref<!tpu.dma_semaphore, #tpu.memory_space<semaphore_mem>>) src(%dma_wait3A_362 : memref<128x128xf32, #tpu.memory_space<vmem>>) dst(%dma_wait3A_368 : memref<10064x128xf32, #tpu.memory_space<vmem_shared>>)
      %dma_start3A_369 = arith.constant 5 : i32
      %dma_start3A_370 = arith.constant 1 : i32
      %dma_start3A_371 = arith.constant 0 : i32
      %dma_start3A_372 = arith.constant 0 : i32
      %dma_start3A_373 = tpu.memref_slice %arg8[%dma_start3A_370, %dma_start3A_371, %dma_start3A_372] : memref<2x128x128xf32, #tpu.memory_space<vmem>> -> memref<1x128x128xf32, #tpu.memory_space<vmem>>
      %dma_start3A_374 = tpu.memref_squeeze %dma_start3A_373 : memref<1x128x128xf32, #tpu.memory_space<vmem>> -> memref<128x128xf32, #tpu.memory_space<vmem>>
      %dma_start3A_375 = arith.constant 0 : i32
      %dma_start3A_376 = tpu.memref_slice %arg6[%select_n3A_139, %dma_start3A_369, %dma_start3A_375] : memref<2x8x128xi32, #tpu.memory_space<vmem>> -> memref<1x1x128xi32, #tpu.memory_space<vmem>>
      %dma_start3A_377 = tpu.memref_squeeze %dma_start3A_376 : memref<1x1x128xi32, #tpu.memory_space<vmem>> -> memref<128xi32, #tpu.memory_space<vmem>>
      %dma_start3A_378 = arith.constant 0 : i32
      %dma_start3A_379 = arith.constant 0 : i32
      %dma_start3A_380 = tpu.memref_slice %arg2[%dma_start3A_378, %dma_start3A_379] : memref<10000x128xf32, #tpu.memory_space<hbm>> -> memref<10000x128xf32, #tpu.memory_space<hbm>>
      tpu.enqueue_indirect_dma source(%dma_start3A_380 : memref<10000x128xf32, #tpu.memory_space<hbm>>) target(%dma_start3A_374 : memref<128x128xf32, #tpu.memory_space<vmem>>) offsets(%dma_start3A_377 : memref<128xi32, #tpu.memory_space<vmem>>) semaphore(%arg10 : memref<!tpu.dma_semaphore, #tpu.memory_space<semaphore_mem>>)
      %dma_wait3A_381 = arith.constant 0 : i32
      %dma_wait3A_382 = arith.constant 0 : i32
      %dma_wait3A_383 = arith.constant 1 : i32
      %dma_wait3A_384 = arith.constant 0 : i32
      %dma_wait3A_385 = arith.constant 0 : i32
      %dma_wait3A_386 = tpu.memref_slice %arg8[%dma_wait3A_383, %dma_wait3A_384, %dma_wait3A_385] : memref<2x128x128xf32, #tpu.memory_space<vmem>> -> memref<1x128x128xf32, #tpu.memory_space<vmem>>
      %dma_wait3A_387 = tpu.memref_squeeze %dma_wait3A_386 : memref<1x128x128xf32, #tpu.memory_space<vmem>> -> memref<128x128xf32, #tpu.memory_space<vmem>>
      %dma_wait3A_388 = arith.constant 0 : i32
      %dma_wait3A_389 = tpu.memref_slice %arg6[%dma_wait3A_381, %dma_wait3A_382, %dma_wait3A_388] : memref<2x8x128xi32, #tpu.memory_space<vmem>> -> memref<1x1x128xi32, #tpu.memory_space<vmem>>
      %dma_wait3A_390 = tpu.memref_squeeze %dma_wait3A_389 : memref<1x1x128xi32, #tpu.memory_space<vmem>> -> memref<128xi32, #tpu.memory_space<vmem>>
      %dma_wait3A_391 = arith.constant 0 : i32
      %dma_wait3A_392 = arith.constant 0 : i32
      %dma_wait3A_393 = tpu.memref_slice %arg2[%dma_wait3A_391, %dma_wait3A_392] : memref<10000x128xf32, #tpu.memory_space<hbm>> -> memref<10000x128xf32, #tpu.memory_space<hbm>>
      tpu.wait_indirect_dma semaphore(%arg10 : memref<!tpu.dma_semaphore, #tpu.memory_space<semaphore_mem>>) src(%dma_wait3A_393 : memref<10000x128xf32, #tpu.memory_space<hbm>>) dst(%dma_wait3A_387 : memref<128x128xf32, #tpu.memory_space<vmem>>)
      %dma_start3A_394 = arith.constant 1 : i32
      %dma_start3A_395 = arith.constant 5 : i32
      %dma_start3A_396 = arith.constant 0 : i32
      %dma_start3A_397 = arith.constant 0 : i32
      %dma_start3A_398 = tpu.memref_slice %arg8[%dma_start3A_394, %dma_start3A_396, %dma_start3A_397] : memref<2x128x128xf32, #tpu.memory_space<vmem>> -> memref<1x128x128xf32, #tpu.memory_space<vmem>>
      %dma_start3A_399 = tpu.memref_squeeze %dma_start3A_398 : memref<1x128x128xf32, #tpu.memory_space<vmem>> -> memref<128x128xf32, #tpu.memory_space<vmem>>
      %dma_start3A_400 = arith.constant 0 : i32
      %dma_start3A_401 = tpu.memref_slice %arg7[%select_n3A_139, %dma_start3A_395, %dma_start3A_400] : memref<2x8x128xi32, #tpu.memory_space<vmem>> -> memref<1x1x128xi32, #tpu.memory_space<vmem>>
      %dma_start3A_402 = tpu.memref_squeeze %dma_start3A_401 : memref<1x1x128xi32, #tpu.memory_space<vmem>> -> memref<128xi32, #tpu.memory_space<vmem>>
      %dma_start3A_403 = arith.constant 0 : i32
      %dma_start3A_404 = arith.constant 0 : i32
      %dma_start3A_405 = tpu.memref_slice %arg9[%dma_start3A_403, %dma_start3A_404] : memref<10064x128xf32, #tpu.memory_space<vmem_shared>> -> memref<10064x128xf32, #tpu.memory_space<vmem_shared>>
      tpu.enqueue_indirect_dma source(%dma_start3A_399 : memref<128x128xf32, #tpu.memory_space<vmem>>) target(%dma_start3A_405 : memref<10064x128xf32, #tpu.memory_space<vmem_shared>>) offsets(%dma_start3A_402 : memref<128xi32, #tpu.memory_space<vmem>>) semaphore(%arg12 : memref<!tpu.dma_semaphore, #tpu.memory_space<semaphore_mem>>) {add = true}
      %dma_wait3A_406 = arith.constant 0 : i32
      %dma_wait3A_407 = arith.constant 0 : i32
      %dma_wait3A_408 = arith.constant 0 : i32
      %dma_wait3A_409 = arith.constant 0 : i32
      %dma_wait3A_410 = arith.constant 0 : i32
      %dma_wait3A_411 = tpu.memref_slice %arg8[%dma_wait3A_406, %dma_wait3A_409, %dma_wait3A_410] : memref<2x128x128xf32, #tpu.memory_space<vmem>> -> memref<1x128x128xf32, #tpu.memory_space<vmem>>
      %dma_wait3A_412 = tpu.memref_squeeze %dma_wait3A_411 : memref<1x128x128xf32, #tpu.memory_space<vmem>> -> memref<128x128xf32, #tpu.memory_space<vmem>>
      %dma_wait3A_413 = arith.constant 0 : i32
      %dma_wait3A_414 = tpu.memref_slice %arg7[%dma_wait3A_407, %dma_wait3A_408, %dma_wait3A_413] : memref<2x8x128xi32, #tpu.memory_space<vmem>> -> memref<1x1x128xi32, #tpu.memory_space<vmem>>
      %dma_wait3A_415 = tpu.memref_squeeze %dma_wait3A_414 : memref<1x1x128xi32, #tpu.memory_space<vmem>> -> memref<128xi32, #tpu.memory_space<vmem>>
      %dma_wait3A_416 = arith.constant 0 : i32
      %dma_wait3A_417 = arith.constant 0 : i32
      %dma_wait3A_418 = tpu.memref_slice %arg9[%dma_wait3A_416, %dma_wait3A_417] : memref<10064x128xf32, #tpu.memory_space<vmem_shared>> -> memref<10064x128xf32, #tpu.memory_space<vmem_shared>>
      tpu.wait_indirect_dma semaphore(%arg11 : memref<!tpu.dma_semaphore, #tpu.memory_space<semaphore_mem>>) src(%dma_wait3A_412 : memref<128x128xf32, #tpu.memory_space<vmem>>) dst(%dma_wait3A_418 : memref<10064x128xf32, #tpu.memory_space<vmem_shared>>)
      %dma_start3A_419 = arith.constant 6 : i32
      %dma_start3A_420 = arith.constant 0 : i32
      %dma_start3A_421 = arith.constant 0 : i32
      %dma_start3A_422 = arith.constant 0 : i32
      %dma_start3A_423 = tpu.memref_slice %arg8[%dma_start3A_420, %dma_start3A_421, %dma_start3A_422] : memref<2x128x128xf32, #tpu.memory_space<vmem>> -> memref<1x128x128xf32, #tpu.memory_space<vmem>>
      %dma_start3A_424 = tpu.memref_squeeze %dma_start3A_423 : memref<1x128x128xf32, #tpu.memory_space<vmem>> -> memref<128x128xf32, #tpu.memory_space<vmem>>
      %dma_start3A_425 = arith.constant 0 : i32
      %dma_start3A_426 = tpu.memref_slice %arg6[%select_n3A_139, %dma_start3A_419, %dma_start3A_425] : memref<2x8x128xi32, #tpu.memory_space<vmem>> -> memref<1x1x128xi32, #tpu.memory_space<vmem>>
      %dma_start3A_427 = tpu.memref_squeeze %dma_start3A_426 : memref<1x1x128xi32, #tpu.memory_space<vmem>> -> memref<128xi32, #tpu.memory_space<vmem>>
      %dma_start3A_428 = arith.constant 0 : i32
      %dma_start3A_429 = arith.constant 0 : i32
      %dma_start3A_430 = tpu.memref_slice %arg2[%dma_start3A_428, %dma_start3A_429] : memref<10000x128xf32, #tpu.memory_space<hbm>> -> memref<10000x128xf32, #tpu.memory_space<hbm>>
      tpu.enqueue_indirect_dma source(%dma_start3A_430 : memref<10000x128xf32, #tpu.memory_space<hbm>>) target(%dma_start3A_424 : memref<128x128xf32, #tpu.memory_space<vmem>>) offsets(%dma_start3A_427 : memref<128xi32, #tpu.memory_space<vmem>>) semaphore(%arg10 : memref<!tpu.dma_semaphore, #tpu.memory_space<semaphore_mem>>)
      %dma_wait3A_431 = arith.constant 0 : i32
      %dma_wait3A_432 = arith.constant 0 : i32
      %dma_wait3A_433 = arith.constant 0 : i32
      %dma_wait3A_434 = arith.constant 0 : i32
      %dma_wait3A_435 = arith.constant 0 : i32
      %dma_wait3A_436 = tpu.memref_slice %arg8[%dma_wait3A_433, %dma_wait3A_434, %dma_wait3A_435] : memref<2x128x128xf32, #tpu.memory_space<vmem>> -> memref<1x128x128xf32, #tpu.memory_space<vmem>>
      %dma_wait3A_437 = tpu.memref_squeeze %dma_wait3A_436 : memref<1x128x128xf32, #tpu.memory_space<vmem>> -> memref<128x128xf32, #tpu.memory_space<vmem>>
      %dma_wait3A_438 = arith.constant 0 : i32
      %dma_wait3A_439 = tpu.memref_slice %arg6[%dma_wait3A_431, %dma_wait3A_432, %dma_wait3A_438] : memref<2x8x128xi32, #tpu.memory_space<vmem>> -> memref<1x1x128xi32, #tpu.memory_space<vmem>>
      %dma_wait3A_440 = tpu.memref_squeeze %dma_wait3A_439 : memref<1x1x128xi32, #tpu.memory_space<vmem>> -> memref<128xi32, #tpu.memory_space<vmem>>
      %dma_wait3A_441 = arith.constant 0 : i32
      %dma_wait3A_442 = arith.constant 0 : i32
      %dma_wait3A_443 = tpu.memref_slice %arg2[%dma_wait3A_441, %dma_wait3A_442] : memref<10000x128xf32, #tpu.memory_space<hbm>> -> memref<10000x128xf32, #tpu.memory_space<hbm>>
      tpu.wait_indirect_dma semaphore(%arg10 : memref<!tpu.dma_semaphore, #tpu.memory_space<semaphore_mem>>) src(%dma_wait3A_443 : memref<10000x128xf32, #tpu.memory_space<hbm>>) dst(%dma_wait3A_437 : memref<128x128xf32, #tpu.memory_space<vmem>>)
      %dma_start3A_444 = arith.constant 0 : i32
      %dma_start3A_445 = arith.constant 6 : i32
      %dma_start3A_446 = arith.constant 0 : i32
      %dma_start3A_447 = arith.constant 0 : i32
      %dma_start3A_448 = tpu.memref_slice %arg8[%dma_start3A_444, %dma_start3A_446, %dma_start3A_447] : memref<2x128x128xf32, #tpu.memory_space<vmem>> -> memref<1x128x128xf32, #tpu.memory_space<vmem>>
      %dma_start3A_449 = tpu.memref_squeeze %dma_start3A_448 : memref<1x128x128xf32, #tpu.memory_space<vmem>> -> memref<128x128xf32, #tpu.memory_space<vmem>>
      %dma_start3A_450 = arith.constant 0 : i32
      %dma_start3A_451 = tpu.memref_slice %arg7[%select_n3A_139, %dma_start3A_445, %dma_start3A_450] : memref<2x8x128xi32, #tpu.memory_space<vmem>> -> memref<1x1x128xi32, #tpu.memory_space<vmem>>
      %dma_start3A_452 = tpu.memref_squeeze %dma_start3A_451 : memref<1x1x128xi32, #tpu.memory_space<vmem>> -> memref<128xi32, #tpu.memory_space<vmem>>
      %dma_start3A_453 = arith.constant 0 : i32
      %dma_start3A_454 = arith.constant 0 : i32
      %dma_start3A_455 = tpu.memref_slice %arg9[%dma_start3A_453, %dma_start3A_454] : memref<10064x128xf32, #tpu.memory_space<vmem_shared>> -> memref<10064x128xf32, #tpu.memory_space<vmem_shared>>
      tpu.enqueue_indirect_dma source(%dma_start3A_449 : memref<128x128xf32, #tpu.memory_space<vmem>>) target(%dma_start3A_455 : memref<10064x128xf32, #tpu.memory_space<vmem_shared>>) offsets(%dma_start3A_452 : memref<128xi32, #tpu.memory_space<vmem>>) semaphore(%arg11 : memref<!tpu.dma_semaphore, #tpu.memory_space<semaphore_mem>>) {add = true}
      %dma_wait3A_456 = arith.constant 1 : i32
      %dma_wait3A_457 = arith.constant 0 : i32
      %dma_wait3A_458 = arith.constant 0 : i32
      %dma_wait3A_459 = arith.constant 0 : i32
      %dma_wait3A_460 = arith.constant 0 : i32
      %dma_wait3A_461 = tpu.memref_slice %arg8[%dma_wait3A_456, %dma_wait3A_459, %dma_wait3A_460] : memref<2x128x128xf32, #tpu.memory_space<vmem>> -> memref<1x128x128xf32, #tpu.memory_space<vmem>>
      %dma_wait3A_462 = tpu.memref_squeeze %dma_wait3A_461 : memref<1x128x128xf32, #tpu.memory_space<vmem>> -> memref<128x128xf32, #tpu.memory_space<vmem>>
      %dma_wait3A_463 = arith.constant 0 : i32
      %dma_wait3A_464 = tpu.memref_slice %arg7[%dma_wait3A_457, %dma_wait3A_458, %dma_wait3A_463] : memref<2x8x128xi32, #tpu.memory_space<vmem>> -> memref<1x1x128xi32, #tpu.memory_space<vmem>>
      %dma_wait3A_465 = tpu.memref_squeeze %dma_wait3A_464 : memref<1x1x128xi32, #tpu.memory_space<vmem>> -> memref<128xi32, #tpu.memory_space<vmem>>
      %dma_wait3A_466 = arith.constant 0 : i32
      %dma_wait3A_467 = arith.constant 0 : i32
      %dma_wait3A_468 = tpu.memref_slice %arg9[%dma_wait3A_466, %dma_wait3A_467] : memref<10064x128xf32, #tpu.memory_space<vmem_shared>> -> memref<10064x128xf32, #tpu.memory_space<vmem_shared>>
      tpu.wait_indirect_dma semaphore(%arg12 : memref<!tpu.dma_semaphore, #tpu.memory_space<semaphore_mem>>) src(%dma_wait3A_462 : memref<128x128xf32, #tpu.memory_space<vmem>>) dst(%dma_wait3A_468 : memref<10064x128xf32, #tpu.memory_space<vmem_shared>>)
      %dma_start3A_469 = arith.constant 7 : i32
      %dma_start3A_470 = arith.constant 1 : i32
      %dma_start3A_471 = arith.constant 0 : i32
      %dma_start3A_472 = arith.constant 0 : i32
      %dma_start3A_473 = tpu.memref_slice %arg8[%dma_start3A_470, %dma_start3A_471, %dma_start3A_472] : memref<2x128x128xf32, #tpu.memory_space<vmem>> -> memref<1x128x128xf32, #tpu.memory_space<vmem>>
      %dma_start3A_474 = tpu.memref_squeeze %dma_start3A_473 : memref<1x128x128xf32, #tpu.memory_space<vmem>> -> memref<128x128xf32, #tpu.memory_space<vmem>>
      %dma_start3A_475 = arith.constant 0 : i32
      %dma_start3A_476 = tpu.memref_slice %arg6[%select_n3A_139, %dma_start3A_469, %dma_start3A_475] : memref<2x8x128xi32, #tpu.memory_space<vmem>> -> memref<1x1x128xi32, #tpu.memory_space<vmem>>
      %dma_start3A_477 = tpu.memref_squeeze %dma_start3A_476 : memref<1x1x128xi32, #tpu.memory_space<vmem>> -> memref<128xi32, #tpu.memory_space<vmem>>
      %dma_start3A_478 = arith.constant 0 : i32
      %dma_start3A_479 = arith.constant 0 : i32
      %dma_start3A_480 = tpu.memref_slice %arg2[%dma_start3A_478, %dma_start3A_479] : memref<10000x128xf32, #tpu.memory_space<hbm>> -> memref<10000x128xf32, #tpu.memory_space<hbm>>
      tpu.enqueue_indirect_dma source(%dma_start3A_480 : memref<10000x128xf32, #tpu.memory_space<hbm>>) target(%dma_start3A_474 : memref<128x128xf32, #tpu.memory_space<vmem>>) offsets(%dma_start3A_477 : memref<128xi32, #tpu.memory_space<vmem>>) semaphore(%arg10 : memref<!tpu.dma_semaphore, #tpu.memory_space<semaphore_mem>>)
      %dma_wait3A_481 = arith.constant 0 : i32
      %dma_wait3A_482 = arith.constant 0 : i32
      %dma_wait3A_483 = arith.constant 1 : i32
      %dma_wait3A_484 = arith.constant 0 : i32
      %dma_wait3A_485 = arith.constant 0 : i32
      %dma_wait3A_486 = tpu.memref_slice %arg8[%dma_wait3A_483, %dma_wait3A_484, %dma_wait3A_485] : memref<2x128x128xf32, #tpu.memory_space<vmem>> -> memref<1x128x128xf32, #tpu.memory_space<vmem>>
      %dma_wait3A_487 = tpu.memref_squeeze %dma_wait3A_486 : memref<1x128x128xf32, #tpu.memory_space<vmem>> -> memref<128x128xf32, #tpu.memory_space<vmem>>
      %dma_wait3A_488 = arith.constant 0 : i32
      %dma_wait3A_489 = tpu.memref_slice %arg6[%dma_wait3A_481, %dma_wait3A_482, %dma_wait3A_488] : memref<2x8x128xi32, #tpu.memory_space<vmem>> -> memref<1x1x128xi32, #tpu.memory_space<vmem>>
      %dma_wait3A_490 = tpu.memref_squeeze %dma_wait3A_489 : memref<1x1x128xi32, #tpu.memory_space<vmem>> -> memref<128xi32, #tpu.memory_space<vmem>>
      %dma_wait3A_491 = arith.constant 0 : i32
      %dma_wait3A_492 = arith.constant 0 : i32
      %dma_wait3A_493 = tpu.memref_slice %arg2[%dma_wait3A_491, %dma_wait3A_492] : memref<10000x128xf32, #tpu.memory_space<hbm>> -> memref<10000x128xf32, #tpu.memory_space<hbm>>
      tpu.wait_indirect_dma semaphore(%arg10 : memref<!tpu.dma_semaphore, #tpu.memory_space<semaphore_mem>>) src(%dma_wait3A_493 : memref<10000x128xf32, #tpu.memory_space<hbm>>) dst(%dma_wait3A_487 : memref<128x128xf32, #tpu.memory_space<vmem>>)
      %dma_start3A_494 = arith.constant 1 : i32
      %dma_start3A_495 = arith.constant 7 : i32
      %dma_start3A_496 = arith.constant 0 : i32
      %dma_start3A_497 = arith.constant 0 : i32
      %dma_start3A_498 = tpu.memref_slice %arg8[%dma_start3A_494, %dma_start3A_496, %dma_start3A_497] : memref<2x128x128xf32, #tpu.memory_space<vmem>> -> memref<1x128x128xf32, #tpu.memory_space<vmem>>
      %dma_start3A_499 = tpu.memref_squeeze %dma_start3A_498 : memref<1x128x128xf32, #tpu.memory_space<vmem>> -> memref<128x128xf32, #tpu.memory_space<vmem>>
      %dma_start3A_500 = arith.constant 0 : i32
      %dma_start3A_501 = tpu.memref_slice %arg7[%select_n3A_139, %dma_start3A_495, %dma_start3A_500] : memref<2x8x128xi32, #tpu.memory_space<vmem>> -> memref<1x1x128xi32, #tpu.memory_space<vmem>>
      %dma_start3A_502 = tpu.memref_squeeze %dma_start3A_501 : memref<1x1x128xi32, #tpu.memory_space<vmem>> -> memref<128xi32, #tpu.memory_space<vmem>>
      %dma_start3A_503 = arith.constant 0 : i32
      %dma_start3A_504 = arith.constant 0 : i32
      %dma_start3A_505 = tpu.memref_slice %arg9[%dma_start3A_503, %dma_start3A_504] : memref<10064x128xf32, #tpu.memory_space<vmem_shared>> -> memref<10064x128xf32, #tpu.memory_space<vmem_shared>>
      tpu.enqueue_indirect_dma source(%dma_start3A_499 : memref<128x128xf32, #tpu.memory_space<vmem>>) target(%dma_start3A_505 : memref<10064x128xf32, #tpu.memory_space<vmem_shared>>) offsets(%dma_start3A_502 : memref<128xi32, #tpu.memory_space<vmem>>) semaphore(%arg12 : memref<!tpu.dma_semaphore, #tpu.memory_space<semaphore_mem>>) {add = true}
      %dma_wait3A_506 = arith.constant 0 : i32
      %dma_wait3A_507 = arith.constant 0 : i32
      %dma_wait3A_508 = arith.constant 0 : i32
      %dma_wait3A_509 = arith.constant 0 : i32
      %dma_wait3A_510 = arith.constant 0 : i32
      %dma_wait3A_511 = tpu.memref_slice %arg8[%dma_wait3A_506, %dma_wait3A_509, %dma_wait3A_510] : memref<2x128x128xf32, #tpu.memory_space<vmem>> -> memref<1x128x128xf32, #tpu.memory_space<vmem>>
      %dma_wait3A_512 = tpu.memref_squeeze %dma_wait3A_511 : memref<1x128x128xf32, #tpu.memory_space<vmem>> -> memref<128x128xf32, #tpu.memory_space<vmem>>
      %dma_wait3A_513 = arith.constant 0 : i32
      %dma_wait3A_514 = tpu.memref_slice %arg7[%dma_wait3A_507, %dma_wait3A_508, %dma_wait3A_513] : memref<2x8x128xi32, #tpu.memory_space<vmem>> -> memref<1x1x128xi32, #tpu.memory_space<vmem>>
      %dma_wait3A_515 = tpu.memref_squeeze %dma_wait3A_514 : memref<1x1x128xi32, #tpu.memory_space<vmem>> -> memref<128xi32, #tpu.memory_space<vmem>>
      %dma_wait3A_516 = arith.constant 0 : i32
      %dma_wait3A_517 = arith.constant 0 : i32
      %dma_wait3A_518 = tpu.memref_slice %arg9[%dma_wait3A_516, %dma_wait3A_517] : memref<10064x128xf32, #tpu.memory_space<vmem_shared>> -> memref<10064x128xf32, #tpu.memory_space<vmem_shared>>
      tpu.wait_indirect_dma semaphore(%arg11 : memref<!tpu.dma_semaphore, #tpu.memory_space<semaphore_mem>>) src(%dma_wait3A_512 : memref<128x128xf32, #tpu.memory_space<vmem>>) dst(%dma_wait3A_518 : memref<10064x128xf32, #tpu.memory_space<vmem_shared>>)
      %add3A_519 = arith.constant 1 : i32
      %add3A_520 = arith.addi %scan3A_128, %add3A_519 : i32
      %lt3A_521 = arith.constant 10 : i32
      %lt3A_522 = arith.cmpi slt, %add3A_520, %lt3A_521 : i32
      %convert_element_type3A_523 = arith.extui %lt3A_522 : i1 to i32
      %cond3A_524 = arith.constant 0 : i32
      %cond3A_525 = arith.cmpi ne, %convert_element_type3A_523, %cond3A_524 : i32
      scf.if %cond3A_525 {
        %sub3A = arith.constant 1 : i32
        %sub3A_526 = arith.subi %sub3A, %select_n3A_139 : i32
        %add3A_527 = arith.constant 1 : i32
        %add3A_528 = arith.addi %scan3A_128, %add3A_527 : i32
        %mul3A_529 = arith.constant 8 : i32
        %mul3A_530 = arith.muli %add3A_528, %mul3A_529 : i32
        %add3A_531 = arith.addi %mul3A_4, %mul3A_530 : i32
        %dma_wait3A_532 = arith.constant 0 : i32
        %dma_wait3A_533 = arith.constant 0 : i32
        %dma_wait3A_534 = tpu.memref_slice %arg6[%sub3A_526, %dma_wait3A_532, %dma_wait3A_533] : memref<2x8x128xi32, #tpu.memory_space<vmem>> -> memref<1x8x128xi32, #tpu.memory_space<vmem>>
        %dma_wait3A_535 = tpu.memref_squeeze %dma_wait3A_534 : memref<1x8x128xi32, #tpu.memory_space<vmem>> -> memref<8x128xi32, #tpu.memory_space<vmem>>
        %dma_wait3A_536 = arith.constant 0 : i32
        %dma_wait3A_537 = tpu.memref_slice %arg3[%add3A_531, %dma_wait3A_536] : memref<2560x128xi32, #tpu.memory_space<hbm>> -> memref<8x128xi32, #tpu.memory_space<hbm>>
        %dma_wait3A_538 = arith.constant 0 : i32
        %dma_wait3A_539 = arith.constant 0 : i32
        %dma_wait3A_540 = tpu.memref_slice %arg6[%sub3A_526, %dma_wait3A_538, %dma_wait3A_539] : memref<2x8x128xi32, #tpu.memory_space<vmem>> -> memref<1x8x128xi32, #tpu.memory_space<vmem>>
        %dma_wait3A_541 = tpu.memref_squeeze %dma_wait3A_540 : memref<1x8x128xi32, #tpu.memory_space<vmem>> -> memref<8x128xi32, #tpu.memory_space<vmem>>
        %dma_wait3A_542 = arith.constant 0 : i32
        %dma_wait3A_543 = tpu.memref_slice %arg3[%add3A_531, %dma_wait3A_542] : memref<2560x128xi32, #tpu.memory_space<hbm>> -> memref<8x128xi32, #tpu.memory_space<hbm>>
        tpu.wait_dma2 semaphore(%arg13 : memref<!tpu.dma_semaphore, #tpu.memory_space<semaphore_mem>>) src(%dma_wait3A_543 : memref<8x128xi32, #tpu.memory_space<hbm>>) dst(%dma_wait3A_541 : memref<8x128xi32, #tpu.memory_space<vmem>>)
        %dma_wait3A_544 = arith.constant 0 : i32
        %dma_wait3A_545 = arith.constant 0 : i32
        %dma_wait3A_546 = tpu.memref_slice %arg7[%sub3A_526, %dma_wait3A_544, %dma_wait3A_545] : memref<2x8x128xi32, #tpu.memory_space<vmem>> -> memref<1x8x128xi32, #tpu.memory_space<vmem>>
        %dma_wait3A_547 = tpu.memref_squeeze %dma_wait3A_546 : memref<1x8x128xi32, #tpu.memory_space<vmem>> -> memref<8x128xi32, #tpu.memory_space<vmem>>
        %dma_wait3A_548 = arith.constant 0 : i32
        %dma_wait3A_549 = tpu.memref_slice %arg4[%add3A_531, %dma_wait3A_548] : memref<2560x128xi32, #tpu.memory_space<hbm>> -> memref<8x128xi32, #tpu.memory_space<hbm>>
        %dma_wait3A_550 = arith.constant 0 : i32
        %dma_wait3A_551 = arith.constant 0 : i32
        %dma_wait3A_552 = tpu.memref_slice %arg7[%sub3A_526, %dma_wait3A_550, %dma_wait3A_551] : memref<2x8x128xi32, #tpu.memory_space<vmem>> -> memref<1x8x128xi32, #tpu.memory_space<vmem>>
        %dma_wait3A_553 = tpu.memref_squeeze %dma_wait3A_552 : memref<1x8x128xi32, #tpu.memory_space<vmem>> -> memref<8x128xi32, #tpu.memory_space<vmem>>
        %dma_wait3A_554 = arith.constant 0 : i32
        %dma_wait3A_555 = tpu.memref_slice %arg4[%add3A_531, %dma_wait3A_554] : memref<2560x128xi32, #tpu.memory_space<hbm>> -> memref<8x128xi32, #tpu.memory_space<hbm>>
        tpu.wait_dma2 semaphore(%arg13 : memref<!tpu.dma_semaphore, #tpu.memory_space<semaphore_mem>>) src(%dma_wait3A_555 : memref<8x128xi32, #tpu.memory_space<hbm>>) dst(%dma_wait3A_553 : memref<8x128xi32, #tpu.memory_space<vmem>>)
        %add3A_556 = arith.constant 2 : i32
        %add3A_557 = arith.addi %scan3A_128, %add3A_556 : i32
        %lt3A_558 = arith.constant 10 : i32
        %lt3A_559 = arith.cmpi slt, %add3A_557, %lt3A_558 : i32
        %convert_element_type3A_560 = arith.extui %lt3A_559 : i1 to i32
        %cond3A_561 = arith.constant 0 : i32
        %cond3A_562 = arith.cmpi ne, %convert_element_type3A_560, %cond3A_561 : i32
        scf.if %cond3A_562 {
          %add3A_575 = arith.constant 2 : i32
          %add3A_576 = arith.addi %scan3A_128, %add3A_575 : i32
          %mul3A_577 = arith.constant 8 : i32
          %mul3A_578 = arith.muli %add3A_576, %mul3A_577 : i32
          %add3A_579 = arith.addi %mul3A_4, %mul3A_578 : i32
          %sub3A_580 = arith.constant 1 : i32
          %sub3A_581 = arith.subi %sub3A_580, %sub3A_526 : i32
          %dma_start3A_582 = arith.constant 0 : i32
          %dma_start3A_583 = arith.constant 0 : i32
          %dma_start3A_584 = tpu.memref_slice %arg6[%sub3A_581, %dma_start3A_582, %dma_start3A_583] : memref<2x8x128xi32, #tpu.memory_space<vmem>> -> memref<1x8x128xi32, #tpu.memory_space<vmem>>
          %dma_start3A_585 = tpu.memref_squeeze %dma_start3A_584 : memref<1x8x128xi32, #tpu.memory_space<vmem>> -> memref<8x128xi32, #tpu.memory_space<vmem>>
          %dma_start3A_586 = arith.constant 0 : i32
          %dma_start3A_587 = tpu.memref_slice %arg3[%add3A_579, %dma_start3A_586] : memref<2560x128xi32, #tpu.memory_space<hbm>> -> memref<8x128xi32, #tpu.memory_space<hbm>>
          %dma_start3A_588 = arith.constant 0 : i32
          %dma_start3A_589 = arith.constant 0 : i32
          %dma_start3A_590 = tpu.memref_slice %arg6[%sub3A_581, %dma_start3A_588, %dma_start3A_589] : memref<2x8x128xi32, #tpu.memory_space<vmem>> -> memref<1x8x128xi32, #tpu.memory_space<vmem>>
          %dma_start3A_591 = tpu.memref_squeeze %dma_start3A_590 : memref<1x8x128xi32, #tpu.memory_space<vmem>> -> memref<8x128xi32, #tpu.memory_space<vmem>>
          %dma_start3A_592 = arith.constant 0 : i32
          %dma_start3A_593 = tpu.memref_slice %arg3[%add3A_579, %dma_start3A_592] : memref<2560x128xi32, #tpu.memory_space<hbm>> -> memref<8x128xi32, #tpu.memory_space<hbm>>
          tpu.enqueue_dma source(%dma_start3A_593 : memref<8x128xi32, #tpu.memory_space<hbm>>) target(%dma_start3A_591 : memref<8x128xi32, #tpu.memory_space<vmem>>) target_semaphore(%arg13 : memref<!tpu.dma_semaphore, #tpu.memory_space<semaphore_mem>>)
          %sub3A_594 = arith.constant 1 : i32
          %sub3A_595 = arith.subi %sub3A_594, %sub3A_526 : i32
          %dma_start3A_596 = arith.constant 0 : i32
          %dma_start3A_597 = arith.constant 0 : i32
          %dma_start3A_598 = tpu.memref_slice %arg7[%sub3A_595, %dma_start3A_596, %dma_start3A_597] : memref<2x8x128xi32, #tpu.memory_space<vmem>> -> memref<1x8x128xi32, #tpu.memory_space<vmem>>
          %dma_start3A_599 = tpu.memref_squeeze %dma_start3A_598 : memref<1x8x128xi32, #tpu.memory_space<vmem>> -> memref<8x128xi32, #tpu.memory_space<vmem>>
          %dma_start3A_600 = arith.constant 0 : i32
          %dma_start3A_601 = tpu.memref_slice %arg4[%add3A_579, %dma_start3A_600] : memref<2560x128xi32, #tpu.memory_space<hbm>> -> memref<8x128xi32, #tpu.memory_space<hbm>>
          %dma_start3A_602 = arith.constant 0 : i32
          %dma_start3A_603 = arith.constant 0 : i32
          %dma_start3A_604 = tpu.memref_slice %arg7[%sub3A_595, %dma_start3A_602, %dma_start3A_603] : memref<2x8x128xi32, #tpu.memory_space<vmem>> -> memref<1x8x128xi32, #tpu.memory_space<vmem>>
          %dma_start3A_605 = tpu.memref_squeeze %dma_start3A_604 : memref<1x8x128xi32, #tpu.memory_space<vmem>> -> memref<8x128xi32, #tpu.memory_space<vmem>>
          %dma_start3A_606 = arith.constant 0 : i32
          %dma_start3A_607 = tpu.memref_slice %arg4[%add3A_579, %dma_start3A_606] : memref<2560x128xi32, #tpu.memory_space<hbm>> -> memref<8x128xi32, #tpu.memory_space<hbm>>
          tpu.enqueue_dma source(%dma_start3A_607 : memref<8x128xi32, #tpu.memory_space<hbm>>) target(%dma_start3A_605 : memref<8x128xi32, #tpu.memory_space<vmem>>) target_semaphore(%arg13 : memref<!tpu.dma_semaphore, #tpu.memory_space<semaphore_mem>>)
        } else {
        }
        %dma_start3A_563 = arith.constant 0 : i32
        %dma_start3A_564 = arith.constant 0 : i32
        %dma_start3A_565 = arith.constant 0 : i32
        %dma_start3A_566 = arith.constant 0 : i32
        %dma_start3A_567 = tpu.memref_slice %arg8[%dma_start3A_564, %dma_start3A_565, %dma_start3A_566] : memref<2x128x128xf32, #tpu.memory_space<vmem>> -> memref<1x128x128xf32, #tpu.memory_space<vmem>>
        %dma_start3A_568 = tpu.memref_squeeze %dma_start3A_567 : memref<1x128x128xf32, #tpu.memory_space<vmem>> -> memref<128x128xf32, #tpu.memory_space<vmem>>
        %dma_start3A_569 = arith.constant 0 : i32
        %dma_start3A_570 = tpu.memref_slice %arg6[%sub3A_526, %dma_start3A_563, %dma_start3A_569] : memref<2x8x128xi32, #tpu.memory_space<vmem>> -> memref<1x1x128xi32, #tpu.memory_space<vmem>>
        %dma_start3A_571 = tpu.memref_squeeze %dma_start3A_570 : memref<1x1x128xi32, #tpu.memory_space<vmem>> -> memref<128xi32, #tpu.memory_space<vmem>>
        %dma_start3A_572 = arith.constant 0 : i32
        %dma_start3A_573 = arith.constant 0 : i32
        %dma_start3A_574 = tpu.memref_slice %arg2[%dma_start3A_572, %dma_start3A_573] : memref<10000x128xf32, #tpu.memory_space<hbm>> -> memref<10000x128xf32, #tpu.memory_space<hbm>>
        tpu.enqueue_indirect_dma source(%dma_start3A_574 : memref<10000x128xf32, #tpu.memory_space<hbm>>) target(%dma_start3A_568 : memref<128x128xf32, #tpu.memory_space<vmem>>) offsets(%dma_start3A_571 : memref<128xi32, #tpu.memory_space<vmem>>) semaphore(%arg10 : memref<!tpu.dma_semaphore, #tpu.memory_space<semaphore_mem>>)
      } else {
      }
    }
    %scan3A_108 = arith.constant 10 : i32
    %dma_wait3A_109 = arith.constant 1 : i32
    %dma_wait3A_110 = arith.constant 0 : i32
    %dma_wait3A_111 = arith.constant 0 : i32
    %dma_wait3A_112 = arith.constant 0 : i32
    %dma_wait3A_113 = arith.constant 0 : i32
    %dma_wait3A_114 = tpu.memref_slice %arg8[%dma_wait3A_109, %dma_wait3A_112, %dma_wait3A_113] : memref<2x128x128xf32, #tpu.memory_space<vmem>> -> memref<1x128x128xf32, #tpu.memory_space<vmem>>
    %dma_wait3A_115 = tpu.memref_squeeze %dma_wait3A_114 : memref<1x128x128xf32, #tpu.memory_space<vmem>> -> memref<128x128xf32, #tpu.memory_space<vmem>>
    %dma_wait3A_116 = arith.constant 0 : i32
    %dma_wait3A_117 = tpu.memref_slice %arg7[%dma_wait3A_110, %dma_wait3A_111, %dma_wait3A_116] : memref<2x8x128xi32, #tpu.memory_space<vmem>> -> memref<1x1x128xi32, #tpu.memory_space<vmem>>
    %dma_wait3A_118 = tpu.memref_squeeze %dma_wait3A_117 : memref<1x1x128xi32, #tpu.memory_space<vmem>> -> memref<128xi32, #tpu.memory_space<vmem>>
    %dma_wait3A_119 = arith.constant 0 : i32
    %dma_wait3A_120 = arith.constant 0 : i32
    %dma_wait3A_121 = tpu.memref_slice %arg9[%dma_wait3A_119, %dma_wait3A_120] : memref<10064x128xf32, #tpu.memory_space<vmem_shared>> -> memref<10064x128xf32, #tpu.memory_space<vmem_shared>>
    tpu.wait_indirect_dma semaphore(%arg12 : memref<!tpu.dma_semaphore, #tpu.memory_space<semaphore_mem>>) src(%dma_wait3A_115 : memref<128x128xf32, #tpu.memory_space<vmem>>) dst(%dma_wait3A_121 : memref<10064x128xf32, #tpu.memory_space<vmem_shared>>)
    %barrier3A_122 = arith.constant 0 : index
    tpu.barrier barrier_id(%barrier3A_122)
    "tpu.region"() ({
      %run_scoped3A = tpu.sem_alloc : memref<!tpu.dma_semaphore, #tpu.memory_space<semaphore_mem>>
      %dma_start3A_128 = arith.constant 0 : i32
      %dma_start3A_129 = tpu.memref_slice %arg5[%arg0, %mul3A_2, %dma_start3A_128] : memref<2x10064x128xf32, #tpu.memory_space<hbm>> -> memref<1x624x128xf32, #tpu.memory_space<hbm>>
      %dma_start3A_130 = tpu.memref_squeeze %dma_start3A_129 : memref<1x624x128xf32, #tpu.memory_space<hbm>> -> memref<624x128xf32, #tpu.memory_space<hbm>>
      %dma_start3A_131 = arith.constant 0 : i32
      %dma_start3A_132 = tpu.memref_slice %arg9[%mul3A_2, %dma_start3A_131] : memref<10064x128xf32, #tpu.memory_space<vmem_shared>> -> memref<624x128xf32, #tpu.memory_space<vmem_shared>>
      tpu.enqueue_dma source(%dma_start3A_132 : memref<624x128xf32, #tpu.memory_space<vmem_shared>>) target(%dma_start3A_130 : memref<624x128xf32, #tpu.memory_space<hbm>>) target_semaphore(%run_scoped3A : memref<!tpu.dma_semaphore, #tpu.memory_space<semaphore_mem>>)
      %dma_wait3A_133 = arith.constant 0 : i32
      %dma_wait3A_134 = tpu.memref_slice %arg5[%arg0, %mul3A_2, %dma_wait3A_133] : memref<2x10064x128xf32, #tpu.memory_space<hbm>> -> memref<1x624x128xf32, #tpu.memory_space<hbm>>
      %dma_wait3A_135 = tpu.memref_squeeze %dma_wait3A_134 : memref<1x624x128xf32, #tpu.memory_space<hbm>> -> memref<624x128xf32, #tpu.memory_space<hbm>>
      %dma_wait3A_136 = arith.constant 0 : i32
      %dma_wait3A_137 = tpu.memref_slice %arg9[%mul3A_2, %dma_wait3A_136] : memref<10064x128xf32, #tpu.memory_space<vmem_shared>> -> memref<624x128xf32, #tpu.memory_space<vmem_shared>>
      tpu.wait_dma2 semaphore(%run_scoped3A : memref<!tpu.dma_semaphore, #tpu.memory_space<semaphore_mem>>) src(%dma_wait3A_137 : memref<624x128xf32, #tpu.memory_space<vmem_shared>>) dst(%dma_wait3A_135 : memref<624x128xf32, #tpu.memory_space<hbm>>)
      tpu.yield
    }) : () -> ()
    %eq3A_123 = arith.constant 15 : i32
    %eq3A_124 = arith.cmpi eq, %arg1, %eq3A_123 : i32
    %convert_element_type3A_125 = arith.extui %eq3A_124 : i1 to i32
    %cond3A_126 = arith.constant 0 : i32
    %cond3A_127 = arith.cmpi ne, %convert_element_type3A_125, %cond3A_126 : i32
    scf.if %cond3A_127 {
      "tpu.region"() ({
        %run_scoped3A = tpu.sem_alloc : memref<!tpu.dma_semaphore, #tpu.memory_space<semaphore_mem>>
        %dma_start3A_128 = arith.constant 9984 : i32
        %dma_start3A_129 = arith.constant 0 : i32
        %dma_start3A_130 = tpu.memref_slice %arg5[%arg0, %dma_start3A_128, %dma_start3A_129] : memref<2x10064x128xf32, #tpu.memory_space<hbm>> -> memref<1x16x128xf32, #tpu.memory_space<hbm>>
        %dma_start3A_131 = tpu.memref_squeeze %dma_start3A_130 : memref<1x16x128xf32, #tpu.memory_space<hbm>> -> memref<16x128xf32, #tpu.memory_space<hbm>>
        %dma_start3A_132 = arith.constant 9984 : i32
        %dma_start3A_133 = arith.constant 0 : i32
        %dma_start3A_134 = tpu.memref_slice %arg9[%dma_start3A_132, %dma_start3A_133] : memref<10064x128xf32, #tpu.memory_space<vmem_shared>> -> memref<16x128xf32, #tpu.memory_space<vmem_shared>>
        tpu.enqueue_dma source(%dma_start3A_134 : memref<16x128xf32, #tpu.memory_space<vmem_shared>>) target(%dma_start3A_131 : memref<16x128xf32, #tpu.memory_space<hbm>>) target_semaphore(%run_scoped3A : memref<!tpu.dma_semaphore, #tpu.memory_space<semaphore_mem>>)
        %dma_wait3A_135 = arith.constant 9984 : i32
        %dma_wait3A_136 = arith.constant 0 : i32
        %dma_wait3A_137 = tpu.memref_slice %arg5[%arg0, %dma_wait3A_135, %dma_wait3A_136] : memref<2x10064x128xf32, #tpu.memory_space<hbm>> -> memref<1x16x128xf32, #tpu.memory_space<hbm>>
        %dma_wait3A_138 = tpu.memref_squeeze %dma_wait3A_137 : memref<1x16x128xf32, #tpu.memory_space<hbm>> -> memref<16x128xf32, #tpu.memory_space<hbm>>
        %dma_wait3A_139 = arith.constant 9984 : i32
        %dma_wait3A_140 = arith.constant 0 : i32
        %dma_wait3A_141 = tpu.memref_slice %arg9[%dma_wait3A_139, %dma_wait3A_140] : memref<10064x128xf32, #tpu.memory_space<vmem_shared>> -> memref<16x128xf32, #tpu.memory_space<vmem_shared>>
        tpu.wait_dma2 semaphore(%run_scoped3A : memref<!tpu.dma_semaphore, #tpu.memory_space<semaphore_mem>>) src(%dma_wait3A_141 : memref<16x128xf32, #tpu.memory_space<vmem_shared>>) dst(%dma_wait3A_138 : memref<16x128xf32, #tpu.memory_space<hbm>>)
        tpu.yield
      }) : () -> ()
    } else {
    }
    return
  }
}

module attributes {stable_mosaic.version = 14 : i64} {
  func.func @_tc_h1_body(%arg0: i32, %arg1: memref<1000x128xf32, #tpu.memory_space<vmem>>, %arg2: memref<128x128xf32, #tpu.memory_space<vmem>>, %arg3: memref<1000x128xf32, #tpu.memory_space<vmem>>) attributes {dimension_semantics = [#tpu.dimension_semantics<arbitrary>], iteration_bounds = array<i64: 10>, scalar_prefetch = 0 : i64, scratch_operands = 0 : i64, tpu.core_type = #tpu.core_type<tc>, window_params = [{transform_indices = @transform_0, window_bounds = array<i64: 1000, 128>}, {pipeline_mode = #tpu.pipeline_mode<synchronous>, transform_indices = @transform_1, window_bounds = array<i64: 128, 128>}, {transform_indices = @transform_2, window_bounds = array<i64: 1000, 128>}]} {
    %get3A = arith.constant 0 : index
    %get3A_0 = arith.constant 0 : index
    %get3A_1 = vector.load %arg1[%get3A, %get3A_0] : memref<1000x128xf32, #tpu.memory_space<vmem>>, vector<1000x128xf32>
    %get3A_2 = arith.constant 0 : index
    %get3A_3 = arith.constant 0 : index
    %get3A_4 = vector.load %arg2[%get3A_2, %get3A_3] : memref<128x128xf32, #tpu.memory_space<vmem>>, vector<128x128xf32>
    %dot_general3A = arith.constant dense<0.000000e+00> : vector<1000x128xf32>
    %dot_general3A_5 = tpu.matmul %get3A_1, %get3A_4, %dot_general3A {dimension_numbers = #tpu.dot_dimension_numbers<[1], [0], [0], [1], [0, 0, 1, 1], [], []>, transpose_lhs_hint = false} : vector<1000x128xf32>, vector<128x128xf32>, vector<1000x128xf32> -> vector<1000x128xf32>
    %swap3A = arith.constant 0 : index
    %swap3A_6 = arith.constant 0 : index
    %swap3A_7 = vector.load %arg3[%swap3A, %swap3A_6] : memref<1000x128xf32, #tpu.memory_space<vmem>>, vector<1000x128xf32>
    tpu.vector_store %arg3[%swap3A, %swap3A_6], %dot_general3A_5 {strides = array<i32>} : memref<1000x128xf32, #tpu.memory_space<vmem>>, vector<1000x128xf32>,
    return
  }
  func.func @transform_0(%arg0: i32) -> (i32, i32) {
    %c0_i32 = arith.constant 0 : i32
    %c0_i32_0 = arith.constant 0 : i32
    return %arg0, %c0_i32 : i32, i32
  }
  func.func @transform_1(%arg0: i32) -> (i32, i32) {
    %c0_i32 = arith.constant 0 : i32
    %c0_i32_0 = arith.constant 0 : i32
    %c0_i32_1 = arith.constant 0 : i32
    return %c0_i32, %c0_i32_0 : i32, i32
  }
  func.func @transform_2(%arg0: i32) -> (i32, i32) {
    %c0_i32 = arith.constant 0 : i32
    %c0_i32_0 = arith.constant 0 : i32
    return %arg0, %c0_i32 : i32, i32
  }
}

module attributes {stable_mosaic.version = 14 : i64} {
  func.func @_tc_first_body(%arg0: i32, %arg1: memref<1000x32xf32, #tpu.memory_space<vmem>>, %arg2: memref<1000x128xf32, #tpu.memory_space<vmem>>, %arg3: memref<1000x128xf32, #tpu.memory_space<vmem>>, %arg4: memref<1000x1xf32, #tpu.memory_space<vmem>>) attributes {dimension_semantics = [#tpu.dimension_semantics<arbitrary>], iteration_bounds = array<i64: 10>, scalar_prefetch = 0 : i64, scratch_operands = 0 : i64, tpu.core_type = #tpu.core_type<tc>, window_params = [{transform_indices = @transform_0, window_bounds = array<i64: 1000, 32>}, {transform_indices = @transform_1, window_bounds = array<i64: 1000, 128>}, {transform_indices = @transform_2, window_bounds = array<i64: 1000, 128>}, {transform_indices = @transform_3, window_bounds = array<i64: 1000, 1>}]} {
    %get3A = arith.constant 0 : index
    %get3A_0 = arith.constant 0 : index
    %get3A_1 = vector.load %arg1[%get3A, %get3A_0] : memref<1000x32xf32, #tpu.memory_space<vmem>>, vector<1000x32xf32>
    %reduce_sum3A = arith.constant dense<0.000000e+00> : vector<1000xf32>
    %reduce_sum3A_2 = vector.multi_reduction <add>, %get3A_1, %reduce_sum3A [1] : vector<1000x32xf32> to vector<1000xf32>
    %add3A = arith.constant 1.000000e+00 : f32
    %add3A_3 = vector.broadcast %add3A : f32 to vector<1000xf32>
    %add3A_4 = arith.addf %reduce_sum3A_2, %add3A_3 : vector<1000xf32>
    %rsqrt3A = math.rsqrt %add3A_4 : vector<1000xf32>
    %broadcast_in_dim3A = vector.shape_cast %rsqrt3A : vector<1000xf32> to vector<1000x1xf32>
    %swap3A = arith.constant 0 : index
    %swap3A_5 = arith.constant 0 : index
    %swap3A_6 = vector.load %arg4[%swap3A, %swap3A_5] : memref<1000x1xf32, #tpu.memory_space<vmem>>, vector<1000x1xf32>
    tpu.vector_store %arg4[%swap3A, %swap3A_5], %broadcast_in_dim3A {strides = array<i32>} : memref<1000x1xf32, #tpu.memory_space<vmem>>, vector<1000x1xf32>,
    %get3A_7 = arith.constant 0 : index
    %get3A_8 = arith.constant 0 : index
    %get3A_9 = vector.load %arg2[%get3A_7, %get3A_8] : memref<1000x128xf32, #tpu.memory_space<vmem>>, vector<1000x128xf32>
    %mul3A = vector.broadcast %broadcast_in_dim3A : vector<1000x1xf32> to vector<1000x128xf32>
    %mul3A_10 = arith.mulf %get3A_9, %mul3A : vector<1000x128xf32>
    %swap3A_11 = arith.constant 0 : index
    %swap3A_12 = arith.constant 0 : index
    %swap3A_13 = vector.load %arg3[%swap3A_11, %swap3A_12] : memref<1000x128xf32, #tpu.memory_space<vmem>>, vector<1000x128xf32>
    tpu.vector_store %arg3[%swap3A_11, %swap3A_12], %mul3A_10 {strides = array<i32>} : memref<1000x128xf32, #tpu.memory_space<vmem>>, vector<1000x128xf32>,
    return
  }
  func.func @transform_0(%arg0: i32) -> (i32, i32) {
    %c0_i32 = arith.constant 0 : i32
    %c0_i32_0 = arith.constant 0 : i32
    return %arg0, %c0_i32 : i32, i32
  }
  func.func @transform_1(%arg0: i32) -> (i32, i32) {
    %c0_i32 = arith.constant 0 : i32
    %c0_i32_0 = arith.constant 0 : i32
    return %arg0, %c0_i32 : i32, i32
  }
  func.func @transform_2(%arg0: i32) -> (i32, i32) {
    %c0_i32 = arith.constant 0 : i32
    %c0_i32_0 = arith.constant 0 : i32
    return %arg0, %c0_i32 : i32, i32
  }
  func.func @transform_3(%arg0: i32) -> (i32, i32) {
    %c0_i32 = arith.constant 0 : i32
    %c0_i32_0 = arith.constant 0 : i32
    return %arg0, %c0_i32 : i32, i32
  }
}

module attributes {stable_mosaic.version = 14 : i64} {
  func.func @_tc_mid_body(%arg0: i32, %arg1: memref<2x1000x128xf32, #tpu.memory_space<vmem>>, %arg2: memref<1000x1xf32, #tpu.memory_space<vmem>>, %arg3: memref<1x128xf32, #tpu.memory_space<vmem>>, %arg4: memref<128x128xf32, #tpu.memory_space<vmem>>, %arg5: memref<1000x128xf32, #tpu.memory_space<vmem>>) attributes {dimension_semantics = [#tpu.dimension_semantics<arbitrary>], iteration_bounds = array<i64: 10>, scalar_prefetch = 0 : i64, scratch_operands = 0 : i64, tpu.core_type = #tpu.core_type<tc>, window_params = [{transform_indices = @transform_0, window_bounds = array<i64: 2, 1000, 128>}, {transform_indices = @transform_1, window_bounds = array<i64: 1000, 1>}, {pipeline_mode = #tpu.pipeline_mode<synchronous>, transform_indices = @transform_2, window_bounds = array<i64: 1, 128>}, {pipeline_mode = #tpu.pipeline_mode<synchronous>, transform_indices = @transform_3, window_bounds = array<i64: 128, 128>}, {transform_indices = @transform_4, window_bounds = array<i64: 1000, 128>}]} {
    %get3A = arith.constant 0 : index
    %get3A_0 = arith.constant 0 : index
    %get3A_1 = vector.load %arg2[%get3A, %get3A_0] : memref<1000x1xf32, #tpu.memory_space<vmem>>, vector<1000x1xf32>
    %get3A_2 = arith.constant 0 : index
    %get3A_3 = arith.constant 0 : index
    %get3A_4 = arith.constant 0 : index
    %get3A_5 = vector.load %arg1[%get3A_2, %get3A_3, %get3A_4] : memref<2x1000x128xf32, #tpu.memory_space<vmem>>, vector<1x1000x128xf32>
    %get3A_6 = vector.shape_cast %get3A_5 : vector<1x1000x128xf32> to vector<1000x128xf32>
    %get3A_7 = arith.constant 1 : index
    %get3A_8 = arith.constant 0 : index
    %get3A_9 = arith.constant 0 : index
    %get3A_10 = vector.load %arg1[%get3A_7, %get3A_8, %get3A_9] : memref<2x1000x128xf32, #tpu.memory_space<vmem>>, vector<1x1000x128xf32>
    %get3A_11 = vector.shape_cast %get3A_10 : vector<1x1000x128xf32> to vector<1000x128xf32>
    %add3A = arith.addf %get3A_6, %get3A_11 : vector<1000x128xf32>
    %mul3A = vector.broadcast %get3A_1 : vector<1000x1xf32> to vector<1000x128xf32>
    %mul3A_12 = arith.mulf %add3A, %mul3A : vector<1000x128xf32>
    %get3A_13 = arith.constant 0 : index
    %get3A_14 = arith.constant 0 : index
    %get3A_15 = vector.load %arg3[%get3A_13, %get3A_14] : memref<1x128xf32, #tpu.memory_space<vmem>>, vector<1x128xf32>
    %add3A_16 = vector.broadcast %get3A_15 : vector<1x128xf32> to vector<1000x128xf32>
    %add3A_17 = arith.addf %mul3A_12, %add3A_16 : vector<1000x128xf32>
    %integer_pow3A = arith.mulf %add3A_17, %add3A_17 : vector<1000x128xf32>
    %integer_pow3A_18 = arith.mulf %add3A_17, %integer_pow3A : vector<1000x128xf32>
    %mul3A_19 = arith.constant 4.471500e-02 : f32
    %mul3A_20 = vector.broadcast %mul3A_19 : f32 to vector<1000x128xf32>
    %mul3A_21 = arith.mulf %mul3A_20, %integer_pow3A_18 : vector<1000x128xf32>
    %add3A_22 = arith.addf %add3A_17, %mul3A_21 : vector<1000x128xf32>
    %mul3A_23 = arith.constant 0.797884583 : f32
    %mul3A_24 = vector.broadcast %mul3A_23 : f32 to vector<1000x128xf32>
    %mul3A_25 = arith.mulf %mul3A_24, %add3A_22 : vector<1000x128xf32>
    %tanh3A = math.tanh %mul3A_25 : vector<1000x128xf32>
    %add3A_26 = arith.constant 1.000000e+00 : f32
    %add3A_27 = vector.broadcast %add3A_26 : f32 to vector<1000x128xf32>
    %add3A_28 = arith.addf %add3A_27, %tanh3A : vector<1000x128xf32>
    %mul3A_29 = arith.constant 5.000000e-01 : f32
    %mul3A_30 = vector.broadcast %mul3A_29 : f32 to vector<1000x128xf32>
    %mul3A_31 = arith.mulf %mul3A_30, %add3A_28 : vector<1000x128xf32>
    %mul3A_32 = arith.mulf %add3A_17, %mul3A_31 : vector<1000x128xf32>
    %get3A_33 = arith.constant 0 : index
    %get3A_34 = arith.constant 0 : index
    %get3A_35 = vector.load %arg4[%get3A_33, %get3A_34] : memref<128x128xf32, #tpu.memory_space<vmem>>, vector<128x128xf32>
    %dot_general3A = arith.constant dense<0.000000e+00> : vector<1000x128xf32>
    %dot_general3A_36 = tpu.matmul %mul3A_32, %get3A_35, %dot_general3A {dimension_numbers = #tpu.dot_dimension_numbers<[1], [0], [0], [1], [0, 0, 1, 1], [], []>, transpose_lhs_hint = false} : vector<1000x128xf32>, vector<128x128xf32>, vector<1000x128xf32> -> vector<1000x128xf32>
    %mul3A_37 = vector.broadcast %get3A_1 : vector<1000x1xf32> to vector<1000x128xf32>
    %mul3A_38 = arith.mulf %dot_general3A_36, %mul3A_37 : vector<1000x128xf32>
    %swap3A = arith.constant 0 : index
    %swap3A_39 = arith.constant 0 : index
    %swap3A_40 = vector.load %arg5[%swap3A, %swap3A_39] : memref<1000x128xf32, #tpu.memory_space<vmem>>, vector<1000x128xf32>
    tpu.vector_store %arg5[%swap3A, %swap3A_39], %mul3A_38 {strides = array<i32>} : memref<1000x128xf32, #tpu.memory_space<vmem>>, vector<1000x128xf32>,
    return
  }
  func.func @transform_0(%arg0: i32) -> (i32, i32, i32) {
    %c0_i32 = arith.constant 0 : i32
    %c0_i32_0 = arith.constant 0 : i32
    %c0_i32_1 = arith.constant 0 : i32
    return %c0_i32, %arg0, %c0_i32_0 : i32, i32, i32
  }
  func.func @transform_1(%arg0: i32) -> (i32, i32) {
    %c0_i32 = arith.constant 0 : i32
    %c0_i32_0 = arith.constant 0 : i32
    return %arg0, %c0_i32 : i32, i32
  }
  func.func @transform_2(%arg0: i32) -> (i32, i32) {
    %c0_i32 = arith.constant 0 : i32
    %c0_i32_0 = arith.constant 0 : i32
    %c0_i32_1 = arith.constant 0 : i32
    return %c0_i32, %c0_i32_0 : i32, i32
  }
  func.func @transform_3(%arg0: i32) -> (i32, i32) {
    %c0_i32 = arith.constant 0 : i32
    %c0_i32_0 = arith.constant 0 : i32
    %c0_i32_1 = arith.constant 0 : i32
    return %c0_i32, %c0_i32_0 : i32, i32
  }
  func.func @transform_4(%arg0: i32) -> (i32, i32) {
    %c0_i32 = arith.constant 0 : i32
    %c0_i32_0 = arith.constant 0 : i32
    return %arg0, %c0_i32 : i32, i32
  }
}

module attributes {stable_mosaic.version = 14 : i64} {
  func.func @_tc_pool_body(%arg0: i32, %arg1: memref<2x1000x128xf32, #tpu.memory_space<vmem>>, %arg2: memref<1000x1xf32, #tpu.memory_space<vmem>>, %arg3: memref<1x128xf32, #tpu.memory_space<vmem>>, %arg4: memref<1000x1xi32, #tpu.memory_space<vmem>>, %arg5: memref<64x128xf32, #tpu.memory_space<vmem>>, %arg6: memref<64x128xf32, #tpu.memory_space<vmem>>, %arg7: memref<64x1xf32, #tpu.memory_space<vmem>>) attributes {dimension_semantics = [#tpu.dimension_semantics<arbitrary>], iteration_bounds = array<i64: 10>, scalar_prefetch = 0 : i64, scratch_operands = 2 : i64, tpu.core_type = #tpu.core_type<tc>, window_params = [{transform_indices = @transform_0, window_bounds = array<i64: 2, 1000, 128>}, {transform_indices = @transform_1, window_bounds = array<i64: 1000, 1>}, {pipeline_mode = #tpu.pipeline_mode<synchronous>, transform_indices = @transform_2, window_bounds = array<i64: 1, 128>}, {transform_indices = @transform_3, window_bounds = array<i64: 1000, 1>}, {pipeline_mode = #tpu.pipeline_mode<synchronous>, transform_indices = @transform_4, window_bounds = array<i64: 64, 128>}]} {
    %eq3A = arith.constant 0 : i32
    %eq3A_0 = arith.cmpi eq, %arg0, %eq3A : i32
    %convert_element_type3A = arith.extui %eq3A_0 : i1 to i32
    %cond3A = arith.constant 0 : i32
    %cond3A_1 = arith.cmpi ne, %convert_element_type3A, %cond3A : i32
    scf.if %cond3A_1 {
      %broadcast_in_dim3A_62 = arith.constant 0.000000e+00 : f32
      %broadcast_in_dim3A_63 = vector.broadcast %broadcast_in_dim3A_62 : f32 to vector<64x128xf32>
      %swap3A_64 = arith.constant 0 : index
      %swap3A_65 = arith.constant 0 : index
      %swap3A_66 = vector.load %arg6[%swap3A_64, %swap3A_65] : memref<64x128xf32, #tpu.memory_space<vmem>>, vector<64x128xf32>
      tpu.vector_store %arg6[%swap3A_64, %swap3A_65], %broadcast_in_dim3A_63 {strides = array<i32>} : memref<64x128xf32, #tpu.memory_space<vmem>>, vector<64x128xf32>,
      %broadcast_in_dim3A_67 = arith.constant 0.000000e+00 : f32
      %broadcast_in_dim3A_68 = vector.broadcast %broadcast_in_dim3A_67 : f32 to vector<64x1xf32>
      %swap3A_69 = arith.constant 0 : index
      %swap3A_70 = arith.constant 0 : index
      %swap3A_71 = vector.load %arg7[%swap3A_69, %swap3A_70] : memref<64x1xf32, #tpu.memory_space<vmem>>, vector<64x1xf32>
      tpu.vector_store %arg7[%swap3A_69, %swap3A_70], %broadcast_in_dim3A_68 {strides = array<i32>} : memref<64x1xf32, #tpu.memory_space<vmem>>, vector<64x1xf32>,
    } else {
    }
    %get3A = arith.constant 0 : index
    %get3A_2 = arith.constant 0 : index
    %get3A_3 = arith.constant 0 : index
    %get3A_4 = vector.load %arg1[%get3A, %get3A_2, %get3A_3] : memref<2x1000x128xf32, #tpu.memory_space<vmem>>, vector<1x1000x128xf32>
    %get3A_5 = vector.shape_cast %get3A_4 : vector<1x1000x128xf32> to vector<1000x128xf32>
    %get3A_6 = arith.constant 1 : index
    %get3A_7 = arith.constant 0 : index
    %get3A_8 = arith.constant 0 : index
    %get3A_9 = vector.load %arg1[%get3A_6, %get3A_7, %get3A_8] : memref<2x1000x128xf32, #tpu.memory_space<vmem>>, vector<1x1000x128xf32>
    %get3A_10 = vector.shape_cast %get3A_9 : vector<1x1000x128xf32> to vector<1000x128xf32>
    %add3A = arith.addf %get3A_5, %get3A_10 : vector<1000x128xf32>
    %get3A_11 = arith.constant 0 : index
    %get3A_12 = arith.constant 0 : index
    %get3A_13 = vector.load %arg2[%get3A_11, %get3A_12] : memref<1000x1xf32, #tpu.memory_space<vmem>>, vector<1000x1xf32>
    %mul3A = vector.broadcast %get3A_13 : vector<1000x1xf32> to vector<1000x128xf32>
    %mul3A_14 = arith.mulf %add3A, %mul3A : vector<1000x128xf32>
    %get3A_15 = arith.constant 0 : index
    %get3A_16 = arith.constant 0 : index
    %get3A_17 = vector.load %arg3[%get3A_15, %get3A_16] : memref<1x128xf32, #tpu.memory_space<vmem>>, vector<1x128xf32>
    %add3A_18 = vector.broadcast %get3A_17 : vector<1x128xf32> to vector<1000x128xf32>
    %add3A_19 = arith.addf %mul3A_14, %add3A_18 : vector<1000x128xf32>
    %integer_pow3A = arith.mulf %add3A_19, %add3A_19 : vector<1000x128xf32>
    %integer_pow3A_20 = arith.mulf %add3A_19, %integer_pow3A : vector<1000x128xf32>
    %mul3A_21 = arith.constant 4.471500e-02 : f32
    %mul3A_22 = vector.broadcast %mul3A_21 : f32 to vector<1000x128xf32>
    %mul3A_23 = arith.mulf %mul3A_22, %integer_pow3A_20 : vector<1000x128xf32>
    %add3A_24 = arith.addf %add3A_19, %mul3A_23 : vector<1000x128xf32>
    %mul3A_25 = arith.constant 0.797884583 : f32
    %mul3A_26 = vector.broadcast %mul3A_25 : f32 to vector<1000x128xf32>
    %mul3A_27 = arith.mulf %mul3A_26, %add3A_24 : vector<1000x128xf32>
    %tanh3A = math.tanh %mul3A_27 : vector<1000x128xf32>
    %add3A_28 = arith.constant 1.000000e+00 : f32
    %add3A_29 = vector.broadcast %add3A_28 : f32 to vector<1000x128xf32>
    %add3A_30 = arith.addf %add3A_29, %tanh3A : vector<1000x128xf32>
    %mul3A_31 = arith.constant 5.000000e-01 : f32
    %mul3A_32 = vector.broadcast %mul3A_31 : f32 to vector<1000x128xf32>
    %mul3A_33 = arith.mulf %mul3A_32, %add3A_30 : vector<1000x128xf32>
    %mul3A_34 = arith.mulf %add3A_19, %mul3A_33 : vector<1000x128xf32>
    %get3A_35 = arith.constant 0 : index
    %get3A_36 = arith.constant 0 : index
    %get3A_37 = vector.load %arg4[%get3A_35, %get3A_36] : memref<1000x1xi32, #tpu.memory_space<vmem>>, vector<1000x1xi32>
    %iota3A = tpu.iota {dimensions = array<i32: 1>} : vector<1000x64xi32>
    %eq3A_38 = vector.broadcast %get3A_37 : vector<1000x1xi32> to vector<1000x64xi32>
    %eq3A_39 = arith.cmpi eq, %eq3A_38, %iota3A : vector<1000x64xi32>
    %convert_element_type3A_40 = arith.extui %eq3A_39 : vector<1000x64xi1> to vector<1000x64xi32>
    %convert_element_type3A_41 = arith.sitofp %convert_element_type3A_40 : vector<1000x64xi32> to vector<1000x64xf32>
    %get3A_42 = arith.constant 0 : index
    %get3A_43 = arith.constant 0 : index
    %get3A_44 = vector.load %arg6[%get3A_42, %get3A_43] : memref<64x128xf32, #tpu.memory_space<vmem>>, vector<64x128xf32>
    %dot_general3A = arith.constant dense<0.000000e+00> : vector<64x128xf32>
    %dot_general3A_45 = tpu.matmul %convert_element_type3A_41, %mul3A_34, %dot_general3A {dimension_numbers = #tpu.dot_dimension_numbers<[0], [0], [1], [1], [0, 1, 1, 1], [], []>, transpose_lhs_hint = false} : vector<1000x64xf32>, vector<1000x128xf32>, vector<64x128xf32> -> vector<64x128xf32>
    %add3A_46 = arith.addf %get3A_44, %dot_general3A_45 : vector<64x128xf32>
    %swap3A = arith.constant 0 : index
    %swap3A_47 = arith.constant 0 : index
    %swap3A_48 = vector.load %arg6[%swap3A, %swap3A_47] : memref<64x128xf32, #tpu.memory_space<vmem>>, vector<64x128xf32>
    tpu.vector_store %arg6[%swap3A, %swap3A_47], %add3A_46 {strides = array<i32>} : memref<64x128xf32, #tpu.memory_space<vmem>>, vector<64x128xf32>,
    %get3A_49 = arith.constant 0 : index
    %get3A_50 = arith.constant 0 : index
    %get3A_51 = vector.load %arg7[%get3A_49, %get3A_50] : memref<64x1xf32, #tpu.memory_space<vmem>>, vector<64x1xf32>
    %reduce_sum3A = arith.constant dense<0.000000e+00> : vector<64xf32>
    %reduce_sum3A_52 = vector.multi_reduction <add>, %convert_element_type3A_41, %reduce_sum3A [0] : vector<1000x64xf32> to vector<64xf32>
    %broadcast_in_dim3A = vector.shape_cast %reduce_sum3A_52 : vector<64xf32> to vector<64x1xf32>
    %add3A_53 = arith.addf %get3A_51, %broadcast_in_dim3A : vector<64x1xf32>
    %swap3A_54 = arith.constant 0 : index
    %swap3A_55 = arith.constant 0 : index
    %swap3A_56 = vector.load %arg7[%swap3A_54, %swap3A_55] : memref<64x1xf32, #tpu.memory_space<vmem>>, vector<64x1xf32>
    tpu.vector_store %arg7[%swap3A_54, %swap3A_55], %add3A_53 {strides = array<i32>} : memref<64x1xf32, #tpu.memory_space<vmem>>, vector<64x1xf32>,
    %eq3A_57 = arith.constant 9 : i32
    %eq3A_58 = arith.cmpi eq, %arg0, %eq3A_57 : i32
    %convert_element_type3A_59 = arith.extui %eq3A_58 : i1 to i32
    %cond3A_60 = arith.constant 0 : i32
    %cond3A_61 = arith.cmpi ne, %convert_element_type3A_59, %cond3A_60 : i32
    scf.if %cond3A_61 {
      %get3A_62 = arith.constant 0 : index
      %get3A_63 = arith.constant 0 : index
      %get3A_64 = vector.load %arg6[%get3A_62, %get3A_63] : memref<64x128xf32, #tpu.memory_space<vmem>>, vector<64x128xf32>
      %get3A_65 = arith.constant 0 : index
      %get3A_66 = arith.constant 0 : index
      %get3A_67 = vector.load %arg7[%get3A_65, %get3A_66] : memref<64x1xf32, #tpu.memory_space<vmem>>, vector<64x1xf32>
      %max3A = arith.constant 1.000000e+00 : f32
      %max3A_68 = vector.broadcast %max3A : f32 to vector<64x1xf32>
      %max3A_69 = arith.maximumf %get3A_67, %max3A_68 : vector<64x1xf32>
      %div3A = vector.broadcast %max3A_69 : vector<64x1xf32> to vector<64x128xf32>
      %div3A_70 = arith.divf %get3A_64, %div3A : vector<64x128xf32>
      %swap3A_71 = arith.constant 0 : index
      %swap3A_72 = arith.constant 0 : index
      %swap3A_73 = vector.load %arg5[%swap3A_71, %swap3A_72] : memref<64x128xf32, #tpu.memory_space<vmem>>, vector<64x128xf32>
      tpu.vector_store %arg5[%swap3A_71, %swap3A_72], %div3A_70 {strides = array<i32>} : memref<64x128xf32, #tpu.memory_space<vmem>>, vector<64x128xf32>,
    } else {
    }
    return
  }
  func.func @transform_0(%arg0: i32) -> (i32, i32, i32) {
    %c0_i32 = arith.constant 0 : i32
    %c0_i32_0 = arith.constant 0 : i32
    %c0_i32_1 = arith.constant 0 : i32
    return %c0_i32, %arg0, %c0_i32_0 : i32, i32, i32
  }
  func.func @transform_1(%arg0: i32) -> (i32, i32) {
    %c0_i32 = arith.constant 0 : i32
    %c0_i32_0 = arith.constant 0 : i32
    return %arg0, %c0_i32 : i32, i32
  }
  func.func @transform_2(%arg0: i32) -> (i32, i32) {
    %c0_i32 = arith.constant 0 : i32
    %c0_i32_0 = arith.constant 0 : i32
    %c0_i32_1 = arith.constant 0 : i32
    return %c0_i32, %c0_i32_0 : i32, i32
  }
  func.func @transform_3(%arg0: i32) -> (i32, i32) {
    %c0_i32 = arith.constant 0 : i32
    %c0_i32_0 = arith.constant 0 : i32
    return %arg0, %c0_i32 : i32, i32
  }
  func.func @transform_4(%arg0: i32) -> (i32, i32) {
    %c0_i32 = arith.constant 0 : i32
    %c0_i32_0 = arith.constant 0 : i32
    %c0_i32_1 = arith.constant 0 : i32
    return %c0_i32, %c0_i32_0 : i32, i32
  }
}

</mosaic_0001>

<sc_bundles>
// kernel: kernel.11.cloned.1.call-start
scs
__scs_entry_jumppad:
0x0: {  	(pc) =	sbr.rel $0x88, $3  }
0x1: {  	(tag) =	ssettag $0x0;
	lr =	simm.s32 $0x1  }
0x2: {  	[smem:$0x3F98] =	sst lr;
	_ =	strace $0xD0000000  }
0x3: {  	_ = 	snop  }
0x4: {  	_ = 	snop  }
0x5: {  	_ = 	snop  }
0x6: {  	_ = 	snop  }
0x7: {  	_ = 	snop  }
__scs_overlays_trampoline_lowered:
0x8: {  	[smem:$0x3FA7] =	sst s0  }
0x9: {  	[smem:$0x3FA8] =	sst s1  }
0xa: {  	[smem:$0x3FA9] =	sst s2  }
0xb: {  	[smem:$0x3FAA] =	sst s3  }
0xc: {  	[smem:$0x3FAB] =	sst s4  }
0xd: {  	[smem:$0x3FAC] =	sst s5  }
0xe: {  	[smem:$0x3FAD] =	sst s6  }
0xf: {  	[smem:$0x3FAE] =	sst s7  }
0x10: {  	[smem:$0x3FAF] =	sst s8  }
0x11: {  	[smem:$0x3FB0] =	sst s9;
	s0 =	simm.s32 @!p0 $0x0  }
0x12: {  	s1 =	sld [smem:$0x3F96];
	s0 =	simm.s32 @p0 $0x1  }
0x13: {  	[smem:$0x3FB1] =	sst s0;
	s0 =	simm.s32 @!p1 $0x0  }
0x14: {  	s2 =	sld [smem:$0x3F95];
	s0 =	simm.s32 @p1 $0x1  }
0x15: {  	[smem:$0x3FB2] =	sst s0;
	s0 =	simm.s32 @!p2 $0x0  }
0x16: {  	s3 =	sld [smem:$0x3FDB];
	s0 =	simm.s32 @p2 $0x1  }
0x17: {  	s4 =	simm.s32 $0x1BF5;
	[smem:$0x3FB4] =	sst s0  }
0x18: {  	s0 =	sld [smem:$0x3F97];
	_ =	swait.ge [sflag:s4], $0x0  }
0x19: {  	s7 =	sld [smem:$0x3F98]  }
0x1a: {  	s8 =	sadd.s32 $0xFFFFE003, lr  }
0x1b: {  	s9 =	sadd.s32 $0xFFFFFEF7, lr;
	s5 =	simm.s32 $0xFFFFFFFF;
	p2 =	slt.u32 s8, $0xFFFFF086  }
0x1c: {  	p1 =	slt.u32 s9, $0xF7A;
	s5 =	simm.s32 @!p2 $0x0  }
0x1d: {  	s5 =	simm.s32 @p1 $0x1;
	p0 =	seq.s32 s7, s2  }
0x1e: {  	s7 =	smul.u32 @!p0 $0xF7A, s2;
	p2 =	seq.s32 @!p0 s5, $0x0  }
0x1f: {  	s9 =	smul.u32 $0xF7A, s1;
	s8 =	simm.s32 @!p0 $0x1BF5;
	p2 =	por !p2, p0  }
0x20: {  	[sflag:s8] =	ssyncset.s32 @!p0 $0xFFFFF086;
	s6 =	sadd.s32 @!p0 s3, s7;
	s7 =	simm.s32 @!p0 $0x108  }
0x21: {  	s3 =	sadd.s32 s3, s9;
	s6 =	sadd.s32 @!p0 $0x88, s6;
	s7 =	simm.s32 @p2 $0x1082  }
0x22: {  	[simem:s7], [sflag:s8] =	dma.local @!p0 [hbm:s6], $0xF7A  }
0x23: {  	s9 =	sor.u32 $0xD0000000, s2;
	s6 =	simm.s32 $0x108;
	_ =	swait.ge @!p0 [sflag:s8], $0x0  }
0x24: {  	s3 =	sadd.s32 $0x88, s3;
	s6 =	simm.s32 @!p1 $0x1082;
	[sflag:s4] =	ssyncset.s32 $0xFFFFF086  }
0x25: {  	[simem:s6], [sflag:s4] =	dma.local [hbm:s3], $0xF7A  }
0x26: {  	[smem:$0x3F98] =	sst s1;
	(tag) =	ssettag s2;
	_ =	strace s9  }
0x27: {  	s1 =	sld [smem:$0x3FA8]  }
0x28: {  	s2 =	sld [smem:$0x3FA9]  }
0x29: {  	s4 =	sld [smem:$0x3FAB]  }
0x2a: {  	p0 =	seq.s32 s5, $0x0;
	s5 =	sld [smem:$0x3FAC]  }
0x2b: {  	s6 =	sld [smem:$0x3FAD]  }
0x2c: {  	s7 =	sld [smem:$0x3FAE]  }
0x2d: {  	s3 =	simm.s32 $0x108;
	s8 =	sld [smem:$0x3FAF]  }
0x2e: {  	s3 =	simm.s32 @!p0 $0x1082;
	s9 =	sld [smem:$0x3FB0]  }
0x2f: {  	lr =	sadd.s32 s0, s3;
	s0 =	sld [smem:$0x3FA7]  }
0x30: {  	s3 =	sld [smem:$0x3FAA]  }
0x31: {  	[smem:$0x3FB3] =	sst s10  }
0x32: {  	s10 =	sld [smem:$0x3FB1];
	_ =	sdelay $0x3  }
0x33: {  	p0 =	seq.s32 s10, $0x1;
	s10 =	sld [smem:$0x3FB3];
	_ =	sdelay $0x3  }
0x34: {  	[smem:$0x3FB3] =	sst s10  }
0x35: {  	s10 =	sld [smem:$0x3FB2];
	_ =	sdelay $0x3  }
0x36: {  	p1 =	seq.s32 s10, $0x1;
	s10 =	sld [smem:$0x3FB3];
	_ =	sdelay $0x3  }
0x37: {  	[smem:$0x3FB3] =	sst s10  }
0x38: {  	s10 =	sld [smem:$0x3FB4]  }
0x39: {  	_ = 	snop;
	(pc) =	sbr.ind lr, $3  }
0x3a: {  	_ = 	snop  }
0x3b: {  	_ = 	snop  }
0x3c: {  	p2 =	seq.s32 s10, $0x1;
	s10 =	sld [smem:$0x3FB3]  }
0x3d: {  	_ =	shalt  }
0x3e: {  	_ =	shalt  }
0x3f: {  	_ =	shalt  }
0x40: {  	_ =	shalt  }
0x41: {  	_ =	shalt  }
0x42: {  	_ =	shalt  }
0x43: {  	_ =	shalt  }
0x44: {  	_ =	shalt  }
0x45: {  	_ =	shalt  }
0x46: {  	_ =	shalt  }
0x47: {  	_ =	shalt  }
0x48: {  	_ =	shalt  }
0x49: {  	_ =	shalt  }
0x4a: {  	_ =	shalt  }
0x4b: {  	_ =	shalt  }
0x4c: {  	_ =	shalt  }
0x4d: {  	_ =	shalt  }
0x4e: {  	_ =	shalt  }
0x4f: {  	_ =	shalt  }
0x50: {  	_ =	shalt  }
0x51: {  	_ =	shalt  }
0x52: {  	_ =	shalt  }
0x53: {  	_ =	shalt  }
0x54: {  	_ =	shalt  }
0x55: {  	_ =	shalt  }
0x56: {  	_ =	shalt  }
0x57: {  	_ =	shalt  }
0x58: {  	_ =	shalt  }
0x59: {  	_ =	shalt  }
0x5a: {  	_ =	shalt  }
0x5b: {  	_ =	shalt  }
0x5c: {  	_ =	shalt  }
0x5d: {  	_ =	shalt  }
0x5e: {  	_ =	shalt  }
0x5f: {  	_ =	shalt  }
0x60: {  	_ =	shalt  }
0x61: {  	_ =	shalt  }
0x62: {  	_ =	shalt  }
0x63: {  	_ =	shalt  }
0x64: {  	_ =	shalt  }
0x65: {  	_ =	shalt  }
0x66: {  	_ =	shalt  }
0x67: {  	_ =	shalt  }
0x68: {  	_ =	shalt  }
0x69: {  	_ =	shalt  }
0x6a: {  	_ =	shalt  }
0x6b: {  	_ =	shalt  }
0x6c: {  	_ =	shalt  }
0x6d: {  	_ =	shalt  }
0x6e: {  	_ =	shalt  }
0x6f: {  	_ =	shalt  }
0x70: {  	_ =	shalt  }
0x71: {  	_ =	shalt  }
0x72: {  	_ =	shalt  }
0x73: {  	_ =	shalt  }
0x74: {  	_ =	shalt  }
0x75: {  	_ =	shalt  }
0x76: {  	_ =	shalt  }
0x77: {  	_ =	shalt  }
0x78: {  	_ =	shalt  }
0x79: {  	_ =	shalt  }
0x7a: {  	_ =	shalt  }
0x7b: {  	_ =	shalt  }
0x7c: {  	_ =	shalt  }
0x7d: {  	_ =	shalt  }
0x7e: {  	_ =	shalt  }
0x7f: {  	_ =	shalt  }
0x80: {  	_ =	shalt  }
0x81: {  	_ =	shalt  }
0x82: {  	_ =	shalt  }
0x83: {  	_ =	shalt  }
0x84: {  	_ =	shalt  }
0x85: {  	_ =	shalt  }
0x86: {  	_ =	shalt  }
0x87: {  	_ =	shalt  }
.Lfunc_end0:
.L_simem_size_0:
called_computation_lowered:
.L_overlay_start_0:
0x88: {  	s2 =	sld [smem:$0x3FD9]  }
0x89: {  	s3 =	sld [smem:$0x3FFE];
	_ =	sdelay $0x1  }
0x8a: {  	s1 =	srdreg.scid  }
0x8b: {  	s0 =	sand.u32 $0x1, s1  }
0x8c: {  	s16 =	sshll.u32 s0, $0xA;
	s2 =	sadd.s32 s3, s2  }
0x8d: {  	s2 =	sadd.s32 s2, s16  }
0x8e: {  	[smem:$0x3FBF] =	sst s2  }
0x8f: {  	_ = 	snop  }
0x90: {  	(tm) =	ssettm $0x1  }
0x91: {  	s17 =	sld [smem:$0x3FFB];
	_ =	sdelay $0x3  }
0x92: {  	_ =	strace s17  }
0x93: {  	s2 =	sld [smem:$0x3FFC];
	_ =	sdelay $0x3  }
0x94: {  	_ =	strace s2  }
0x95: {  	s2 =	sld [smem:$0x3FFD];
	_ =	sdelay $0x3  }
0x96: {  	_ =	strace s2  }
0x97: {  	_ =	strace $0x8FFFFFFF  }
0x98: {  	s18 =	sld [smem:$0x3FDB];
	_ =	sdelay $0x1  }
0x99: {  	s19 =	simm.s32 $_scs_section_size  }
0x9a: {  	s4 =	simm.s32 $_size__tile_overlayer_lowered;
	s5 =	simm.s32 $_tile_overlayer_lowered  }
0x9b: {  	s22 =	simm.s32 $0x1BFF;
	s21 =	sshll.u32 s5, $0x1;
	s2 =	sadd.s32 s19, s18  }
0x9c: {  	s6 =	simm.s32 $0x0;
	s20 =	sshll.u32 s4, $0x1;
	s4 =	sadd.s32 s21, s2  }
0x9d: {  	[timem:s6], [sflag:s22] =	dma.local [hbm:s4], s20  }
0x9e: {  	_ =	swait.ge [sflag:s22], s20  }
0x9f: {  	s3 =	ssub.s32 $0x0, s20;
	[sflag:s22] =	ssyncset.done $0x0  }
0xa0: {  	[sflag:s22] =	ssyncadd.s32 s3;
	_ =	sdelay $0x1  }
0xa1: {  	s23 =	simm.s32 $0x1B8B  }
0xa2: {  	_ =	swait.ge [sflag:s23], $0x1  }
0xa3: {  	[sflag:s23] =	ssyncset.done $0x0  }
0xa4: {  	s25 =	simm.s32 $0x1B8E;
	s24 =	sld [smem:$0x3FFE];
	[sflag:s23] =	ssyncadd.s32 $0xFFFFFFFF  }
0xa5: {  	s26 =	simm.s32 $execute0_lowered;
	[smem:$0x3FD2] =	sst s25  }
0xa6: {  	s4 =	sshll.u32 s26, $0x1;
	_ =	strace $0x80000046;
	[dreg:$0x1] =	wrdreg $0xFFFFFFFF  }
0xa7: {  	s28 =	simm.s32 $_size_execute0_lowered;
	s2 =	sadd.s32 s2, s4;
	[dreg:$0x0] =	wrdreg $0x0  }
0xa8: {  	s4 =	sshll.u32 s28, $0x1;
	[dreg:$0x2] =	wrdreg s2  }
0xa9: {  	[dreg:$0x3] =	wrdreg s4  }
0xaa: {  	[dreg:$0x4] =	wrdreg $0xC0  }
0xab: {  	_ =	task [dreg:s6], $0x5FFFF  }
0xac: {  	[dreg:$0x1] =	wrdreg $0xFFFFFFFF  }
0xad: {  	[dreg:$0x0] =	wrdreg $0x60  }
0xae: {  	[dreg:$0x2] =	wrdreg s24  }
0xaf: {  	[dreg:$0x3] =	wrdreg $0x9  }
0xb0: {  	_ =	task.clear_ibuf [dreg:s6], $0x4FFFF;
	_ =	strace $0x90000046  }
0xb1: {  	s29 =	simm.s32 $0x9;
	_ =	strace $0x80000048  }
0xb2: {  	_ =	swait.ge [sflag:s29], $0x1  }
0xb3: {  	[sflag:s29] =	ssyncadd.s32 $0xFFFFFFFF  }
0xb4: {  	_ =	strace $0x90000048  }
0xb5: {  	_ =	sfence  }
0xb6: {  	s30 =	sld [smem:$0x0];
	_ =	sdelay $0x2  }
0xb7: {  	s31 =	sshll.u32 s1, $0xD;
	s1 =	sshrl.u32 s1, $0x2  }
0xb8: {  	s3 =	sand.u32 $0x4000, s31;
	s1 =	sadd.s32 s1, s30  }
0xb9: {  	s0 =	sor.u32 s3, s0;
	s1 =	sshll.u32 s1, $0x11  }
0xba: {  	s0 =	sor.u32 s1, s0  }
0xbb: {  	s0 =	sadd.s32 $0x8F2B, s0  }
0xbc: {  	[sflag:s0] =	ssyncadd.remote.s32 $0x1  }
0xbd: {  	_ =	sfence.sel $0xFFFF  }
0xbe: {  	[dreg:$0x0] =	wrdreg $0xFFFFFFFF;
	(pc) =	sbr.abs _section_cstart, $3  }
0xbf: {  	[dreg:$0x1] =	wrdreg $0xFFFFFFFF  }
0xc0: {  	_ =	task.clear_ibuf [dreg:s6], $0x2FFFF;
	_ =	strace $0x9FFFFFFF  }
0xc1: {  	(tm) =	ssettm $0x7FFFFFFF  }
tec
execute0_lowered:
.L_overlay_start_1:
0x0: {  	(tag) =	ssettag $0x1  }
0x1: {  	s1 =	srdreg.scid  }
0x2: {  	s0 =	stileid.u32;
	s5 =	rddreg [dreg:$0x0]  }
0x3: {  	s2 =	simm.s32 $0x0;
	s8 =	simm.s32 $0x80;
	s9 =	simm.s32 $0x400  }
0x4: {  	s10 =	simm.s32 $0x0;
	s3 =	sand.u32 $0x1, s1;
	s29 =	sshll.u32 s0, $0x1  }
0x5: {  	s30 =	sshrl.u32 s0, $0x2;
	s1 =	rddreg [dreg:$0x1];
	s4 =	sor.u32 s3, s29  }
0x6: {  	[smem:$0x7FF] =	sst s2;
	s6 =	smul.u32 $0x13C00, s30;
	s7 =	sshll.u32 s4, $0x7  }
0x7: {  	s3 =	ssub.s32 $0x2, s3;
	s4 =	smul.u32 $0x4E2, s4;
	s7 =	sand.u32 $0x380, s7  }
0x8: {  	_ =	strace $0x80000047;
	s31 =	sshrl.u32 s3, $0x1;
	s6 =	sor.u32 s6, s7  }
0x9: {  	s4 =	sadd.s32 s4, s5;
	s7 =	simm.s32 $0x1;
	s6 =	sshrl.u32 s6, $0x3  }
0xa: {  	s5 =	sadd.s32 s6, s5;
	s6 =	ssub.s32 s3, s31;
	s3 =	sadd.s32 $0x3000, s4  }
0xb: {  	v0 =	vimm.f32 $0.0e+00;
	v1 =	vimm.f32 $1.000000000e+00;
	s4 =	sadd.s32 $0xCE00, s5;
	s5 =	smax.u32 s6, $0x1;
	s6 =	simm.s32 $0x2780  }
.LBB2_1:
0xc: {  	s11 =	simm.s32 $0x40;
	s12 =	simm.s32 $0x0  }
.LBB2_2:
0xd: {  	p0 =	sne.s32 s11, $0x9C00;
	[tilespmem:s12+$0x0] =	vst v0;
	s12 =	smov.u32 s11;
	s11 =	sadd.s32 $0x40, s11  }
.Ltmp0:
0xe: {  	(pc) =	sbr.rel @p0 .LBB2_2-.Ltmp0, $2  }
0xf: {  	_ =	sdelay $0x2  }
0x10: {  	s12 =	sshra.s32 s12, $0x2  }
0x11: {  	[tilespmem:s12+$0x0] =	vst v0;
	s11 =	simm.s32 $0x0  }
0x12: {  	[tilespmem:s6], [sflag:$0x1] =	stream.linear.gather [hbm4b:s3+s11], $0x2710, $0x38;
	[tilespmem:$0x4F00] =	vst v63  }
0x13: {  	_ =	swait.ge [sflag:s7], $0x2710  }
0x14: {  	[sflag:s7] =	ssyncset.done $0x0  }
0x15: {  	s12 =	simm.s32 $0x0;
	s11 =	simm.s32 $0x40;
	[sflag:s7] =	ssyncadd.s32 $0xFFFFD8F0  }
.LBB2_4:
0x16: {  	p0 =	sne.s32 s11, $0x9C00;
	v2 =	vld [tilespmem:s12+$0x2780];
	_ =	sdelay $0x3  }
.Ltmp1:
0x17: {  	(pc) =	sbr.rel @p0 .LBB2_4-.Ltmp1, $2  }
0x18: {  	_ =	sdelay $0x2  }
0x19: {  	s12 =	sshra.s32 s11, $0x2;
	s11 =	sadd.s32 $0x40, s11;
	[tilespmem:v2+s2+$0x0] =	vst.idx.add.f32.msk $0xffff, v1  }
0x1a: {  	v2 =	vld [tilespmem:s12+$0x2780];
	_ =	sdelay $0x5  }
0x1b: {  	s10 =	sadd.s32 $0x1, s10  }
0x1c: {  	p0 =	sne.s32 s10, s5  }
.Ltmp2:
0x1d: {  	[tilespmem:v2+s2+$0x0] =	vst.idx.add.f32.msk $0xffff, v1;
	(pc) =	sbr.rel @p0 .LBB2_1-.Ltmp2, $4  }
0x1e: {  	[hbm4b:s4+s8] =	stream.strided.scatter [tilespmem:s2], [sflag:$0x1], $0x2780, s9, s8, $0x38;
	[tilespmem:$0x4F00] =	vst v63  }
0x1f: {  	_ =	swait.ge [sflag:s7], $0x2780  }
0x20: {  	[sflag:s7] =	ssyncset.done $0x0  }
0x21: {  	[sflag:s7] =	ssyncadd.s32 $0xFFFFD880  }
0x22: {  	_ =	sfence.sel $0x180000  }
0x23: {  	[bflag:$0x0] =	sbarrier.arrive $0xFFFF  }
0x24: {  	p0 =	sne.s32 s0, $0x0;
	_ =	strace $0x90000047  }
0x25: {  	s0 =	sadd.s32 @!p0 $0x100000, s1;
	[bflag:$0x2] =	sbarrier.arrive $0xFFFF  }
0x26: {  	[sflag:s0] =	ssyncadd.tile.s32 @!p0 $0x1;
	_ =	shalt  }
.Lfunc_end2:
_tile_overlayer_lowered:
.L_overlay_start_2:
0x27: {  	(tag) =	ssettag $0x2  }
0x28: {  	s0 =	rddreg [dreg:$0x0];
	s2 =	stileid.u32  }
0x29: {  	s1 =	rddreg [dreg:$0x1];
	p0 =	sne.s32 s2, $0x0  }
0x2a: {  	s3 =	rddreg [dreg:$0x2];
	[bflag:$0x3] =	sbarrier.arrive $0xFFFF;
	s2 =	simm.s32 @!p0 $0x1C01  }
0x2b: {  	[timem:s3], [sflag:s2] =	dma.local @!p0 [hbm:s0], s1  }
0x2c: {  	s0 =	simm.s32 @!p0 $0x1  }
0x2d: {  	_ =	swait.ge @!p0 [sflag:s0], s1  }
0x2e: {  	s1 =	ssub.s32 @!p0 $0x0, s1;
	[sflag:s0] =	ssyncset.done @!p0 $0x0  }
0x2f: {  	[sflag:s0] =	ssyncadd.s32 @!p0 s1  }
0x30: {  	[bflag:$0x3] =	sbarrier.arrive $0xFFFF  }
0x31: {  	_ =	shalt  }

// kernel: kernel.14.cloned.1.call-start
scs
__scs_entry_jumppad:
0x0: {  	(pc) =	sbr.rel $0x88, $3  }
0x1: {  	(tag) =	ssettag $0x0;
	lr =	simm.s32 $0x1  }
0x2: {  	[smem:$0x3F98] =	sst lr;
	_ =	strace $0xD0000000  }
0x3: {  	_ = 	snop  }
0x4: {  	_ = 	snop  }
0x5: {  	_ = 	snop  }
0x6: {  	_ = 	snop  }
0x7: {  	_ = 	snop  }
__scs_overlays_trampoline_lowered:
0x8: {  	[smem:$0x3FA7] =	sst s0  }
0x9: {  	[smem:$0x3FA8] =	sst s1  }
0xa: {  	[smem:$0x3FA9] =	sst s2  }
0xb: {  	[smem:$0x3FAA] =	sst s3  }
0xc: {  	[smem:$0x3FAB] =	sst s4  }
0xd: {  	[smem:$0x3FAC] =	sst s5  }
0xe: {  	[smem:$0x3FAD] =	sst s6  }
0xf: {  	[smem:$0x3FAE] =	sst s7  }
0x10: {  	[smem:$0x3FAF] =	sst s8  }
0x11: {  	[smem:$0x3FB0] =	sst s9;
	s0 =	simm.s32 @!p0 $0x0  }
0x12: {  	s1 =	sld [smem:$0x3F96];
	s0 =	simm.s32 @p0 $0x1  }
0x13: {  	[smem:$0x3FB1] =	sst s0;
	s0 =	simm.s32 @!p1 $0x0  }
0x14: {  	s2 =	sld [smem:$0x3F95];
	s0 =	simm.s32 @p1 $0x1  }
0x15: {  	[smem:$0x3FB2] =	sst s0;
	s0 =	simm.s32 @!p2 $0x0  }
0x16: {  	s3 =	sld [smem:$0x3FDB];
	s0 =	simm.s32 @p2 $0x1  }
0x17: {  	s4 =	simm.s32 $0x1BF5;
	[smem:$0x3FB4] =	sst s0  }
0x18: {  	s0 =	sld [smem:$0x3F97];
	_ =	swait.ge [sflag:s4], $0x0  }
0x19: {  	s7 =	sld [smem:$0x3F98]  }
0x1a: {  	s8 =	sadd.s32 $0xFFFFE003, lr  }
0x1b: {  	s9 =	sadd.s32 $0xFFFFFEF7, lr;
	s5 =	simm.s32 $0xFFFFFFFF;
	p2 =	slt.u32 s8, $0xFFFFF086  }
0x1c: {  	p1 =	slt.u32 s9, $0xF7A;
	s5 =	simm.s32 @!p2 $0x0  }
0x1d: {  	s5 =	simm.s32 @p1 $0x1;
	p0 =	seq.s32 s7, s2  }
0x1e: {  	s7 =	smul.u32 @!p0 $0xF7A, s2;
	p2 =	seq.s32 @!p0 s5, $0x0  }
0x1f: {  	s9 =	smul.u32 $0xF7A, s1;
	s8 =	simm.s32 @!p0 $0x1BF5;
	p2 =	por !p2, p0  }
0x20: {  	[sflag:s8] =	ssyncset.s32 @!p0 $0xFFFFF086;
	s6 =	sadd.s32 @!p0 s3, s7;
	s7 =	simm.s32 @!p0 $0x108  }
0x21: {  	s3 =	sadd.s32 s3, s9;
	s6 =	sadd.s32 @!p0 $0x88, s6;
	s7 =	simm.s32 @p2 $0x1082  }
0x22: {  	[simem:s7], [sflag:s8] =	dma.local @!p0 [hbm:s6], $0xF7A  }
0x23: {  	s9 =	sor.u32 $0xD0000000, s2;
	s6 =	simm.s32 $0x108;
	_ =	swait.ge @!p0 [sflag:s8], $0x0  }
0x24: {  	s3 =	sadd.s32 $0x88, s3;
	s6 =	simm.s32 @!p1 $0x1082;
	[sflag:s4] =	ssyncset.s32 $0xFFFFF086  }
0x25: {  	[simem:s6], [sflag:s4] =	dma.local [hbm:s3], $0xF7A  }
0x26: {  	[smem:$0x3F98] =	sst s1;
	(tag) =	ssettag s2;
	_ =	strace s9  }
0x27: {  	s1 =	sld [smem:$0x3FA8]  }
0x28: {  	s2 =	sld [smem:$0x3FA9]  }
0x29: {  	s4 =	sld [smem:$0x3FAB]  }
0x2a: {  	p0 =	seq.s32 s5, $0x0;
	s5 =	sld [smem:$0x3FAC]  }
0x2b: {  	s6 =	sld [smem:$0x3FAD]  }
0x2c: {  	s7 =	sld [smem:$0x3FAE]  }
0x2d: {  	s3 =	simm.s32 $0x108;
	s8 =	sld [smem:$0x3FAF]  }
0x2e: {  	s3 =	simm.s32 @!p0 $0x1082;
	s9 =	sld [smem:$0x3FB0]  }
0x2f: {  	lr =	sadd.s32 s0, s3;
	s0 =	sld [smem:$0x3FA7]  }
0x30: {  	s3 =	sld [smem:$0x3FAA]  }
0x31: {  	[smem:$0x3FB3] =	sst s10  }
0x32: {  	s10 =	sld [smem:$0x3FB1];
	_ =	sdelay $0x3  }
0x33: {  	p0 =	seq.s32 s10, $0x1;
	s10 =	sld [smem:$0x3FB3];
	_ =	sdelay $0x3  }
0x34: {  	[smem:$0x3FB3] =	sst s10  }
0x35: {  	s10 =	sld [smem:$0x3FB2];
	_ =	sdelay $0x3  }
0x36: {  	p1 =	seq.s32 s10, $0x1;
	s10 =	sld [smem:$0x3FB3];
	_ =	sdelay $0x3  }
0x37: {  	[smem:$0x3FB3] =	sst s10  }
0x38: {  	s10 =	sld [smem:$0x3FB4]  }
0x39: {  	_ = 	snop;
	(pc) =	sbr.ind lr, $3  }
0x3a: {  	_ = 	snop  }
0x3b: {  	_ = 	snop  }
0x3c: {  	p2 =	seq.s32 s10, $0x1;
	s10 =	sld [smem:$0x3FB3]  }
0x3d: {  	_ =	shalt  }
0x3e: {  	_ =	shalt  }
0x3f: {  	_ =	shalt  }
0x40: {  	_ =	shalt  }
0x41: {  	_ =	shalt  }
0x42: {  	_ =	shalt  }
0x43: {  	_ =	shalt  }
0x44: {  	_ =	shalt  }
0x45: {  	_ =	shalt  }
0x46: {  	_ =	shalt  }
0x47: {  	_ =	shalt  }
0x48: {  	_ =	shalt  }
0x49: {  	_ =	shalt  }
0x4a: {  	_ =	shalt  }
0x4b: {  	_ =	shalt  }
0x4c: {  	_ =	shalt  }
0x4d: {  	_ =	shalt  }
0x4e: {  	_ =	shalt  }
0x4f: {  	_ =	shalt  }
0x50: {  	_ =	shalt  }
0x51: {  	_ =	shalt  }
0x52: {  	_ =	shalt  }
0x53: {  	_ =	shalt  }
0x54: {  	_ =	shalt  }
0x55: {  	_ =	shalt  }
0x56: {  	_ =	shalt  }
0x57: {  	_ =	shalt  }
0x58: {  	_ =	shalt  }
0x59: {  	_ =	shalt  }
0x5a: {  	_ =	shalt  }
0x5b: {  	_ =	shalt  }
0x5c: {  	_ =	shalt  }
0x5d: {  	_ =	shalt  }
0x5e: {  	_ =	shalt  }
0x5f: {  	_ =	shalt  }
0x60: {  	_ =	shalt  }
0x61: {  	_ =	shalt  }
0x62: {  	_ =	shalt  }
0x63: {  	_ =	shalt  }
0x64: {  	_ =	shalt  }
0x65: {  	_ =	shalt  }
0x66: {  	_ =	shalt  }
0x67: {  	_ =	shalt  }
0x68: {  	_ =	shalt  }
0x69: {  	_ =	shalt  }
0x6a: {  	_ =	shalt  }
0x6b: {  	_ =	shalt  }
0x6c: {  	_ =	shalt  }
0x6d: {  	_ =	shalt  }
0x6e: {  	_ =	shalt  }
0x6f: {  	_ =	shalt  }
0x70: {  	_ =	shalt  }
0x71: {  	_ =	shalt  }
0x72: {  	_ =	shalt  }
0x73: {  	_ =	shalt  }
0x74: {  	_ =	shalt  }
0x75: {  	_ =	shalt  }
0x76: {  	_ =	shalt  }
0x77: {  	_ =	shalt  }
0x78: {  	_ =	shalt  }
0x79: {  	_ =	shalt  }
0x7a: {  	_ =	shalt  }
0x7b: {  	_ =	shalt  }
0x7c: {  	_ =	shalt  }
0x7d: {  	_ =	shalt  }
0x7e: {  	_ =	shalt  }
0x7f: {  	_ =	shalt  }
0x80: {  	_ =	shalt  }
0x81: {  	_ =	shalt  }
0x82: {  	_ =	shalt  }
0x83: {  	_ =	shalt  }
0x84: {  	_ =	shalt  }
0x85: {  	_ =	shalt  }
0x86: {  	_ =	shalt  }
0x87: {  	_ =	shalt  }
.Lfunc_end0:
.L_simem_size_0:
called_computation.1_lowered:
.L_overlay_start_0:
0x88: {  	s2 =	sld [smem:$0x3FD9]  }
0x89: {  	s3 =	sld [smem:$0x3FFE];
	_ =	sdelay $0x1  }
0x8a: {  	s1 =	srdreg.scid  }
0x8b: {  	s0 =	sand.u32 $0x1, s1  }
0x8c: {  	s16 =	sshll.u32 s0, $0xA;
	s2 =	sadd.s32 s3, s2  }
0x8d: {  	s2 =	sadd.s32 s2, s16  }
0x8e: {  	[smem:$0x3FBF] =	sst s2  }
0x8f: {  	_ = 	snop  }
0x90: {  	(tm) =	ssettm $0x1  }
0x91: {  	s17 =	sld [smem:$0x3FFB];
	_ =	sdelay $0x3  }
0x92: {  	_ =	strace s17  }
0x93: {  	s2 =	sld [smem:$0x3FFC];
	_ =	sdelay $0x3  }
0x94: {  	_ =	strace s2  }
0x95: {  	s2 =	sld [smem:$0x3FFD];
	_ =	sdelay $0x3  }
0x96: {  	_ =	strace s2  }
0x97: {  	_ =	strace $0x8FFFFFFF  }
0x98: {  	s18 =	sld [smem:$0x3FDB];
	_ =	sdelay $0x1  }
0x99: {  	s19 =	simm.s32 $_scs_section_size  }
0x9a: {  	s4 =	simm.s32 $_size__tile_overlayer_lowered;
	s5 =	simm.s32 $_tile_overlayer_lowered  }
0x9b: {  	s22 =	simm.s32 $0x1BFF;
	s21 =	sshll.u32 s5, $0x1;
	s2 =	sadd.s32 s19, s18  }
0x9c: {  	s6 =	simm.s32 $0x0;
	s20 =	sshll.u32 s4, $0x1;
	s4 =	sadd.s32 s21, s2  }
0x9d: {  	[timem:s6], [sflag:s22] =	dma.local [hbm:s4], s20  }
0x9e: {  	_ =	swait.ge [sflag:s22], s20  }
0x9f: {  	s3 =	ssub.s32 $0x0, s20;
	[sflag:s22] =	ssyncset.done $0x0  }
0xa0: {  	[sflag:s22] =	ssyncadd.s32 s3;
	_ =	sdelay $0x1  }
0xa1: {  	s23 =	simm.s32 $0x1B8B  }
0xa2: {  	_ =	swait.ge [sflag:s23], $0x1  }
0xa3: {  	[sflag:s23] =	ssyncset.done $0x0  }
0xa4: {  	s25 =	simm.s32 $0x1B8E;
	s24 =	sld [smem:$0x3FFE];
	[sflag:s23] =	ssyncadd.s32 $0xFFFFFFFF  }
0xa5: {  	s26 =	simm.s32 $execute0_lowered;
	[smem:$0x3FD2] =	sst s25  }
0xa6: {  	s4 =	sshll.u32 s26, $0x1;
	_ =	strace $0x80000049;
	[dreg:$0x1] =	wrdreg $0xFFFFFFFF  }
0xa7: {  	s28 =	simm.s32 $_size_execute0_lowered;
	s2 =	sadd.s32 s2, s4;
	[dreg:$0x0] =	wrdreg $0x0  }
0xa8: {  	s4 =	sshll.u32 s28, $0x1;
	[dreg:$0x2] =	wrdreg s2  }
0xa9: {  	[dreg:$0x3] =	wrdreg s4  }
0xaa: {  	[dreg:$0x4] =	wrdreg $0xC0  }
0xab: {  	_ =	task [dreg:s6], $0x5FFFF  }
0xac: {  	[dreg:$0x1] =	wrdreg $0xFFFFFFFF  }
0xad: {  	[dreg:$0x0] =	wrdreg $0x60  }
0xae: {  	[dreg:$0x2] =	wrdreg s24  }
0xaf: {  	[dreg:$0x3] =	wrdreg $0x90000  }
0xb0: {  	[dreg:$0x4] =	wrdreg $0x9  }
0xb1: {  	_ =	task.clear_ibuf [dreg:s6], $0x5FFFF;
	_ =	strace $0x90000049  }
0xb2: {  	s29 =	simm.s32 $0x9;
	_ =	strace $0x8000004B  }
0xb3: {  	_ =	swait.ge [sflag:s29], $0x1  }
0xb4: {  	[sflag:s29] =	ssyncadd.s32 $0xFFFFFFFF  }
0xb5: {  	_ =	strace $0x9000004B  }
0xb6: {  	_ =	sfence  }
0xb7: {  	s30 =	sld [smem:$0x0];
	_ =	sdelay $0x2  }
0xb8: {  	s31 =	sshll.u32 s1, $0xD;
	s1 =	sshrl.u32 s1, $0x2  }
0xb9: {  	s3 =	sand.u32 $0x4000, s31;
	s1 =	sadd.s32 s1, s30  }
0xba: {  	s0 =	sor.u32 s3, s0;
	s1 =	sshll.u32 s1, $0x11  }
0xbb: {  	s0 =	sor.u32 s1, s0  }
0xbc: {  	s0 =	sadd.s32 $0x8F2B, s0  }
0xbd: {  	[sflag:s0] =	ssyncadd.remote.s32 $0x1  }
0xbe: {  	_ =	sfence.sel $0xFFFF  }
0xbf: {  	[dreg:$0x0] =	wrdreg $0xFFFFFFFF;
	(pc) =	sbr.abs _section_cstart, $3  }
0xc0: {  	[dreg:$0x1] =	wrdreg $0xFFFFFFFF  }
0xc1: {  	_ =	task.clear_ibuf [dreg:s6], $0x2FFFF;
	_ =	strace $0x9FFFFFFF  }
0xc2: {  	(tm) =	ssettm $0x7FFFFFFF  }
0xc3: {  	_ =	shalt  }
tec
execute0_lowered:
.L_overlay_start_1:
0x0: {  	(tag) =	ssettag $0x1  }
0x1: {  	s0 =	rddreg [dreg:$0x0]  }
0x2: {  	s1 =	rddreg [dreg:$0x1];
	s3 =	simm.s32 $0x0  }
0x3: {  	s2 =	srdreg.scid;
	s22 =	stileid.u32;
	s28 =	simm.s32 $0x80  }
0x4: {  	s29 =	simm.s32 $0x1000;
	s30 =	simm.s32 $0x1;
	s31 =	simm.s32 $0x5000  }
0x5: {  	[smem:$0x7FF] =	sst s3;
	s4 =	sadd.s32 $0x2AC00, s0;
	s25 =	smul.u32 $0x4E000, s22  }
0x6: {  	s2 =	sand.u32 $0x1, s2;
	s5 =	sshll.u32 s22, $0x1;
	s15 =	smul.u32 $0x2700, s22  }
0x7: {  	s10 =	sadd.s32 $0x16C00, s0;
	s11 =	sadd.s32 $0x20C00, s0;
	s17 =	smul.u32 $0x13800, s22  }
0x8: {  	s12 =	sadd.s32 $0x51E00, s0;
	s18 =	smul.u32 $0x14, s22;
	s0 =	sadd.s32 $0x51C00, s0  }
0x9: {  	p1 =	sne.s32 s22, $0xF;
	_ =	strace $0x8000004A;
	s6 =	ssub.s32 $0x2, s2  }
0xa: {  	s5 =	sor.u32 s2, s5;
	s16 =	smul.u32 $0x13A800, s2;
	[dreg:$0xa] =	wrdreg s0  }
0xb: {  	s7 =	sshrl.u32 s6, $0x1;
	s8 =	smul.u32 $0x500, s5;
	s21 =	sadd.s32 s4, s15  }
0xc: {  	p0 =	sne.s32 s2, $0x0;
	s13 =	ssub.s32 s6, s7;
	[dreg:$0x9] =	wrdreg s21  }
0xd: {  	s23 =	sadd.s32 s17, s16;
	s16 =	sshrl.u32 s16, $0x3;
	s5 =	sadd.s32 s10, s8  }
0xe: {  	s26 =	sadd.s32 s11, s8;
	s9 =	sor.u32 $0x80, s8;
	[dreg:$0x3] =	wrdreg s5  }
0xf: {  	s0 =	sshrl.u32 s23, $0x3;
	[dreg:$0x4] =	wrdreg s26;
	s5 =	sshrl.u32 s25, $0x2  }
0x10: {  	s7 =	sadd.s32 s10, s9;
	s9 =	sadd.s32 s11, s9;
	s8 =	sadd.s32 s5, s1  }
0x11: {  	s17 =	sadd.s32 s12, s0;
	s25 =	sadd.s32 s12, s16;
	s19 =	sadd.s32 $0xC000, s8  }
0x12: {  	s6 =	sadd.s32 $0x4000, s8;
	[dreg:$0x7] =	wrdreg s19;
	s19 =	smul.u32 $0xA, s2  }
0x13: {  	s0 =	simm.s32 $0x2;
	s14 =	sadd.s32 $0x8000, s8;
	[dreg:$0x5] =	wrdreg s6  }
0x14: {  	s20 =	sadd.s32 $0x10000, s8;
	[dreg:$0x6] =	wrdreg s14;
	s24 =	sadd.s32 s19, s18  }
0x15: {  	[dreg:$0x8] =	wrdreg s20;
	s14 =	sadd.s32 $0x138000, s1;
	s15 =	sshll.u32 s24, $0x7  }
0x16: {  	s18 =	sadd.s32 $0x27000, s25;
	s19 =	smax.u32 s13, $0x1;
	s26 =	sadd.s32 $0x100, s15  }
0x17: {  	s25 =	simm.s32 $0x5;
	s20 =	sadd.s32 s26, s10;
	s21 =	sadd.s32 s26, s11  }
0x18: {  	v0 =	vimm.f32 $0.0e+00;
	s26 =	simm.s32 $0x4;
	s10 =	simm.s32 $0x3;
	s11 =	simm.s32 $0x0  }
.LBB2_1:
0x19: {  	s2 =	rddreg [dreg:$0x3]  }
0x1a: {  	[tilespmem:s3], [sflag:$0x4] =	stream.linear.gather [hbm4b:s2+s3], $0x400, $0x38;
	[tilespmem:$0x1CA80] =	vst v63  }
0x1b: {  	s16 =	rddreg [dreg:$0x4];
	s5 =	simm.s32 $0x800  }
0x1c: {  	[tilespmem:s5], [sflag:$0x4] =	stream.linear.gather [hbm4b:s16+s3], $0x400, $0x38;
	[tilespmem:$0x1CA80] =	vst v63  }
.Ltmp0:
0x1d: {  	s24 =	stileid.u32;
	(pc) =	sbr.rel @p0 .LBB2_3-.Ltmp0, $4  }
0x1e: {  	s22 =	simm.s32 $0x400;
	s23 =	simm.s32 $0xC00;
	s2 =	sshll.u32 s24, $0x6  }
0x1f: {  	[tilespmem:s22], [sflag:$0x4] =	stream.linear.gather [hbm4b:s7+s3], $0x400, $0x38;
	[tilespmem:$0x1CA80] =	vst v63  }
0x20: {  	s15 =	sshrl.u32 s8, $0x3;
	s12 =	sshrl.u32 @!p1 s14, $0x3;
	s13 =	sor.u32 $0x1C05, s2  }
0x21: {  	[tilespmem:s23], [sflag:$0x4] =	stream.linear.gather [hbm4b:s9+s3], $0x400, $0x38;
	[tilespmem:$0x1CA80] =	vst v63  }
0x22: {  	s2 =	rddreg [dreg:$0x9]  }
0x23: {  	[spmem:s15], [sflag:s13] =	dma.local [hbm:s2], $0x2700  }
0x24: {  	_ =	swait.ge [sflag:s25], $0x2700  }
0x25: {  	[sflag:s25] =	ssyncset.done $0x0  }
0x26: {  	s2 =	rddreg [dreg:$0xa];
	[sflag:s25] =	ssyncadd.s32 $0xFFFFD900  }
0x27: {  	[spmem:s12], [sflag:s13] =	dma.local @!p1 [hbm:s2], $0x100  }
.Ltmp1:
0x28: {  	_ = 	snop;
	(pc) =	sbr.rel .LBB2_6-.Ltmp1, $4  }
0x29: {  	s2 =	simm.s32 @!p1 $0x5  }
0x2a: {  	_ =	swait.ge @!p1 [sflag:s2], $0x100  }
0x2b: {  	[sflag:s2] =	ssyncset.done @!p1 $0x0  }
0x2c: {  	[sflag:s2] =	ssyncadd.s32 @!p1 $0xFFFFFF00  }
.LBB2_3:
0x2d: {  	s2 =	sshra.s32 s3, $0x2;
	s16 =	sadd.s32 $0x200, s3  }
.LBB2_4:
0x2e: {  	p2 =	sne.s32 s16, $0xFE00;
	[tilespmem:s2+$0x1070] =	vst v0  }
0x2f: {  	[tilespmem:s2+$0x1000] =	vst v0  }
0x30: {  	[tilespmem:s2+$0x1010] =	vst v0  }
.Ltmp2:
0x31: {  	[tilespmem:s2+$0x1020] =	vst v0;
	(pc) =	sbr.rel @p2 .LBB2_4-.Ltmp2, $4  }
0x32: {  	[tilespmem:s2+$0x1030] =	vst v0  }
0x33: {  	[tilespmem:s2+$0x1040] =	vst v0  }
0x34: {  	[tilespmem:s2+$0x1050] =	vst v0  }
0x35: {  	[tilespmem:s2+$0x1060] =	vst v0;
	s2 =	sshra.s32 s16, $0x2;
	s16 =	sadd.s32 $0x200, s16  }
0x36: {  	[tilespmem:s2+$0x1070] =	vst v0  }
0x37: {  	[tilespmem:s2+$0x1000] =	vst v0  }
0x38: {  	[tilespmem:s2+$0x1010] =	vst v0  }
0x39: {  	[tilespmem:s2+$0x1020] =	vst v0  }
0x3a: {  	[tilespmem:s2+$0x1030] =	vst v0  }
0x3b: {  	[tilespmem:s2+$0x1040] =	vst v0  }
0x3c: {  	[tilespmem:s2+$0x1050] =	vst v0  }
0x3d: {  	[tilespmem:s2+$0x1060] =	vst v0  }
0x3e: {  	[spmem:s8] =	stream.linear.scatter [tilespmem:s29], [sflag:$0x5], $0x4000, $0x38;
	[tilespmem:$0x1CA80] =	vst v63  }
0x3f: {  	_ =	swait.ge [sflag:s25], $0x4000  }
0x40: {  	[sflag:s25] =	ssyncset.done $0x0  }
0x41: {  	s16 =	rddreg [dreg:$0x5];
	[sflag:s25] =	ssyncadd.s32 $0xFFFFC000  }
0x42: {  	[spmem:s16] =	stream.linear.scatter [tilespmem:s29], [sflag:$0x5], $0x4000, $0x38;
	[tilespmem:$0x1CA80] =	vst v63  }
0x43: {  	_ =	swait.ge [sflag:s25], $0x4000  }
0x44: {  	[sflag:s25] =	ssyncset.done $0x0  }
0x45: {  	s22 =	rddreg [dreg:$0x6];
	[sflag:s25] =	ssyncadd.s32 $0xFFFFC000  }
0x46: {  	[spmem:s22] =	stream.linear.scatter [tilespmem:s29], [sflag:$0x5], $0x4000, $0x38;
	[tilespmem:$0x1CA80] =	vst v63  }
0x47: {  	_ =	swait.ge [sflag:s25], $0x4000  }
0x48: {  	[sflag:s25] =	ssyncset.done $0x0  }
0x49: {  	s23 =	rddreg [dreg:$0x7];
	[sflag:s25] =	ssyncadd.s32 $0xFFFFC000  }
0x4a: {  	[spmem:s23] =	stream.linear.scatter [tilespmem:s29], [sflag:$0x5], $0x4000, $0x38;
	[tilespmem:$0x1CA80] =	vst v63  }
0x4b: {  	_ =	swait.ge [sflag:s25], $0x4000  }
0x4c: {  	[sflag:s25] =	ssyncset.done $0x0  }
0x4d: {  	s24 =	rddreg [dreg:$0x8];
	[sflag:s25] =	ssyncadd.s32 $0xFFFFC000  }
0x4e: {  	[spmem:s24] =	stream.linear.scatter [tilespmem:s29], [sflag:$0x5], $0x3800, $0x38;
	[tilespmem:$0x1CA80] =	vst v63  }
0x4f: {  	_ =	swait.ge [sflag:s25], $0x3800  }
0x50: {  	[sflag:s25] =	ssyncset.done $0x0  }
0x51: {  	s2 =	simm.s32 @!p1 $0x1000;
	[sflag:s25] =	ssyncadd.s32 $0xFFFFC800  }
0x52: {  	[spmem:s14] =	stream.linear.scatter @!p1 [tilespmem:s2], [sflag:$0x5], $0x800, $0x38;
	[tilespmem:$0x1CA80] =	vst v63  }
0x53: {  	s2 =	simm.s32 @!p1 $0x5  }
0x54: {  	_ =	swait.ge @!p1 [sflag:s2], $0x800  }
0x55: {  	[sflag:s2] =	ssyncset.done @!p1 $0x0  }
0x56: {  	[sflag:s2] =	ssyncadd.s32 @!p1 $0xFFFFF800  }
.LBB2_6:
0x57: {  	[bflag:$0x0] =	sbarrier.arrive $0xFFFF  }
0x58: {  	_ =	swait.ge [sflag:s26], $0x400  }
0x59: {  	[sflag:s26] =	ssyncset.done $0x0  }
0x5a: {  	[sflag:s26] =	ssyncadd.s32 $0xFFFFFC00  }
0x5b: {  	_ =	swait.ge [sflag:s26], $0x400  }
0x5c: {  	s16 =	simm.s32 $0x0;
	[sflag:s26] =	ssyncset.done $0x0  }
0x5d: {  	s22 =	simm.s32 $0x0;
	s23 =	simm.s32 $0x0;
	[sflag:s26] =	ssyncadd.s32 $0xFFFFFC00  }
0x5e: {  	[tilespmem:s29], [sflag:$0x1] =	stream.indirect.gather [hbm4b:s4+s28], $0x80, s16, s28, $0xb8;
	[tilespmem:$0x1CA80] =	vst v63  }
.LBB2_7:
0x5f: {  	_ =	swait.ge [sflag:s30], $0x4000  }
0x60: {  	s24 =	sand.u32 $0x400, s16;
	p2 =	seq.s32 s22, $0x0;
	[sflag:s30] =	ssyncset.done $0x0  }
0x61: {  	s2 =	sor.u32 $0x800, s24;
	s5 =	simm.s32 @!p2 $0x3;
	[sflag:s30] =	ssyncadd.s32 $0xFFFFC000  }
0x62: {  	[spmem:s1] =	stream.indirect.scatter.add.f32 [tilespmem:s29], [sflag:$0x2], $0x80, s2, s28, $0xb8;
	[tilespmem:$0x1CA80] =	vst v63  }
0x63: {  	_ =	swait.ge @!p2 [sflag:s5], $0x4000  }
0x64: {  	[sflag:s5] =	ssyncset.done @!p2 $0x0  }
0x65: {  	s6 =	sor.u32 $0x80, s24;
	[sflag:s5] =	ssyncadd.s32 @!p2 $0xFFFFC000  }
0x66: {  	[tilespmem:s31], [sflag:$0x1] =	stream.indirect.gather [hbm4b:s4+s28], $0x80, s6, s28, $0xb8;
	[tilespmem:$0x1CA80] =	vst v63  }
0x67: {  	_ =	swait.ge [sflag:s30], $0x4000  }
0x68: {  	[sflag:s30] =	ssyncset.done $0x0  }
0x69: {  	s6 =	sor.u32 $0x880, s24;
	[sflag:s30] =	ssyncadd.s32 $0xFFFFC000  }
0x6a: {  	[spmem:s1] =	stream.indirect.scatter.add.f32 [tilespmem:s31], [sflag:$0x3], $0x80, s6, s28, $0xb8;
	[tilespmem:$0x1CA80] =	vst v63  }
0x6b: {  	_ =	swait.ge [sflag:s0], $0x4000  }
0x6c: {  	[sflag:s0] =	ssyncset.done $0x0  }
0x6d: {  	s6 =	sor.u32 $0x100, s24;
	[sflag:s0] =	ssyncadd.s32 $0xFFFFC000  }
0x6e: {  	[tilespmem:s29], [sflag:$0x1] =	stream.indirect.gather [hbm4b:s4+s28], $0x80, s6, s28, $0xb8;
	[tilespmem:$0x1CA80] =	vst v63  }
0x6f: {  	_ =	swait.ge [sflag:s30], $0x4000  }
0x70: {  	[sflag:s30] =	ssyncset.done $0x0  }
0x71: {  	s6 =	sor.u32 $0x900, s24;
	[sflag:s30] =	ssyncadd.s32 $0xFFFFC000  }
0x72: {  	[spmem:s1] =	stream.indirect.scatter.add.f32 [tilespmem:s29], [sflag:$0x2], $0x80, s6, s28, $0xb8;
	[tilespmem:$0x1CA80] =	vst v63  }
0x73: {  	_ =	swait.ge [sflag:s10], $0x4000  }
0x74: {  	[sflag:s10] =	ssyncset.done $0x0  }
0x75: {  	s6 =	sor.u32 $0x180, s24;
	[sflag:s10] =	ssyncadd.s32 $0xFFFFC000  }
0x76: {  	[tilespmem:s31], [sflag:$0x1] =	stream.indirect.gather [hbm4b:s4+s28], $0x80, s6, s28, $0xb8;
	[tilespmem:$0x1CA80] =	vst v63  }
0x77: {  	_ =	swait.ge [sflag:s30], $0x4000  }
0x78: {  	[sflag:s30] =	ssyncset.done $0x0  }
0x79: {  	s6 =	sor.u32 $0x980, s24;
	[sflag:s30] =	ssyncadd.s32 $0xFFFFC000  }
0x7a: {  	[spmem:s1] =	stream.indirect.scatter.add.f32 [tilespmem:s31], [sflag:$0x3], $0x80, s6, s28, $0xb8;
	[tilespmem:$0x1CA80] =	vst v63  }
0x7b: {  	_ =	swait.ge [sflag:s0], $0x4000  }
0x7c: {  	[sflag:s0] =	ssyncset.done $0x0  }
0x7d: {  	s6 =	sor.u32 $0x200, s24;
	[sflag:s0] =	ssyncadd.s32 $0xFFFFC000  }
0x7e: {  	[tilespmem:s29], [sflag:$0x1] =	stream.indirect.gather [hbm4b:s4+s28], $0x80, s6, s28, $0xb8;
	[tilespmem:$0x1CA80] =	vst v63  }
0x7f: {  	_ =	swait.ge [sflag:s30], $0x4000  }
0x80: {  	[sflag:s30] =	ssyncset.done $0x0  }
0x81: {  	s6 =	sor.u32 $0xA00, s24;
	[sflag:s30] =	ssyncadd.s32 $0xFFFFC000  }
0x82: {  	[spmem:s1] =	stream.indirect.scatter.add.f32 [tilespmem:s29], [sflag:$0x2], $0x80, s6, s28, $0xb8;
	[tilespmem:$0x1CA80] =	vst v63  }
0x83: {  	_ =	swait.ge [sflag:s10], $0x4000  }
0x84: {  	[sflag:s10] =	ssyncset.done $0x0  }
0x85: {  	s6 =	sor.u32 $0x280, s24;
	[sflag:s10] =	ssyncadd.s32 $0xFFFFC000  }
0x86: {  	[tilespmem:s31], [sflag:$0x1] =	stream.indirect.gather [hbm4b:s4+s28], $0x80, s6, s28, $0xb8;
	[tilespmem:$0x1CA80] =	vst v63  }
0x87: {  	_ =	swait.ge [sflag:s30], $0x4000  }
0x88: {  	[sflag:s30] =	ssyncset.done $0x0  }
0x89: {  	s6 =	sor.u32 $0xA80, s24;
	[sflag:s30] =	ssyncadd.s32 $0xFFFFC000  }
0x8a: {  	[spmem:s1] =	stream.indirect.scatter.add.f32 [tilespmem:s31], [sflag:$0x3], $0x80, s6, s28, $0xb8;
	[tilespmem:$0x1CA80] =	vst v63  }
0x8b: {  	_ =	swait.ge [sflag:s0], $0x4000  }
0x8c: {  	[sflag:s0] =	ssyncset.done $0x0  }
0x8d: {  	s6 =	sor.u32 $0x300, s24;
	[sflag:s0] =	ssyncadd.s32 $0xFFFFC000  }
0x8e: {  	[tilespmem:s29], [sflag:$0x1] =	stream.indirect.gather [hbm4b:s4+s28], $0x80, s6, s28, $0xb8;
	[tilespmem:$0x1CA80] =	vst v63  }
0x8f: {  	_ =	swait.ge [sflag:s30], $0x4000  }
0x90: {  	[sflag:s30] =	ssyncset.done $0x0  }
0x91: {  	s6 =	sor.u32 $0xB00, s24;
	[sflag:s30] =	ssyncadd.s32 $0xFFFFC000  }
0x92: {  	[spmem:s1] =	stream.indirect.scatter.add.f32 [tilespmem:s29], [sflag:$0x2], $0x80, s6, s28, $0xb8;
	[tilespmem:$0x1CA80] =	vst v63  }
0x93: {  	_ =	swait.ge [sflag:s10], $0x4000  }
0x94: {  	[sflag:s10] =	ssyncset.done $0x0  }
0x95: {  	s6 =	sor.u32 $0x380, s24;
	[sflag:s10] =	ssyncadd.s32 $0xFFFFC000  }
0x96: {  	[tilespmem:s31], [sflag:$0x1] =	stream.indirect.gather [hbm4b:s4+s28], $0x80, s6, s28, $0xb8;
	[tilespmem:$0x1CA80] =	vst v63  }
0x97: {  	_ =	swait.ge [sflag:s30], $0x4000  }
0x98: {  	[sflag:s30] =	ssyncset.done $0x0  }
0x99: {  	s6 =	sor.u32 $0xB80, s24;
	[sflag:s30] =	ssyncadd.s32 $0xFFFFC000  }
0x9a: {  	[spmem:s1] =	stream.indirect.scatter.add.f32 [tilespmem:s31], [sflag:$0x3], $0x80, s6, s28, $0xb8;
	[tilespmem:$0x1CA80] =	vst v63  }
0x9b: {  	_ =	swait.ge [sflag:s0], $0x4000  }
0x9c: {  	p2 =	seq.s32 s22, $0x480;
	[sflag:s0] =	ssyncset.done $0x0  }
0x9d: {  	s5 =	simm.s32 @!p2 $0x4;
	[sflag:s0] =	ssyncadd.s32 $0xFFFFC000  }
0x9e: {  	_ =	swait.ge @!p2 [sflag:s5], $0x400  }
0x9f: {  	[sflag:s5] =	ssyncset.done @!p2 $0x0  }
0xa0: {  	[sflag:s5] =	ssyncadd.s32 @!p2 $0xFFFFFC00  }
0xa1: {  	p3 =	sgt.u32 @!p2 s23, $0x7;
	_ =	swait.ge @!p2 [sflag:s5], $0x400  }
0xa2: {  	p3 =	por p3, p2;
	[sflag:s5] =	ssyncset.done @!p2 $0x0  }
0xa3: {  	s6 =	simm.s32 @!p3 $0x0;
	[sflag:s5] =	ssyncadd.s32 @!p2 $0xFFFFFC00;
	s5 =	sadd.s32 @!p3 s22, s20  }
0xa4: {  	[tilespmem:s24], [sflag:$0x4] =	stream.linear.gather @!p3 [hbm4b:s5+s6], $0x400, $0x38;
	[tilespmem:$0x1CA80] =	vst v63  }
0xa5: {  	s5 =	sadd.s32 @!p3 s22, s21;
	s22 =	sadd.s32 @!p2 $0x80, s22  }
0xa6: {  	[tilespmem:s2], [sflag:$0x4] =	stream.linear.gather @!p3 [hbm4b:s5+s6], $0x400, $0x38;
	[tilespmem:$0x1CA80] =	vst v63  }
0xa7: {  	p3 =	sne.s32 @!p2 s22, $0x500  }
0xa8: {  	p3 =	por p2, !p3  }
.Ltmp3:
0xa9: {  	_ = 	snop;
	(pc) =	sbr.rel @!p3 .LBB2_7-.Ltmp3, $4  }
0xaa: {  	_ = 	snop  }
0xab: {  	s16 =	sadd.s32 @!p2 $0x400, s16;
	s23 =	sadd.s32 @!p2 $0x1, s23  }
0xac: {  	s2 =	sxor.u32 @!p2 $0x400, s24;
	s5 =	simm.s32 @!p2 $0x80;
	s6 =	simm.s32 @!p2 $0x1000  }
0xad: {  	[tilespmem:s6], [sflag:$0x1] =	stream.indirect.gather @!p2 [hbm4b:s4+s5], $0x80, s2, s5, $0xb8;
	[tilespmem:$0x1CA80] =	vst v63  }
0xae: {  	_ =	swait.ge [sflag:s10], $0x4000  }
0xaf: {  	[sflag:s10] =	ssyncset.done $0x0  }
0xb0: {  	[sflag:s10] =	ssyncadd.s32 $0xFFFFC000  }
0xb1: {  	[bflag:$0x0] =	sbarrier.arrive $0xFFFF  }
0xb2: {  	[hbm:s17], [sflag:s13] =	dma.local [spmem:s15], $0x2700  }
0xb3: {  	s11 =	sadd.s32 $0x1, s11;
	_ =	swait.ge [sflag:s25], $0x2700  }
0xb4: {  	p2 =	sne.s32 s11, s19;
	[sflag:s25] =	ssyncset.done $0x0  }
.Ltmp4:
0xb5: {  	s2 =	simm.s32 @!p1 $0x5;
	[sflag:s25] =	ssyncadd.s32 $0xFFFFD900;
	(pc) =	sbr.rel @p2 .LBB2_1-.Ltmp4, $4  }
0xb6: {  	[hbm:s18], [sflag:s13] =	dma.local @!p1 [spmem:s12], $0x100  }
0xb7: {  	_ =	swait.ge @!p1 [sflag:s2], $0x100  }
0xb8: {  	[sflag:s2] =	ssyncset.done @!p1 $0x0  }
0xb9: {  	[sflag:s2] =	ssyncadd.s32 @!p1 $0xFFFFFF00  }
0xba: {  	_ =	sfence.sel $0x180000  }
0xbb: {  	[bflag:$0x0] =	sbarrier.arrive $0xFFFF  }
0xbc: {  	_ =	strace $0x9000004A  }
0xbd: {  	s0 =	stileid.u32;
	[bflag:$0x2] =	sbarrier.arrive $0xFFFF  }
0xbe: {  	p0 =	sne.s32 s0, $0x0;
	s0 =	rddreg [dreg:$0x2]  }
0xbf: {  	s0 =	sadd.s32 @!p0 $0x100000, s0  }
0xc0: {  	[sflag:s0] =	ssyncadd.tile.s32 @!p0 $0x1;
	_ =	shalt  }
.Lfunc_end2:
_tile_overlayer_lowered:
.L_overlay_start_2:
0xc1: {  	(tag) =	ssettag $0x2  }
0xc2: {  	s0 =	rddreg [dreg:$0x0];
	s2 =	stileid.u32  }
0xc3: {  	s1 =	rddreg [dreg:$0x1];
	p0 =	sne.s32 s2, $0x0  }
0xc4: {  	s3 =	rddreg [dreg:$0x2];
	[bflag:$0x3] =	sbarrier.arrive $0xFFFF;
	s2 =	simm.s32 @!p0 $0x1C05  }
0xc5: {  	[timem:s3], [sflag:s2] =	dma.local @!p0 [hbm:s0], s1  }
0xc6: {  	s0 =	simm.s32 @!p0 $0x5  }
0xc7: {  	_ =	swait.ge @!p0 [sflag:s0], s1  }
0xc8: {  	s1 =	ssub.s32 @!p0 $0x0, s1;
	[sflag:s0] =	ssyncset.done @!p0 $0x0  }
0xc9: {  	[sflag:s0] =	ssyncadd.s32 @!p0 s1  }
0xca: {  	[bflag:$0x3] =	sbarrier.arrive $0xFFFF  }
0xcb: {  	_ =	shalt  }

// kernel: kernel.17.cloned.1.call-start
scs
__scs_entry_jumppad:
0x0: {  	(pc) =	sbr.rel $0x88, $3  }
0x1: {  	(tag) =	ssettag $0x0;
	lr =	simm.s32 $0x1  }
0x2: {  	[smem:$0x3F98] =	sst lr;
	_ =	strace $0xD0000000  }
0x3: {  	_ = 	snop  }
0x4: {  	_ = 	snop  }
0x5: {  	_ = 	snop  }
0x6: {  	_ = 	snop  }
0x7: {  	_ = 	snop  }
__scs_overlays_trampoline_lowered:
0x8: {  	[smem:$0x3FA7] =	sst s0  }
0x9: {  	[smem:$0x3FA8] =	sst s1  }
0xa: {  	[smem:$0x3FA9] =	sst s2  }
0xb: {  	[smem:$0x3FAA] =	sst s3  }
0xc: {  	[smem:$0x3FAB] =	sst s4  }
0xd: {  	[smem:$0x3FAC] =	sst s5  }
0xe: {  	[smem:$0x3FAD] =	sst s6  }
0xf: {  	[smem:$0x3FAE] =	sst s7  }
0x10: {  	[smem:$0x3FAF] =	sst s8  }
0x11: {  	[smem:$0x3FB0] =	sst s9;
	s0 =	simm.s32 @!p0 $0x0  }
0x12: {  	s1 =	sld [smem:$0x3F96];
	s0 =	simm.s32 @p0 $0x1  }
0x13: {  	[smem:$0x3FB1] =	sst s0;
	s0 =	simm.s32 @!p1 $0x0  }
0x14: {  	s2 =	sld [smem:$0x3F95];
	s0 =	simm.s32 @p1 $0x1  }
0x15: {  	[smem:$0x3FB2] =	sst s0;
	s0 =	simm.s32 @!p2 $0x0  }
0x16: {  	s3 =	sld [smem:$0x3FDB];
	s0 =	simm.s32 @p2 $0x1  }
0x17: {  	s4 =	simm.s32 $0x1BF5;
	[smem:$0x3FB4] =	sst s0  }
0x18: {  	s0 =	sld [smem:$0x3F97];
	_ =	swait.ge [sflag:s4], $0x0  }
0x19: {  	s7 =	sld [smem:$0x3F98]  }
0x1a: {  	s8 =	sadd.s32 $0xFFFFE003, lr  }
0x1b: {  	s9 =	sadd.s32 $0xFFFFFEF7, lr;
	s5 =	simm.s32 $0xFFFFFFFF;
	p2 =	slt.u32 s8, $0xFFFFF086  }
0x1c: {  	p1 =	slt.u32 s9, $0xF7A;
	s5 =	simm.s32 @!p2 $0x0  }
0x1d: {  	s5 =	simm.s32 @p1 $0x1;
	p0 =	seq.s32 s7, s2  }
0x1e: {  	s7 =	smul.u32 @!p0 $0xF7A, s2;
	p2 =	seq.s32 @!p0 s5, $0x0  }
0x1f: {  	s9 =	smul.u32 $0xF7A, s1;
	s8 =	simm.s32 @!p0 $0x1BF5;
	p2 =	por !p2, p0  }
0x20: {  	[sflag:s8] =	ssyncset.s32 @!p0 $0xFFFFF086;
	s6 =	sadd.s32 @!p0 s3, s7;
	s7 =	simm.s32 @!p0 $0x108  }
0x21: {  	s3 =	sadd.s32 s3, s9;
	s6 =	sadd.s32 @!p0 $0x88, s6;
	s7 =	simm.s32 @p2 $0x1082  }
0x22: {  	[simem:s7], [sflag:s8] =	dma.local @!p0 [hbm:s6], $0xF7A  }
0x23: {  	s9 =	sor.u32 $0xD0000000, s2;
	s6 =	simm.s32 $0x108;
	_ =	swait.ge @!p0 [sflag:s8], $0x0  }
0x24: {  	s3 =	sadd.s32 $0x88, s3;
	s6 =	simm.s32 @!p1 $0x1082;
	[sflag:s4] =	ssyncset.s32 $0xFFFFF086  }
0x25: {  	[simem:s6], [sflag:s4] =	dma.local [hbm:s3], $0xF7A  }
0x26: {  	[smem:$0x3F98] =	sst s1;
	(tag) =	ssettag s2;
	_ =	strace s9  }
0x27: {  	s1 =	sld [smem:$0x3FA8]  }
0x28: {  	s2 =	sld [smem:$0x3FA9]  }
0x29: {  	s4 =	sld [smem:$0x3FAB]  }
0x2a: {  	p0 =	seq.s32 s5, $0x0;
	s5 =	sld [smem:$0x3FAC]  }
0x2b: {  	s6 =	sld [smem:$0x3FAD]  }
0x2c: {  	s7 =	sld [smem:$0x3FAE]  }
0x2d: {  	s3 =	simm.s32 $0x108;
	s8 =	sld [smem:$0x3FAF]  }
0x2e: {  	s3 =	simm.s32 @!p0 $0x1082;
	s9 =	sld [smem:$0x3FB0]  }
0x2f: {  	lr =	sadd.s32 s0, s3;
	s0 =	sld [smem:$0x3FA7]  }
0x30: {  	s3 =	sld [smem:$0x3FAA]  }
0x31: {  	[smem:$0x3FB3] =	sst s10  }
0x32: {  	s10 =	sld [smem:$0x3FB1];
	_ =	sdelay $0x3  }
0x33: {  	p0 =	seq.s32 s10, $0x1;
	s10 =	sld [smem:$0x3FB3];
	_ =	sdelay $0x3  }
0x34: {  	[smem:$0x3FB3] =	sst s10  }
0x35: {  	s10 =	sld [smem:$0x3FB2];
	_ =	sdelay $0x3  }
0x36: {  	p1 =	seq.s32 s10, $0x1;
	s10 =	sld [smem:$0x3FB3];
	_ =	sdelay $0x3  }
0x37: {  	[smem:$0x3FB3] =	sst s10  }
0x38: {  	s10 =	sld [smem:$0x3FB4]  }
0x39: {  	_ = 	snop;
	(pc) =	sbr.ind lr, $3  }
0x3a: {  	_ = 	snop  }
0x3b: {  	_ = 	snop  }
0x3c: {  	p2 =	seq.s32 s10, $0x1;
	s10 =	sld [smem:$0x3FB3]  }
0x3d: {  	_ =	shalt  }
0x3e: {  	_ =	shalt  }
0x3f: {  	_ =	shalt  }
0x40: {  	_ =	shalt  }
0x41: {  	_ =	shalt  }
0x42: {  	_ =	shalt  }
0x43: {  	_ =	shalt  }
0x44: {  	_ =	shalt  }
0x45: {  	_ =	shalt  }
0x46: {  	_ =	shalt  }
0x47: {  	_ =	shalt  }
0x48: {  	_ =	shalt  }
0x49: {  	_ =	shalt  }
0x4a: {  	_ =	shalt  }
0x4b: {  	_ =	shalt  }
0x4c: {  	_ =	shalt  }
0x4d: {  	_ =	shalt  }
0x4e: {  	_ =	shalt  }
0x4f: {  	_ =	shalt  }
0x50: {  	_ =	shalt  }
0x51: {  	_ =	shalt  }
0x52: {  	_ =	shalt  }
0x53: {  	_ =	shalt  }
0x54: {  	_ =	shalt  }
0x55: {  	_ =	shalt  }
0x56: {  	_ =	shalt  }
0x57: {  	_ =	shalt  }
0x58: {  	_ =	shalt  }
0x59: {  	_ =	shalt  }
0x5a: {  	_ =	shalt  }
0x5b: {  	_ =	shalt  }
0x5c: {  	_ =	shalt  }
0x5d: {  	_ =	shalt  }
0x5e: {  	_ =	shalt  }
0x5f: {  	_ =	shalt  }
0x60: {  	_ =	shalt  }
0x61: {  	_ =	shalt  }
0x62: {  	_ =	shalt  }
0x63: {  	_ =	shalt  }
0x64: {  	_ =	shalt  }
0x65: {  	_ =	shalt  }
0x66: {  	_ =	shalt  }
0x67: {  	_ =	shalt  }
0x68: {  	_ =	shalt  }
0x69: {  	_ =	shalt  }
0x6a: {  	_ =	shalt  }
0x6b: {  	_ =	shalt  }
0x6c: {  	_ =	shalt  }
0x6d: {  	_ =	shalt  }
0x6e: {  	_ =	shalt  }
0x6f: {  	_ =	shalt  }
0x70: {  	_ =	shalt  }
0x71: {  	_ =	shalt  }
0x72: {  	_ =	shalt  }
0x73: {  	_ =	shalt  }
0x74: {  	_ =	shalt  }
0x75: {  	_ =	shalt  }
0x76: {  	_ =	shalt  }
0x77: {  	_ =	shalt  }
0x78: {  	_ =	shalt  }
0x79: {  	_ =	shalt  }
0x7a: {  	_ =	shalt  }
0x7b: {  	_ =	shalt  }
0x7c: {  	_ =	shalt  }
0x7d: {  	_ =	shalt  }
0x7e: {  	_ =	shalt  }
0x7f: {  	_ =	shalt  }
0x80: {  	_ =	shalt  }
0x81: {  	_ =	shalt  }
0x82: {  	_ =	shalt  }
0x83: {  	_ =	shalt  }
0x84: {  	_ =	shalt  }
0x85: {  	_ =	shalt  }
0x86: {  	_ =	shalt  }
0x87: {  	_ =	shalt  }
.Lfunc_end0:
.L_simem_size_0:
called_computation.2_lowered:
.L_overlay_start_0:
0x88: {  	s2 =	sld [smem:$0x3FD9]  }
0x89: {  	s3 =	sld [smem:$0x3FFE];
	_ =	sdelay $0x1  }
0x8a: {  	s1 =	srdreg.scid  }
0x8b: {  	s0 =	sand.u32 $0x1, s1  }
0x8c: {  	s16 =	sshll.u32 s0, $0xA;
	s2 =	sadd.s32 s3, s2  }
0x8d: {  	s2 =	sadd.s32 s2, s16  }
0x8e: {  	[smem:$0x3FBF] =	sst s2  }
0x8f: {  	_ = 	snop  }
0x90: {  	(tm) =	ssettm $0x1  }
0x91: {  	s17 =	sld [smem:$0x3FFB];
	_ =	sdelay $0x3  }
0x92: {  	_ =	strace s17  }
0x93: {  	s2 =	sld [smem:$0x3FFC];
	_ =	sdelay $0x3  }
0x94: {  	_ =	strace s2  }
0x95: {  	s2 =	sld [smem:$0x3FFD];
	_ =	sdelay $0x3  }
0x96: {  	_ =	strace s2  }
0x97: {  	_ =	strace $0x8FFFFFFF  }
0x98: {  	s18 =	sld [smem:$0x3FDB];
	_ =	sdelay $0x1  }
0x99: {  	s19 =	simm.s32 $_scs_section_size  }
0x9a: {  	s4 =	simm.s32 $_size__tile_overlayer_lowered;
	s5 =	simm.s32 $_tile_overlayer_lowered  }
0x9b: {  	s22 =	simm.s32 $0x1BFF;
	s21 =	sshll.u32 s5, $0x1;
	s2 =	sadd.s32 s19, s18  }
0x9c: {  	s6 =	simm.s32 $0x0;
	s20 =	sshll.u32 s4, $0x1;
	s4 =	sadd.s32 s21, s2  }
0x9d: {  	[timem:s6], [sflag:s22] =	dma.local [hbm:s4], s20  }
0x9e: {  	_ =	swait.ge [sflag:s22], s20  }
0x9f: {  	s3 =	ssub.s32 $0x0, s20;
	[sflag:s22] =	ssyncset.done $0x0  }
0xa0: {  	[sflag:s22] =	ssyncadd.s32 s3;
	_ =	sdelay $0x1  }
0xa1: {  	s23 =	simm.s32 $0x1B8B  }
0xa2: {  	_ =	swait.ge [sflag:s23], $0x1  }
0xa3: {  	[sflag:s23] =	ssyncset.done $0x0  }
0xa4: {  	s25 =	simm.s32 $0x1B8E;
	s24 =	sld [smem:$0x3FFE];
	[sflag:s23] =	ssyncadd.s32 $0xFFFFFFFF  }
0xa5: {  	s26 =	simm.s32 $execute0_lowered;
	[smem:$0x3FD2] =	sst s25  }
0xa6: {  	s4 =	sshll.u32 s26, $0x1;
	_ =	strace $0x8000004C;
	[dreg:$0x1] =	wrdreg $0xFFFFFFFF  }
0xa7: {  	s28 =	simm.s32 $_size_execute0_lowered;
	s2 =	sadd.s32 s2, s4;
	[dreg:$0x0] =	wrdreg $0x0  }
0xa8: {  	s4 =	sshll.u32 s28, $0x1;
	[dreg:$0x2] =	wrdreg s2  }
0xa9: {  	[dreg:$0x3] =	wrdreg s4  }
0xaa: {  	[dreg:$0x4] =	wrdreg $0xC0  }
0xab: {  	_ =	task [dreg:s6], $0x5FFFF  }
0xac: {  	[dreg:$0x1] =	wrdreg $0xFFFFFFFF  }
0xad: {  	[dreg:$0x0] =	wrdreg $0x60  }
0xae: {  	[dreg:$0x2] =	wrdreg s24  }
0xaf: {  	[dreg:$0x3] =	wrdreg $0x90000  }
0xb0: {  	[dreg:$0x4] =	wrdreg $0x9  }
0xb1: {  	_ =	task.clear_ibuf [dreg:s6], $0x5FFFF;
	_ =	strace $0x9000004C  }
0xb2: {  	s29 =	simm.s32 $0x9;
	_ =	strace $0x8000004E  }
0xb3: {  	_ =	swait.ge [sflag:s29], $0x1  }
0xb4: {  	[sflag:s29] =	ssyncadd.s32 $0xFFFFFFFF  }
0xb5: {  	_ =	strace $0x9000004E  }
0xb6: {  	_ =	sfence  }
0xb7: {  	s30 =	sld [smem:$0x0];
	_ =	sdelay $0x2  }
0xb8: {  	s31 =	sshll.u32 s1, $0xD;
	s1 =	sshrl.u32 s1, $0x2  }
0xb9: {  	s3 =	sand.u32 $0x4000, s31;
	s1 =	sadd.s32 s1, s30  }
0xba: {  	s0 =	sor.u32 s3, s0;
	s1 =	sshll.u32 s1, $0x11  }
0xbb: {  	s0 =	sor.u32 s1, s0  }
0xbc: {  	s0 =	sadd.s32 $0x8F2B, s0  }
0xbd: {  	[sflag:s0] =	ssyncadd.remote.s32 $0x1  }
0xbe: {  	_ =	sfence.sel $0xFFFF  }
0xbf: {  	[dreg:$0x0] =	wrdreg $0xFFFFFFFF;
	(pc) =	sbr.abs _section_cstart, $3  }
0xc0: {  	[dreg:$0x1] =	wrdreg $0xFFFFFFFF  }
0xc1: {  	_ =	task.clear_ibuf [dreg:s6], $0x2FFFF;
	_ =	strace $0x9FFFFFFF  }
0xc2: {  	(tm) =	ssettm $0x7FFFFFFF  }
0xc3: {  	_ =	shalt  }
tec
execute0_lowered:
.L_overlay_start_1:
0x0: {  	(tag) =	ssettag $0x1  }
0x1: {  	s0 =	rddreg [dreg:$0x0]  }
0x2: {  	s1 =	rddreg [dreg:$0x1];
	s3 =	simm.s32 $0x0  }
0x3: {  	s2 =	srdreg.scid;
	s22 =	stileid.u32;
	s28 =	simm.s32 $0x80  }
0x4: {  	s29 =	simm.s32 $0x1000;
	s30 =	simm.s32 $0x1;
	s31 =	simm.s32 $0x5000  }
0x5: {  	[smem:$0x7FF] =	sst s3;
	s4 =	sadd.s32 $0x2AC00, s0;
	s25 =	smul.u32 $0x4E000, s22  }
0x6: {  	s2 =	sand.u32 $0x1, s2;
	s5 =	sshll.u32 s22, $0x1;
	s15 =	smul.u32 $0x2700, s22  }
0x7: {  	s10 =	sadd.s32 $0x16C00, s0;
	s11 =	sadd.s32 $0x20C00, s0;
	s17 =	smul.u32 $0x13800, s22  }
0x8: {  	s12 =	sadd.s32 $0x51E00, s0;
	s18 =	smul.u32 $0x14, s22;
	s0 =	sadd.s32 $0x51C00, s0  }
0x9: {  	p1 =	sne.s32 s22, $0xF;
	_ =	strace $0x8000004D;
	s6 =	ssub.s32 $0x2, s2  }
0xa: {  	s5 =	sor.u32 s2, s5;
	s16 =	smul.u32 $0x13A800, s2;
	[dreg:$0xa] =	wrdreg s0  }
0xb: {  	s7 =	sshrl.u32 s6, $0x1;
	s8 =	smul.u32 $0x500, s5;
	s21 =	sadd.s32 s4, s15  }
0xc: {  	p0 =	sne.s32 s2, $0x0;
	s13 =	ssub.s32 s6, s7;
	[dreg:$0x9] =	wrdreg s21  }
0xd: {  	s23 =	sadd.s32 s17, s16;
	s16 =	sshrl.u32 s16, $0x3;
	s5 =	sadd.s32 s10, s8  }
0xe: {  	s26 =	sadd.s32 s11, s8;
	s9 =	sor.u32 $0x80, s8;
	[dreg:$0x3] =	wrdreg s5  }
0xf: {  	s0 =	sshrl.u32 s23, $0x3;
	[dreg:$0x4] =	wrdreg s26;
	s5 =	sshrl.u32 s25, $0x2  }
0x10: {  	s7 =	sadd.s32 s10, s9;
	s9 =	sadd.s32 s11, s9;
	s8 =	sadd.s32 s5, s1  }
0x11: {  	s17 =	sadd.s32 s12, s0;
	s25 =	sadd.s32 s12, s16;
	s19 =	sadd.s32 $0xC000, s8  }
0x12: {  	s6 =	sadd.s32 $0x4000, s8;
	[dreg:$0x7] =	wrdreg s19;
	s19 =	smul.u32 $0xA, s2  }
0x13: {  	s0 =	simm.s32 $0x2;
	s14 =	sadd.s32 $0x8000, s8;
	[dreg:$0x5] =	wrdreg s6  }
0x14: {  	s20 =	sadd.s32 $0x10000, s8;
	[dreg:$0x6] =	wrdreg s14;
	s24 =	sadd.s32 s19, s18  }
0x15: {  	[dreg:$0x8] =	wrdreg s20;
	s14 =	sadd.s32 $0x138000, s1;
	s15 =	sshll.u32 s24, $0x7  }
0x16: {  	s18 =	sadd.s32 $0x27000, s25;
	s19 =	smax.u32 s13, $0x1;
	s26 =	sadd.s32 $0x100, s15  }
0x17: {  	s25 =	simm.s32 $0x5;
	s20 =	sadd.s32 s26, s10;
	s21 =	sadd.s32 s26, s11  }
0x18: {  	v0 =	vimm.f32 $0.0e+00;
	s26 =	simm.s32 $0x4;
	s10 =	simm.s32 $0x3;
	s11 =	simm.s32 $0x0  }
.LBB2_1:
0x19: {  	s2 =	rddreg [dreg:$0x3]  }
0x1a: {  	[tilespmem:s3], [sflag:$0x4] =	stream.linear.gather [hbm4b:s2+s3], $0x400, $0x38;
	[tilespmem:$0x1CA80] =	vst v63  }
0x1b: {  	s16 =	rddreg [dreg:$0x4];
	s5 =	simm.s32 $0x800  }
0x1c: {  	[tilespmem:s5], [sflag:$0x4] =	stream.linear.gather [hbm4b:s16+s3], $0x400, $0x38;
	[tilespmem:$0x1CA80] =	vst v63  }
.Ltmp0:
0x1d: {  	s24 =	stileid.u32;
	(pc) =	sbr.rel @p0 .LBB2_3-.Ltmp0, $4  }
0x1e: {  	s22 =	simm.s32 $0x400;
	s23 =	simm.s32 $0xC00;
	s2 =	sshll.u32 s24, $0x6  }
0x1f: {  	[tilespmem:s22], [sflag:$0x4] =	stream.linear.gather [hbm4b:s7+s3], $0x400, $0x38;
	[tilespmem:$0x1CA80] =	vst v63  }
0x20: {  	s15 =	sshrl.u32 s8, $0x3;
	s12 =	sshrl.u32 @!p1 s14, $0x3;
	s13 =	sor.u32 $0x1C05, s2  }
0x21: {  	[tilespmem:s23], [sflag:$0x4] =	stream.linear.gather [hbm4b:s9+s3], $0x400, $0x38;
	[tilespmem:$0x1CA80] =	vst v63  }
0x22: {  	s2 =	rddreg [dreg:$0x9]  }
0x23: {  	[spmem:s15], [sflag:s13] =	dma.local [hbm:s2], $0x2700  }
0x24: {  	_ =	swait.ge [sflag:s25], $0x2700  }
0x25: {  	[sflag:s25] =	ssyncset.done $0x0  }
0x26: {  	s2 =	rddreg [dreg:$0xa];
	[sflag:s25] =	ssyncadd.s32 $0xFFFFD900  }
0x27: {  	[spmem:s12], [sflag:s13] =	dma.local @!p1 [hbm:s2], $0x100  }
.Ltmp1:
0x28: {  	_ = 	snop;
	(pc) =	sbr.rel .LBB2_6-.Ltmp1, $4  }
0x29: {  	s2 =	simm.s32 @!p1 $0x5  }
0x2a: {  	_ =	swait.ge @!p1 [sflag:s2], $0x100  }
0x2b: {  	[sflag:s2] =	ssyncset.done @!p1 $0x0  }
0x2c: {  	[sflag:s2] =	ssyncadd.s32 @!p1 $0xFFFFFF00  }
.LBB2_3:
0x2d: {  	s2 =	sshra.s32 s3, $0x2;
	s16 =	sadd.s32 $0x200, s3  }
.LBB2_4:
0x2e: {  	p2 =	sne.s32 s16, $0xFE00;
	[tilespmem:s2+$0x1070] =	vst v0  }
0x2f: {  	[tilespmem:s2+$0x1000] =	vst v0  }
0x30: {  	[tilespmem:s2+$0x1010] =	vst v0  }
.Ltmp2:
0x31: {  	[tilespmem:s2+$0x1020] =	vst v0;
	(pc) =	sbr.rel @p2 .LBB2_4-.Ltmp2, $4  }
0x32: {  	[tilespmem:s2+$0x1030] =	vst v0  }
0x33: {  	[tilespmem:s2+$0x1040] =	vst v0  }
0x34: {  	[tilespmem:s2+$0x1050] =	vst v0  }
0x35: {  	[tilespmem:s2+$0x1060] =	vst v0;
	s2 =	sshra.s32 s16, $0x2;
	s16 =	sadd.s32 $0x200, s16  }
0x36: {  	[tilespmem:s2+$0x1070] =	vst v0  }
0x37: {  	[tilespmem:s2+$0x1000] =	vst v0  }
0x38: {  	[tilespmem:s2+$0x1010] =	vst v0  }
0x39: {  	[tilespmem:s2+$0x1020] =	vst v0  }
0x3a: {  	[tilespmem:s2+$0x1030] =	vst v0  }
0x3b: {  	[tilespmem:s2+$0x1040] =	vst v0  }
0x3c: {  	[tilespmem:s2+$0x1050] =	vst v0  }
0x3d: {  	[tilespmem:s2+$0x1060] =	vst v0  }
0x3e: {  	[spmem:s8] =	stream.linear.scatter [tilespmem:s29], [sflag:$0x5], $0x4000, $0x38;
	[tilespmem:$0x1CA80] =	vst v63  }
0x3f: {  	_ =	swait.ge [sflag:s25], $0x4000  }
0x40: {  	[sflag:s25] =	ssyncset.done $0x0  }
0x41: {  	s16 =	rddreg [dreg:$0x5];
	[sflag:s25] =	ssyncadd.s32 $0xFFFFC000  }
0x42: {  	[spmem:s16] =	stream.linear.scatter [tilespmem:s29], [sflag:$0x5], $0x4000, $0x38;
	[tilespmem:$0x1CA80] =	vst v63  }
0x43: {  	_ =	swait.ge [sflag:s25], $0x4000  }
0x44: {  	[sflag:s25] =	ssyncset.done $0x0  }
0x45: {  	s22 =	rddreg [dreg:$0x6];
	[sflag:s25] =	ssyncadd.s32 $0xFFFFC000  }
0x46: {  	[spmem:s22] =	stream.linear.scatter [tilespmem:s29], [sflag:$0x5], $0x4000, $0x38;
	[tilespmem:$0x1CA80] =	vst v63  }
0x47: {  	_ =	swait.ge [sflag:s25], $0x4000  }
0x48: {  	[sflag:s25] =	ssyncset.done $0x0  }
0x49: {  	s23 =	rddreg [dreg:$0x7];
	[sflag:s25] =	ssyncadd.s32 $0xFFFFC000  }
0x4a: {  	[spmem:s23] =	stream.linear.scatter [tilespmem:s29], [sflag:$0x5], $0x4000, $0x38;
	[tilespmem:$0x1CA80] =	vst v63  }
0x4b: {  	_ =	swait.ge [sflag:s25], $0x4000  }
0x4c: {  	[sflag:s25] =	ssyncset.done $0x0  }
0x4d: {  	s24 =	rddreg [dreg:$0x8];
	[sflag:s25] =	ssyncadd.s32 $0xFFFFC000  }
0x4e: {  	[spmem:s24] =	stream.linear.scatter [tilespmem:s29], [sflag:$0x5], $0x3800, $0x38;
	[tilespmem:$0x1CA80] =	vst v63  }
0x4f: {  	_ =	swait.ge [sflag:s25], $0x3800  }
0x50: {  	[sflag:s25] =	ssyncset.done $0x0  }
0x51: {  	s2 =	simm.s32 @!p1 $0x1000;
	[sflag:s25] =	ssyncadd.s32 $0xFFFFC800  }
0x52: {  	[spmem:s14] =	stream.linear.scatter @!p1 [tilespmem:s2], [sflag:$0x5], $0x800, $0x38;
	[tilespmem:$0x1CA80] =	vst v63  }
0x53: {  	s2 =	simm.s32 @!p1 $0x5  }
0x54: {  	_ =	swait.ge @!p1 [sflag:s2], $0x800  }
0x55: {  	[sflag:s2] =	ssyncset.done @!p1 $0x0  }
0x56: {  	[sflag:s2] =	ssyncadd.s32 @!p1 $0xFFFFF800  }
.LBB2_6:
0x57: {  	[bflag:$0x0] =	sbarrier.arrive $0xFFFF  }
0x58: {  	_ =	swait.ge [sflag:s26], $0x400  }
0x59: {  	[sflag:s26] =	ssyncset.done $0x0  }
0x5a: {  	[sflag:s26] =	ssyncadd.s32 $0xFFFFFC00  }
0x5b: {  	_ =	swait.ge [sflag:s26], $0x400  }
0x5c: {  	s16 =	simm.s32 $0x0;
	[sflag:s26] =	ssyncset.done $0x0  }
0x5d: {  	s22 =	simm.s32 $0x0;
	s23 =	simm.s32 $0x0;
	[sflag:s26] =	ssyncadd.s32 $0xFFFFFC00  }
0x5e: {  	[tilespmem:s29], [sflag:$0x1] =	stream.indirect.gather [hbm4b:s4+s28], $0x80, s16, s28, $0xb8;
	[tilespmem:$0x1CA80] =	vst v63  }
.LBB2_7:
0x5f: {  	_ =	swait.ge [sflag:s30], $0x4000  }
0x60: {  	s24 =	sand.u32 $0x400, s16;
	p2 =	seq.s32 s22, $0x0;
	[sflag:s30] =	ssyncset.done $0x0  }
0x61: {  	s2 =	sor.u32 $0x800, s24;
	s5 =	simm.s32 @!p2 $0x3;
	[sflag:s30] =	ssyncadd.s32 $0xFFFFC000  }
0x62: {  	[spmem:s1] =	stream.indirect.scatter.add.f32 [tilespmem:s29], [sflag:$0x2], $0x80, s2, s28, $0xb8;
	[tilespmem:$0x1CA80] =	vst v63  }
0x63: {  	_ =	swait.ge @!p2 [sflag:s5], $0x4000  }
0x64: {  	[sflag:s5] =	ssyncset.done @!p2 $0x0  }
0x65: {  	s6 =	sor.u32 $0x80, s24;
	[sflag:s5] =	ssyncadd.s32 @!p2 $0xFFFFC000  }
0x66: {  	[tilespmem:s31], [sflag:$0x1] =	stream.indirect.gather [hbm4b:s4+s28], $0x80, s6, s28, $0xb8;
	[tilespmem:$0x1CA80] =	vst v63  }
0x67: {  	_ =	swait.ge [sflag:s30], $0x4000  }
0x68: {  	[sflag:s30] =	ssyncset.done $0x0  }
0x69: {  	s6 =	sor.u32 $0x880, s24;
	[sflag:s30] =	ssyncadd.s32 $0xFFFFC000  }
0x6a: {  	[spmem:s1] =	stream.indirect.scatter.add.f32 [tilespmem:s31], [sflag:$0x3], $0x80, s6, s28, $0xb8;
	[tilespmem:$0x1CA80] =	vst v63  }
0x6b: {  	_ =	swait.ge [sflag:s0], $0x4000  }
0x6c: {  	[sflag:s0] =	ssyncset.done $0x0  }
0x6d: {  	s6 =	sor.u32 $0x100, s24;
	[sflag:s0] =	ssyncadd.s32 $0xFFFFC000  }
0x6e: {  	[tilespmem:s29], [sflag:$0x1] =	stream.indirect.gather [hbm4b:s4+s28], $0x80, s6, s28, $0xb8;
	[tilespmem:$0x1CA80] =	vst v63  }
0x6f: {  	_ =	swait.ge [sflag:s30], $0x4000  }
0x70: {  	[sflag:s30] =	ssyncset.done $0x0  }
0x71: {  	s6 =	sor.u32 $0x900, s24;
	[sflag:s30] =	ssyncadd.s32 $0xFFFFC000  }
0x72: {  	[spmem:s1] =	stream.indirect.scatter.add.f32 [tilespmem:s29], [sflag:$0x2], $0x80, s6, s28, $0xb8;
	[tilespmem:$0x1CA80] =	vst v63  }
0x73: {  	_ =	swait.ge [sflag:s10], $0x4000  }
0x74: {  	[sflag:s10] =	ssyncset.done $0x0  }
0x75: {  	s6 =	sor.u32 $0x180, s24;
	[sflag:s10] =	ssyncadd.s32 $0xFFFFC000  }
0x76: {  	[tilespmem:s31], [sflag:$0x1] =	stream.indirect.gather [hbm4b:s4+s28], $0x80, s6, s28, $0xb8;
	[tilespmem:$0x1CA80] =	vst v63  }
0x77: {  	_ =	swait.ge [sflag:s30], $0x4000  }
0x78: {  	[sflag:s30] =	ssyncset.done $0x0  }
0x79: {  	s6 =	sor.u32 $0x980, s24;
	[sflag:s30] =	ssyncadd.s32 $0xFFFFC000  }
0x7a: {  	[spmem:s1] =	stream.indirect.scatter.add.f32 [tilespmem:s31], [sflag:$0x3], $0x80, s6, s28, $0xb8;
	[tilespmem:$0x1CA80] =	vst v63  }
0x7b: {  	_ =	swait.ge [sflag:s0], $0x4000  }
0x7c: {  	[sflag:s0] =	ssyncset.done $0x0  }
0x7d: {  	s6 =	sor.u32 $0x200, s24;
	[sflag:s0] =	ssyncadd.s32 $0xFFFFC000  }
0x7e: {  	[tilespmem:s29], [sflag:$0x1] =	stream.indirect.gather [hbm4b:s4+s28], $0x80, s6, s28, $0xb8;
	[tilespmem:$0x1CA80] =	vst v63  }
0x7f: {  	_ =	swait.ge [sflag:s30], $0x4000  }
0x80: {  	[sflag:s30] =	ssyncset.done $0x0  }
0x81: {  	s6 =	sor.u32 $0xA00, s24;
	[sflag:s30] =	ssyncadd.s32 $0xFFFFC000  }
0x82: {  	[spmem:s1] =	stream.indirect.scatter.add.f32 [tilespmem:s29], [sflag:$0x2], $0x80, s6, s28, $0xb8;
	[tilespmem:$0x1CA80] =	vst v63  }
0x83: {  	_ =	swait.ge [sflag:s10], $0x4000  }
0x84: {  	[sflag:s10] =	ssyncset.done $0x0  }
0x85: {  	s6 =	sor.u32 $0x280, s24;
	[sflag:s10] =	ssyncadd.s32 $0xFFFFC000  }
0x86: {  	[tilespmem:s31], [sflag:$0x1] =	stream.indirect.gather [hbm4b:s4+s28], $0x80, s6, s28, $0xb8;
	[tilespmem:$0x1CA80] =	vst v63  }
0x87: {  	_ =	swait.ge [sflag:s30], $0x4000  }
0x88: {  	[sflag:s30] =	ssyncset.done $0x0  }
0x89: {  	s6 =	sor.u32 $0xA80, s24;
	[sflag:s30] =	ssyncadd.s32 $0xFFFFC000  }
0x8a: {  	[spmem:s1] =	stream.indirect.scatter.add.f32 [tilespmem:s31], [sflag:$0x3], $0x80, s6, s28, $0xb8;
	[tilespmem:$0x1CA80] =	vst v63  }
0x8b: {  	_ =	swait.ge [sflag:s0], $0x4000  }
0x8c: {  	[sflag:s0] =	ssyncset.done $0x0  }
0x8d: {  	s6 =	sor.u32 $0x300, s24;
	[sflag:s0] =	ssyncadd.s32 $0xFFFFC000  }
0x8e: {  	[tilespmem:s29], [sflag:$0x1] =	stream.indirect.gather [hbm4b:s4+s28], $0x80, s6, s28, $0xb8;
	[tilespmem:$0x1CA80] =	vst v63  }
0x8f: {  	_ =	swait.ge [sflag:s30], $0x4000  }
0x90: {  	[sflag:s30] =	ssyncset.done $0x0  }
0x91: {  	s6 =	sor.u32 $0xB00, s24;
	[sflag:s30] =	ssyncadd.s32 $0xFFFFC000  }
0x92: {  	[spmem:s1] =	stream.indirect.scatter.add.f32 [tilespmem:s29], [sflag:$0x2], $0x80, s6, s28, $0xb8;
	[tilespmem:$0x1CA80] =	vst v63  }
0x93: {  	_ =	swait.ge [sflag:s10], $0x4000  }
0x94: {  	[sflag:s10] =	ssyncset.done $0x0  }
0x95: {  	s6 =	sor.u32 $0x380, s24;
	[sflag:s10] =	ssyncadd.s32 $0xFFFFC000  }
0x96: {  	[tilespmem:s31], [sflag:$0x1] =	stream.indirect.gather [hbm4b:s4+s28], $0x80, s6, s28, $0xb8;
	[tilespmem:$0x1CA80] =	vst v63  }
0x97: {  	_ =	swait.ge [sflag:s30], $0x4000  }
0x98: {  	[sflag:s30] =	ssyncset.done $0x0  }
0x99: {  	s6 =	sor.u32 $0xB80, s24;
	[sflag:s30] =	ssyncadd.s32 $0xFFFFC000  }
0x9a: {  	[spmem:s1] =	stream.indirect.scatter.add.f32 [tilespmem:s31], [sflag:$0x3], $0x80, s6, s28, $0xb8;
	[tilespmem:$0x1CA80] =	vst v63  }
0x9b: {  	_ =	swait.ge [sflag:s0], $0x4000  }
0x9c: {  	p2 =	seq.s32 s22, $0x480;
	[sflag:s0] =	ssyncset.done $0x0  }
0x9d: {  	s5 =	simm.s32 @!p2 $0x4;
	[sflag:s0] =	ssyncadd.s32 $0xFFFFC000  }
0x9e: {  	_ =	swait.ge @!p2 [sflag:s5], $0x400  }
0x9f: {  	[sflag:s5] =	ssyncset.done @!p2 $0x0  }
0xa0: {  	[sflag:s5] =	ssyncadd.s32 @!p2 $0xFFFFFC00  }
0xa1: {  	p3 =	sgt.u32 @!p2 s23, $0x7;
	_ =	swait.ge @!p2 [sflag:s5], $0x400  }
0xa2: {  	p3 =	por p3, p2;
	[sflag:s5] =	ssyncset.done @!p2 $0x0  }
0xa3: {  	s6 =	simm.s32 @!p3 $0x0;
	[sflag:s5] =	ssyncadd.s32 @!p2 $0xFFFFFC00;
	s5 =	sadd.s32 @!p3 s22, s20  }
0xa4: {  	[tilespmem:s24], [sflag:$0x4] =	stream.linear.gather @!p3 [hbm4b:s5+s6], $0x400, $0x38;
	[tilespmem:$0x1CA80] =	vst v63  }
0xa5: {  	s5 =	sadd.s32 @!p3 s22, s21;
	s22 =	sadd.s32 @!p2 $0x80, s22  }
0xa6: {  	[tilespmem:s2], [sflag:$0x4] =	stream.linear.gather @!p3 [hbm4b:s5+s6], $0x400, $0x38;
	[tilespmem:$0x1CA80] =	vst v63  }
0xa7: {  	p3 =	sne.s32 @!p2 s22, $0x500  }
0xa8: {  	p3 =	por p2, !p3  }
.Ltmp3:
0xa9: {  	_ = 	snop;
	(pc) =	sbr.rel @!p3 .LBB2_7-.Ltmp3, $4  }
0xaa: {  	_ = 	snop  }
0xab: {  	s16 =	sadd.s32 @!p2 $0x400, s16;
	s23 =	sadd.s32 @!p2 $0x1, s23  }
0xac: {  	s2 =	sxor.u32 @!p2 $0x400, s24;
	s5 =	simm.s32 @!p2 $0x80;
	s6 =	simm.s32 @!p2 $0x1000  }
0xad: {  	[tilespmem:s6], [sflag:$0x1] =	stream.indirect.gather @!p2 [hbm4b:s4+s5], $0x80, s2, s5, $0xb8;
	[tilespmem:$0x1CA80] =	vst v63  }
0xae: {  	_ =	swait.ge [sflag:s10], $0x4000  }
0xaf: {  	[sflag:s10] =	ssyncset.done $0x0  }
0xb0: {  	[sflag:s10] =	ssyncadd.s32 $0xFFFFC000  }
0xb1: {  	[bflag:$0x0] =	sbarrier.arrive $0xFFFF  }
0xb2: {  	[hbm:s17], [sflag:s13] =	dma.local [spmem:s15], $0x2700  }
0xb3: {  	s11 =	sadd.s32 $0x1, s11;
	_ =	swait.ge [sflag:s25], $0x2700  }
0xb4: {  	p2 =	sne.s32 s11, s19;
	[sflag:s25] =	ssyncset.done $0x0  }
.Ltmp4:
0xb5: {  	s2 =	simm.s32 @!p1 $0x5;
	[sflag:s25] =	ssyncadd.s32 $0xFFFFD900;
	(pc) =	sbr.rel @p2 .LBB2_1-.Ltmp4, $4  }
0xb6: {  	[hbm:s18], [sflag:s13] =	dma.local @!p1 [spmem:s12], $0x100  }
0xb7: {  	_ =	swait.ge @!p1 [sflag:s2], $0x100  }
0xb8: {  	[sflag:s2] =	ssyncset.done @!p1 $0x0  }
0xb9: {  	[sflag:s2] =	ssyncadd.s32 @!p1 $0xFFFFFF00  }
0xba: {  	_ =	sfence.sel $0x180000  }
0xbb: {  	[bflag:$0x0] =	sbarrier.arrive $0xFFFF  }
0xbc: {  	_ =	strace $0x9000004D  }
0xbd: {  	s0 =	stileid.u32;
	[bflag:$0x2] =	sbarrier.arrive $0xFFFF  }
0xbe: {  	p0 =	sne.s32 s0, $0x0;
	s0 =	rddreg [dreg:$0x2]  }
0xbf: {  	s0 =	sadd.s32 @!p0 $0x100000, s0  }
0xc0: {  	[sflag:s0] =	ssyncadd.tile.s32 @!p0 $0x1;
	_ =	shalt  }
.Lfunc_end2:
_tile_overlayer_lowered:
.L_overlay_start_2:
0xc1: {  	(tag) =	ssettag $0x2  }
0xc2: {  	s0 =	rddreg [dreg:$0x0];
	s2 =	stileid.u32  }
0xc3: {  	s1 =	rddreg [dreg:$0x1];
	p0 =	sne.s32 s2, $0x0  }
0xc4: {  	s3 =	rddreg [dreg:$0x2];
	[bflag:$0x3] =	sbarrier.arrive $0xFFFF;
	s2 =	simm.s32 @!p0 $0x1C05  }
0xc5: {  	[timem:s3], [sflag:s2] =	dma.local @!p0 [hbm:s0], s1  }
0xc6: {  	s0 =	simm.s32 @!p0 $0x5  }
0xc7: {  	_ =	swait.ge @!p0 [sflag:s0], s1  }
0xc8: {  	s1 =	ssub.s32 @!p0 $0x0, s1;
	[sflag:s0] =	ssyncset.done @!p0 $0x0  }
0xc9: {  	[sflag:s0] =	ssyncadd.s32 @!p0 s1  }
0xca: {  	[bflag:$0x3] =	sbarrier.arrive $0xFFFF  }
0xcb: {  	_ =	shalt  }

// kernel: kernel.20.cloned.1.call-start
scs
__scs_entry_jumppad:
0x0: {  	(pc) =	sbr.rel $0x88, $3  }
0x1: {  	(tag) =	ssettag $0x0;
	lr =	simm.s32 $0x1  }
0x2: {  	[smem:$0x3F98] =	sst lr;
	_ =	strace $0xD0000000  }
0x3: {  	_ = 	snop  }
0x4: {  	_ = 	snop  }
0x5: {  	_ = 	snop  }
0x6: {  	_ = 	snop  }
0x7: {  	_ = 	snop  }
__scs_overlays_trampoline_lowered:
0x8: {  	[smem:$0x3FA7] =	sst s0  }
0x9: {  	[smem:$0x3FA8] =	sst s1  }
0xa: {  	[smem:$0x3FA9] =	sst s2  }
0xb: {  	[smem:$0x3FAA] =	sst s3  }
0xc: {  	[smem:$0x3FAB] =	sst s4  }
0xd: {  	[smem:$0x3FAC] =	sst s5  }
0xe: {  	[smem:$0x3FAD] =	sst s6  }
0xf: {  	[smem:$0x3FAE] =	sst s7  }
0x10: {  	[smem:$0x3FAF] =	sst s8  }
0x11: {  	[smem:$0x3FB0] =	sst s9;
	s0 =	simm.s32 @!p0 $0x0  }
0x12: {  	s1 =	sld [smem:$0x3F96];
	s0 =	simm.s32 @p0 $0x1  }
0x13: {  	[smem:$0x3FB1] =	sst s0;
	s0 =	simm.s32 @!p1 $0x0  }
0x14: {  	s2 =	sld [smem:$0x3F95];
	s0 =	simm.s32 @p1 $0x1  }
0x15: {  	[smem:$0x3FB2] =	sst s0;
	s0 =	simm.s32 @!p2 $0x0  }
0x16: {  	s3 =	sld [smem:$0x3FDB];
	s0 =	simm.s32 @p2 $0x1  }
0x17: {  	s4 =	simm.s32 $0x1BF5;
	[smem:$0x3FB4] =	sst s0  }
0x18: {  	s0 =	sld [smem:$0x3F97];
	_ =	swait.ge [sflag:s4], $0x0  }
0x19: {  	s7 =	sld [smem:$0x3F98]  }
0x1a: {  	s8 =	sadd.s32 $0xFFFFE003, lr  }
0x1b: {  	s9 =	sadd.s32 $0xFFFFFEF7, lr;
	s5 =	simm.s32 $0xFFFFFFFF;
	p2 =	slt.u32 s8, $0xFFFFF086  }
0x1c: {  	p1 =	slt.u32 s9, $0xF7A;
	s5 =	simm.s32 @!p2 $0x0  }
0x1d: {  	s5 =	simm.s32 @p1 $0x1;
	p0 =	seq.s32 s7, s2  }
0x1e: {  	s7 =	smul.u32 @!p0 $0xF7A, s2;
	p2 =	seq.s32 @!p0 s5, $0x0  }
0x1f: {  	s9 =	smul.u32 $0xF7A, s1;
	s8 =	simm.s32 @!p0 $0x1BF5;
	p2 =	por !p2, p0  }
0x20: {  	[sflag:s8] =	ssyncset.s32 @!p0 $0xFFFFF086;
	s6 =	sadd.s32 @!p0 s3, s7;
	s7 =	simm.s32 @!p0 $0x108  }
0x21: {  	s3 =	sadd.s32 s3, s9;
	s6 =	sadd.s32 @!p0 $0x88, s6;
	s7 =	simm.s32 @p2 $0x1082  }
0x22: {  	[simem:s7], [sflag:s8] =	dma.local @!p0 [hbm:s6], $0xF7A  }
0x23: {  	s9 =	sor.u32 $0xD0000000, s2;
	s6 =	simm.s32 $0x108;
	_ =	swait.ge @!p0 [sflag:s8], $0x0  }
0x24: {  	s3 =	sadd.s32 $0x88, s3;
	s6 =	simm.s32 @!p1 $0x1082;
	[sflag:s4] =	ssyncset.s32 $0xFFFFF086  }
0x25: {  	[simem:s6], [sflag:s4] =	dma.local [hbm:s3], $0xF7A  }
0x26: {  	[smem:$0x3F98] =	sst s1;
	(tag) =	ssettag s2;
	_ =	strace s9  }
0x27: {  	s1 =	sld [smem:$0x3FA8]  }
0x28: {  	s2 =	sld [smem:$0x3FA9]  }
0x29: {  	s4 =	sld [smem:$0x3FAB]  }
0x2a: {  	p0 =	seq.s32 s5, $0x0;
	s5 =	sld [smem:$0x3FAC]  }
0x2b: {  	s6 =	sld [smem:$0x3FAD]  }
0x2c: {  	s7 =	sld [smem:$0x3FAE]  }
0x2d: {  	s3 =	simm.s32 $0x108;
	s8 =	sld [smem:$0x3FAF]  }
0x2e: {  	s3 =	simm.s32 @!p0 $0x1082;
	s9 =	sld [smem:$0x3FB0]  }
0x2f: {  	lr =	sadd.s32 s0, s3;
	s0 =	sld [smem:$0x3FA7]  }
0x30: {  	s3 =	sld [smem:$0x3FAA]  }
0x31: {  	[smem:$0x3FB3] =	sst s10  }
0x32: {  	s10 =	sld [smem:$0x3FB1];
	_ =	sdelay $0x3  }
0x33: {  	p0 =	seq.s32 s10, $0x1;
	s10 =	sld [smem:$0x3FB3];
	_ =	sdelay $0x3  }
0x34: {  	[smem:$0x3FB3] =	sst s10  }
0x35: {  	s10 =	sld [smem:$0x3FB2];
	_ =	sdelay $0x3  }
0x36: {  	p1 =	seq.s32 s10, $0x1;
	s10 =	sld [smem:$0x3FB3];
	_ =	sdelay $0x3  }
0x37: {  	[smem:$0x3FB3] =	sst s10  }
0x38: {  	s10 =	sld [smem:$0x3FB4]  }
0x39: {  	_ = 	snop;
	(pc) =	sbr.ind lr, $3  }
0x3a: {  	_ = 	snop  }
0x3b: {  	_ = 	snop  }
0x3c: {  	p2 =	seq.s32 s10, $0x1;
	s10 =	sld [smem:$0x3FB3]  }
0x3d: {  	_ =	shalt  }
0x3e: {  	_ =	shalt  }
0x3f: {  	_ =	shalt  }
0x40: {  	_ =	shalt  }
0x41: {  	_ =	shalt  }
0x42: {  	_ =	shalt  }
0x43: {  	_ =	shalt  }
0x44: {  	_ =	shalt  }
0x45: {  	_ =	shalt  }
0x46: {  	_ =	shalt  }
0x47: {  	_ =	shalt  }
0x48: {  	_ =	shalt  }
0x49: {  	_ =	shalt  }
0x4a: {  	_ =	shalt  }
0x4b: {  	_ =	shalt  }
0x4c: {  	_ =	shalt  }
0x4d: {  	_ =	shalt  }
0x4e: {  	_ =	shalt  }
0x4f: {  	_ =	shalt  }
0x50: {  	_ =	shalt  }
0x51: {  	_ =	shalt  }
0x52: {  	_ =	shalt  }
0x53: {  	_ =	shalt  }
0x54: {  	_ =	shalt  }
0x55: {  	_ =	shalt  }
0x56: {  	_ =	shalt  }
0x57: {  	_ =	shalt  }
0x58: {  	_ =	shalt  }
0x59: {  	_ =	shalt  }
0x5a: {  	_ =	shalt  }
0x5b: {  	_ =	shalt  }
0x5c: {  	_ =	shalt  }
0x5d: {  	_ =	shalt  }
0x5e: {  	_ =	shalt  }
0x5f: {  	_ =	shalt  }
0x60: {  	_ =	shalt  }
0x61: {  	_ =	shalt  }
0x62: {  	_ =	shalt  }
0x63: {  	_ =	shalt  }
0x64: {  	_ =	shalt  }
0x65: {  	_ =	shalt  }
0x66: {  	_ =	shalt  }
0x67: {  	_ =	shalt  }
0x68: {  	_ =	shalt  }
0x69: {  	_ =	shalt  }
0x6a: {  	_ =	shalt  }
0x6b: {  	_ =	shalt  }
0x6c: {  	_ =	shalt  }
0x6d: {  	_ =	shalt  }
0x6e: {  	_ =	shalt  }
0x6f: {  	_ =	shalt  }
0x70: {  	_ =	shalt  }
0x71: {  	_ =	shalt  }
0x72: {  	_ =	shalt  }
0x73: {  	_ =	shalt  }
0x74: {  	_ =	shalt  }
0x75: {  	_ =	shalt  }
0x76: {  	_ =	shalt  }
0x77: {  	_ =	shalt  }
0x78: {  	_ =	shalt  }
0x79: {  	_ =	shalt  }
0x7a: {  	_ =	shalt  }
0x7b: {  	_ =	shalt  }
0x7c: {  	_ =	shalt  }
0x7d: {  	_ =	shalt  }
0x7e: {  	_ =	shalt  }
0x7f: {  	_ =	shalt  }
0x80: {  	_ =	shalt  }
0x81: {  	_ =	shalt  }
0x82: {  	_ =	shalt  }
0x83: {  	_ =	shalt  }
0x84: {  	_ =	shalt  }
0x85: {  	_ =	shalt  }
0x86: {  	_ =	shalt  }
0x87: {  	_ =	shalt  }
.Lfunc_end0:
.L_simem_size_0:
called_computation.3_lowered:
.L_overlay_start_0:
0x88: {  	s2 =	sld [smem:$0x3FD9]  }
0x89: {  	s3 =	sld [smem:$0x3FFE];
	_ =	sdelay $0x1  }
0x8a: {  	s1 =	srdreg.scid  }
0x8b: {  	s0 =	sand.u32 $0x1, s1  }
0x8c: {  	s16 =	sshll.u32 s0, $0xA;
	s2 =	sadd.s32 s3, s2  }
0x8d: {  	s2 =	sadd.s32 s2, s16  }
0x8e: {  	[smem:$0x3FBF] =	sst s2  }
0x8f: {  	_ = 	snop  }
0x90: {  	(tm) =	ssettm $0x1  }
0x91: {  	s17 =	sld [smem:$0x3FFB];
	_ =	sdelay $0x3  }
0x92: {  	_ =	strace s17  }
0x93: {  	s2 =	sld [smem:$0x3FFC];
	_ =	sdelay $0x3  }
0x94: {  	_ =	strace s2  }
0x95: {  	s2 =	sld [smem:$0x3FFD];
	_ =	sdelay $0x3  }
0x96: {  	_ =	strace s2  }
0x97: {  	_ =	strace $0x8FFFFFFF  }
0x98: {  	s18 =	sld [smem:$0x3FDB];
	_ =	sdelay $0x1  }
0x99: {  	s19 =	simm.s32 $_scs_section_size  }
0x9a: {  	s4 =	simm.s32 $_size__tile_overlayer_lowered;
	s5 =	simm.s32 $_tile_overlayer_lowered  }
0x9b: {  	s22 =	simm.s32 $0x1BFF;
	s21 =	sshll.u32 s5, $0x1;
	s2 =	sadd.s32 s19, s18  }
0x9c: {  	s6 =	simm.s32 $0x0;
	s20 =	sshll.u32 s4, $0x1;
	s4 =	sadd.s32 s21, s2  }
0x9d: {  	[timem:s6], [sflag:s22] =	dma.local [hbm:s4], s20  }
0x9e: {  	_ =	swait.ge [sflag:s22], s20  }
0x9f: {  	s3 =	ssub.s32 $0x0, s20;
	[sflag:s22] =	ssyncset.done $0x0  }
0xa0: {  	[sflag:s22] =	ssyncadd.s32 s3;
	_ =	sdelay $0x1  }
0xa1: {  	s23 =	simm.s32 $0x1B8B  }
0xa2: {  	_ =	swait.ge [sflag:s23], $0x1  }
0xa3: {  	[sflag:s23] =	ssyncset.done $0x0  }
0xa4: {  	s25 =	simm.s32 $0x1B8E;
	s24 =	sld [smem:$0x3FFE];
	[sflag:s23] =	ssyncadd.s32 $0xFFFFFFFF  }
0xa5: {  	s26 =	simm.s32 $execute0_lowered;
	[smem:$0x3FD2] =	sst s25  }
0xa6: {  	s4 =	sshll.u32 s26, $0x1;
	_ =	strace $0x8000004F;
	[dreg:$0x1] =	wrdreg $0xFFFFFFFF  }
0xa7: {  	s28 =	simm.s32 $_size_execute0_lowered;
	s2 =	sadd.s32 s2, s4;
	[dreg:$0x0] =	wrdreg $0x0  }
0xa8: {  	s4 =	sshll.u32 s28, $0x1;
	[dreg:$0x2] =	wrdreg s2  }
0xa9: {  	[dreg:$0x3] =	wrdreg s4  }
0xaa: {  	[dreg:$0x4] =	wrdreg $0xC0  }
0xab: {  	_ =	task [dreg:s6], $0x5FFFF  }
0xac: {  	[dreg:$0x1] =	wrdreg $0xFFFFFFFF  }
0xad: {  	[dreg:$0x0] =	wrdreg $0x60  }
0xae: {  	[dreg:$0x2] =	wrdreg s24  }
0xaf: {  	[dreg:$0x3] =	wrdreg $0x90000  }
0xb0: {  	[dreg:$0x4] =	wrdreg $0x9  }
0xb1: {  	_ =	task.clear_ibuf [dreg:s6], $0x5FFFF;
	_ =	strace $0x9000004F  }
0xb2: {  	s29 =	simm.s32 $0x9;
	_ =	strace $0x80000051  }
0xb3: {  	_ =	swait.ge [sflag:s29], $0x1  }
0xb4: {  	[sflag:s29] =	ssyncadd.s32 $0xFFFFFFFF  }
0xb5: {  	_ =	strace $0x90000051  }
0xb6: {  	_ =	sfence  }
0xb7: {  	s30 =	sld [smem:$0x0];
	_ =	sdelay $0x2  }
0xb8: {  	s31 =	sshll.u32 s1, $0xD;
	s1 =	sshrl.u32 s1, $0x2  }
0xb9: {  	s3 =	sand.u32 $0x4000, s31;
	s1 =	sadd.s32 s1, s30  }
0xba: {  	s0 =	sor.u32 s3, s0;
	s1 =	sshll.u32 s1, $0x11  }
0xbb: {  	s0 =	sor.u32 s1, s0  }
0xbc: {  	s0 =	sadd.s32 $0x8F2B, s0  }
0xbd: {  	[sflag:s0] =	ssyncadd.remote.s32 $0x1  }
0xbe: {  	_ =	sfence.sel $0xFFFF  }
0xbf: {  	[dreg:$0x0] =	wrdreg $0xFFFFFFFF;
	(pc) =	sbr.abs _section_cstart, $3  }
0xc0: {  	[dreg:$0x1] =	wrdreg $0xFFFFFFFF  }
0xc1: {  	_ =	task.clear_ibuf [dreg:s6], $0x2FFFF;
	_ =	strace $0x9FFFFFFF  }
0xc2: {  	(tm) =	ssettm $0x7FFFFFFF  }
0xc3: {  	_ =	shalt  }
tec
execute0_lowered:
.L_overlay_start_1:
0x0: {  	(tag) =	ssettag $0x1  }
0x1: {  	s0 =	rddreg [dreg:$0x0]  }
0x2: {  	s1 =	rddreg [dreg:$0x1];
	s3 =	simm.s32 $0x0  }
0x3: {  	s2 =	srdreg.scid;
	s22 =	stileid.u32;
	s28 =	simm.s32 $0x80  }
0x4: {  	s29 =	simm.s32 $0x1000;
	s30 =	simm.s32 $0x1;
	s31 =	simm.s32 $0x5000  }
0x5: {  	[smem:$0x7FF] =	sst s3;
	s4 =	sadd.s32 $0x2AC00, s0;
	s25 =	smul.u32 $0x4E000, s22  }
0x6: {  	s2 =	sand.u32 $0x1, s2;
	s5 =	sshll.u32 s22, $0x1;
	s15 =	smul.u32 $0x2700, s22  }
0x7: {  	s10 =	sadd.s32 $0x16C00, s0;
	s11 =	sadd.s32 $0x20C00, s0;
	s17 =	smul.u32 $0x13800, s22  }
0x8: {  	s12 =	sadd.s32 $0x51E00, s0;
	s18 =	smul.u32 $0x14, s22;
	s0 =	sadd.s32 $0x51C00, s0  }
0x9: {  	p1 =	sne.s32 s22, $0xF;
	_ =	strace $0x80000050;
	s6 =	ssub.s32 $0x2, s2  }
0xa: {  	s5 =	sor.u32 s2, s5;
	s16 =	smul.u32 $0x13A800, s2;
	[dreg:$0xa] =	wrdreg s0  }
0xb: {  	s7 =	sshrl.u32 s6, $0x1;
	s8 =	smul.u32 $0x500, s5;
	s21 =	sadd.s32 s4, s15  }
0xc: {  	p0 =	sne.s32 s2, $0x0;
	s13 =	ssub.s32 s6, s7;
	[dreg:$0x9] =	wrdreg s21  }
0xd: {  	s23 =	sadd.s32 s17, s16;
	s16 =	sshrl.u32 s16, $0x3;
	s5 =	sadd.s32 s10, s8  }
0xe: {  	s26 =	sadd.s32 s11, s8;
	s9 =	sor.u32 $0x80, s8;
	[dreg:$0x3] =	wrdreg s5  }
0xf: {  	s0 =	sshrl.u32 s23, $0x3;
	[dreg:$0x4] =	wrdreg s26;
	s5 =	sshrl.u32 s25, $0x2  }
0x10: {  	s7 =	sadd.s32 s10, s9;
	s9 =	sadd.s32 s11, s9;
	s8 =	sadd.s32 s5, s1  }
0x11: {  	s17 =	sadd.s32 s12, s0;
	s25 =	sadd.s32 s12, s16;
	s19 =	sadd.s32 $0xC000, s8  }
0x12: {  	s6 =	sadd.s32 $0x4000, s8;
	[dreg:$0x7] =	wrdreg s19;
	s19 =	smul.u32 $0xA, s2  }
0x13: {  	s0 =	simm.s32 $0x2;
	s14 =	sadd.s32 $0x8000, s8;
	[dreg:$0x5] =	wrdreg s6  }
0x14: {  	s20 =	sadd.s32 $0x10000, s8;
	[dreg:$0x6] =	wrdreg s14;
	s24 =	sadd.s32 s19, s18  }
0x15: {  	[dreg:$0x8] =	wrdreg s20;
	s14 =	sadd.s32 $0x138000, s1;
	s15 =	sshll.u32 s24, $0x7  }
0x16: {  	s18 =	sadd.s32 $0x27000, s25;
	s19 =	smax.u32 s13, $0x1;
	s26 =	sadd.s32 $0x100, s15  }
0x17: {  	s25 =	simm.s32 $0x5;
	s20 =	sadd.s32 s26, s10;
	s21 =	sadd.s32 s26, s11  }
0x18: {  	v0 =	vimm.f32 $0.0e+00;
	s26 =	simm.s32 $0x4;
	s10 =	simm.s32 $0x3;
	s11 =	simm.s32 $0x0  }
.LBB2_1:
0x19: {  	s2 =	rddreg [dreg:$0x3]  }
0x1a: {  	[tilespmem:s3], [sflag:$0x4] =	stream.linear.gather [hbm4b:s2+s3], $0x400, $0x38;
	[tilespmem:$0x1CA80] =	vst v63  }
0x1b: {  	s16 =	rddreg [dreg:$0x4];
	s5 =	simm.s32 $0x800  }
0x1c: {  	[tilespmem:s5], [sflag:$0x4] =	stream.linear.gather [hbm4b:s16+s3], $0x400, $0x38;
	[tilespmem:$0x1CA80] =	vst v63  }
.Ltmp0:
0x1d: {  	s24 =	stileid.u32;
	(pc) =	sbr.rel @p0 .LBB2_3-.Ltmp0, $4  }
0x1e: {  	s22 =	simm.s32 $0x400;
	s23 =	simm.s32 $0xC00;
	s2 =	sshll.u32 s24, $0x6  }
0x1f: {  	[tilespmem:s22], [sflag:$0x4] =	stream.linear.gather [hbm4b:s7+s3], $0x400, $0x38;
	[tilespmem:$0x1CA80] =	vst v63  }
0x20: {  	s15 =	sshrl.u32 s8, $0x3;
	s12 =	sshrl.u32 @!p1 s14, $0x3;
	s13 =	sor.u32 $0x1C05, s2  }
0x21: {  	[tilespmem:s23], [sflag:$0x4] =	stream.linear.gather [hbm4b:s9+s3], $0x400, $0x38;
	[tilespmem:$0x1CA80] =	vst v63  }
0x22: {  	s2 =	rddreg [dreg:$0x9]  }
0x23: {  	[spmem:s15], [sflag:s13] =	dma.local [hbm:s2], $0x2700  }
0x24: {  	_ =	swait.ge [sflag:s25], $0x2700  }
0x25: {  	[sflag:s25] =	ssyncset.done $0x0  }
0x26: {  	s2 =	rddreg [dreg:$0xa];
	[sflag:s25] =	ssyncadd.s32 $0xFFFFD900  }
0x27: {  	[spmem:s12], [sflag:s13] =	dma.local @!p1 [hbm:s2], $0x100  }
.Ltmp1:
0x28: {  	_ = 	snop;
	(pc) =	sbr.rel .LBB2_6-.Ltmp1, $4  }
0x29: {  	s2 =	simm.s32 @!p1 $0x5  }
0x2a: {  	_ =	swait.ge @!p1 [sflag:s2], $0x100  }
0x2b: {  	[sflag:s2] =	ssyncset.done @!p1 $0x0  }
0x2c: {  	[sflag:s2] =	ssyncadd.s32 @!p1 $0xFFFFFF00  }
.LBB2_3:
0x2d: {  	s2 =	sshra.s32 s3, $0x2;
	s16 =	sadd.s32 $0x200, s3  }
.LBB2_4:
0x2e: {  	p2 =	sne.s32 s16, $0xFE00;
	[tilespmem:s2+$0x1070] =	vst v0  }
0x2f: {  	[tilespmem:s2+$0x1000] =	vst v0  }
0x30: {  	[tilespmem:s2+$0x1010] =	vst v0  }
.Ltmp2:
0x31: {  	[tilespmem:s2+$0x1020] =	vst v0;
	(pc) =	sbr.rel @p2 .LBB2_4-.Ltmp2, $4  }
0x32: {  	[tilespmem:s2+$0x1030] =	vst v0  }
0x33: {  	[tilespmem:s2+$0x1040] =	vst v0  }
0x34: {  	[tilespmem:s2+$0x1050] =	vst v0  }
0x35: {  	[tilespmem:s2+$0x1060] =	vst v0;
	s2 =	sshra.s32 s16, $0x2;
	s16 =	sadd.s32 $0x200, s16  }
0x36: {  	[tilespmem:s2+$0x1070] =	vst v0  }
0x37: {  	[tilespmem:s2+$0x1000] =	vst v0  }
0x38: {  	[tilespmem:s2+$0x1010] =	vst v0  }
0x39: {  	[tilespmem:s2+$0x1020] =	vst v0  }
0x3a: {  	[tilespmem:s2+$0x1030] =	vst v0  }
0x3b: {  	[tilespmem:s2+$0x1040] =	vst v0  }
0x3c: {  	[tilespmem:s2+$0x1050] =	vst v0  }
0x3d: {  	[tilespmem:s2+$0x1060] =	vst v0  }
0x3e: {  	[spmem:s8] =	stream.linear.scatter [tilespmem:s29], [sflag:$0x5], $0x4000, $0x38;
	[tilespmem:$0x1CA80] =	vst v63  }
0x3f: {  	_ =	swait.ge [sflag:s25], $0x4000  }
0x40: {  	[sflag:s25] =	ssyncset.done $0x0  }
0x41: {  	s16 =	rddreg [dreg:$0x5];
	[sflag:s25] =	ssyncadd.s32 $0xFFFFC000  }
0x42: {  	[spmem:s16] =	stream.linear.scatter [tilespmem:s29], [sflag:$0x5], $0x4000, $0x38;
	[tilespmem:$0x1CA80] =	vst v63  }
0x43: {  	_ =	swait.ge [sflag:s25], $0x4000  }
0x44: {  	[sflag:s25] =	ssyncset.done $0x0  }
0x45: {  	s22 =	rddreg [dreg:$0x6];
	[sflag:s25] =	ssyncadd.s32 $0xFFFFC000  }
0x46: {  	[spmem:s22] =	stream.linear.scatter [tilespmem:s29], [sflag:$0x5], $0x4000, $0x38;
	[tilespmem:$0x1CA80] =	vst v63  }
0x47: {  	_ =	swait.ge [sflag:s25], $0x4000  }
0x48: {  	[sflag:s25] =	ssyncset.done $0x0  }
0x49: {  	s23 =	rddreg [dreg:$0x7];
	[sflag:s25] =	ssyncadd.s32 $0xFFFFC000  }
0x4a: {  	[spmem:s23] =	stream.linear.scatter [tilespmem:s29], [sflag:$0x5], $0x4000, $0x38;
	[tilespmem:$0x1CA80] =	vst v63  }
0x4b: {  	_ =	swait.ge [sflag:s25], $0x4000  }
0x4c: {  	[sflag:s25] =	ssyncset.done $0x0  }
0x4d: {  	s24 =	rddreg [dreg:$0x8];
	[sflag:s25] =	ssyncadd.s32 $0xFFFFC000  }
0x4e: {  	[spmem:s24] =	stream.linear.scatter [tilespmem:s29], [sflag:$0x5], $0x3800, $0x38;
	[tilespmem:$0x1CA80] =	vst v63  }
0x4f: {  	_ =	swait.ge [sflag:s25], $0x3800  }
0x50: {  	[sflag:s25] =	ssyncset.done $0x0  }
0x51: {  	s2 =	simm.s32 @!p1 $0x1000;
	[sflag:s25] =	ssyncadd.s32 $0xFFFFC800  }
0x52: {  	[spmem:s14] =	stream.linear.scatter @!p1 [tilespmem:s2], [sflag:$0x5], $0x800, $0x38;
	[tilespmem:$0x1CA80] =	vst v63  }
0x53: {  	s2 =	simm.s32 @!p1 $0x5  }
0x54: {  	_ =	swait.ge @!p1 [sflag:s2], $0x800  }
0x55: {  	[sflag:s2] =	ssyncset.done @!p1 $0x0  }
0x56: {  	[sflag:s2] =	ssyncadd.s32 @!p1 $0xFFFFF800  }
.LBB2_6:
0x57: {  	[bflag:$0x0] =	sbarrier.arrive $0xFFFF  }
0x58: {  	_ =	swait.ge [sflag:s26], $0x400  }
0x59: {  	[sflag:s26] =	ssyncset.done $0x0  }
0x5a: {  	[sflag:s26] =	ssyncadd.s32 $0xFFFFFC00  }
0x5b: {  	_ =	swait.ge [sflag:s26], $0x400  }
0x5c: {  	s16 =	simm.s32 $0x0;
	[sflag:s26] =	ssyncset.done $0x0  }
0x5d: {  	s22 =	simm.s32 $0x0;
	s23 =	simm.s32 $0x0;
	[sflag:s26] =	ssyncadd.s32 $0xFFFFFC00  }
0x5e: {  	[tilespmem:s29], [sflag:$0x1] =	stream.indirect.gather [hbm4b:s4+s28], $0x80, s16, s28, $0xb8;
	[tilespmem:$0x1CA80] =	vst v63  }
.LBB2_7:
0x5f: {  	_ =	swait.ge [sflag:s30], $0x4000  }
0x60: {  	s24 =	sand.u32 $0x400, s16;
	p2 =	seq.s32 s22, $0x0;
	[sflag:s30] =	ssyncset.done $0x0  }
0x61: {  	s2 =	sor.u32 $0x800, s24;
	s5 =	simm.s32 @!p2 $0x3;
	[sflag:s30] =	ssyncadd.s32 $0xFFFFC000  }
0x62: {  	[spmem:s1] =	stream.indirect.scatter.add.f32 [tilespmem:s29], [sflag:$0x2], $0x80, s2, s28, $0xb8;
	[tilespmem:$0x1CA80] =	vst v63  }
0x63: {  	_ =	swait.ge @!p2 [sflag:s5], $0x4000  }
0x64: {  	[sflag:s5] =	ssyncset.done @!p2 $0x0  }
0x65: {  	s6 =	sor.u32 $0x80, s24;
	[sflag:s5] =	ssyncadd.s32 @!p2 $0xFFFFC000  }
0x66: {  	[tilespmem:s31], [sflag:$0x1] =	stream.indirect.gather [hbm4b:s4+s28], $0x80, s6, s28, $0xb8;
	[tilespmem:$0x1CA80] =	vst v63  }
0x67: {  	_ =	swait.ge [sflag:s30], $0x4000  }
0x68: {  	[sflag:s30] =	ssyncset.done $0x0  }
0x69: {  	s6 =	sor.u32 $0x880, s24;
	[sflag:s30] =	ssyncadd.s32 $0xFFFFC000  }
0x6a: {  	[spmem:s1] =	stream.indirect.scatter.add.f32 [tilespmem:s31], [sflag:$0x3], $0x80, s6, s28, $0xb8;
	[tilespmem:$0x1CA80] =	vst v63  }
0x6b: {  	_ =	swait.ge [sflag:s0], $0x4000  }
0x6c: {  	[sflag:s0] =	ssyncset.done $0x0  }
0x6d: {  	s6 =	sor.u32 $0x100, s24;
	[sflag:s0] =	ssyncadd.s32 $0xFFFFC000  }
0x6e: {  	[tilespmem:s29], [sflag:$0x1] =	stream.indirect.gather [hbm4b:s4+s28], $0x80, s6, s28, $0xb8;
	[tilespmem:$0x1CA80] =	vst v63  }
0x6f: {  	_ =	swait.ge [sflag:s30], $0x4000  }
0x70: {  	[sflag:s30] =	ssyncset.done $0x0  }
0x71: {  	s6 =	sor.u32 $0x900, s24;
	[sflag:s30] =	ssyncadd.s32 $0xFFFFC000  }
0x72: {  	[spmem:s1] =	stream.indirect.scatter.add.f32 [tilespmem:s29], [sflag:$0x2], $0x80, s6, s28, $0xb8;
	[tilespmem:$0x1CA80] =	vst v63  }
0x73: {  	_ =	swait.ge [sflag:s10], $0x4000  }
0x74: {  	[sflag:s10] =	ssyncset.done $0x0  }
0x75: {  	s6 =	sor.u32 $0x180, s24;
	[sflag:s10] =	ssyncadd.s32 $0xFFFFC000  }
0x76: {  	[tilespmem:s31], [sflag:$0x1] =	stream.indirect.gather [hbm4b:s4+s28], $0x80, s6, s28, $0xb8;
	[tilespmem:$0x1CA80] =	vst v63  }
0x77: {  	_ =	swait.ge [sflag:s30], $0x4000  }
0x78: {  	[sflag:s30] =	ssyncset.done $0x0  }
0x79: {  	s6 =	sor.u32 $0x980, s24;
	[sflag:s30] =	ssyncadd.s32 $0xFFFFC000  }
0x7a: {  	[spmem:s1] =	stream.indirect.scatter.add.f32 [tilespmem:s31], [sflag:$0x3], $0x80, s6, s28, $0xb8;
	[tilespmem:$0x1CA80] =	vst v63  }
0x7b: {  	_ =	swait.ge [sflag:s0], $0x4000  }
0x7c: {  	[sflag:s0] =	ssyncset.done $0x0  }
0x7d: {  	s6 =	sor.u32 $0x200, s24;
	[sflag:s0] =	ssyncadd.s32 $0xFFFFC000  }
0x7e: {  	[tilespmem:s29], [sflag:$0x1] =	stream.indirect.gather [hbm4b:s4+s28], $0x80, s6, s28, $0xb8;
	[tilespmem:$0x1CA80] =	vst v63  }
0x7f: {  	_ =	swait.ge [sflag:s30], $0x4000  }
0x80: {  	[sflag:s30] =	ssyncset.done $0x0  }
0x81: {  	s6 =	sor.u32 $0xA00, s24;
	[sflag:s30] =	ssyncadd.s32 $0xFFFFC000  }
0x82: {  	[spmem:s1] =	stream.indirect.scatter.add.f32 [tilespmem:s29], [sflag:$0x2], $0x80, s6, s28, $0xb8;
	[tilespmem:$0x1CA80] =	vst v63  }
0x83: {  	_ =	swait.ge [sflag:s10], $0x4000  }
0x84: {  	[sflag:s10] =	ssyncset.done $0x0  }
0x85: {  	s6 =	sor.u32 $0x280, s24;
	[sflag:s10] =	ssyncadd.s32 $0xFFFFC000  }
0x86: {  	[tilespmem:s31], [sflag:$0x1] =	stream.indirect.gather [hbm4b:s4+s28], $0x80, s6, s28, $0xb8;
	[tilespmem:$0x1CA80] =	vst v63  }
0x87: {  	_ =	swait.ge [sflag:s30], $0x4000  }
0x88: {  	[sflag:s30] =	ssyncset.done $0x0  }
0x89: {  	s6 =	sor.u32 $0xA80, s24;
	[sflag:s30] =	ssyncadd.s32 $0xFFFFC000  }
0x8a: {  	[spmem:s1] =	stream.indirect.scatter.add.f32 [tilespmem:s31], [sflag:$0x3], $0x80, s6, s28, $0xb8;
	[tilespmem:$0x1CA80] =	vst v63  }
0x8b: {  	_ =	swait.ge [sflag:s0], $0x4000  }
0x8c: {  	[sflag:s0] =	ssyncset.done $0x0  }
0x8d: {  	s6 =	sor.u32 $0x300, s24;
	[sflag:s0] =	ssyncadd.s32 $0xFFFFC000  }
0x8e: {  	[tilespmem:s29], [sflag:$0x1] =	stream.indirect.gather [hbm4b:s4+s28], $0x80, s6, s28, $0xb8;
	[tilespmem:$0x1CA80] =	vst v63  }
0x8f: {  	_ =	swait.ge [sflag:s30], $0x4000  }
0x90: {  	[sflag:s30] =	ssyncset.done $0x0  }
0x91: {  	s6 =	sor.u32 $0xB00, s24;
	[sflag:s30] =	ssyncadd.s32 $0xFFFFC000  }
0x92: {  	[spmem:s1] =	stream.indirect.scatter.add.f32 [tilespmem:s29], [sflag:$0x2], $0x80, s6, s28, $0xb8;
	[tilespmem:$0x1CA80] =	vst v63  }
0x93: {  	_ =	swait.ge [sflag:s10], $0x4000  }
0x94: {  	[sflag:s10] =	ssyncset.done $0x0  }
0x95: {  	s6 =	sor.u32 $0x380, s24;
	[sflag:s10] =	ssyncadd.s32 $0xFFFFC000  }
0x96: {  	[tilespmem:s31], [sflag:$0x1] =	stream.indirect.gather [hbm4b:s4+s28], $0x80, s6, s28, $0xb8;
	[tilespmem:$0x1CA80] =	vst v63  }
0x97: {  	_ =	swait.ge [sflag:s30], $0x4000  }
0x98: {  	[sflag:s30] =	ssyncset.done $0x0  }
0x99: {  	s6 =	sor.u32 $0xB80, s24;
	[sflag:s30] =	ssyncadd.s32 $0xFFFFC000  }
0x9a: {  	[spmem:s1] =	stream.indirect.scatter.add.f32 [tilespmem:s31], [sflag:$0x3], $0x80, s6, s28, $0xb8;
	[tilespmem:$0x1CA80] =	vst v63  }
0x9b: {  	_ =	swait.ge [sflag:s0], $0x4000  }
0x9c: {  	p2 =	seq.s32 s22, $0x480;
	[sflag:s0] =	ssyncset.done $0x0  }
0x9d: {  	s5 =	simm.s32 @!p2 $0x4;
	[sflag:s0] =	ssyncadd.s32 $0xFFFFC000  }
0x9e: {  	_ =	swait.ge @!p2 [sflag:s5], $0x400  }
0x9f: {  	[sflag:s5] =	ssyncset.done @!p2 $0x0  }
0xa0: {  	[sflag:s5] =	ssyncadd.s32 @!p2 $0xFFFFFC00  }
0xa1: {  	p3 =	sgt.u32 @!p2 s23, $0x7;
	_ =	swait.ge @!p2 [sflag:s5], $0x400  }
0xa2: {  	p3 =	por p3, p2;
	[sflag:s5] =	ssyncset.done @!p2 $0x0  }
0xa3: {  	s6 =	simm.s32 @!p3 $0x0;
	[sflag:s5] =	ssyncadd.s32 @!p2 $0xFFFFFC00;
	s5 =	sadd.s32 @!p3 s22, s20  }
0xa4: {  	[tilespmem:s24], [sflag:$0x4] =	stream.linear.gather @!p3 [hbm4b:s5+s6], $0x400, $0x38;
	[tilespmem:$0x1CA80] =	vst v63  }
0xa5: {  	s5 =	sadd.s32 @!p3 s22, s21;
	s22 =	sadd.s32 @!p2 $0x80, s22  }
0xa6: {  	[tilespmem:s2], [sflag:$0x4] =	stream.linear.gather @!p3 [hbm4b:s5+s6], $0x400, $0x38;
	[tilespmem:$0x1CA80] =	vst v63  }
0xa7: {  	p3 =	sne.s32 @!p2 s22, $0x500  }
0xa8: {  	p3 =	por p2, !p3  }
.Ltmp3:
0xa9: {  	_ = 	snop;
	(pc) =	sbr.rel @!p3 .LBB2_7-.Ltmp3, $4  }
0xaa: {  	_ = 	snop  }
0xab: {  	s16 =	sadd.s32 @!p2 $0x400, s16;
	s23 =	sadd.s32 @!p2 $0x1, s23  }
0xac: {  	s2 =	sxor.u32 @!p2 $0x400, s24;
	s5 =	simm.s32 @!p2 $0x80;
	s6 =	simm.s32 @!p2 $0x1000  }
0xad: {  	[tilespmem:s6], [sflag:$0x1] =	stream.indirect.gather @!p2 [hbm4b:s4+s5], $0x80, s2, s5, $0xb8;
	[tilespmem:$0x1CA80] =	vst v63  }
0xae: {  	_ =	swait.ge [sflag:s10], $0x4000  }
0xaf: {  	[sflag:s10] =	ssyncset.done $0x0  }
0xb0: {  	[sflag:s10] =	ssyncadd.s32 $0xFFFFC000  }
0xb1: {  	[bflag:$0x0] =	sbarrier.arrive $0xFFFF  }
0xb2: {  	[hbm:s17], [sflag:s13] =	dma.local [spmem:s15], $0x2700  }
0xb3: {  	s11 =	sadd.s32 $0x1, s11;
	_ =	swait.ge [sflag:s25], $0x2700  }
0xb4: {  	p2 =	sne.s32 s11, s19;
	[sflag:s25] =	ssyncset.done $0x0  }
.Ltmp4:
0xb5: {  	s2 =	simm.s32 @!p1 $0x5;
	[sflag:s25] =	ssyncadd.s32 $0xFFFFD900;
	(pc) =	sbr.rel @p2 .LBB2_1-.Ltmp4, $4  }
0xb6: {  	[hbm:s18], [sflag:s13] =	dma.local @!p1 [spmem:s12], $0x100  }
0xb7: {  	_ =	swait.ge @!p1 [sflag:s2], $0x100  }
0xb8: {  	[sflag:s2] =	ssyncset.done @!p1 $0x0  }
0xb9: {  	[sflag:s2] =	ssyncadd.s32 @!p1 $0xFFFFFF00  }
0xba: {  	_ =	sfence.sel $0x180000  }
0xbb: {  	[bflag:$0x0] =	sbarrier.arrive $0xFFFF  }
0xbc: {  	_ =	strace $0x90000050  }
0xbd: {  	s0 =	stileid.u32;
	[bflag:$0x2] =	sbarrier.arrive $0xFFFF  }
0xbe: {  	p0 =	sne.s32 s0, $0x0;
	s0 =	rddreg [dreg:$0x2]  }
0xbf: {  	s0 =	sadd.s32 @!p0 $0x100000, s0  }
0xc0: {  	[sflag:s0] =	ssyncadd.tile.s32 @!p0 $0x1;
	_ =	shalt  }
.Lfunc_end2:
_tile_overlayer_lowered:
.L_overlay_start_2:
0xc1: {  	(tag) =	ssettag $0x2  }
0xc2: {  	s0 =	rddreg [dreg:$0x0];
	s2 =	stileid.u32  }
0xc3: {  	s1 =	rddreg [dreg:$0x1];
	p0 =	sne.s32 s2, $0x0  }
0xc4: {  	s3 =	rddreg [dreg:$0x2];
	[bflag:$0x3] =	sbarrier.arrive $0xFFFF;
	s2 =	simm.s32 @!p0 $0x1C05  }
0xc5: {  	[timem:s3], [sflag:s2] =	dma.local @!p0 [hbm:s0], s1  }
0xc6: {  	s0 =	simm.s32 @!p0 $0x5  }
0xc7: {  	_ =	swait.ge @!p0 [sflag:s0], s1  }
0xc8: {  	s1 =	ssub.s32 @!p0 $0x0, s1;
	[sflag:s0] =	ssyncset.done @!p0 $0x0  }
0xc9: {  	[sflag:s0] =	ssyncadd.s32 @!p0 s1  }
0xca: {  	[bflag:$0x3] =	sbarrier.arrive $0xFFFF  }
0xcb: {  	_ =	shalt  }

</sc_bundles>
